<compile_context>
chip_gen: v7x
topology: tpu7x:2x2x1
jax: 0.10.2.dev20260603
libtpu: 0.0.44.dev20260713+nightly
codegen_flags: <defaults>
</compile_context>

<pallas_src>
import functools

import jax
import jax.numpy as jnp
from jax import lax
from jax.experimental import pallas as pl
from jax.experimental.pallas import tpu as pltpu
from jax.experimental.pallas import tpu_sc as plsc

N = 10000
NP = 10240
E = 320000
F_IN = 128
HID = 64
A_OUT = 8

NC = 2
NS = 16
NW = NC * NS
CH = 125
NBUF = 8
NCHUNK = 80
PER_TILE = CH * NCHUNK
RPT = NP // NS
NGRP = NCHUNK // NBUF

_mesh = plsc.VectorSubcoreMesh(core_axis_name="c", subcore_axis_name="s")
_sc_params = pltpu.CompilerParams(use_tc_tiling_on_sc=False)
_sc_params_nl = pltpu.CompilerParams(use_tc_tiling_on_sc=False,
                                     needs_layout_passes=False)


DCHUNK = E // (NS * CH)


@functools.partial(
    pl.kernel,
    mesh=_mesh,
    out_type=[
        jax.ShapeDtypeStruct((NC, NP, HID), jnp.bfloat16),
        jax.ShapeDtypeStruct((NC, NS, RPT), jnp.float32),
    ],
    compiler_params=_sc_params_nl,
    scratch_types=(
        [pltpu.VMEM((NCHUNK, CH), jnp.int32)] * 2
        + [pltpu.VMEM((128,), jnp.float32)]
        + [pltpu.VMEM((CH, HID), jnp.bfloat16)] * NBUF
        + [pltpu.VMEM((RPT, HID), jnp.bfloat16)]
        + [pltpu.VMEM((RPT,), jnp.float32)] * 2
        + [pltpu.VMEM_SHARED((NP,), jnp.float32)]
        + [pltpu.VMEM_SHARED((NP, HID), jnp.bfloat16)] * 2
        + [pltpu.SemaphoreType.DMA] * (1 + 2 * NBUF)
    ),
)
def _deg_agg_kernel(src_hbm, dst_hbm, hb_hbm, zeros_deg, zeros_mat,
                    out_hbm, dis_hbm, *refs):
    src_v, dst_v = refs[0], refs[1]
    ones_v = refs[2]
    rows = refs[3:3 + NBUF]
    scalebuf = refs[3 + NBUF]
    degbuf, disbuf = refs[4 + NBUF], refs[5 + NBUF]
    acc_deg = refs[6 + NBUF]
    gsh, acc = refs[7 + NBUF], refs[8 + NBUF]
    dsem = refs[9 + NBUF]
    gsem = refs[10 + NBUF:10 + 2 * NBUF]
    ssem = refs[10 + 2 * NBUF:10 + 3 * NBUF]
    cid = lax.axis_index("c")
    sid = lax.axis_index("s")
    wid = sid * NC + cid

    for i in range(128 // 16):
        ones_v[pl.ds(i * 16, 16)] = jnp.full((16,), 1.0, jnp.float32)
    pltpu.sync_copy(zeros_deg, acc_deg.at[pl.ds(sid * RPT, RPT)])
    pltpu.sync_copy(zeros_mat, acc.at[pl.ds(sid * RPT, RPT)])
    @pl.when(sid < NS - 1)
    def _():
        pltpu.sync_copy(hb_hbm.at[pl.ds(sid * RPT, RPT)],
                        gsh.at[pl.ds(sid * RPT, RPT)])

    @pl.when(sid == NS - 1)
    def _():
        pltpu.sync_copy(hb_hbm.at[pl.ds((NS - 1) * RPT, N - (NS - 1) * RPT)],
                        gsh.at[pl.ds((NS - 1) * RPT, N - (NS - 1) * RPT)])

    plsc.subcore_barrier()

    def dbody(c, carry):
        pltpu.async_copy(ones_v.at[pl.ds(0, CH)], acc_deg.at[dst_v.at[c]],
                         dsem, add=True)

        @pl.when(c >= NBUF)
        def _():
            pltpu.make_async_copy(ones_v.at[pl.ds(0, CH)],
                                  acc_deg.at[dst_v.at[0]], dsem).wait()

        return carry

    for r in range(2):
        pltpu.sync_copy(dst_hbm.at[NC * sid + r], dst_v)
        lax.fori_loop(0, NCHUNK, dbody, 0)
        for _ in range(NBUF):
            pltpu.make_async_copy(ones_v.at[pl.ds(0, CH)],
                                  acc_deg.at[dst_v.at[0]], dsem).wait()
    pltpu.sync_copy(src_hbm.at[wid], src_v)
    pltpu.sync_copy(dst_hbm.at[wid], dst_v)
    plsc.subcore_barrier()

    pltpu.sync_copy(acc_deg.at[pl.ds(sid * RPT, RPT)], degbuf)
    for k in range(RPT // 16):
        d = degbuf[pl.ds(k * 16, 16)] + 1.0
        i32 = plsc.bitcast(d, jnp.int32)
        y = plsc.bitcast(0x5F3759DF - lax.shift_right_arithmetic(i32, 1),
                         jnp.float32)
        y = y * (1.5 - 0.5 * d * y * y)
        y = y * (1.5 - 0.5 * d * y * y)
        disbuf[pl.ds(k * 16, 16)] = y
    pltpu.sync_copy(disbuf, dis_hbm.at[cid, sid])
    pltpu.sync_copy(gsh.at[pl.ds(sid * RPT, RPT)], scalebuf)

    def sblk(k, carry):
        dv = disbuf[pl.ds(k * 16, 16)]
        for j in range(16):
            sv = jnp.full((16,), dv[j], jnp.float32)
            i = k * 16 + j
            for half in range(2):
                v = scalebuf[i, pl.ds(32 * half, 32)]
                ve, vo = plsc.unpack(v, format=plsc.PackFormat.INTERLEAVED)
                scalebuf[i, pl.ds(32 * half, 32)] = plsc.pack(
                    ve * sv, vo * sv, format=plsc.PackFormat.INTERLEAVED)
        return carry

    lax.fori_loop(0, RPT // 16, sblk, 0)
    pltpu.sync_copy(scalebuf, gsh.at[pl.ds(sid * RPT, RPT)])
    plsc.subcore_barrier()

    for b in range(NBUF):
        pltpu.async_copy(gsh.at[src_v.at[b]], rows[b], gsem[b])

    def group(gi, carry):
        c0 = gi * NBUF
        for b in range(NBUF):
            pltpu.make_async_copy(gsh.at[src_v.at[c0 + b]], rows[b],
                                  gsem[b]).wait()
            pltpu.async_copy(rows[b], acc.at[dst_v.at[c0 + b]], ssem[b],
                             add=True)
        for b in range(NBUF):
            pltpu.make_async_copy(rows[b], acc.at[dst_v.at[c0 + b]],
                                  ssem[b]).wait()
            pltpu.async_copy(gsh.at[src_v.at[c0 + NBUF + b]], rows[b],
                             gsem[b])
        return carry

    lax.fori_loop(0, NGRP - 1, group, 0)

    c0 = NCHUNK - NBUF
    for b in range(NBUF):
        pltpu.make_async_copy(gsh.at[src_v.at[c0 + b]], rows[b],
                              gsem[b]).wait()
        pltpu.async_copy(rows[b], acc.at[dst_v.at[c0 + b]], ssem[b], add=True)
    for b in range(NBUF):
        pltpu.make_async_copy(rows[b], acc.at[dst_v.at[c0 + b]],
                              ssem[b]).wait()

    plsc.subcore_barrier()
    pltpu.sync_copy(acc.at[pl.ds(sid * RPT, RPT)],
                    out_hbm.at[cid, pl.ds(sid * RPT, RPT)])


@functools.partial(
    pl.kernel,
    mesh=_mesh,
    out_type=jax.ShapeDtypeStruct((NC, NP, HID), jnp.bfloat16),
    compiler_params=_sc_params,
    scratch_types=(
        [pltpu.VMEM((NCHUNK, CH), jnp.int32)] * 2
        + [pltpu.VMEM((CH, HID), jnp.bfloat16)] * NBUF
        + [pltpu.VMEM_SHARED((N, HID), jnp.bfloat16)]
        + [pltpu.VMEM_SHARED((NP, HID), jnp.bfloat16)]
        + [pltpu.SemaphoreType.DMA] * (2 * NBUF)
    ),
)
def _agg_kernel(src_hbm, dst_hbm, g_hbm, zeros_hbm, out_hbm, *refs):
    src_v, dst_v = refs[0], refs[1]
    rows = refs[2:2 + NBUF]
    gsh = refs[2 + NBUF]
    acc = refs[3 + NBUF]
    gsem = refs[4 + NBUF:4 + 2 * NBUF]
    ssem = refs[4 + 2 * NBUF:4 + 3 * NBUF]
    cid = lax.axis_index("c")
    sid = lax.axis_index("s")
    wid = sid * NC + cid

    pltpu.sync_copy(zeros_hbm, acc.at[pl.ds(sid * RPT, RPT)])
    pltpu.sync_copy(g_hbm.at[pl.ds(sid * (N // NS), N // NS)],
                    gsh.at[pl.ds(sid * (N // NS), N // NS)])
    pltpu.sync_copy(src_hbm.at[wid], src_v)
    pltpu.sync_copy(dst_hbm.at[wid], dst_v)
    plsc.subcore_barrier()

    for b in range(NBUF):
        pltpu.async_copy(gsh.at[src_v.at[b]], rows[b], gsem[b])

    def group(gi, carry):
        c0 = gi * NBUF
        for b in range(NBUF):
            pltpu.make_async_copy(gsh.at[src_v.at[c0 + b]], rows[b],
                                  gsem[b]).wait()
            pltpu.async_copy(rows[b], acc.at[dst_v.at[c0 + b]], ssem[b],
                             add=True)
        for b in range(NBUF):
            pltpu.make_async_copy(rows[b], acc.at[dst_v.at[c0 + b]],
                                  ssem[b]).wait()
            pltpu.async_copy(gsh.at[src_v.at[c0 + NBUF + b]], rows[b],
                             gsem[b])
        return carry

    lax.fori_loop(0, NGRP - 1, group, 0)

    c0 = NCHUNK - NBUF
    for b in range(NBUF):
        pltpu.make_async_copy(gsh.at[src_v.at[c0 + b]], rows[b],
                              gsem[b]).wait()
        pltpu.async_copy(rows[b], acc.at[dst_v.at[c0 + b]], ssem[b], add=True)
    for b in range(NBUF):
        pltpu.make_async_copy(rows[b], acc.at[dst_v.at[c0 + b]],
                              ssem[b]).wait()

    plsc.subcore_barrier()
    pltpu.sync_copy(acc.at[pl.ds(sid * RPT, RPT)],
                    out_hbm.at[cid, pl.ds(sid * RPT, RPT)])


R = 2000


def _mm1_body(x, w1, h_out, hb_out):
    h = jnp.dot(x[...], w1[...], preferred_element_type=jnp.float32)
    h_out[...] = h
    hb_out[...] = h.astype(jnp.bfloat16)


def _mm1(x, w1):
    return pl.pallas_call(
        _mm1_body,
        grid=(N // R,),
        in_specs=[
            pl.BlockSpec((R, F_IN), lambda i: (i, 0)),
            pl.BlockSpec((F_IN, HID), lambda i: (0, 0)),
        ],
        out_specs=[
            pl.BlockSpec((R, HID), lambda i: (i, 0)),
            pl.BlockSpec((R, HID), lambda i: (i, 0)),
        ],
        out_shape=[
            jax.ShapeDtypeStruct((N, HID), jnp.float32),
            jax.ShapeDtypeStruct((N, HID), jnp.bfloat16),
        ],
    )(x, w1)


def _dense2_body(agga, aggb, h, dis, b, w, out, gb_out):
    agg = agga[0].astype(jnp.float32) + aggb[0].astype(jnp.float32)
    g1 = h[...] * dis[...]
    t = jnp.maximum(dis[...] * (agg + g1) + b[...], 0.0)
    g2 = jnp.dot(t, w[...], preferred_element_type=jnp.float32) * dis[...]
    out[...] = g2
    gb_out[...] = g2.astype(jnp.bfloat16)


def _dense2(agg, g, dis, b, w):
    return pl.pallas_call(
        _dense2_body,
        grid=(N // R,),
        in_specs=[
            pl.BlockSpec((1, R, HID), lambda i: (0, i, 0)),
            pl.BlockSpec((1, R, HID), lambda i: (1, i, 0)),
            pl.BlockSpec((R, HID), lambda i: (i, 0)),
            pl.BlockSpec((R, 1), lambda i: (i, 0)),
            pl.BlockSpec((1, HID), lambda i: (0, 0)),
            pl.BlockSpec((HID, HID), lambda i: (0, 0)),
        ],
        out_specs=[
            pl.BlockSpec((R, HID), lambda i: (i, 0)),
            pl.BlockSpec((R, HID), lambda i: (i, 0)),
        ],
        out_shape=[
            jax.ShapeDtypeStruct((N, HID), jnp.float32),
            jax.ShapeDtypeStruct((N, HID), jnp.bfloat16),
        ],
    )(agg, agg, g, dis, b, w)


def _dense3_body(agga, aggb, g, dis, b, w, bh, out):
    agg = agga[0].astype(jnp.float32) + aggb[0].astype(jnp.float32)
    t = jnp.maximum(dis[...] * (agg + g[...]) + b[...], 0.0)
    out[...] = jnp.dot(t, w[...], preferred_element_type=jnp.float32) + bh[...]


def _dense3(agg, g, dis, b, w, bh):
    return pl.pallas_call(
        _dense3_body,
        grid=(N // R,),
        in_specs=[
            pl.BlockSpec((1, R, HID), lambda i: (0, i, 0)),
            pl.BlockSpec((1, R, HID), lambda i: (1, i, 0)),
            pl.BlockSpec((R, HID), lambda i: (i, 0)),
            pl.BlockSpec((R, 1), lambda i: (i, 0)),
            pl.BlockSpec((1, HID), lambda i: (0, 0)),
            pl.BlockSpec((HID, A_OUT), lambda i: (0, 0)),
            pl.BlockSpec((1, A_OUT), lambda i: (0, 0)),
        ],
        out_specs=pl.BlockSpec((R, A_OUT), lambda i: (i, 0)),
        out_shape=jax.ShapeDtypeStruct((N, A_OUT), jnp.float32),
    )(agg, agg, g, dis, b, w, bh)


def kernel(x, edge_index, W1, b1, W2, b2, Wh, bh):
    src3 = edge_index[0].reshape(NW, NCHUNK, CH)
    dst3 = edge_index[1].reshape(NW, NCHUNK, CH)
    zeros_row = jnp.zeros((RPT,), jnp.float32)
    zeros_mat = jnp.zeros((RPT, HID), jnp.bfloat16)

    h1, h1b = _mm1(x, W1)
    agg1, diso = _deg_agg_kernel(src3, dst3, h1b, zeros_row, zeros_mat)
    dis = diso[0].reshape(NP)[:N].reshape(N, 1)
    g2, g2b = _dense2(agg1, h1, dis, b1.reshape(1, HID), W2)

    agg2 = _agg_kernel(src3, dst3, g2b, zeros_mat)
    return _dense3(agg2, g2, dis, b2.reshape(1, HID), Wh, bh.reshape(1, A_OUT))

# --- scband reference (transcript-rebuilt; emitter-appended) ---
"""Pipeline reference for scband-traffic-gnn-841813590533 (READ-ONLY COPY).

The authoritative reference and input builder live on the scoring server;
editing this copy changes nothing except your own understanding.
"""

import jax, jax.numpy as jnp
import numpy as np

N = 10000
E = 320000
F_IN = 128
HID = 64
A = 8


def setup_inputs(seed: int = 0):
    key = jax.random.key(seed)
    ks = jax.random.split(key, 8)
    x = jax.random.normal(ks[0], (N, F_IN), dtype=jnp.float32)
    edge_index = jax.random.randint(ks[1], (2, E), 0, N, dtype=jnp.int32)
    W1 = jax.random.normal(ks[2], (F_IN, HID), dtype=jnp.float32) * (1.0 / np.sqrt(F_IN))
    b1 = jnp.zeros((HID,), dtype=jnp.float32)
    W2 = jax.random.normal(ks[3], (HID, HID), dtype=jnp.float32) * (1.0 / np.sqrt(HID))
    b2 = jnp.zeros((HID,), dtype=jnp.float32)
    Wh = jax.random.normal(ks[4], (HID, A), dtype=jnp.float32) * (1.0 / np.sqrt(HID))
    bh = jnp.zeros((A,), dtype=jnp.float32)
    return {"x": x, "edge_index": edge_index, "W1": W1, "b1": b1, "W2": W2, "b2": b2, "Wh": Wh, "bh": bh}


def _gcn_conv(x, src, dst, W, b):
    # PyG GCNConv semantics: self-loops added, symmetric normalization D^-1/2 A_hat D^-1/2.
    n = x.shape[0]
    deg = jnp.zeros((n,), dtype=jnp.float32).at[dst].add(1.0)
    deg_inv_sqrt = jax.lax.rsqrt(deg)  # deg >= 1 because of self-loops
    norm = deg_inv_sqrt[src] * deg_inv_sqrt[dst]
    h = x @ W
    msg = h[src] * norm[:, None]
    out = jnp.zeros((n, W.shape[1]), dtype=jnp.float32).at[dst].add(msg)
    return out + b


def reference(x, edge_index, W1, b1, W2, b2, Wh, bh):
    n = x.shape[0]
    loop = jnp.arange(n, dtype=edge_index.dtype)
    src = jnp.concatenate([edge_index[0], loop])
    dst = jnp.concatenate([edge_index[1], loop])
    h = jax.nn.relu(_gcn_conv(x, src, dst, W1, b1))
    h = jax.nn.relu(_gcn_conv(h, src, dst, W2, b2))
    return h @ Wh + bh

if __name__ == "__main__":
    import jax
    _d = setup_inputs()
    print(jax.jit(kernel)(*tuple(_d.values())))

</pallas_src>

<mosaic_0001>
#map = affine_map<(d0, d1) -> (0, 0, 0)>
#map1 = affine_map<(d0, d1) -> (0, 0)>
module attributes {stable_mosaic.version = 14 : i64} {
  func.func @_agg_kernel(%arg0: i32, %arg1: i32, %arg2: memref<32x80x125xi32, #tpu.memory_space<hbm>>, %arg3: memref<32x80x125xi32, #tpu.memory_space<hbm>>, %arg4: memref<10000x64xbf16, #tpu.memory_space<hbm>>, %arg5: memref<640x64xbf16, #tpu.memory_space<hbm>>, %arg6: memref<2x10240x64xbf16, #tpu.memory_space<hbm>>, %arg7: memref<80x125xi32, #tpu.memory_space<vmem>>, %arg8: memref<80x125xi32, #tpu.memory_space<vmem>>, %arg9: memref<125x64xbf16, #tpu.memory_space<vmem>>, %arg10: memref<125x64xbf16, #tpu.memory_space<vmem>>, %arg11: memref<125x64xbf16, #tpu.memory_space<vmem>>, %arg12: memref<125x64xbf16, #tpu.memory_space<vmem>>, %arg13: memref<125x64xbf16, #tpu.memory_space<vmem>>, %arg14: memref<125x64xbf16, #tpu.memory_space<vmem>>, %arg15: memref<125x64xbf16, #tpu.memory_space<vmem>>, %arg16: memref<125x64xbf16, #tpu.memory_space<vmem>>, %arg17: memref<10000x64xbf16, #tpu.memory_space<vmem_shared>>, %arg18: memref<10240x64xbf16, #tpu.memory_space<vmem_shared>>, %arg19: memref<!tpu.dma_semaphore, #tpu.memory_space<semaphore_mem>>, %arg20: memref<!tpu.dma_semaphore, #tpu.memory_space<semaphore_mem>>, %arg21: memref<!tpu.dma_semaphore, #tpu.memory_space<semaphore_mem>>, %arg22: memref<!tpu.dma_semaphore, #tpu.memory_space<semaphore_mem>>, %arg23: memref<!tpu.dma_semaphore, #tpu.memory_space<semaphore_mem>>, %arg24: memref<!tpu.dma_semaphore, #tpu.memory_space<semaphore_mem>>, %arg25: memref<!tpu.dma_semaphore, #tpu.memory_space<semaphore_mem>>, %arg26: memref<!tpu.dma_semaphore, #tpu.memory_space<semaphore_mem>>, %arg27: memref<!tpu.dma_semaphore, #tpu.memory_space<semaphore_mem>>, %arg28: memref<!tpu.dma_semaphore, #tpu.memory_space<semaphore_mem>>, %arg29: memref<!tpu.dma_semaphore, #tpu.memory_space<semaphore_mem>>, %arg30: memref<!tpu.dma_semaphore, #tpu.memory_space<semaphore_mem>>, %arg31: memref<!tpu.dma_semaphore, #tpu.memory_space<semaphore_mem>>, %arg32: memref<!tpu.dma_semaphore, #tpu.memory_space<semaphore_mem>>, %arg33: memref<!tpu.dma_semaphore, #tpu.memory_space<semaphore_mem>>, %arg34: memref<!tpu.dma_semaphore, #tpu.memory_space<semaphore_mem>>) attributes {dimension_semantics = [#tpu.dimension_semantics<core_parallel>, #tpu.dimension_semantics<subcore_parallel>], iteration_bounds = array<i64: 2, 16>, scalar_prefetch = 0 : i64, scratch_operands = 28 : i64, tpu.core_type = #tpu.core_type<sc_vector_subcore>, window_params = [{transform_indices = #map}, {transform_indices = #map}, {transform_indices = #map1}, {transform_indices = #map1}, {transform_indices = #map}]} {
    %mul3A = arith.constant 2 : i32
    %mul3A_0 = arith.muli %arg1, %mul3A : i32
    %add3A = arith.addi %mul3A_0, %arg0 : i32
    %mul3A_1 = arith.constant 640 : i32
    %mul3A_2 = arith.muli %arg1, %mul3A_1 : i32
    "tpu.region"() ({
      %run_scoped3A = tpu.sem_alloc : memref<!tpu.dma_semaphore, #tpu.memory_space<semaphore_mem>>
      %dma_start3A_239 = arith.constant 0 : i32
      %dma_start3A_240 = tpu.memref_slice %arg18[%mul3A_2, %dma_start3A_239] : memref<10240x64xbf16, #tpu.memory_space<vmem_shared>> -> memref<640x64xbf16, #tpu.memory_space<vmem_shared>>
      tpu.enqueue_dma source(%arg5 : memref<640x64xbf16, #tpu.memory_space<hbm>>) target(%dma_start3A_240 : memref<640x64xbf16, #tpu.memory_space<vmem_shared>>) target_semaphore(%run_scoped3A : memref<!tpu.dma_semaphore, #tpu.memory_space<semaphore_mem>>)
      %dma_wait3A_241 = arith.constant 0 : i32
      %dma_wait3A_242 = tpu.memref_slice %arg18[%mul3A_2, %dma_wait3A_241] : memref<10240x64xbf16, #tpu.memory_space<vmem_shared>> -> memref<640x64xbf16, #tpu.memory_space<vmem_shared>>
      tpu.wait_dma2 semaphore(%run_scoped3A : memref<!tpu.dma_semaphore, #tpu.memory_space<semaphore_mem>>) src(%arg5 : memref<640x64xbf16, #tpu.memory_space<hbm>>) dst(%dma_wait3A_242 : memref<640x64xbf16, #tpu.memory_space<vmem_shared>>)
      tpu.yield
    }) : () -> ()
    %mul3A_3 = arith.constant 625 : i32
    %mul3A_4 = arith.muli %arg1, %mul3A_3 : i32
    %mul3A_5 = arith.constant 625 : i32
    %mul3A_6 = arith.muli %arg1, %mul3A_5 : i32
    "tpu.region"() ({
      %run_scoped3A = tpu.sem_alloc : memref<!tpu.dma_semaphore, #tpu.memory_space<semaphore_mem>>
      %dma_start3A_239 = arith.constant 0 : i32
      %dma_start3A_240 = tpu.memref_slice %arg17[%mul3A_6, %dma_start3A_239] : memref<10000x64xbf16, #tpu.memory_space<vmem_shared>> -> memref<625x64xbf16, #tpu.memory_space<vmem_shared>>
      %dma_start3A_241 = arith.constant 0 : i32
      %dma_start3A_242 = tpu.memref_slice %arg4[%mul3A_4, %dma_start3A_241] : memref<10000x64xbf16, #tpu.memory_space<hbm>> -> memref<625x64xbf16, #tpu.memory_space<hbm>>
      tpu.enqueue_dma source(%dma_start3A_242 : memref<625x64xbf16, #tpu.memory_space<hbm>>) target(%dma_start3A_240 : memref<625x64xbf16, #tpu.memory_space<vmem_shared>>) target_semaphore(%run_scoped3A : memref<!tpu.dma_semaphore, #tpu.memory_space<semaphore_mem>>)
      %dma_wait3A_243 = arith.constant 0 : i32
      %dma_wait3A_244 = tpu.memref_slice %arg17[%mul3A_6, %dma_wait3A_243] : memref<10000x64xbf16, #tpu.memory_space<vmem_shared>> -> memref<625x64xbf16, #tpu.memory_space<vmem_shared>>
      %dma_wait3A_245 = arith.constant 0 : i32
      %dma_wait3A_246 = tpu.memref_slice %arg4[%mul3A_4, %dma_wait3A_245] : memref<10000x64xbf16, #tpu.memory_space<hbm>> -> memref<625x64xbf16, #tpu.memory_space<hbm>>
      tpu.wait_dma2 semaphore(%run_scoped3A : memref<!tpu.dma_semaphore, #tpu.memory_space<semaphore_mem>>) src(%dma_wait3A_246 : memref<625x64xbf16, #tpu.memory_space<hbm>>) dst(%dma_wait3A_244 : memref<625x64xbf16, #tpu.memory_space<vmem_shared>>)
      tpu.yield
    }) : () -> ()
    "tpu.region"() ({
      %run_scoped3A = tpu.sem_alloc : memref<!tpu.dma_semaphore, #tpu.memory_space<semaphore_mem>>
      %dma_start3A_239 = arith.constant 0 : i32
      %dma_start3A_240 = arith.constant 0 : i32
      %dma_start3A_241 = tpu.memref_slice %arg2[%add3A, %dma_start3A_239, %dma_start3A_240] : memref<32x80x125xi32, #tpu.memory_space<hbm>> -> memref<1x80x125xi32, #tpu.memory_space<hbm>>
      %dma_start3A_242 = tpu.memref_squeeze %dma_start3A_241 : memref<1x80x125xi32, #tpu.memory_space<hbm>> -> memref<80x125xi32, #tpu.memory_space<hbm>>
      %dma_start3A_243 = arith.constant 0 : i32
      %dma_start3A_244 = arith.constant 0 : i32
      %dma_start3A_245 = tpu.memref_slice %arg2[%add3A, %dma_start3A_243, %dma_start3A_244] : memref<32x80x125xi32, #tpu.memory_space<hbm>> -> memref<1x80x125xi32, #tpu.memory_space<hbm>>
      %dma_start3A_246 = tpu.memref_squeeze %dma_start3A_245 : memref<1x80x125xi32, #tpu.memory_space<hbm>> -> memref<80x125xi32, #tpu.memory_space<hbm>>
      tpu.enqueue_dma source(%dma_start3A_246 : memref<80x125xi32, #tpu.memory_space<hbm>>) target(%arg7 : memref<80x125xi32, #tpu.memory_space<vmem>>) target_semaphore(%run_scoped3A : memref<!tpu.dma_semaphore, #tpu.memory_space<semaphore_mem>>)
      %dma_wait3A_247 = arith.constant 0 : i32
      %dma_wait3A_248 = arith.constant 0 : i32
      %dma_wait3A_249 = tpu.memref_slice %arg2[%add3A, %dma_wait3A_247, %dma_wait3A_248] : memref<32x80x125xi32, #tpu.memory_space<hbm>> -> memref<1x80x125xi32, #tpu.memory_space<hbm>>
      %dma_wait3A_250 = tpu.memref_squeeze %dma_wait3A_249 : memref<1x80x125xi32, #tpu.memory_space<hbm>> -> memref<80x125xi32, #tpu.memory_space<hbm>>
      %dma_wait3A_251 = arith.constant 0 : i32
      %dma_wait3A_252 = arith.constant 0 : i32
      %dma_wait3A_253 = tpu.memref_slice %arg2[%add3A, %dma_wait3A_251, %dma_wait3A_252] : memref<32x80x125xi32, #tpu.memory_space<hbm>> -> memref<1x80x125xi32, #tpu.memory_space<hbm>>
      %dma_wait3A_254 = tpu.memref_squeeze %dma_wait3A_253 : memref<1x80x125xi32, #tpu.memory_space<hbm>> -> memref<80x125xi32, #tpu.memory_space<hbm>>
      tpu.wait_dma2 semaphore(%run_scoped3A : memref<!tpu.dma_semaphore, #tpu.memory_space<semaphore_mem>>) src(%dma_wait3A_254 : memref<80x125xi32, #tpu.memory_space<hbm>>) dst(%arg7 : memref<80x125xi32, #tpu.memory_space<vmem>>)
      tpu.yield
    }) : () -> ()
    "tpu.region"() ({
      %run_scoped3A = tpu.sem_alloc : memref<!tpu.dma_semaphore, #tpu.memory_space<semaphore_mem>>
      %dma_start3A_239 = arith.constant 0 : i32
      %dma_start3A_240 = arith.constant 0 : i32
      %dma_start3A_241 = tpu.memref_slice %arg3[%add3A, %dma_start3A_239, %dma_start3A_240] : memref<32x80x125xi32, #tpu.memory_space<hbm>> -> memref<1x80x125xi32, #tpu.memory_space<hbm>>
      %dma_start3A_242 = tpu.memref_squeeze %dma_start3A_241 : memref<1x80x125xi32, #tpu.memory_space<hbm>> -> memref<80x125xi32, #tpu.memory_space<hbm>>
      %dma_start3A_243 = arith.constant 0 : i32
      %dma_start3A_244 = arith.constant 0 : i32
      %dma_start3A_245 = tpu.memref_slice %arg3[%add3A, %dma_start3A_243, %dma_start3A_244] : memref<32x80x125xi32, #tpu.memory_space<hbm>> -> memref<1x80x125xi32, #tpu.memory_space<hbm>>
      %dma_start3A_246 = tpu.memref_squeeze %dma_start3A_245 : memref<1x80x125xi32, #tpu.memory_space<hbm>> -> memref<80x125xi32, #tpu.memory_space<hbm>>
      tpu.enqueue_dma source(%dma_start3A_246 : memref<80x125xi32, #tpu.memory_space<hbm>>) target(%arg8 : memref<80x125xi32, #tpu.memory_space<vmem>>) target_semaphore(%run_scoped3A : memref<!tpu.dma_semaphore, #tpu.memory_space<semaphore_mem>>)
      %dma_wait3A_247 = arith.constant 0 : i32
      %dma_wait3A_248 = arith.constant 0 : i32
      %dma_wait3A_249 = tpu.memref_slice %arg3[%add3A, %dma_wait3A_247, %dma_wait3A_248] : memref<32x80x125xi32, #tpu.memory_space<hbm>> -> memref<1x80x125xi32, #tpu.memory_space<hbm>>
      %dma_wait3A_250 = tpu.memref_squeeze %dma_wait3A_249 : memref<1x80x125xi32, #tpu.memory_space<hbm>> -> memref<80x125xi32, #tpu.memory_space<hbm>>
      %dma_wait3A_251 = arith.constant 0 : i32
      %dma_wait3A_252 = arith.constant 0 : i32
      %dma_wait3A_253 = tpu.memref_slice %arg3[%add3A, %dma_wait3A_251, %dma_wait3A_252] : memref<32x80x125xi32, #tpu.memory_space<hbm>> -> memref<1x80x125xi32, #tpu.memory_space<hbm>>
      %dma_wait3A_254 = tpu.memref_squeeze %dma_wait3A_253 : memref<1x80x125xi32, #tpu.memory_space<hbm>> -> memref<80x125xi32, #tpu.memory_space<hbm>>
      tpu.wait_dma2 semaphore(%run_scoped3A : memref<!tpu.dma_semaphore, #tpu.memory_space<semaphore_mem>>) src(%dma_wait3A_254 : memref<80x125xi32, #tpu.memory_space<hbm>>) dst(%arg8 : memref<80x125xi32, #tpu.memory_space<vmem>>)
      tpu.yield
    }) : () -> ()
    %barrier3A = arith.constant 0 : index
    tpu.barrier barrier_id(%barrier3A)
    %dma_start3A = arith.constant 0 : i32
    %dma_start3A_7 = arith.constant 0 : i32
    %dma_start3A_8 = tpu.memref_slice %arg7[%dma_start3A, %dma_start3A_7] : memref<80x125xi32, #tpu.memory_space<vmem>> -> memref<1x125xi32, #tpu.memory_space<vmem>>
    %dma_start3A_9 = tpu.memref_squeeze %dma_start3A_8 : memref<1x125xi32, #tpu.memory_space<vmem>> -> memref<125xi32, #tpu.memory_space<vmem>>
    %dma_start3A_10 = arith.constant 0 : i32
    %dma_start3A_11 = arith.constant 0 : i32
    %dma_start3A_12 = tpu.memref_slice %arg17[%dma_start3A_10, %dma_start3A_11] : memref<10000x64xbf16, #tpu.memory_space<vmem_shared>> -> memref<10000x64xbf16, #tpu.memory_space<vmem_shared>>
    tpu.enqueue_indirect_dma source(%dma_start3A_12 : memref<10000x64xbf16, #tpu.memory_space<vmem_shared>>) target(%arg9 : memref<125x64xbf16, #tpu.memory_space<vmem>>) offsets(%dma_start3A_9 : memref<125xi32, #tpu.memory_space<vmem>>) semaphore(%arg19 : memref<!tpu.dma_semaphore, #tpu.memory_space<semaphore_mem>>)
    %dma_start3A_13 = arith.constant 1 : i32
    %dma_start3A_14 = arith.constant 0 : i32
    %dma_start3A_15 = tpu.memref_slice %arg7[%dma_start3A_13, %dma_start3A_14] : memref<80x125xi32, #tpu.memory_space<vmem>> -> memref<1x125xi32, #tpu.memory_space<vmem>>
    %dma_start3A_16 = tpu.memref_squeeze %dma_start3A_15 : memref<1x125xi32, #tpu.memory_space<vmem>> -> memref<125xi32, #tpu.memory_space<vmem>>
    %dma_start3A_17 = arith.constant 0 : i32
    %dma_start3A_18 = arith.constant 0 : i32
    %dma_start3A_19 = tpu.memref_slice %arg17[%dma_start3A_17, %dma_start3A_18] : memref<10000x64xbf16, #tpu.memory_space<vmem_shared>> -> memref<10000x64xbf16, #tpu.memory_space<vmem_shared>>
    tpu.enqueue_indirect_dma source(%dma_start3A_19 : memref<10000x64xbf16, #tpu.memory_space<vmem_shared>>) target(%arg10 : memref<125x64xbf16, #tpu.memory_space<vmem>>) offsets(%dma_start3A_16 : memref<125xi32, #tpu.memory_space<vmem>>) semaphore(%arg20 : memref<!tpu.dma_semaphore, #tpu.memory_space<semaphore_mem>>)
    %dma_start3A_20 = arith.constant 2 : i32
    %dma_start3A_21 = arith.constant 0 : i32
    %dma_start3A_22 = tpu.memref_slice %arg7[%dma_start3A_20, %dma_start3A_21] : memref<80x125xi32, #tpu.memory_space<vmem>> -> memref<1x125xi32, #tpu.memory_space<vmem>>
    %dma_start3A_23 = tpu.memref_squeeze %dma_start3A_22 : memref<1x125xi32, #tpu.memory_space<vmem>> -> memref<125xi32, #tpu.memory_space<vmem>>
    %dma_start3A_24 = arith.constant 0 : i32
    %dma_start3A_25 = arith.constant 0 : i32
    %dma_start3A_26 = tpu.memref_slice %arg17[%dma_start3A_24, %dma_start3A_25] : memref<10000x64xbf16, #tpu.memory_space<vmem_shared>> -> memref<10000x64xbf16, #tpu.memory_space<vmem_shared>>
    tpu.enqueue_indirect_dma source(%dma_start3A_26 : memref<10000x64xbf16, #tpu.memory_space<vmem_shared>>) target(%arg11 : memref<125x64xbf16, #tpu.memory_space<vmem>>) offsets(%dma_start3A_23 : memref<125xi32, #tpu.memory_space<vmem>>) semaphore(%arg21 : memref<!tpu.dma_semaphore, #tpu.memory_space<semaphore_mem>>)
    %dma_start3A_27 = arith.constant 3 : i32
    %dma_start3A_28 = arith.constant 0 : i32
    %dma_start3A_29 = tpu.memref_slice %arg7[%dma_start3A_27, %dma_start3A_28] : memref<80x125xi32, #tpu.memory_space<vmem>> -> memref<1x125xi32, #tpu.memory_space<vmem>>
    %dma_start3A_30 = tpu.memref_squeeze %dma_start3A_29 : memref<1x125xi32, #tpu.memory_space<vmem>> -> memref<125xi32, #tpu.memory_space<vmem>>
    %dma_start3A_31 = arith.constant 0 : i32
    %dma_start3A_32 = arith.constant 0 : i32
    %dma_start3A_33 = tpu.memref_slice %arg17[%dma_start3A_31, %dma_start3A_32] : memref<10000x64xbf16, #tpu.memory_space<vmem_shared>> -> memref<10000x64xbf16, #tpu.memory_space<vmem_shared>>
    tpu.enqueue_indirect_dma source(%dma_start3A_33 : memref<10000x64xbf16, #tpu.memory_space<vmem_shared>>) target(%arg12 : memref<125x64xbf16, #tpu.memory_space<vmem>>) offsets(%dma_start3A_30 : memref<125xi32, #tpu.memory_space<vmem>>) semaphore(%arg22 : memref<!tpu.dma_semaphore, #tpu.memory_space<semaphore_mem>>)
    %dma_start3A_34 = arith.constant 4 : i32
    %dma_start3A_35 = arith.constant 0 : i32
    %dma_start3A_36 = tpu.memref_slice %arg7[%dma_start3A_34, %dma_start3A_35] : memref<80x125xi32, #tpu.memory_space<vmem>> -> memref<1x125xi32, #tpu.memory_space<vmem>>
    %dma_start3A_37 = tpu.memref_squeeze %dma_start3A_36 : memref<1x125xi32, #tpu.memory_space<vmem>> -> memref<125xi32, #tpu.memory_space<vmem>>
    %dma_start3A_38 = arith.constant 0 : i32
    %dma_start3A_39 = arith.constant 0 : i32
    %dma_start3A_40 = tpu.memref_slice %arg17[%dma_start3A_38, %dma_start3A_39] : memref<10000x64xbf16, #tpu.memory_space<vmem_shared>> -> memref<10000x64xbf16, #tpu.memory_space<vmem_shared>>
    tpu.enqueue_indirect_dma source(%dma_start3A_40 : memref<10000x64xbf16, #tpu.memory_space<vmem_shared>>) target(%arg13 : memref<125x64xbf16, #tpu.memory_space<vmem>>) offsets(%dma_start3A_37 : memref<125xi32, #tpu.memory_space<vmem>>) semaphore(%arg23 : memref<!tpu.dma_semaphore, #tpu.memory_space<semaphore_mem>>)
    %dma_start3A_41 = arith.constant 5 : i32
    %dma_start3A_42 = arith.constant 0 : i32
    %dma_start3A_43 = tpu.memref_slice %arg7[%dma_start3A_41, %dma_start3A_42] : memref<80x125xi32, #tpu.memory_space<vmem>> -> memref<1x125xi32, #tpu.memory_space<vmem>>
    %dma_start3A_44 = tpu.memref_squeeze %dma_start3A_43 : memref<1x125xi32, #tpu.memory_space<vmem>> -> memref<125xi32, #tpu.memory_space<vmem>>
    %dma_start3A_45 = arith.constant 0 : i32
    %dma_start3A_46 = arith.constant 0 : i32
    %dma_start3A_47 = tpu.memref_slice %arg17[%dma_start3A_45, %dma_start3A_46] : memref<10000x64xbf16, #tpu.memory_space<vmem_shared>> -> memref<10000x64xbf16, #tpu.memory_space<vmem_shared>>
    tpu.enqueue_indirect_dma source(%dma_start3A_47 : memref<10000x64xbf16, #tpu.memory_space<vmem_shared>>) target(%arg14 : memref<125x64xbf16, #tpu.memory_space<vmem>>) offsets(%dma_start3A_44 : memref<125xi32, #tpu.memory_space<vmem>>) semaphore(%arg24 : memref<!tpu.dma_semaphore, #tpu.memory_space<semaphore_mem>>)
    %dma_start3A_48 = arith.constant 6 : i32
    %dma_start3A_49 = arith.constant 0 : i32
    %dma_start3A_50 = tpu.memref_slice %arg7[%dma_start3A_48, %dma_start3A_49] : memref<80x125xi32, #tpu.memory_space<vmem>> -> memref<1x125xi32, #tpu.memory_space<vmem>>
    %dma_start3A_51 = tpu.memref_squeeze %dma_start3A_50 : memref<1x125xi32, #tpu.memory_space<vmem>> -> memref<125xi32, #tpu.memory_space<vmem>>
    %dma_start3A_52 = arith.constant 0 : i32
    %dma_start3A_53 = arith.constant 0 : i32
    %dma_start3A_54 = tpu.memref_slice %arg17[%dma_start3A_52, %dma_start3A_53] : memref<10000x64xbf16, #tpu.memory_space<vmem_shared>> -> memref<10000x64xbf16, #tpu.memory_space<vmem_shared>>
    tpu.enqueue_indirect_dma source(%dma_start3A_54 : memref<10000x64xbf16, #tpu.memory_space<vmem_shared>>) target(%arg15 : memref<125x64xbf16, #tpu.memory_space<vmem>>) offsets(%dma_start3A_51 : memref<125xi32, #tpu.memory_space<vmem>>) semaphore(%arg25 : memref<!tpu.dma_semaphore, #tpu.memory_space<semaphore_mem>>)
    %dma_start3A_55 = arith.constant 7 : i32
    %dma_start3A_56 = arith.constant 0 : i32
    %dma_start3A_57 = tpu.memref_slice %arg7[%dma_start3A_55, %dma_start3A_56] : memref<80x125xi32, #tpu.memory_space<vmem>> -> memref<1x125xi32, #tpu.memory_space<vmem>>
    %dma_start3A_58 = tpu.memref_squeeze %dma_start3A_57 : memref<1x125xi32, #tpu.memory_space<vmem>> -> memref<125xi32, #tpu.memory_space<vmem>>
    %dma_start3A_59 = arith.constant 0 : i32
    %dma_start3A_60 = arith.constant 0 : i32
    %dma_start3A_61 = tpu.memref_slice %arg17[%dma_start3A_59, %dma_start3A_60] : memref<10000x64xbf16, #tpu.memory_space<vmem_shared>> -> memref<10000x64xbf16, #tpu.memory_space<vmem_shared>>
    tpu.enqueue_indirect_dma source(%dma_start3A_61 : memref<10000x64xbf16, #tpu.memory_space<vmem_shared>>) target(%arg16 : memref<125x64xbf16, #tpu.memory_space<vmem>>) offsets(%dma_start3A_58 : memref<125xi32, #tpu.memory_space<vmem>>) semaphore(%arg26 : memref<!tpu.dma_semaphore, #tpu.memory_space<semaphore_mem>>)
    %scan3A = arith.constant 0 : i32
    %scan3A_62 = arith.constant 0 : i32
    %scan3A_63 = arith.constant 9 : i32
    %scan3A_64 = arith.addi %scan3A_62, %scan3A_63 : i32
    %scan3A_65 = arith.constant 1 : i32
    scf.for %scan3A_239 = %scan3A_62 to %scan3A_64 step %scan3A_65  : i32 {
      %mul3A_240 = arith.constant 8 : i32
      %mul3A_241 = arith.muli %scan3A_239, %mul3A_240 : i32
      %add3A_242 = arith.constant 0 : i32
      %add3A_243 = arith.addi %mul3A_241, %add3A_242 : i32
      %dma_wait3A_244 = arith.constant 0 : i32
      %dma_wait3A_245 = tpu.memref_slice %arg7[%add3A_243, %dma_wait3A_244] : memref<80x125xi32, #tpu.memory_space<vmem>> -> memref<1x125xi32, #tpu.memory_space<vmem>>
      %dma_wait3A_246 = tpu.memref_squeeze %dma_wait3A_245 : memref<1x125xi32, #tpu.memory_space<vmem>> -> memref<125xi32, #tpu.memory_space<vmem>>
      %dma_wait3A_247 = arith.constant 0 : i32
      %dma_wait3A_248 = arith.constant 0 : i32
      %dma_wait3A_249 = tpu.memref_slice %arg17[%dma_wait3A_247, %dma_wait3A_248] : memref<10000x64xbf16, #tpu.memory_space<vmem_shared>> -> memref<10000x64xbf16, #tpu.memory_space<vmem_shared>>
      tpu.wait_indirect_dma semaphore(%arg19 : memref<!tpu.dma_semaphore, #tpu.memory_space<semaphore_mem>>) src(%dma_wait3A_249 : memref<10000x64xbf16, #tpu.memory_space<vmem_shared>>) dst(%arg9 : memref<125x64xbf16, #tpu.memory_space<vmem>>)
      %add3A_250 = arith.constant 0 : i32
      %add3A_251 = arith.addi %mul3A_241, %add3A_250 : i32
      %dma_start3A_252 = arith.constant 0 : i32
      %dma_start3A_253 = tpu.memref_slice %arg8[%add3A_251, %dma_start3A_252] : memref<80x125xi32, #tpu.memory_space<vmem>> -> memref<1x125xi32, #tpu.memory_space<vmem>>
      %dma_start3A_254 = tpu.memref_squeeze %dma_start3A_253 : memref<1x125xi32, #tpu.memory_space<vmem>> -> memref<125xi32, #tpu.memory_space<vmem>>
      %dma_start3A_255 = arith.constant 0 : i32
      %dma_start3A_256 = arith.constant 0 : i32
      %dma_start3A_257 = tpu.memref_slice %arg18[%dma_start3A_255, %dma_start3A_256] : memref<10240x64xbf16, #tpu.memory_space<vmem_shared>> -> memref<10240x64xbf16, #tpu.memory_space<vmem_shared>>
      tpu.enqueue_indirect_dma source(%arg9 : memref<125x64xbf16, #tpu.memory_space<vmem>>) target(%dma_start3A_257 : memref<10240x64xbf16, #tpu.memory_space<vmem_shared>>) offsets(%dma_start3A_254 : memref<125xi32, #tpu.memory_space<vmem>>) semaphore(%arg27 : memref<!tpu.dma_semaphore, #tpu.memory_space<semaphore_mem>>) {add = true}
      %add3A_258 = arith.constant 1 : i32
      %add3A_259 = arith.addi %mul3A_241, %add3A_258 : i32
      %dma_wait3A_260 = arith.constant 0 : i32
      %dma_wait3A_261 = tpu.memref_slice %arg7[%add3A_259, %dma_wait3A_260] : memref<80x125xi32, #tpu.memory_space<vmem>> -> memref<1x125xi32, #tpu.memory_space<vmem>>
      %dma_wait3A_262 = tpu.memref_squeeze %dma_wait3A_261 : memref<1x125xi32, #tpu.memory_space<vmem>> -> memref<125xi32, #tpu.memory_space<vmem>>
      %dma_wait3A_263 = arith.constant 0 : i32
      %dma_wait3A_264 = arith.constant 0 : i32
      %dma_wait3A_265 = tpu.memref_slice %arg17[%dma_wait3A_263, %dma_wait3A_264] : memref<10000x64xbf16, #tpu.memory_space<vmem_shared>> -> memref<10000x64xbf16, #tpu.memory_space<vmem_shared>>
      tpu.wait_indirect_dma semaphore(%arg20 : memref<!tpu.dma_semaphore, #tpu.memory_space<semaphore_mem>>) src(%dma_wait3A_265 : memref<10000x64xbf16, #tpu.memory_space<vmem_shared>>) dst(%arg10 : memref<125x64xbf16, #tpu.memory_space<vmem>>)
      %add3A_266 = arith.constant 1 : i32
      %add3A_267 = arith.addi %mul3A_241, %add3A_266 : i32
      %dma_start3A_268 = arith.constant 0 : i32
      %dma_start3A_269 = tpu.memref_slice %arg8[%add3A_267, %dma_start3A_268] : memref<80x125xi32, #tpu.memory_space<vmem>> -> memref<1x125xi32, #tpu.memory_space<vmem>>
      %dma_start3A_270 = tpu.memref_squeeze %dma_start3A_269 : memref<1x125xi32, #tpu.memory_space<vmem>> -> memref<125xi32, #tpu.memory_space<vmem>>
      %dma_start3A_271 = arith.constant 0 : i32
      %dma_start3A_272 = arith.constant 0 : i32
      %dma_start3A_273 = tpu.memref_slice %arg18[%dma_start3A_271, %dma_start3A_272] : memref<10240x64xbf16, #tpu.memory_space<vmem_shared>> -> memref<10240x64xbf16, #tpu.memory_space<vmem_shared>>
      tpu.enqueue_indirect_dma source(%arg10 : memref<125x64xbf16, #tpu.memory_space<vmem>>) target(%dma_start3A_273 : memref<10240x64xbf16, #tpu.memory_space<vmem_shared>>) offsets(%dma_start3A_270 : memref<125xi32, #tpu.memory_space<vmem>>) semaphore(%arg28 : memref<!tpu.dma_semaphore, #tpu.memory_space<semaphore_mem>>) {add = true}
      %add3A_274 = arith.constant 2 : i32
      %add3A_275 = arith.addi %mul3A_241, %add3A_274 : i32
      %dma_wait3A_276 = arith.constant 0 : i32
      %dma_wait3A_277 = tpu.memref_slice %arg7[%add3A_275, %dma_wait3A_276] : memref<80x125xi32, #tpu.memory_space<vmem>> -> memref<1x125xi32, #tpu.memory_space<vmem>>
      %dma_wait3A_278 = tpu.memref_squeeze %dma_wait3A_277 : memref<1x125xi32, #tpu.memory_space<vmem>> -> memref<125xi32, #tpu.memory_space<vmem>>
      %dma_wait3A_279 = arith.constant 0 : i32
      %dma_wait3A_280 = arith.constant 0 : i32
      %dma_wait3A_281 = tpu.memref_slice %arg17[%dma_wait3A_279, %dma_wait3A_280] : memref<10000x64xbf16, #tpu.memory_space<vmem_shared>> -> memref<10000x64xbf16, #tpu.memory_space<vmem_shared>>
      tpu.wait_indirect_dma semaphore(%arg21 : memref<!tpu.dma_semaphore, #tpu.memory_space<semaphore_mem>>) src(%dma_wait3A_281 : memref<10000x64xbf16, #tpu.memory_space<vmem_shared>>) dst(%arg11 : memref<125x64xbf16, #tpu.memory_space<vmem>>)
      %add3A_282 = arith.constant 2 : i32
      %add3A_283 = arith.addi %mul3A_241, %add3A_282 : i32
      %dma_start3A_284 = arith.constant 0 : i32
      %dma_start3A_285 = tpu.memref_slice %arg8[%add3A_283, %dma_start3A_284] : memref<80x125xi32, #tpu.memory_space<vmem>> -> memref<1x125xi32, #tpu.memory_space<vmem>>
      %dma_start3A_286 = tpu.memref_squeeze %dma_start3A_285 : memref<1x125xi32, #tpu.memory_space<vmem>> -> memref<125xi32, #tpu.memory_space<vmem>>
      %dma_start3A_287 = arith.constant 0 : i32
      %dma_start3A_288 = arith.constant 0 : i32
      %dma_start3A_289 = tpu.memref_slice %arg18[%dma_start3A_287, %dma_start3A_288] : memref<10240x64xbf16, #tpu.memory_space<vmem_shared>> -> memref<10240x64xbf16, #tpu.memory_space<vmem_shared>>
      tpu.enqueue_indirect_dma source(%arg11 : memref<125x64xbf16, #tpu.memory_space<vmem>>) target(%dma_start3A_289 : memref<10240x64xbf16, #tpu.memory_space<vmem_shared>>) offsets(%dma_start3A_286 : memref<125xi32, #tpu.memory_space<vmem>>) semaphore(%arg29 : memref<!tpu.dma_semaphore, #tpu.memory_space<semaphore_mem>>) {add = true}
      %add3A_290 = arith.constant 3 : i32
      %add3A_291 = arith.addi %mul3A_241, %add3A_290 : i32
      %dma_wait3A_292 = arith.constant 0 : i32
      %dma_wait3A_293 = tpu.memref_slice %arg7[%add3A_291, %dma_wait3A_292] : memref<80x125xi32, #tpu.memory_space<vmem>> -> memref<1x125xi32, #tpu.memory_space<vmem>>
      %dma_wait3A_294 = tpu.memref_squeeze %dma_wait3A_293 : memref<1x125xi32, #tpu.memory_space<vmem>> -> memref<125xi32, #tpu.memory_space<vmem>>
      %dma_wait3A_295 = arith.constant 0 : i32
      %dma_wait3A_296 = arith.constant 0 : i32
      %dma_wait3A_297 = tpu.memref_slice %arg17[%dma_wait3A_295, %dma_wait3A_296] : memref<10000x64xbf16, #tpu.memory_space<vmem_shared>> -> memref<10000x64xbf16, #tpu.memory_space<vmem_shared>>
      tpu.wait_indirect_dma semaphore(%arg22 : memref<!tpu.dma_semaphore, #tpu.memory_space<semaphore_mem>>) src(%dma_wait3A_297 : memref<10000x64xbf16, #tpu.memory_space<vmem_shared>>) dst(%arg12 : memref<125x64xbf16, #tpu.memory_space<vmem>>)
      %add3A_298 = arith.constant 3 : i32
      %add3A_299 = arith.addi %mul3A_241, %add3A_298 : i32
      %dma_start3A_300 = arith.constant 0 : i32
      %dma_start3A_301 = tpu.memref_slice %arg8[%add3A_299, %dma_start3A_300] : memref<80x125xi32, #tpu.memory_space<vmem>> -> memref<1x125xi32, #tpu.memory_space<vmem>>
      %dma_start3A_302 = tpu.memref_squeeze %dma_start3A_301 : memref<1x125xi32, #tpu.memory_space<vmem>> -> memref<125xi32, #tpu.memory_space<vmem>>
      %dma_start3A_303 = arith.constant 0 : i32
      %dma_start3A_304 = arith.constant 0 : i32
      %dma_start3A_305 = tpu.memref_slice %arg18[%dma_start3A_303, %dma_start3A_304] : memref<10240x64xbf16, #tpu.memory_space<vmem_shared>> -> memref<10240x64xbf16, #tpu.memory_space<vmem_shared>>
      tpu.enqueue_indirect_dma source(%arg12 : memref<125x64xbf16, #tpu.memory_space<vmem>>) target(%dma_start3A_305 : memref<10240x64xbf16, #tpu.memory_space<vmem_shared>>) offsets(%dma_start3A_302 : memref<125xi32, #tpu.memory_space<vmem>>) semaphore(%arg30 : memref<!tpu.dma_semaphore, #tpu.memory_space<semaphore_mem>>) {add = true}
      %add3A_306 = arith.constant 4 : i32
      %add3A_307 = arith.addi %mul3A_241, %add3A_306 : i32
      %dma_wait3A_308 = arith.constant 0 : i32
      %dma_wait3A_309 = tpu.memref_slice %arg7[%add3A_307, %dma_wait3A_308] : memref<80x125xi32, #tpu.memory_space<vmem>> -> memref<1x125xi32, #tpu.memory_space<vmem>>
      %dma_wait3A_310 = tpu.memref_squeeze %dma_wait3A_309 : memref<1x125xi32, #tpu.memory_space<vmem>> -> memref<125xi32, #tpu.memory_space<vmem>>
      %dma_wait3A_311 = arith.constant 0 : i32
      %dma_wait3A_312 = arith.constant 0 : i32
      %dma_wait3A_313 = tpu.memref_slice %arg17[%dma_wait3A_311, %dma_wait3A_312] : memref<10000x64xbf16, #tpu.memory_space<vmem_shared>> -> memref<10000x64xbf16, #tpu.memory_space<vmem_shared>>
      tpu.wait_indirect_dma semaphore(%arg23 : memref<!tpu.dma_semaphore, #tpu.memory_space<semaphore_mem>>) src(%dma_wait3A_313 : memref<10000x64xbf16, #tpu.memory_space<vmem_shared>>) dst(%arg13 : memref<125x64xbf16, #tpu.memory_space<vmem>>)
      %add3A_314 = arith.constant 4 : i32
      %add3A_315 = arith.addi %mul3A_241, %add3A_314 : i32
      %dma_start3A_316 = arith.constant 0 : i32
      %dma_start3A_317 = tpu.memref_slice %arg8[%add3A_315, %dma_start3A_316] : memref<80x125xi32, #tpu.memory_space<vmem>> -> memref<1x125xi32, #tpu.memory_space<vmem>>
      %dma_start3A_318 = tpu.memref_squeeze %dma_start3A_317 : memref<1x125xi32, #tpu.memory_space<vmem>> -> memref<125xi32, #tpu.memory_space<vmem>>
      %dma_start3A_319 = arith.constant 0 : i32
      %dma_start3A_320 = arith.constant 0 : i32
      %dma_start3A_321 = tpu.memref_slice %arg18[%dma_start3A_319, %dma_start3A_320] : memref<10240x64xbf16, #tpu.memory_space<vmem_shared>> -> memref<10240x64xbf16, #tpu.memory_space<vmem_shared>>
      tpu.enqueue_indirect_dma source(%arg13 : memref<125x64xbf16, #tpu.memory_space<vmem>>) target(%dma_start3A_321 : memref<10240x64xbf16, #tpu.memory_space<vmem_shared>>) offsets(%dma_start3A_318 : memref<125xi32, #tpu.memory_space<vmem>>) semaphore(%arg31 : memref<!tpu.dma_semaphore, #tpu.memory_space<semaphore_mem>>) {add = true}
      %add3A_322 = arith.constant 5 : i32
      %add3A_323 = arith.addi %mul3A_241, %add3A_322 : i32
      %dma_wait3A_324 = arith.constant 0 : i32
      %dma_wait3A_325 = tpu.memref_slice %arg7[%add3A_323, %dma_wait3A_324] : memref<80x125xi32, #tpu.memory_space<vmem>> -> memref<1x125xi32, #tpu.memory_space<vmem>>
      %dma_wait3A_326 = tpu.memref_squeeze %dma_wait3A_325 : memref<1x125xi32, #tpu.memory_space<vmem>> -> memref<125xi32, #tpu.memory_space<vmem>>
      %dma_wait3A_327 = arith.constant 0 : i32
      %dma_wait3A_328 = arith.constant 0 : i32
      %dma_wait3A_329 = tpu.memref_slice %arg17[%dma_wait3A_327, %dma_wait3A_328] : memref<10000x64xbf16, #tpu.memory_space<vmem_shared>> -> memref<10000x64xbf16, #tpu.memory_space<vmem_shared>>
      tpu.wait_indirect_dma semaphore(%arg24 : memref<!tpu.dma_semaphore, #tpu.memory_space<semaphore_mem>>) src(%dma_wait3A_329 : memref<10000x64xbf16, #tpu.memory_space<vmem_shared>>) dst(%arg14 : memref<125x64xbf16, #tpu.memory_space<vmem>>)
      %add3A_330 = arith.constant 5 : i32
      %add3A_331 = arith.addi %mul3A_241, %add3A_330 : i32
      %dma_start3A_332 = arith.constant 0 : i32
      %dma_start3A_333 = tpu.memref_slice %arg8[%add3A_331, %dma_start3A_332] : memref<80x125xi32, #tpu.memory_space<vmem>> -> memref<1x125xi32, #tpu.memory_space<vmem>>
      %dma_start3A_334 = tpu.memref_squeeze %dma_start3A_333 : memref<1x125xi32, #tpu.memory_space<vmem>> -> memref<125xi32, #tpu.memory_space<vmem>>
      %dma_start3A_335 = arith.constant 0 : i32
      %dma_start3A_336 = arith.constant 0 : i32
      %dma_start3A_337 = tpu.memref_slice %arg18[%dma_start3A_335, %dma_start3A_336] : memref<10240x64xbf16, #tpu.memory_space<vmem_shared>> -> memref<10240x64xbf16, #tpu.memory_space<vmem_shared>>
      tpu.enqueue_indirect_dma source(%arg14 : memref<125x64xbf16, #tpu.memory_space<vmem>>) target(%dma_start3A_337 : memref<10240x64xbf16, #tpu.memory_space<vmem_shared>>) offsets(%dma_start3A_334 : memref<125xi32, #tpu.memory_space<vmem>>) semaphore(%arg32 : memref<!tpu.dma_semaphore, #tpu.memory_space<semaphore_mem>>) {add = true}
      %add3A_338 = arith.constant 6 : i32
      %add3A_339 = arith.addi %mul3A_241, %add3A_338 : i32
      %dma_wait3A_340 = arith.constant 0 : i32
      %dma_wait3A_341 = tpu.memref_slice %arg7[%add3A_339, %dma_wait3A_340] : memref<80x125xi32, #tpu.memory_space<vmem>> -> memref<1x125xi32, #tpu.memory_space<vmem>>
      %dma_wait3A_342 = tpu.memref_squeeze %dma_wait3A_341 : memref<1x125xi32, #tpu.memory_space<vmem>> -> memref<125xi32, #tpu.memory_space<vmem>>
      %dma_wait3A_343 = arith.constant 0 : i32
      %dma_wait3A_344 = arith.constant 0 : i32
      %dma_wait3A_345 = tpu.memref_slice %arg17[%dma_wait3A_343, %dma_wait3A_344] : memref<10000x64xbf16, #tpu.memory_space<vmem_shared>> -> memref<10000x64xbf16, #tpu.memory_space<vmem_shared>>
      tpu.wait_indirect_dma semaphore(%arg25 : memref<!tpu.dma_semaphore, #tpu.memory_space<semaphore_mem>>) src(%dma_wait3A_345 : memref<10000x64xbf16, #tpu.memory_space<vmem_shared>>) dst(%arg15 : memref<125x64xbf16, #tpu.memory_space<vmem>>)
      %add3A_346 = arith.constant 6 : i32
      %add3A_347 = arith.addi %mul3A_241, %add3A_346 : i32
      %dma_start3A_348 = arith.constant 0 : i32
      %dma_start3A_349 = tpu.memref_slice %arg8[%add3A_347, %dma_start3A_348] : memref<80x125xi32, #tpu.memory_space<vmem>> -> memref<1x125xi32, #tpu.memory_space<vmem>>
      %dma_start3A_350 = tpu.memref_squeeze %dma_start3A_349 : memref<1x125xi32, #tpu.memory_space<vmem>> -> memref<125xi32, #tpu.memory_space<vmem>>
      %dma_start3A_351 = arith.constant 0 : i32
      %dma_start3A_352 = arith.constant 0 : i32
      %dma_start3A_353 = tpu.memref_slice %arg18[%dma_start3A_351, %dma_start3A_352] : memref<10240x64xbf16, #tpu.memory_space<vmem_shared>> -> memref<10240x64xbf16, #tpu.memory_space<vmem_shared>>
      tpu.enqueue_indirect_dma source(%arg15 : memref<125x64xbf16, #tpu.memory_space<vmem>>) target(%dma_start3A_353 : memref<10240x64xbf16, #tpu.memory_space<vmem_shared>>) offsets(%dma_start3A_350 : memref<125xi32, #tpu.memory_space<vmem>>) semaphore(%arg33 : memref<!tpu.dma_semaphore, #tpu.memory_space<semaphore_mem>>) {add = true}
      %add3A_354 = arith.constant 7 : i32
      %add3A_355 = arith.addi %mul3A_241, %add3A_354 : i32
      %dma_wait3A_356 = arith.constant 0 : i32
      %dma_wait3A_357 = tpu.memref_slice %arg7[%add3A_355, %dma_wait3A_356] : memref<80x125xi32, #tpu.memory_space<vmem>> -> memref<1x125xi32, #tpu.memory_space<vmem>>
      %dma_wait3A_358 = tpu.memref_squeeze %dma_wait3A_357 : memref<1x125xi32, #tpu.memory_space<vmem>> -> memref<125xi32, #tpu.memory_space<vmem>>
      %dma_wait3A_359 = arith.constant 0 : i32
      %dma_wait3A_360 = arith.constant 0 : i32
      %dma_wait3A_361 = tpu.memref_slice %arg17[%dma_wait3A_359, %dma_wait3A_360] : memref<10000x64xbf16, #tpu.memory_space<vmem_shared>> -> memref<10000x64xbf16, #tpu.memory_space<vmem_shared>>
      tpu.wait_indirect_dma semaphore(%arg26 : memref<!tpu.dma_semaphore, #tpu.memory_space<semaphore_mem>>) src(%dma_wait3A_361 : memref<10000x64xbf16, #tpu.memory_space<vmem_shared>>) dst(%arg16 : memref<125x64xbf16, #tpu.memory_space<vmem>>)
      %add3A_362 = arith.constant 7 : i32
      %add3A_363 = arith.addi %mul3A_241, %add3A_362 : i32
      %dma_start3A_364 = arith.constant 0 : i32
      %dma_start3A_365 = tpu.memref_slice %arg8[%add3A_363, %dma_start3A_364] : memref<80x125xi32, #tpu.memory_space<vmem>> -> memref<1x125xi32, #tpu.memory_space<vmem>>
      %dma_start3A_366 = tpu.memref_squeeze %dma_start3A_365 : memref<1x125xi32, #tpu.memory_space<vmem>> -> memref<125xi32, #tpu.memory_space<vmem>>
      %dma_start3A_367 = arith.constant 0 : i32
      %dma_start3A_368 = arith.constant 0 : i32
      %dma_start3A_369 = tpu.memref_slice %arg18[%dma_start3A_367, %dma_start3A_368] : memref<10240x64xbf16, #tpu.memory_space<vmem_shared>> -> memref<10240x64xbf16, #tpu.memory_space<vmem_shared>>
      tpu.enqueue_indirect_dma source(%arg16 : memref<125x64xbf16, #tpu.memory_space<vmem>>) target(%dma_start3A_369 : memref<10240x64xbf16, #tpu.memory_space<vmem_shared>>) offsets(%dma_start3A_366 : memref<125xi32, #tpu.memory_space<vmem>>) semaphore(%arg34 : memref<!tpu.dma_semaphore, #tpu.memory_space<semaphore_mem>>) {add = true}
      %add3A_370 = arith.constant 0 : i32
      %add3A_371 = arith.addi %mul3A_241, %add3A_370 : i32
      %dma_wait3A_372 = arith.constant 0 : i32
      %dma_wait3A_373 = tpu.memref_slice %arg8[%add3A_371, %dma_wait3A_372] : memref<80x125xi32, #tpu.memory_space<vmem>> -> memref<1x125xi32, #tpu.memory_space<vmem>>
      %dma_wait3A_374 = tpu.memref_squeeze %dma_wait3A_373 : memref<1x125xi32, #tpu.memory_space<vmem>> -> memref<125xi32, #tpu.memory_space<vmem>>
      %dma_wait3A_375 = arith.constant 0 : i32
      %dma_wait3A_376 = arith.constant 0 : i32
      %dma_wait3A_377 = tpu.memref_slice %arg18[%dma_wait3A_375, %dma_wait3A_376] : memref<10240x64xbf16, #tpu.memory_space<vmem_shared>> -> memref<10240x64xbf16, #tpu.memory_space<vmem_shared>>
      tpu.wait_indirect_dma semaphore(%arg27 : memref<!tpu.dma_semaphore, #tpu.memory_space<semaphore_mem>>) src(%arg9 : memref<125x64xbf16, #tpu.memory_space<vmem>>) dst(%dma_wait3A_377 : memref<10240x64xbf16, #tpu.memory_space<vmem_shared>>)
      %add3A_378 = arith.constant 8 : i32
      %add3A_379 = arith.addi %mul3A_241, %add3A_378 : i32
      %add3A_380 = arith.constant 0 : i32
      %add3A_381 = arith.addi %add3A_379, %add3A_380 : i32
      %dma_start3A_382 = arith.constant 0 : i32
      %dma_start3A_383 = tpu.memref_slice %arg7[%add3A_381, %dma_start3A_382] : memref<80x125xi32, #tpu.memory_space<vmem>> -> memref<1x125xi32, #tpu.memory_space<vmem>>
      %dma_start3A_384 = tpu.memref_squeeze %dma_start3A_383 : memref<1x125xi32, #tpu.memory_space<vmem>> -> memref<125xi32, #tpu.memory_space<vmem>>
      %dma_start3A_385 = arith.constant 0 : i32
      %dma_start3A_386 = arith.constant 0 : i32
      %dma_start3A_387 = tpu.memref_slice %arg17[%dma_start3A_385, %dma_start3A_386] : memref<10000x64xbf16, #tpu.memory_space<vmem_shared>> -> memref<10000x64xbf16, #tpu.memory_space<vmem_shared>>
      tpu.enqueue_indirect_dma source(%dma_start3A_387 : memref<10000x64xbf16, #tpu.memory_space<vmem_shared>>) target(%arg9 : memref<125x64xbf16, #tpu.memory_space<vmem>>) offsets(%dma_start3A_384 : memref<125xi32, #tpu.memory_space<vmem>>) semaphore(%arg19 : memref<!tpu.dma_semaphore, #tpu.memory_space<semaphore_mem>>)
      %add3A_388 = arith.constant 1 : i32
      %add3A_389 = arith.addi %mul3A_241, %add3A_388 : i32
      %dma_wait3A_390 = arith.constant 0 : i32
      %dma_wait3A_391 = tpu.memref_slice %arg8[%add3A_389, %dma_wait3A_390] : memref<80x125xi32, #tpu.memory_space<vmem>> -> memref<1x125xi32, #tpu.memory_space<vmem>>
      %dma_wait3A_392 = tpu.memref_squeeze %dma_wait3A_391 : memref<1x125xi32, #tpu.memory_space<vmem>> -> memref<125xi32, #tpu.memory_space<vmem>>
      %dma_wait3A_393 = arith.constant 0 : i32
      %dma_wait3A_394 = arith.constant 0 : i32
      %dma_wait3A_395 = tpu.memref_slice %arg18[%dma_wait3A_393, %dma_wait3A_394] : memref<10240x64xbf16, #tpu.memory_space<vmem_shared>> -> memref<10240x64xbf16, #tpu.memory_space<vmem_shared>>
      tpu.wait_indirect_dma semaphore(%arg28 : memref<!tpu.dma_semaphore, #tpu.memory_space<semaphore_mem>>) src(%arg10 : memref<125x64xbf16, #tpu.memory_space<vmem>>) dst(%dma_wait3A_395 : memref<10240x64xbf16, #tpu.memory_space<vmem_shared>>)
      %add3A_396 = arith.constant 8 : i32
      %add3A_397 = arith.addi %mul3A_241, %add3A_396 : i32
      %add3A_398 = arith.constant 1 : i32
      %add3A_399 = arith.addi %add3A_397, %add3A_398 : i32
      %dma_start3A_400 = arith.constant 0 : i32
      %dma_start3A_401 = tpu.memref_slice %arg7[%add3A_399, %dma_start3A_400] : memref<80x125xi32, #tpu.memory_space<vmem>> -> memref<1x125xi32, #tpu.memory_space<vmem>>
      %dma_start3A_402 = tpu.memref_squeeze %dma_start3A_401 : memref<1x125xi32, #tpu.memory_space<vmem>> -> memref<125xi32, #tpu.memory_space<vmem>>
      %dma_start3A_403 = arith.constant 0 : i32
      %dma_start3A_404 = arith.constant 0 : i32
      %dma_start3A_405 = tpu.memref_slice %arg17[%dma_start3A_403, %dma_start3A_404] : memref<10000x64xbf16, #tpu.memory_space<vmem_shared>> -> memref<10000x64xbf16, #tpu.memory_space<vmem_shared>>
      tpu.enqueue_indirect_dma source(%dma_start3A_405 : memref<10000x64xbf16, #tpu.memory_space<vmem_shared>>) target(%arg10 : memref<125x64xbf16, #tpu.memory_space<vmem>>) offsets(%dma_start3A_402 : memref<125xi32, #tpu.memory_space<vmem>>) semaphore(%arg20 : memref<!tpu.dma_semaphore, #tpu.memory_space<semaphore_mem>>)
      %add3A_406 = arith.constant 2 : i32
      %add3A_407 = arith.addi %mul3A_241, %add3A_406 : i32
      %dma_wait3A_408 = arith.constant 0 : i32
      %dma_wait3A_409 = tpu.memref_slice %arg8[%add3A_407, %dma_wait3A_408] : memref<80x125xi32, #tpu.memory_space<vmem>> -> memref<1x125xi32, #tpu.memory_space<vmem>>
      %dma_wait3A_410 = tpu.memref_squeeze %dma_wait3A_409 : memref<1x125xi32, #tpu.memory_space<vmem>> -> memref<125xi32, #tpu.memory_space<vmem>>
      %dma_wait3A_411 = arith.constant 0 : i32
      %dma_wait3A_412 = arith.constant 0 : i32
      %dma_wait3A_413 = tpu.memref_slice %arg18[%dma_wait3A_411, %dma_wait3A_412] : memref<10240x64xbf16, #tpu.memory_space<vmem_shared>> -> memref<10240x64xbf16, #tpu.memory_space<vmem_shared>>
      tpu.wait_indirect_dma semaphore(%arg29 : memref<!tpu.dma_semaphore, #tpu.memory_space<semaphore_mem>>) src(%arg11 : memref<125x64xbf16, #tpu.memory_space<vmem>>) dst(%dma_wait3A_413 : memref<10240x64xbf16, #tpu.memory_space<vmem_shared>>)
      %add3A_414 = arith.constant 8 : i32
      %add3A_415 = arith.addi %mul3A_241, %add3A_414 : i32
      %add3A_416 = arith.constant 2 : i32
      %add3A_417 = arith.addi %add3A_415, %add3A_416 : i32
      %dma_start3A_418 = arith.constant 0 : i32
      %dma_start3A_419 = tpu.memref_slice %arg7[%add3A_417, %dma_start3A_418] : memref<80x125xi32, #tpu.memory_space<vmem>> -> memref<1x125xi32, #tpu.memory_space<vmem>>
      %dma_start3A_420 = tpu.memref_squeeze %dma_start3A_419 : memref<1x125xi32, #tpu.memory_space<vmem>> -> memref<125xi32, #tpu.memory_space<vmem>>
      %dma_start3A_421 = arith.constant 0 : i32
      %dma_start3A_422 = arith.constant 0 : i32
      %dma_start3A_423 = tpu.memref_slice %arg17[%dma_start3A_421, %dma_start3A_422] : memref<10000x64xbf16, #tpu.memory_space<vmem_shared>> -> memref<10000x64xbf16, #tpu.memory_space<vmem_shared>>
      tpu.enqueue_indirect_dma source(%dma_start3A_423 : memref<10000x64xbf16, #tpu.memory_space<vmem_shared>>) target(%arg11 : memref<125x64xbf16, #tpu.memory_space<vmem>>) offsets(%dma_start3A_420 : memref<125xi32, #tpu.memory_space<vmem>>) semaphore(%arg21 : memref<!tpu.dma_semaphore, #tpu.memory_space<semaphore_mem>>)
      %add3A_424 = arith.constant 3 : i32
      %add3A_425 = arith.addi %mul3A_241, %add3A_424 : i32
      %dma_wait3A_426 = arith.constant 0 : i32
      %dma_wait3A_427 = tpu.memref_slice %arg8[%add3A_425, %dma_wait3A_426] : memref<80x125xi32, #tpu.memory_space<vmem>> -> memref<1x125xi32, #tpu.memory_space<vmem>>
      %dma_wait3A_428 = tpu.memref_squeeze %dma_wait3A_427 : memref<1x125xi32, #tpu.memory_space<vmem>> -> memref<125xi32, #tpu.memory_space<vmem>>
      %dma_wait3A_429 = arith.constant 0 : i32
      %dma_wait3A_430 = arith.constant 0 : i32
      %dma_wait3A_431 = tpu.memref_slice %arg18[%dma_wait3A_429, %dma_wait3A_430] : memref<10240x64xbf16, #tpu.memory_space<vmem_shared>> -> memref<10240x64xbf16, #tpu.memory_space<vmem_shared>>
      tpu.wait_indirect_dma semaphore(%arg30 : memref<!tpu.dma_semaphore, #tpu.memory_space<semaphore_mem>>) src(%arg12 : memref<125x64xbf16, #tpu.memory_space<vmem>>) dst(%dma_wait3A_431 : memref<10240x64xbf16, #tpu.memory_space<vmem_shared>>)
      %add3A_432 = arith.constant 8 : i32
      %add3A_433 = arith.addi %mul3A_241, %add3A_432 : i32
      %add3A_434 = arith.constant 3 : i32
      %add3A_435 = arith.addi %add3A_433, %add3A_434 : i32
      %dma_start3A_436 = arith.constant 0 : i32
      %dma_start3A_437 = tpu.memref_slice %arg7[%add3A_435, %dma_start3A_436] : memref<80x125xi32, #tpu.memory_space<vmem>> -> memref<1x125xi32, #tpu.memory_space<vmem>>
      %dma_start3A_438 = tpu.memref_squeeze %dma_start3A_437 : memref<1x125xi32, #tpu.memory_space<vmem>> -> memref<125xi32, #tpu.memory_space<vmem>>
      %dma_start3A_439 = arith.constant 0 : i32
      %dma_start3A_440 = arith.constant 0 : i32
      %dma_start3A_441 = tpu.memref_slice %arg17[%dma_start3A_439, %dma_start3A_440] : memref<10000x64xbf16, #tpu.memory_space<vmem_shared>> -> memref<10000x64xbf16, #tpu.memory_space<vmem_shared>>
      tpu.enqueue_indirect_dma source(%dma_start3A_441 : memref<10000x64xbf16, #tpu.memory_space<vmem_shared>>) target(%arg12 : memref<125x64xbf16, #tpu.memory_space<vmem>>) offsets(%dma_start3A_438 : memref<125xi32, #tpu.memory_space<vmem>>) semaphore(%arg22 : memref<!tpu.dma_semaphore, #tpu.memory_space<semaphore_mem>>)
      %add3A_442 = arith.constant 4 : i32
      %add3A_443 = arith.addi %mul3A_241, %add3A_442 : i32
      %dma_wait3A_444 = arith.constant 0 : i32
      %dma_wait3A_445 = tpu.memref_slice %arg8[%add3A_443, %dma_wait3A_444] : memref<80x125xi32, #tpu.memory_space<vmem>> -> memref<1x125xi32, #tpu.memory_space<vmem>>
      %dma_wait3A_446 = tpu.memref_squeeze %dma_wait3A_445 : memref<1x125xi32, #tpu.memory_space<vmem>> -> memref<125xi32, #tpu.memory_space<vmem>>
      %dma_wait3A_447 = arith.constant 0 : i32
      %dma_wait3A_448 = arith.constant 0 : i32
      %dma_wait3A_449 = tpu.memref_slice %arg18[%dma_wait3A_447, %dma_wait3A_448] : memref<10240x64xbf16, #tpu.memory_space<vmem_shared>> -> memref<10240x64xbf16, #tpu.memory_space<vmem_shared>>
      tpu.wait_indirect_dma semaphore(%arg31 : memref<!tpu.dma_semaphore, #tpu.memory_space<semaphore_mem>>) src(%arg13 : memref<125x64xbf16, #tpu.memory_space<vmem>>) dst(%dma_wait3A_449 : memref<10240x64xbf16, #tpu.memory_space<vmem_shared>>)
      %add3A_450 = arith.constant 8 : i32
      %add3A_451 = arith.addi %mul3A_241, %add3A_450 : i32
      %add3A_452 = arith.constant 4 : i32
      %add3A_453 = arith.addi %add3A_451, %add3A_452 : i32
      %dma_start3A_454 = arith.constant 0 : i32
      %dma_start3A_455 = tpu.memref_slice %arg7[%add3A_453, %dma_start3A_454] : memref<80x125xi32, #tpu.memory_space<vmem>> -> memref<1x125xi32, #tpu.memory_space<vmem>>
      %dma_start3A_456 = tpu.memref_squeeze %dma_start3A_455 : memref<1x125xi32, #tpu.memory_space<vmem>> -> memref<125xi32, #tpu.memory_space<vmem>>
      %dma_start3A_457 = arith.constant 0 : i32
      %dma_start3A_458 = arith.constant 0 : i32
      %dma_start3A_459 = tpu.memref_slice %arg17[%dma_start3A_457, %dma_start3A_458] : memref<10000x64xbf16, #tpu.memory_space<vmem_shared>> -> memref<10000x64xbf16, #tpu.memory_space<vmem_shared>>
      tpu.enqueue_indirect_dma source(%dma_start3A_459 : memref<10000x64xbf16, #tpu.memory_space<vmem_shared>>) target(%arg13 : memref<125x64xbf16, #tpu.memory_space<vmem>>) offsets(%dma_start3A_456 : memref<125xi32, #tpu.memory_space<vmem>>) semaphore(%arg23 : memref<!tpu.dma_semaphore, #tpu.memory_space<semaphore_mem>>)
      %add3A_460 = arith.constant 5 : i32
      %add3A_461 = arith.addi %mul3A_241, %add3A_460 : i32
      %dma_wait3A_462 = arith.constant 0 : i32
      %dma_wait3A_463 = tpu.memref_slice %arg8[%add3A_461, %dma_wait3A_462] : memref<80x125xi32, #tpu.memory_space<vmem>> -> memref<1x125xi32, #tpu.memory_space<vmem>>
      %dma_wait3A_464 = tpu.memref_squeeze %dma_wait3A_463 : memref<1x125xi32, #tpu.memory_space<vmem>> -> memref<125xi32, #tpu.memory_space<vmem>>
      %dma_wait3A_465 = arith.constant 0 : i32
      %dma_wait3A_466 = arith.constant 0 : i32
      %dma_wait3A_467 = tpu.memref_slice %arg18[%dma_wait3A_465, %dma_wait3A_466] : memref<10240x64xbf16, #tpu.memory_space<vmem_shared>> -> memref<10240x64xbf16, #tpu.memory_space<vmem_shared>>
      tpu.wait_indirect_dma semaphore(%arg32 : memref<!tpu.dma_semaphore, #tpu.memory_space<semaphore_mem>>) src(%arg14 : memref<125x64xbf16, #tpu.memory_space<vmem>>) dst(%dma_wait3A_467 : memref<10240x64xbf16, #tpu.memory_space<vmem_shared>>)
      %add3A_468 = arith.constant 8 : i32
      %add3A_469 = arith.addi %mul3A_241, %add3A_468 : i32
      %add3A_470 = arith.constant 5 : i32
      %add3A_471 = arith.addi %add3A_469, %add3A_470 : i32
      %dma_start3A_472 = arith.constant 0 : i32
      %dma_start3A_473 = tpu.memref_slice %arg7[%add3A_471, %dma_start3A_472] : memref<80x125xi32, #tpu.memory_space<vmem>> -> memref<1x125xi32, #tpu.memory_space<vmem>>
      %dma_start3A_474 = tpu.memref_squeeze %dma_start3A_473 : memref<1x125xi32, #tpu.memory_space<vmem>> -> memref<125xi32, #tpu.memory_space<vmem>>
      %dma_start3A_475 = arith.constant 0 : i32
      %dma_start3A_476 = arith.constant 0 : i32
      %dma_start3A_477 = tpu.memref_slice %arg17[%dma_start3A_475, %dma_start3A_476] : memref<10000x64xbf16, #tpu.memory_space<vmem_shared>> -> memref<10000x64xbf16, #tpu.memory_space<vmem_shared>>
      tpu.enqueue_indirect_dma source(%dma_start3A_477 : memref<10000x64xbf16, #tpu.memory_space<vmem_shared>>) target(%arg14 : memref<125x64xbf16, #tpu.memory_space<vmem>>) offsets(%dma_start3A_474 : memref<125xi32, #tpu.memory_space<vmem>>) semaphore(%arg24 : memref<!tpu.dma_semaphore, #tpu.memory_space<semaphore_mem>>)
      %add3A_478 = arith.constant 6 : i32
      %add3A_479 = arith.addi %mul3A_241, %add3A_478 : i32
      %dma_wait3A_480 = arith.constant 0 : i32
      %dma_wait3A_481 = tpu.memref_slice %arg8[%add3A_479, %dma_wait3A_480] : memref<80x125xi32, #tpu.memory_space<vmem>> -> memref<1x125xi32, #tpu.memory_space<vmem>>
      %dma_wait3A_482 = tpu.memref_squeeze %dma_wait3A_481 : memref<1x125xi32, #tpu.memory_space<vmem>> -> memref<125xi32, #tpu.memory_space<vmem>>
      %dma_wait3A_483 = arith.constant 0 : i32
      %dma_wait3A_484 = arith.constant 0 : i32
      %dma_wait3A_485 = tpu.memref_slice %arg18[%dma_wait3A_483, %dma_wait3A_484] : memref<10240x64xbf16, #tpu.memory_space<vmem_shared>> -> memref<10240x64xbf16, #tpu.memory_space<vmem_shared>>
      tpu.wait_indirect_dma semaphore(%arg33 : memref<!tpu.dma_semaphore, #tpu.memory_space<semaphore_mem>>) src(%arg15 : memref<125x64xbf16, #tpu.memory_space<vmem>>) dst(%dma_wait3A_485 : memref<10240x64xbf16, #tpu.memory_space<vmem_shared>>)
      %add3A_486 = arith.constant 8 : i32
      %add3A_487 = arith.addi %mul3A_241, %add3A_486 : i32
      %add3A_488 = arith.constant 6 : i32
      %add3A_489 = arith.addi %add3A_487, %add3A_488 : i32
      %dma_start3A_490 = arith.constant 0 : i32
      %dma_start3A_491 = tpu.memref_slice %arg7[%add3A_489, %dma_start3A_490] : memref<80x125xi32, #tpu.memory_space<vmem>> -> memref<1x125xi32, #tpu.memory_space<vmem>>
      %dma_start3A_492 = tpu.memref_squeeze %dma_start3A_491 : memref<1x125xi32, #tpu.memory_space<vmem>> -> memref<125xi32, #tpu.memory_space<vmem>>
      %dma_start3A_493 = arith.constant 0 : i32
      %dma_start3A_494 = arith.constant 0 : i32
      %dma_start3A_495 = tpu.memref_slice %arg17[%dma_start3A_493, %dma_start3A_494] : memref<10000x64xbf16, #tpu.memory_space<vmem_shared>> -> memref<10000x64xbf16, #tpu.memory_space<vmem_shared>>
      tpu.enqueue_indirect_dma source(%dma_start3A_495 : memref<10000x64xbf16, #tpu.memory_space<vmem_shared>>) target(%arg15 : memref<125x64xbf16, #tpu.memory_space<vmem>>) offsets(%dma_start3A_492 : memref<125xi32, #tpu.memory_space<vmem>>) semaphore(%arg25 : memref<!tpu.dma_semaphore, #tpu.memory_space<semaphore_mem>>)
      %add3A_496 = arith.constant 7 : i32
      %add3A_497 = arith.addi %mul3A_241, %add3A_496 : i32
      %dma_wait3A_498 = arith.constant 0 : i32
      %dma_wait3A_499 = tpu.memref_slice %arg8[%add3A_497, %dma_wait3A_498] : memref<80x125xi32, #tpu.memory_space<vmem>> -> memref<1x125xi32, #tpu.memory_space<vmem>>
      %dma_wait3A_500 = tpu.memref_squeeze %dma_wait3A_499 : memref<1x125xi32, #tpu.memory_space<vmem>> -> memref<125xi32, #tpu.memory_space<vmem>>
      %dma_wait3A_501 = arith.constant 0 : i32
      %dma_wait3A_502 = arith.constant 0 : i32
      %dma_wait3A_503 = tpu.memref_slice %arg18[%dma_wait3A_501, %dma_wait3A_502] : memref<10240x64xbf16, #tpu.memory_space<vmem_shared>> -> memref<10240x64xbf16, #tpu.memory_space<vmem_shared>>
      tpu.wait_indirect_dma semaphore(%arg34 : memref<!tpu.dma_semaphore, #tpu.memory_space<semaphore_mem>>) src(%arg16 : memref<125x64xbf16, #tpu.memory_space<vmem>>) dst(%dma_wait3A_503 : memref<10240x64xbf16, #tpu.memory_space<vmem_shared>>)
      %add3A_504 = arith.constant 8 : i32
      %add3A_505 = arith.addi %mul3A_241, %add3A_504 : i32
      %add3A_506 = arith.constant 7 : i32
      %add3A_507 = arith.addi %add3A_505, %add3A_506 : i32
      %dma_start3A_508 = arith.constant 0 : i32
      %dma_start3A_509 = tpu.memref_slice %arg7[%add3A_507, %dma_start3A_508] : memref<80x125xi32, #tpu.memory_space<vmem>> -> memref<1x125xi32, #tpu.memory_space<vmem>>
      %dma_start3A_510 = tpu.memref_squeeze %dma_start3A_509 : memref<1x125xi32, #tpu.memory_space<vmem>> -> memref<125xi32, #tpu.memory_space<vmem>>
      %dma_start3A_511 = arith.constant 0 : i32
      %dma_start3A_512 = arith.constant 0 : i32
      %dma_start3A_513 = tpu.memref_slice %arg17[%dma_start3A_511, %dma_start3A_512] : memref<10000x64xbf16, #tpu.memory_space<vmem_shared>> -> memref<10000x64xbf16, #tpu.memory_space<vmem_shared>>
      tpu.enqueue_indirect_dma source(%dma_start3A_513 : memref<10000x64xbf16, #tpu.memory_space<vmem_shared>>) target(%arg16 : memref<125x64xbf16, #tpu.memory_space<vmem>>) offsets(%dma_start3A_510 : memref<125xi32, #tpu.memory_space<vmem>>) semaphore(%arg26 : memref<!tpu.dma_semaphore, #tpu.memory_space<semaphore_mem>>)
    }
    %scan3A_66 = arith.constant 9 : i32
    %dma_wait3A = arith.constant 72 : i32
    %dma_wait3A_67 = arith.constant 0 : i32
    %dma_wait3A_68 = tpu.memref_slice %arg7[%dma_wait3A, %dma_wait3A_67] : memref<80x125xi32, #tpu.memory_space<vmem>> -> memref<1x125xi32, #tpu.memory_space<vmem>>
    %dma_wait3A_69 = tpu.memref_squeeze %dma_wait3A_68 : memref<1x125xi32, #tpu.memory_space<vmem>> -> memref<125xi32, #tpu.memory_space<vmem>>
    %dma_wait3A_70 = arith.constant 0 : i32
    %dma_wait3A_71 = arith.constant 0 : i32
    %dma_wait3A_72 = tpu.memref_slice %arg17[%dma_wait3A_70, %dma_wait3A_71] : memref<10000x64xbf16, #tpu.memory_space<vmem_shared>> -> memref<10000x64xbf16, #tpu.memory_space<vmem_shared>>
    tpu.wait_indirect_dma semaphore(%arg19 : memref<!tpu.dma_semaphore, #tpu.memory_space<semaphore_mem>>) src(%dma_wait3A_72 : memref<10000x64xbf16, #tpu.memory_space<vmem_shared>>) dst(%arg9 : memref<125x64xbf16, #tpu.memory_space<vmem>>)
    %dma_start3A_73 = arith.constant 72 : i32
    %dma_start3A_74 = arith.constant 0 : i32
    %dma_start3A_75 = tpu.memref_slice %arg8[%dma_start3A_73, %dma_start3A_74] : memref<80x125xi32, #tpu.memory_space<vmem>> -> memref<1x125xi32, #tpu.memory_space<vmem>>
    %dma_start3A_76 = tpu.memref_squeeze %dma_start3A_75 : memref<1x125xi32, #tpu.memory_space<vmem>> -> memref<125xi32, #tpu.memory_space<vmem>>
    %dma_start3A_77 = arith.constant 0 : i32
    %dma_start3A_78 = arith.constant 0 : i32
    %dma_start3A_79 = tpu.memref_slice %arg18[%dma_start3A_77, %dma_start3A_78] : memref<10240x64xbf16, #tpu.memory_space<vmem_shared>> -> memref<10240x64xbf16, #tpu.memory_space<vmem_shared>>
    tpu.enqueue_indirect_dma source(%arg9 : memref<125x64xbf16, #tpu.memory_space<vmem>>) target(%dma_start3A_79 : memref<10240x64xbf16, #tpu.memory_space<vmem_shared>>) offsets(%dma_start3A_76 : memref<125xi32, #tpu.memory_space<vmem>>) semaphore(%arg27 : memref<!tpu.dma_semaphore, #tpu.memory_space<semaphore_mem>>) {add = true}
    %dma_wait3A_80 = arith.constant 73 : i32
    %dma_wait3A_81 = arith.constant 0 : i32
    %dma_wait3A_82 = tpu.memref_slice %arg7[%dma_wait3A_80, %dma_wait3A_81] : memref<80x125xi32, #tpu.memory_space<vmem>> -> memref<1x125xi32, #tpu.memory_space<vmem>>
    %dma_wait3A_83 = tpu.memref_squeeze %dma_wait3A_82 : memref<1x125xi32, #tpu.memory_space<vmem>> -> memref<125xi32, #tpu.memory_space<vmem>>
    %dma_wait3A_84 = arith.constant 0 : i32
    %dma_wait3A_85 = arith.constant 0 : i32
    %dma_wait3A_86 = tpu.memref_slice %arg17[%dma_wait3A_84, %dma_wait3A_85] : memref<10000x64xbf16, #tpu.memory_space<vmem_shared>> -> memref<10000x64xbf16, #tpu.memory_space<vmem_shared>>
    tpu.wait_indirect_dma semaphore(%arg20 : memref<!tpu.dma_semaphore, #tpu.memory_space<semaphore_mem>>) src(%dma_wait3A_86 : memref<10000x64xbf16, #tpu.memory_space<vmem_shared>>) dst(%arg10 : memref<125x64xbf16, #tpu.memory_space<vmem>>)
    %dma_start3A_87 = arith.constant 73 : i32
    %dma_start3A_88 = arith.constant 0 : i32
    %dma_start3A_89 = tpu.memref_slice %arg8[%dma_start3A_87, %dma_start3A_88] : memref<80x125xi32, #tpu.memory_space<vmem>> -> memref<1x125xi32, #tpu.memory_space<vmem>>
    %dma_start3A_90 = tpu.memref_squeeze %dma_start3A_89 : memref<1x125xi32, #tpu.memory_space<vmem>> -> memref<125xi32, #tpu.memory_space<vmem>>
    %dma_start3A_91 = arith.constant 0 : i32
    %dma_start3A_92 = arith.constant 0 : i32
    %dma_start3A_93 = tpu.memref_slice %arg18[%dma_start3A_91, %dma_start3A_92] : memref<10240x64xbf16, #tpu.memory_space<vmem_shared>> -> memref<10240x64xbf16, #tpu.memory_space<vmem_shared>>
    tpu.enqueue_indirect_dma source(%arg10 : memref<125x64xbf16, #tpu.memory_space<vmem>>) target(%dma_start3A_93 : memref<10240x64xbf16, #tpu.memory_space<vmem_shared>>) offsets(%dma_start3A_90 : memref<125xi32, #tpu.memory_space<vmem>>) semaphore(%arg28 : memref<!tpu.dma_semaphore, #tpu.memory_space<semaphore_mem>>) {add = true}
    %dma_wait3A_94 = arith.constant 74 : i32
    %dma_wait3A_95 = arith.constant 0 : i32
    %dma_wait3A_96 = tpu.memref_slice %arg7[%dma_wait3A_94, %dma_wait3A_95] : memref<80x125xi32, #tpu.memory_space<vmem>> -> memref<1x125xi32, #tpu.memory_space<vmem>>
    %dma_wait3A_97 = tpu.memref_squeeze %dma_wait3A_96 : memref<1x125xi32, #tpu.memory_space<vmem>> -> memref<125xi32, #tpu.memory_space<vmem>>
    %dma_wait3A_98 = arith.constant 0 : i32
    %dma_wait3A_99 = arith.constant 0 : i32
    %dma_wait3A_100 = tpu.memref_slice %arg17[%dma_wait3A_98, %dma_wait3A_99] : memref<10000x64xbf16, #tpu.memory_space<vmem_shared>> -> memref<10000x64xbf16, #tpu.memory_space<vmem_shared>>
    tpu.wait_indirect_dma semaphore(%arg21 : memref<!tpu.dma_semaphore, #tpu.memory_space<semaphore_mem>>) src(%dma_wait3A_100 : memref<10000x64xbf16, #tpu.memory_space<vmem_shared>>) dst(%arg11 : memref<125x64xbf16, #tpu.memory_space<vmem>>)
    %dma_start3A_101 = arith.constant 74 : i32
    %dma_start3A_102 = arith.constant 0 : i32
    %dma_start3A_103 = tpu.memref_slice %arg8[%dma_start3A_101, %dma_start3A_102] : memref<80x125xi32, #tpu.memory_space<vmem>> -> memref<1x125xi32, #tpu.memory_space<vmem>>
    %dma_start3A_104 = tpu.memref_squeeze %dma_start3A_103 : memref<1x125xi32, #tpu.memory_space<vmem>> -> memref<125xi32, #tpu.memory_space<vmem>>
    %dma_start3A_105 = arith.constant 0 : i32
    %dma_start3A_106 = arith.constant 0 : i32
    %dma_start3A_107 = tpu.memref_slice %arg18[%dma_start3A_105, %dma_start3A_106] : memref<10240x64xbf16, #tpu.memory_space<vmem_shared>> -> memref<10240x64xbf16, #tpu.memory_space<vmem_shared>>
    tpu.enqueue_indirect_dma source(%arg11 : memref<125x64xbf16, #tpu.memory_space<vmem>>) target(%dma_start3A_107 : memref<10240x64xbf16, #tpu.memory_space<vmem_shared>>) offsets(%dma_start3A_104 : memref<125xi32, #tpu.memory_space<vmem>>) semaphore(%arg29 : memref<!tpu.dma_semaphore, #tpu.memory_space<semaphore_mem>>) {add = true}
    %dma_wait3A_108 = arith.constant 75 : i32
    %dma_wait3A_109 = arith.constant 0 : i32
    %dma_wait3A_110 = tpu.memref_slice %arg7[%dma_wait3A_108, %dma_wait3A_109] : memref<80x125xi32, #tpu.memory_space<vmem>> -> memref<1x125xi32, #tpu.memory_space<vmem>>
    %dma_wait3A_111 = tpu.memref_squeeze %dma_wait3A_110 : memref<1x125xi32, #tpu.memory_space<vmem>> -> memref<125xi32, #tpu.memory_space<vmem>>
    %dma_wait3A_112 = arith.constant 0 : i32
    %dma_wait3A_113 = arith.constant 0 : i32
    %dma_wait3A_114 = tpu.memref_slice %arg17[%dma_wait3A_112, %dma_wait3A_113] : memref<10000x64xbf16, #tpu.memory_space<vmem_shared>> -> memref<10000x64xbf16, #tpu.memory_space<vmem_shared>>
    tpu.wait_indirect_dma semaphore(%arg22 : memref<!tpu.dma_semaphore, #tpu.memory_space<semaphore_mem>>) src(%dma_wait3A_114 : memref<10000x64xbf16, #tpu.memory_space<vmem_shared>>) dst(%arg12 : memref<125x64xbf16, #tpu.memory_space<vmem>>)
    %dma_start3A_115 = arith.constant 75 : i32
    %dma_start3A_116 = arith.constant 0 : i32
    %dma_start3A_117 = tpu.memref_slice %arg8[%dma_start3A_115, %dma_start3A_116] : memref<80x125xi32, #tpu.memory_space<vmem>> -> memref<1x125xi32, #tpu.memory_space<vmem>>
    %dma_start3A_118 = tpu.memref_squeeze %dma_start3A_117 : memref<1x125xi32, #tpu.memory_space<vmem>> -> memref<125xi32, #tpu.memory_space<vmem>>
    %dma_start3A_119 = arith.constant 0 : i32
    %dma_start3A_120 = arith.constant 0 : i32
    %dma_start3A_121 = tpu.memref_slice %arg18[%dma_start3A_119, %dma_start3A_120] : memref<10240x64xbf16, #tpu.memory_space<vmem_shared>> -> memref<10240x64xbf16, #tpu.memory_space<vmem_shared>>
    tpu.enqueue_indirect_dma source(%arg12 : memref<125x64xbf16, #tpu.memory_space<vmem>>) target(%dma_start3A_121 : memref<10240x64xbf16, #tpu.memory_space<vmem_shared>>) offsets(%dma_start3A_118 : memref<125xi32, #tpu.memory_space<vmem>>) semaphore(%arg30 : memref<!tpu.dma_semaphore, #tpu.memory_space<semaphore_mem>>) {add = true}
    %dma_wait3A_122 = arith.constant 76 : i32
    %dma_wait3A_123 = arith.constant 0 : i32
    %dma_wait3A_124 = tpu.memref_slice %arg7[%dma_wait3A_122, %dma_wait3A_123] : memref<80x125xi32, #tpu.memory_space<vmem>> -> memref<1x125xi32, #tpu.memory_space<vmem>>
    %dma_wait3A_125 = tpu.memref_squeeze %dma_wait3A_124 : memref<1x125xi32, #tpu.memory_space<vmem>> -> memref<125xi32, #tpu.memory_space<vmem>>
    %dma_wait3A_126 = arith.constant 0 : i32
    %dma_wait3A_127 = arith.constant 0 : i32
    %dma_wait3A_128 = tpu.memref_slice %arg17[%dma_wait3A_126, %dma_wait3A_127] : memref<10000x64xbf16, #tpu.memory_space<vmem_shared>> -> memref<10000x64xbf16, #tpu.memory_space<vmem_shared>>
    tpu.wait_indirect_dma semaphore(%arg23 : memref<!tpu.dma_semaphore, #tpu.memory_space<semaphore_mem>>) src(%dma_wait3A_128 : memref<10000x64xbf16, #tpu.memory_space<vmem_shared>>) dst(%arg13 : memref<125x64xbf16, #tpu.memory_space<vmem>>)
    %dma_start3A_129 = arith.constant 76 : i32
    %dma_start3A_130 = arith.constant 0 : i32
    %dma_start3A_131 = tpu.memref_slice %arg8[%dma_start3A_129, %dma_start3A_130] : memref<80x125xi32, #tpu.memory_space<vmem>> -> memref<1x125xi32, #tpu.memory_space<vmem>>
    %dma_start3A_132 = tpu.memref_squeeze %dma_start3A_131 : memref<1x125xi32, #tpu.memory_space<vmem>> -> memref<125xi32, #tpu.memory_space<vmem>>
    %dma_start3A_133 = arith.constant 0 : i32
    %dma_start3A_134 = arith.constant 0 : i32
    %dma_start3A_135 = tpu.memref_slice %arg18[%dma_start3A_133, %dma_start3A_134] : memref<10240x64xbf16, #tpu.memory_space<vmem_shared>> -> memref<10240x64xbf16, #tpu.memory_space<vmem_shared>>
    tpu.enqueue_indirect_dma source(%arg13 : memref<125x64xbf16, #tpu.memory_space<vmem>>) target(%dma_start3A_135 : memref<10240x64xbf16, #tpu.memory_space<vmem_shared>>) offsets(%dma_start3A_132 : memref<125xi32, #tpu.memory_space<vmem>>) semaphore(%arg31 : memref<!tpu.dma_semaphore, #tpu.memory_space<semaphore_mem>>) {add = true}
    %dma_wait3A_136 = arith.constant 77 : i32
    %dma_wait3A_137 = arith.constant 0 : i32
    %dma_wait3A_138 = tpu.memref_slice %arg7[%dma_wait3A_136, %dma_wait3A_137] : memref<80x125xi32, #tpu.memory_space<vmem>> -> memref<1x125xi32, #tpu.memory_space<vmem>>
    %dma_wait3A_139 = tpu.memref_squeeze %dma_wait3A_138 : memref<1x125xi32, #tpu.memory_space<vmem>> -> memref<125xi32, #tpu.memory_space<vmem>>
    %dma_wait3A_140 = arith.constant 0 : i32
    %dma_wait3A_141 = arith.constant 0 : i32
    %dma_wait3A_142 = tpu.memref_slice %arg17[%dma_wait3A_140, %dma_wait3A_141] : memref<10000x64xbf16, #tpu.memory_space<vmem_shared>> -> memref<10000x64xbf16, #tpu.memory_space<vmem_shared>>
    tpu.wait_indirect_dma semaphore(%arg24 : memref<!tpu.dma_semaphore, #tpu.memory_space<semaphore_mem>>) src(%dma_wait3A_142 : memref<10000x64xbf16, #tpu.memory_space<vmem_shared>>) dst(%arg14 : memref<125x64xbf16, #tpu.memory_space<vmem>>)
    %dma_start3A_143 = arith.constant 77 : i32
    %dma_start3A_144 = arith.constant 0 : i32
    %dma_start3A_145 = tpu.memref_slice %arg8[%dma_start3A_143, %dma_start3A_144] : memref<80x125xi32, #tpu.memory_space<vmem>> -> memref<1x125xi32, #tpu.memory_space<vmem>>
    %dma_start3A_146 = tpu.memref_squeeze %dma_start3A_145 : memref<1x125xi32, #tpu.memory_space<vmem>> -> memref<125xi32, #tpu.memory_space<vmem>>
    %dma_start3A_147 = arith.constant 0 : i32
    %dma_start3A_148 = arith.constant 0 : i32
    %dma_start3A_149 = tpu.memref_slice %arg18[%dma_start3A_147, %dma_start3A_148] : memref<10240x64xbf16, #tpu.memory_space<vmem_shared>> -> memref<10240x64xbf16, #tpu.memory_space<vmem_shared>>
    tpu.enqueue_indirect_dma source(%arg14 : memref<125x64xbf16, #tpu.memory_space<vmem>>) target(%dma_start3A_149 : memref<10240x64xbf16, #tpu.memory_space<vmem_shared>>) offsets(%dma_start3A_146 : memref<125xi32, #tpu.memory_space<vmem>>) semaphore(%arg32 : memref<!tpu.dma_semaphore, #tpu.memory_space<semaphore_mem>>) {add = true}
    %dma_wait3A_150 = arith.constant 78 : i32
    %dma_wait3A_151 = arith.constant 0 : i32
    %dma_wait3A_152 = tpu.memref_slice %arg7[%dma_wait3A_150, %dma_wait3A_151] : memref<80x125xi32, #tpu.memory_space<vmem>> -> memref<1x125xi32, #tpu.memory_space<vmem>>
    %dma_wait3A_153 = tpu.memref_squeeze %dma_wait3A_152 : memref<1x125xi32, #tpu.memory_space<vmem>> -> memref<125xi32, #tpu.memory_space<vmem>>
    %dma_wait3A_154 = arith.constant 0 : i32
    %dma_wait3A_155 = arith.constant 0 : i32
    %dma_wait3A_156 = tpu.memref_slice %arg17[%dma_wait3A_154, %dma_wait3A_155] : memref<10000x64xbf16, #tpu.memory_space<vmem_shared>> -> memref<10000x64xbf16, #tpu.memory_space<vmem_shared>>
    tpu.wait_indirect_dma semaphore(%arg25 : memref<!tpu.dma_semaphore, #tpu.memory_space<semaphore_mem>>) src(%dma_wait3A_156 : memref<10000x64xbf16, #tpu.memory_space<vmem_shared>>) dst(%arg15 : memref<125x64xbf16, #tpu.memory_space<vmem>>)
    %dma_start3A_157 = arith.constant 78 : i32
    %dma_start3A_158 = arith.constant 0 : i32
    %dma_start3A_159 = tpu.memref_slice %arg8[%dma_start3A_157, %dma_start3A_158] : memref<80x125xi32, #tpu.memory_space<vmem>> -> memref<1x125xi32, #tpu.memory_space<vmem>>
    %dma_start3A_160 = tpu.memref_squeeze %dma_start3A_159 : memref<1x125xi32, #tpu.memory_space<vmem>> -> memref<125xi32, #tpu.memory_space<vmem>>
    %dma_start3A_161 = arith.constant 0 : i32
    %dma_start3A_162 = arith.constant 0 : i32
    %dma_start3A_163 = tpu.memref_slice %arg18[%dma_start3A_161, %dma_start3A_162] : memref<10240x64xbf16, #tpu.memory_space<vmem_shared>> -> memref<10240x64xbf16, #tpu.memory_space<vmem_shared>>
    tpu.enqueue_indirect_dma source(%arg15 : memref<125x64xbf16, #tpu.memory_space<vmem>>) target(%dma_start3A_163 : memref<10240x64xbf16, #tpu.memory_space<vmem_shared>>) offsets(%dma_start3A_160 : memref<125xi32, #tpu.memory_space<vmem>>) semaphore(%arg33 : memref<!tpu.dma_semaphore, #tpu.memory_space<semaphore_mem>>) {add = true}
    %dma_wait3A_164 = arith.constant 79 : i32
    %dma_wait3A_165 = arith.constant 0 : i32
    %dma_wait3A_166 = tpu.memref_slice %arg7[%dma_wait3A_164, %dma_wait3A_165] : memref<80x125xi32, #tpu.memory_space<vmem>> -> memref<1x125xi32, #tpu.memory_space<vmem>>
    %dma_wait3A_167 = tpu.memref_squeeze %dma_wait3A_166 : memref<1x125xi32, #tpu.memory_space<vmem>> -> memref<125xi32, #tpu.memory_space<vmem>>
    %dma_wait3A_168 = arith.constant 0 : i32
    %dma_wait3A_169 = arith.constant 0 : i32
    %dma_wait3A_170 = tpu.memref_slice %arg17[%dma_wait3A_168, %dma_wait3A_169] : memref<10000x64xbf16, #tpu.memory_space<vmem_shared>> -> memref<10000x64xbf16, #tpu.memory_space<vmem_shared>>
    tpu.wait_indirect_dma semaphore(%arg26 : memref<!tpu.dma_semaphore, #tpu.memory_space<semaphore_mem>>) src(%dma_wait3A_170 : memref<10000x64xbf16, #tpu.memory_space<vmem_shared>>) dst(%arg16 : memref<125x64xbf16, #tpu.memory_space<vmem>>)
    %dma_start3A_171 = arith.constant 79 : i32
    %dma_start3A_172 = arith.constant 0 : i32
    %dma_start3A_173 = tpu.memref_slice %arg8[%dma_start3A_171, %dma_start3A_172] : memref<80x125xi32, #tpu.memory_space<vmem>> -> memref<1x125xi32, #tpu.memory_space<vmem>>
    %dma_start3A_174 = tpu.memref_squeeze %dma_start3A_173 : memref<1x125xi32, #tpu.memory_space<vmem>> -> memref<125xi32, #tpu.memory_space<vmem>>
    %dma_start3A_175 = arith.constant 0 : i32
    %dma_start3A_176 = arith.constant 0 : i32
    %dma_start3A_177 = tpu.memref_slice %arg18[%dma_start3A_175, %dma_start3A_176] : memref<10240x64xbf16, #tpu.memory_space<vmem_shared>> -> memref<10240x64xbf16, #tpu.memory_space<vmem_shared>>
    tpu.enqueue_indirect_dma source(%arg16 : memref<125x64xbf16, #tpu.memory_space<vmem>>) target(%dma_start3A_177 : memref<10240x64xbf16, #tpu.memory_space<vmem_shared>>) offsets(%dma_start3A_174 : memref<125xi32, #tpu.memory_space<vmem>>) semaphore(%arg34 : memref<!tpu.dma_semaphore, #tpu.memory_space<semaphore_mem>>) {add = true}
    %dma_wait3A_178 = arith.constant 72 : i32
    %dma_wait3A_179 = arith.constant 0 : i32
    %dma_wait3A_180 = tpu.memref_slice %arg8[%dma_wait3A_178, %dma_wait3A_179] : memref<80x125xi32, #tpu.memory_space<vmem>> -> memref<1x125xi32, #tpu.memory_space<vmem>>
    %dma_wait3A_181 = tpu.memref_squeeze %dma_wait3A_180 : memref<1x125xi32, #tpu.memory_space<vmem>> -> memref<125xi32, #tpu.memory_space<vmem>>
    %dma_wait3A_182 = arith.constant 0 : i32
    %dma_wait3A_183 = arith.constant 0 : i32
    %dma_wait3A_184 = tpu.memref_slice %arg18[%dma_wait3A_182, %dma_wait3A_183] : memref<10240x64xbf16, #tpu.memory_space<vmem_shared>> -> memref<10240x64xbf16, #tpu.memory_space<vmem_shared>>
    tpu.wait_indirect_dma semaphore(%arg27 : memref<!tpu.dma_semaphore, #tpu.memory_space<semaphore_mem>>) src(%arg9 : memref<125x64xbf16, #tpu.memory_space<vmem>>) dst(%dma_wait3A_184 : memref<10240x64xbf16, #tpu.memory_space<vmem_shared>>)
    %dma_wait3A_185 = arith.constant 73 : i32
    %dma_wait3A_186 = arith.constant 0 : i32
    %dma_wait3A_187 = tpu.memref_slice %arg8[%dma_wait3A_185, %dma_wait3A_186] : memref<80x125xi32, #tpu.memory_space<vmem>> -> memref<1x125xi32, #tpu.memory_space<vmem>>
    %dma_wait3A_188 = tpu.memref_squeeze %dma_wait3A_187 : memref<1x125xi32, #tpu.memory_space<vmem>> -> memref<125xi32, #tpu.memory_space<vmem>>
    %dma_wait3A_189 = arith.constant 0 : i32
    %dma_wait3A_190 = arith.constant 0 : i32
    %dma_wait3A_191 = tpu.memref_slice %arg18[%dma_wait3A_189, %dma_wait3A_190] : memref<10240x64xbf16, #tpu.memory_space<vmem_shared>> -> memref<10240x64xbf16, #tpu.memory_space<vmem_shared>>
    tpu.wait_indirect_dma semaphore(%arg28 : memref<!tpu.dma_semaphore, #tpu.memory_space<semaphore_mem>>) src(%arg10 : memref<125x64xbf16, #tpu.memory_space<vmem>>) dst(%dma_wait3A_191 : memref<10240x64xbf16, #tpu.memory_space<vmem_shared>>)
    %dma_wait3A_192 = arith.constant 74 : i32
    %dma_wait3A_193 = arith.constant 0 : i32
    %dma_wait3A_194 = tpu.memref_slice %arg8[%dma_wait3A_192, %dma_wait3A_193] : memref<80x125xi32, #tpu.memory_space<vmem>> -> memref<1x125xi32, #tpu.memory_space<vmem>>
    %dma_wait3A_195 = tpu.memref_squeeze %dma_wait3A_194 : memref<1x125xi32, #tpu.memory_space<vmem>> -> memref<125xi32, #tpu.memory_space<vmem>>
    %dma_wait3A_196 = arith.constant 0 : i32
    %dma_wait3A_197 = arith.constant 0 : i32
    %dma_wait3A_198 = tpu.memref_slice %arg18[%dma_wait3A_196, %dma_wait3A_197] : memref<10240x64xbf16, #tpu.memory_space<vmem_shared>> -> memref<10240x64xbf16, #tpu.memory_space<vmem_shared>>
    tpu.wait_indirect_dma semaphore(%arg29 : memref<!tpu.dma_semaphore, #tpu.memory_space<semaphore_mem>>) src(%arg11 : memref<125x64xbf16, #tpu.memory_space<vmem>>) dst(%dma_wait3A_198 : memref<10240x64xbf16, #tpu.memory_space<vmem_shared>>)
    %dma_wait3A_199 = arith.constant 75 : i32
    %dma_wait3A_200 = arith.constant 0 : i32
    %dma_wait3A_201 = tpu.memref_slice %arg8[%dma_wait3A_199, %dma_wait3A_200] : memref<80x125xi32, #tpu.memory_space<vmem>> -> memref<1x125xi32, #tpu.memory_space<vmem>>
    %dma_wait3A_202 = tpu.memref_squeeze %dma_wait3A_201 : memref<1x125xi32, #tpu.memory_space<vmem>> -> memref<125xi32, #tpu.memory_space<vmem>>
    %dma_wait3A_203 = arith.constant 0 : i32
    %dma_wait3A_204 = arith.constant 0 : i32
    %dma_wait3A_205 = tpu.memref_slice %arg18[%dma_wait3A_203, %dma_wait3A_204] : memref<10240x64xbf16, #tpu.memory_space<vmem_shared>> -> memref<10240x64xbf16, #tpu.memory_space<vmem_shared>>
    tpu.wait_indirect_dma semaphore(%arg30 : memref<!tpu.dma_semaphore, #tpu.memory_space<semaphore_mem>>) src(%arg12 : memref<125x64xbf16, #tpu.memory_space<vmem>>) dst(%dma_wait3A_205 : memref<10240x64xbf16, #tpu.memory_space<vmem_shared>>)
    %dma_wait3A_206 = arith.constant 76 : i32
    %dma_wait3A_207 = arith.constant 0 : i32
    %dma_wait3A_208 = tpu.memref_slice %arg8[%dma_wait3A_206, %dma_wait3A_207] : memref<80x125xi32, #tpu.memory_space<vmem>> -> memref<1x125xi32, #tpu.memory_space<vmem>>
    %dma_wait3A_209 = tpu.memref_squeeze %dma_wait3A_208 : memref<1x125xi32, #tpu.memory_space<vmem>> -> memref<125xi32, #tpu.memory_space<vmem>>
    %dma_wait3A_210 = arith.constant 0 : i32
    %dma_wait3A_211 = arith.constant 0 : i32
    %dma_wait3A_212 = tpu.memref_slice %arg18[%dma_wait3A_210, %dma_wait3A_211] : memref<10240x64xbf16, #tpu.memory_space<vmem_shared>> -> memref<10240x64xbf16, #tpu.memory_space<vmem_shared>>
    tpu.wait_indirect_dma semaphore(%arg31 : memref<!tpu.dma_semaphore, #tpu.memory_space<semaphore_mem>>) src(%arg13 : memref<125x64xbf16, #tpu.memory_space<vmem>>) dst(%dma_wait3A_212 : memref<10240x64xbf16, #tpu.memory_space<vmem_shared>>)
    %dma_wait3A_213 = arith.constant 77 : i32
    %dma_wait3A_214 = arith.constant 0 : i32
    %dma_wait3A_215 = tpu.memref_slice %arg8[%dma_wait3A_213, %dma_wait3A_214] : memref<80x125xi32, #tpu.memory_space<vmem>> -> memref<1x125xi32, #tpu.memory_space<vmem>>
    %dma_wait3A_216 = tpu.memref_squeeze %dma_wait3A_215 : memref<1x125xi32, #tpu.memory_space<vmem>> -> memref<125xi32, #tpu.memory_space<vmem>>
    %dma_wait3A_217 = arith.constant 0 : i32
    %dma_wait3A_218 = arith.constant 0 : i32
    %dma_wait3A_219 = tpu.memref_slice %arg18[%dma_wait3A_217, %dma_wait3A_218] : memref<10240x64xbf16, #tpu.memory_space<vmem_shared>> -> memref<10240x64xbf16, #tpu.memory_space<vmem_shared>>
    tpu.wait_indirect_dma semaphore(%arg32 : memref<!tpu.dma_semaphore, #tpu.memory_space<semaphore_mem>>) src(%arg14 : memref<125x64xbf16, #tpu.memory_space<vmem>>) dst(%dma_wait3A_219 : memref<10240x64xbf16, #tpu.memory_space<vmem_shared>>)
    %dma_wait3A_220 = arith.constant 78 : i32
    %dma_wait3A_221 = arith.constant 0 : i32
    %dma_wait3A_222 = tpu.memref_slice %arg8[%dma_wait3A_220, %dma_wait3A_221] : memref<80x125xi32, #tpu.memory_space<vmem>> -> memref<1x125xi32, #tpu.memory_space<vmem>>
    %dma_wait3A_223 = tpu.memref_squeeze %dma_wait3A_222 : memref<1x125xi32, #tpu.memory_space<vmem>> -> memref<125xi32, #tpu.memory_space<vmem>>
    %dma_wait3A_224 = arith.constant 0 : i32
    %dma_wait3A_225 = arith.constant 0 : i32
    %dma_wait3A_226 = tpu.memref_slice %arg18[%dma_wait3A_224, %dma_wait3A_225] : memref<10240x64xbf16, #tpu.memory_space<vmem_shared>> -> memref<10240x64xbf16, #tpu.memory_space<vmem_shared>>
    tpu.wait_indirect_dma semaphore(%arg33 : memref<!tpu.dma_semaphore, #tpu.memory_space<semaphore_mem>>) src(%arg15 : memref<125x64xbf16, #tpu.memory_space<vmem>>) dst(%dma_wait3A_226 : memref<10240x64xbf16, #tpu.memory_space<vmem_shared>>)
    %dma_wait3A_227 = arith.constant 79 : i32
    %dma_wait3A_228 = arith.constant 0 : i32
    %dma_wait3A_229 = tpu.memref_slice %arg8[%dma_wait3A_227, %dma_wait3A_228] : memref<80x125xi32, #tpu.memory_space<vmem>> -> memref<1x125xi32, #tpu.memory_space<vmem>>
    %dma_wait3A_230 = tpu.memref_squeeze %dma_wait3A_229 : memref<1x125xi32, #tpu.memory_space<vmem>> -> memref<125xi32, #tpu.memory_space<vmem>>
    %dma_wait3A_231 = arith.constant 0 : i32
    %dma_wait3A_232 = arith.constant 0 : i32
    %dma_wait3A_233 = tpu.memref_slice %arg18[%dma_wait3A_231, %dma_wait3A_232] : memref<10240x64xbf16, #tpu.memory_space<vmem_shared>> -> memref<10240x64xbf16, #tpu.memory_space<vmem_shared>>
    tpu.wait_indirect_dma semaphore(%arg34 : memref<!tpu.dma_semaphore, #tpu.memory_space<semaphore_mem>>) src(%arg16 : memref<125x64xbf16, #tpu.memory_space<vmem>>) dst(%dma_wait3A_233 : memref<10240x64xbf16, #tpu.memory_space<vmem_shared>>)
    %barrier3A_234 = arith.constant 0 : index
    tpu.barrier barrier_id(%barrier3A_234)
    %mul3A_235 = arith.constant 640 : i32
    %mul3A_236 = arith.muli %arg1, %mul3A_235 : i32
    %mul3A_237 = arith.constant 640 : i32
    %mul3A_238 = arith.muli %arg1, %mul3A_237 : i32
    "tpu.region"() ({
      %run_scoped3A = tpu.sem_alloc : memref<!tpu.dma_semaphore, #tpu.memory_space<semaphore_mem>>
      %dma_start3A_239 = arith.constant 0 : i32
      %dma_start3A_240 = tpu.memref_slice %arg6[%arg0, %mul3A_238, %dma_start3A_239] : memref<2x10240x64xbf16, #tpu.memory_space<hbm>> -> memref<1x640x64xbf16, #tpu.memory_space<hbm>>
      %dma_start3A_241 = tpu.memref_squeeze %dma_start3A_240 : memref<1x640x64xbf16, #tpu.memory_space<hbm>> -> memref<640x64xbf16, #tpu.memory_space<hbm>>
      %dma_start3A_242 = arith.constant 0 : i32
      %dma_start3A_243 = tpu.memref_slice %arg18[%mul3A_236, %dma_start3A_242] : memref<10240x64xbf16, #tpu.memory_space<vmem_shared>> -> memref<640x64xbf16, #tpu.memory_space<vmem_shared>>
      tpu.enqueue_dma source(%dma_start3A_243 : memref<640x64xbf16, #tpu.memory_space<vmem_shared>>) target(%dma_start3A_241 : memref<640x64xbf16, #tpu.memory_space<hbm>>) target_semaphore(%run_scoped3A : memref<!tpu.dma_semaphore, #tpu.memory_space<semaphore_mem>>)
      %dma_wait3A_244 = arith.constant 0 : i32
      %dma_wait3A_245 = tpu.memref_slice %arg6[%arg0, %mul3A_238, %dma_wait3A_244] : memref<2x10240x64xbf16, #tpu.memory_space<hbm>> -> memref<1x640x64xbf16, #tpu.memory_space<hbm>>
      %dma_wait3A_246 = tpu.memref_squeeze %dma_wait3A_245 : memref<1x640x64xbf16, #tpu.memory_space<hbm>> -> memref<640x64xbf16, #tpu.memory_space<hbm>>
      %dma_wait3A_247 = arith.constant 0 : i32
      %dma_wait3A_248 = tpu.memref_slice %arg18[%mul3A_236, %dma_wait3A_247] : memref<10240x64xbf16, #tpu.memory_space<vmem_shared>> -> memref<640x64xbf16, #tpu.memory_space<vmem_shared>>
      tpu.wait_dma2 semaphore(%run_scoped3A : memref<!tpu.dma_semaphore, #tpu.memory_space<semaphore_mem>>) src(%dma_wait3A_248 : memref<640x64xbf16, #tpu.memory_space<vmem_shared>>) dst(%dma_wait3A_246 : memref<640x64xbf16, #tpu.memory_space<hbm>>)
      tpu.yield
    }) : () -> ()
    return
  }
}

#map = affine_map<(d0, d1) -> (0, 0, 0)>
#map1 = affine_map<(d0, d1) -> (0, 0)>
#map2 = affine_map<(d0, d1) -> (0)>
module attributes {stable_mosaic.version = 14 : i64} {
  func.func @_deg_agg_kernel(%arg0: i32, %arg1: i32, %arg2: memref<32x80x125xi32, #tpu.memory_space<hbm>>, %arg3: memref<32x80x125xi32, #tpu.memory_space<hbm>>, %arg4: memref<10000x64xbf16, #tpu.memory_space<hbm>>, %arg5: memref<640xf32, #tpu.memory_space<hbm>>, %arg6: memref<640x64xbf16, #tpu.memory_space<hbm>>, %arg7: memref<2x10240x64xbf16, #tpu.memory_space<hbm>>, %arg8: memref<2x16x640xf32, #tpu.memory_space<hbm>>, %arg9: memref<80x125xi32, #tpu.memory_space<vmem>>, %arg10: memref<80x125xi32, #tpu.memory_space<vmem>>, %arg11: memref<128xf32, #tpu.memory_space<vmem>>, %arg12: memref<125x64xbf16, #tpu.memory_space<vmem>>, %arg13: memref<125x64xbf16, #tpu.memory_space<vmem>>, %arg14: memref<125x64xbf16, #tpu.memory_space<vmem>>, %arg15: memref<125x64xbf16, #tpu.memory_space<vmem>>, %arg16: memref<125x64xbf16, #tpu.memory_space<vmem>>, %arg17: memref<125x64xbf16, #tpu.memory_space<vmem>>, %arg18: memref<125x64xbf16, #tpu.memory_space<vmem>>, %arg19: memref<125x64xbf16, #tpu.memory_space<vmem>>, %arg20: memref<640x64xbf16, #tpu.memory_space<vmem>>, %arg21: memref<640xf32, #tpu.memory_space<vmem>>, %arg22: memref<640xf32, #tpu.memory_space<vmem>>, %arg23: memref<10240xf32, #tpu.memory_space<vmem_shared>>, %arg24: memref<10240x64xbf16, #tpu.memory_space<vmem_shared>>, %arg25: memref<10240x64xbf16, #tpu.memory_space<vmem_shared>>, %arg26: memref<!tpu.dma_semaphore, #tpu.memory_space<semaphore_mem>>, %arg27: memref<!tpu.dma_semaphore, #tpu.memory_space<semaphore_mem>>, %arg28: memref<!tpu.dma_semaphore, #tpu.memory_space<semaphore_mem>>, %arg29: memref<!tpu.dma_semaphore, #tpu.memory_space<semaphore_mem>>, %arg30: memref<!tpu.dma_semaphore, #tpu.memory_space<semaphore_mem>>, %arg31: memref<!tpu.dma_semaphore, #tpu.memory_space<semaphore_mem>>, %arg32: memref<!tpu.dma_semaphore, #tpu.memory_space<semaphore_mem>>, %arg33: memref<!tpu.dma_semaphore, #tpu.memory_space<semaphore_mem>>, %arg34: memref<!tpu.dma_semaphore, #tpu.memory_space<semaphore_mem>>, %arg35: memref<!tpu.dma_semaphore, #tpu.memory_space<semaphore_mem>>, %arg36: memref<!tpu.dma_semaphore, #tpu.memory_space<semaphore_mem>>, %arg37: memref<!tpu.dma_semaphore, #tpu.memory_space<semaphore_mem>>, %arg38: memref<!tpu.dma_semaphore, #tpu.memory_space<semaphore_mem>>, %arg39: memref<!tpu.dma_semaphore, #tpu.memory_space<semaphore_mem>>, %arg40: memref<!tpu.dma_semaphore, #tpu.memory_space<semaphore_mem>>, %arg41: memref<!tpu.dma_semaphore, #tpu.memory_space<semaphore_mem>>, %arg42: memref<!tpu.dma_semaphore, #tpu.memory_space<semaphore_mem>>) attributes {dimension_semantics = [#tpu.dimension_semantics<core_parallel>, #tpu.dimension_semantics<subcore_parallel>], iteration_bounds = array<i64: 2, 16>, scalar_prefetch = 0 : i64, scratch_operands = 34 : i64, tpu.core_type = #tpu.core_type<sc_vector_subcore>, window_params = [{transform_indices = #map}, {transform_indices = #map}, {transform_indices = #map1}, {transform_indices = #map2}, {transform_indices = #map1}, {transform_indices = #map}, {transform_indices = #map}]} {
    %mul3A = arith.constant 2 : i32
    %mul3A_0 = arith.muli %arg1, %mul3A : i32
    %add3A = arith.addi %mul3A_0, %arg0 : i32
    %broadcast_in_dim3A = arith.constant 1.000000e+00 : f32
    %broadcast_in_dim3A_1 = vector.broadcast %broadcast_in_dim3A : f32 to vector<16xf32>
    %swap3A = arith.constant 0 : index
    %swap3A_2 = tpu.vector_load %arg11[%swap3A] {strides = array<i32>} : memref<128xf32, #tpu.memory_space<vmem>>, vector<16xf32>,
    tpu.vector_store %arg11[%swap3A], %broadcast_in_dim3A_1 {strides = array<i32>} : memref<128xf32, #tpu.memory_space<vmem>>, vector<16xf32>,
    %broadcast_in_dim3A_3 = arith.constant 1.000000e+00 : f32
    %broadcast_in_dim3A_4 = vector.broadcast %broadcast_in_dim3A_3 : f32 to vector<16xf32>
    %swap3A_5 = arith.constant 16 : index
    %swap3A_6 = tpu.vector_load %arg11[%swap3A_5] {strides = array<i32>} : memref<128xf32, #tpu.memory_space<vmem>>, vector<16xf32>,
    tpu.vector_store %arg11[%swap3A_5], %broadcast_in_dim3A_4 {strides = array<i32>} : memref<128xf32, #tpu.memory_space<vmem>>, vector<16xf32>,
    %broadcast_in_dim3A_7 = arith.constant 1.000000e+00 : f32
    %broadcast_in_dim3A_8 = vector.broadcast %broadcast_in_dim3A_7 : f32 to vector<16xf32>
    %swap3A_9 = arith.constant 32 : index
    %swap3A_10 = tpu.vector_load %arg11[%swap3A_9] {strides = array<i32>} : memref<128xf32, #tpu.memory_space<vmem>>, vector<16xf32>,
    tpu.vector_store %arg11[%swap3A_9], %broadcast_in_dim3A_8 {strides = array<i32>} : memref<128xf32, #tpu.memory_space<vmem>>, vector<16xf32>,
    %broadcast_in_dim3A_11 = arith.constant 1.000000e+00 : f32
    %broadcast_in_dim3A_12 = vector.broadcast %broadcast_in_dim3A_11 : f32 to vector<16xf32>
    %swap3A_13 = arith.constant 48 : index
    %swap3A_14 = tpu.vector_load %arg11[%swap3A_13] {strides = array<i32>} : memref<128xf32, #tpu.memory_space<vmem>>, vector<16xf32>,
    tpu.vector_store %arg11[%swap3A_13], %broadcast_in_dim3A_12 {strides = array<i32>} : memref<128xf32, #tpu.memory_space<vmem>>, vector<16xf32>,
    %broadcast_in_dim3A_15 = arith.constant 1.000000e+00 : f32
    %broadcast_in_dim3A_16 = vector.broadcast %broadcast_in_dim3A_15 : f32 to vector<16xf32>
    %swap3A_17 = arith.constant 64 : index
    %swap3A_18 = tpu.vector_load %arg11[%swap3A_17] {strides = array<i32>} : memref<128xf32, #tpu.memory_space<vmem>>, vector<16xf32>,
    tpu.vector_store %arg11[%swap3A_17], %broadcast_in_dim3A_16 {strides = array<i32>} : memref<128xf32, #tpu.memory_space<vmem>>, vector<16xf32>,
    %broadcast_in_dim3A_19 = arith.constant 1.000000e+00 : f32
    %broadcast_in_dim3A_20 = vector.broadcast %broadcast_in_dim3A_19 : f32 to vector<16xf32>
    %swap3A_21 = arith.constant 80 : index
    %swap3A_22 = tpu.vector_load %arg11[%swap3A_21] {strides = array<i32>} : memref<128xf32, #tpu.memory_space<vmem>>, vector<16xf32>,
    tpu.vector_store %arg11[%swap3A_21], %broadcast_in_dim3A_20 {strides = array<i32>} : memref<128xf32, #tpu.memory_space<vmem>>, vector<16xf32>,
    %broadcast_in_dim3A_23 = arith.constant 1.000000e+00 : f32
    %broadcast_in_dim3A_24 = vector.broadcast %broadcast_in_dim3A_23 : f32 to vector<16xf32>
    %swap3A_25 = arith.constant 96 : index
    %swap3A_26 = tpu.vector_load %arg11[%swap3A_25] {strides = array<i32>} : memref<128xf32, #tpu.memory_space<vmem>>, vector<16xf32>,
    tpu.vector_store %arg11[%swap3A_25], %broadcast_in_dim3A_24 {strides = array<i32>} : memref<128xf32, #tpu.memory_space<vmem>>, vector<16xf32>,
    %broadcast_in_dim3A_27 = arith.constant 1.000000e+00 : f32
    %broadcast_in_dim3A_28 = vector.broadcast %broadcast_in_dim3A_27 : f32 to vector<16xf32>
    %swap3A_29 = arith.constant 112 : index
    %swap3A_30 = tpu.vector_load %arg11[%swap3A_29] {strides = array<i32>} : memref<128xf32, #tpu.memory_space<vmem>>, vector<16xf32>,
    tpu.vector_store %arg11[%swap3A_29], %broadcast_in_dim3A_28 {strides = array<i32>} : memref<128xf32, #tpu.memory_space<vmem>>, vector<16xf32>,
    %mul3A_31 = arith.constant 640 : i32
    %mul3A_32 = arith.muli %arg1, %mul3A_31 : i32
    "tpu.region"() ({
      %run_scoped3A = tpu.sem_alloc : memref<!tpu.dma_semaphore, #tpu.memory_space<semaphore_mem>>
      %dma_start3A_1751 = tpu.memref_slice %arg23[%mul3A_32] : memref<10240xf32, #tpu.memory_space<vmem_shared>> -> memref<640xf32, #tpu.memory_space<vmem_shared>>
      tpu.enqueue_dma source(%arg5 : memref<640xf32, #tpu.memory_space<hbm>>) target(%dma_start3A_1751 : memref<640xf32, #tpu.memory_space<vmem_shared>>) target_semaphore(%run_scoped3A : memref<!tpu.dma_semaphore, #tpu.memory_space<semaphore_mem>>)
      %dma_wait3A_1752 = tpu.memref_slice %arg23[%mul3A_32] : memref<10240xf32, #tpu.memory_space<vmem_shared>> -> memref<640xf32, #tpu.memory_space<vmem_shared>>
      tpu.wait_dma2 semaphore(%run_scoped3A : memref<!tpu.dma_semaphore, #tpu.memory_space<semaphore_mem>>) src(%arg5 : memref<640xf32, #tpu.memory_space<hbm>>) dst(%dma_wait3A_1752 : memref<640xf32, #tpu.memory_space<vmem_shared>>)
      tpu.yield
    }) : () -> ()
    %mul3A_33 = arith.constant 640 : i32
    %mul3A_34 = arith.muli %arg1, %mul3A_33 : i32
    "tpu.region"() ({
      %run_scoped3A = tpu.sem_alloc : memref<!tpu.dma_semaphore, #tpu.memory_space<semaphore_mem>>
      %dma_start3A_1751 = arith.constant 0 : i32
      %dma_start3A_1752 = tpu.memref_slice %arg25[%mul3A_34, %dma_start3A_1751] : memref<10240x64xbf16, #tpu.memory_space<vmem_shared>> -> memref<640x64xbf16, #tpu.memory_space<vmem_shared>>
      tpu.enqueue_dma source(%arg6 : memref<640x64xbf16, #tpu.memory_space<hbm>>) target(%dma_start3A_1752 : memref<640x64xbf16, #tpu.memory_space<vmem_shared>>) target_semaphore(%run_scoped3A : memref<!tpu.dma_semaphore, #tpu.memory_space<semaphore_mem>>)
      %dma_wait3A_1753 = arith.constant 0 : i32
      %dma_wait3A_1754 = tpu.memref_slice %arg25[%mul3A_34, %dma_wait3A_1753] : memref<10240x64xbf16, #tpu.memory_space<vmem_shared>> -> memref<640x64xbf16, #tpu.memory_space<vmem_shared>>
      tpu.wait_dma2 semaphore(%run_scoped3A : memref<!tpu.dma_semaphore, #tpu.memory_space<semaphore_mem>>) src(%arg6 : memref<640x64xbf16, #tpu.memory_space<hbm>>) dst(%dma_wait3A_1754 : memref<640x64xbf16, #tpu.memory_space<vmem_shared>>)
      tpu.yield
    }) : () -> ()
    %lt3A = arith.constant 15 : i32
    %lt3A_35 = arith.cmpi slt, %arg1, %lt3A : i32
    %convert_element_type3A = arith.extui %lt3A_35 : i1 to i32
    %cond3A = arith.constant 0 : i32
    %cond3A_36 = arith.cmpi ne, %convert_element_type3A, %cond3A : i32
    scf.if %cond3A_36 {
      %mul3A_1751 = arith.constant 640 : i32
      %mul3A_1752 = arith.muli %arg1, %mul3A_1751 : i32
      %mul3A_1753 = arith.constant 640 : i32
      %mul3A_1754 = arith.muli %arg1, %mul3A_1753 : i32
      "tpu.region"() ({
        %run_scoped3A = tpu.sem_alloc : memref<!tpu.dma_semaphore, #tpu.memory_space<semaphore_mem>>
        %dma_start3A_1755 = arith.constant 0 : i32
        %dma_start3A_1756 = tpu.memref_slice %arg24[%mul3A_1754, %dma_start3A_1755] : memref<10240x64xbf16, #tpu.memory_space<vmem_shared>> -> memref<640x64xbf16, #tpu.memory_space<vmem_shared>>
        %dma_start3A_1757 = arith.constant 0 : i32
        %dma_start3A_1758 = tpu.memref_slice %arg4[%mul3A_1752, %dma_start3A_1757] : memref<10000x64xbf16, #tpu.memory_space<hbm>> -> memref<640x64xbf16, #tpu.memory_space<hbm>>
        tpu.enqueue_dma source(%dma_start3A_1758 : memref<640x64xbf16, #tpu.memory_space<hbm>>) target(%dma_start3A_1756 : memref<640x64xbf16, #tpu.memory_space<vmem_shared>>) target_semaphore(%run_scoped3A : memref<!tpu.dma_semaphore, #tpu.memory_space<semaphore_mem>>)
        %dma_wait3A_1759 = arith.constant 0 : i32
        %dma_wait3A_1760 = tpu.memref_slice %arg24[%mul3A_1754, %dma_wait3A_1759] : memref<10240x64xbf16, #tpu.memory_space<vmem_shared>> -> memref<640x64xbf16, #tpu.memory_space<vmem_shared>>
        %dma_wait3A_1761 = arith.constant 0 : i32
        %dma_wait3A_1762 = tpu.memref_slice %arg4[%mul3A_1752, %dma_wait3A_1761] : memref<10000x64xbf16, #tpu.memory_space<hbm>> -> memref<640x64xbf16, #tpu.memory_space<hbm>>
        tpu.wait_dma2 semaphore(%run_scoped3A : memref<!tpu.dma_semaphore, #tpu.memory_space<semaphore_mem>>) src(%dma_wait3A_1762 : memref<640x64xbf16, #tpu.memory_space<hbm>>) dst(%dma_wait3A_1760 : memref<640x64xbf16, #tpu.memory_space<vmem_shared>>)
        tpu.yield
      }) : () -> ()
    } else {
    }
    %eq3A = arith.constant 15 : i32
    %eq3A_37 = arith.cmpi eq, %arg1, %eq3A : i32
    %convert_element_type3A_38 = arith.extui %eq3A_37 : i1 to i32
    %cond3A_39 = arith.constant 0 : i32
    %cond3A_40 = arith.cmpi ne, %convert_element_type3A_38, %cond3A_39 : i32
    scf.if %cond3A_40 {
      "tpu.region"() ({
        %run_scoped3A = tpu.sem_alloc : memref<!tpu.dma_semaphore, #tpu.memory_space<semaphore_mem>>
        %dma_start3A_1751 = arith.constant 9600 : i32
        %dma_start3A_1752 = arith.constant 0 : i32
        %dma_start3A_1753 = tpu.memref_slice %arg24[%dma_start3A_1751, %dma_start3A_1752] : memref<10240x64xbf16, #tpu.memory_space<vmem_shared>> -> memref<400x64xbf16, #tpu.memory_space<vmem_shared>>
        %dma_start3A_1754 = arith.constant 9600 : i32
        %dma_start3A_1755 = arith.constant 0 : i32
        %dma_start3A_1756 = tpu.memref_slice %arg4[%dma_start3A_1754, %dma_start3A_1755] : memref<10000x64xbf16, #tpu.memory_space<hbm>> -> memref<400x64xbf16, #tpu.memory_space<hbm>>
        tpu.enqueue_dma source(%dma_start3A_1756 : memref<400x64xbf16, #tpu.memory_space<hbm>>) target(%dma_start3A_1753 : memref<400x64xbf16, #tpu.memory_space<vmem_shared>>) target_semaphore(%run_scoped3A : memref<!tpu.dma_semaphore, #tpu.memory_space<semaphore_mem>>)
        %dma_wait3A_1757 = arith.constant 9600 : i32
        %dma_wait3A_1758 = arith.constant 0 : i32
        %dma_wait3A_1759 = tpu.memref_slice %arg24[%dma_wait3A_1757, %dma_wait3A_1758] : memref<10240x64xbf16, #tpu.memory_space<vmem_shared>> -> memref<400x64xbf16, #tpu.memory_space<vmem_shared>>
        %dma_wait3A_1760 = arith.constant 9600 : i32
        %dma_wait3A_1761 = arith.constant 0 : i32
        %dma_wait3A_1762 = tpu.memref_slice %arg4[%dma_wait3A_1760, %dma_wait3A_1761] : memref<10000x64xbf16, #tpu.memory_space<hbm>> -> memref<400x64xbf16, #tpu.memory_space<hbm>>
        tpu.wait_dma2 semaphore(%run_scoped3A : memref<!tpu.dma_semaphore, #tpu.memory_space<semaphore_mem>>) src(%dma_wait3A_1762 : memref<400x64xbf16, #tpu.memory_space<hbm>>) dst(%dma_wait3A_1759 : memref<400x64xbf16, #tpu.memory_space<vmem_shared>>)
        tpu.yield
      }) : () -> ()
    } else {
    }
    %barrier3A = arith.constant 0 : index
    tpu.barrier barrier_id(%barrier3A)
    %mul3A_41 = arith.constant 2 : i32
    %mul3A_42 = arith.muli %mul3A_41, %arg1 : i32
    %add3A_43 = arith.constant 0 : i32
    %add3A_44 = arith.addi %mul3A_42, %add3A_43 : i32
    "tpu.region"() ({
      %run_scoped3A = tpu.sem_alloc : memref<!tpu.dma_semaphore, #tpu.memory_space<semaphore_mem>>
      %dma_start3A_1751 = arith.constant 0 : i32
      %dma_start3A_1752 = arith.constant 0 : i32
      %dma_start3A_1753 = tpu.memref_slice %arg3[%add3A_44, %dma_start3A_1751, %dma_start3A_1752] : memref<32x80x125xi32, #tpu.memory_space<hbm>> -> memref<1x80x125xi32, #tpu.memory_space<hbm>>
      %dma_start3A_1754 = tpu.memref_squeeze %dma_start3A_1753 : memref<1x80x125xi32, #tpu.memory_space<hbm>> -> memref<80x125xi32, #tpu.memory_space<hbm>>
      %dma_start3A_1755 = arith.constant 0 : i32
      %dma_start3A_1756 = arith.constant 0 : i32
      %dma_start3A_1757 = tpu.memref_slice %arg3[%add3A_44, %dma_start3A_1755, %dma_start3A_1756] : memref<32x80x125xi32, #tpu.memory_space<hbm>> -> memref<1x80x125xi32, #tpu.memory_space<hbm>>
      %dma_start3A_1758 = tpu.memref_squeeze %dma_start3A_1757 : memref<1x80x125xi32, #tpu.memory_space<hbm>> -> memref<80x125xi32, #tpu.memory_space<hbm>>
      tpu.enqueue_dma source(%dma_start3A_1758 : memref<80x125xi32, #tpu.memory_space<hbm>>) target(%arg10 : memref<80x125xi32, #tpu.memory_space<vmem>>) target_semaphore(%run_scoped3A : memref<!tpu.dma_semaphore, #tpu.memory_space<semaphore_mem>>)
      %dma_wait3A_1759 = arith.constant 0 : i32
      %dma_wait3A_1760 = arith.constant 0 : i32
      %dma_wait3A_1761 = tpu.memref_slice %arg3[%add3A_44, %dma_wait3A_1759, %dma_wait3A_1760] : memref<32x80x125xi32, #tpu.memory_space<hbm>> -> memref<1x80x125xi32, #tpu.memory_space<hbm>>
      %dma_wait3A_1762 = tpu.memref_squeeze %dma_wait3A_1761 : memref<1x80x125xi32, #tpu.memory_space<hbm>> -> memref<80x125xi32, #tpu.memory_space<hbm>>
      %dma_wait3A_1763 = arith.constant 0 : i32
      %dma_wait3A_1764 = arith.constant 0 : i32
      %dma_wait3A_1765 = tpu.memref_slice %arg3[%add3A_44, %dma_wait3A_1763, %dma_wait3A_1764] : memref<32x80x125xi32, #tpu.memory_space<hbm>> -> memref<1x80x125xi32, #tpu.memory_space<hbm>>
      %dma_wait3A_1766 = tpu.memref_squeeze %dma_wait3A_1765 : memref<1x80x125xi32, #tpu.memory_space<hbm>> -> memref<80x125xi32, #tpu.memory_space<hbm>>
      tpu.wait_dma2 semaphore(%run_scoped3A : memref<!tpu.dma_semaphore, #tpu.memory_space<semaphore_mem>>) src(%dma_wait3A_1766 : memref<80x125xi32, #tpu.memory_space<hbm>>) dst(%arg10 : memref<80x125xi32, #tpu.memory_space<vmem>>)
      tpu.yield
    }) : () -> ()
    %scan3A = arith.constant 0 : i32
    %scan3A_45 = arith.constant 0 : i32
    %scan3A_46 = arith.constant 80 : i32
    %scan3A_47 = arith.addi %scan3A_45, %scan3A_46 : i32
    %scan3A_48 = arith.constant 1 : i32
    scf.for %scan3A_1751 = %scan3A_45 to %scan3A_47 step %scan3A_48  : i32 {
      %dma_start3A_1752 = arith.constant 0 : i32
      %dma_start3A_1753 = tpu.memref_slice %arg11[%dma_start3A_1752] : memref<128xf32, #tpu.memory_space<vmem>> -> memref<125xf32, #tpu.memory_space<vmem>>
      %dma_start3A_1754 = arith.constant 0 : i32
      %dma_start3A_1755 = tpu.memref_slice %arg10[%scan3A_1751, %dma_start3A_1754] : memref<80x125xi32, #tpu.memory_space<vmem>> -> memref<1x125xi32, #tpu.memory_space<vmem>>
      %dma_start3A_1756 = tpu.memref_squeeze %dma_start3A_1755 : memref<1x125xi32, #tpu.memory_space<vmem>> -> memref<125xi32, #tpu.memory_space<vmem>>
      %dma_start3A_1757 = arith.constant 0 : i32
      %dma_start3A_1758 = tpu.memref_slice %arg23[%dma_start3A_1757] : memref<10240xf32, #tpu.memory_space<vmem_shared>> -> memref<10240xf32, #tpu.memory_space<vmem_shared>>
      tpu.enqueue_indirect_dma source(%dma_start3A_1753 : memref<125xf32, #tpu.memory_space<vmem>>) target(%dma_start3A_1758 : memref<10240xf32, #tpu.memory_space<vmem_shared>>) offsets(%dma_start3A_1756 : memref<125xi32, #tpu.memory_space<vmem>>) semaphore(%arg26 : memref<!tpu.dma_semaphore, #tpu.memory_space<semaphore_mem>>) {add = true}
      %ge3A = arith.constant 8 : i32
      %ge3A_1759 = arith.cmpi sge, %scan3A_1751, %ge3A : i32
      %convert_element_type3A_1760 = arith.extui %ge3A_1759 : i1 to i32
      %cond3A_1761 = arith.constant 0 : i32
      %cond3A_1762 = arith.cmpi ne, %convert_element_type3A_1760, %cond3A_1761 : i32
      scf.if %cond3A_1762 {
        %dma_wait3A_1763 = arith.constant 0 : i32
        %dma_wait3A_1764 = arith.constant 0 : i32
        %dma_wait3A_1765 = tpu.memref_slice %arg11[%dma_wait3A_1764] : memref<128xf32, #tpu.memory_space<vmem>> -> memref<125xf32, #tpu.memory_space<vmem>>
        %dma_wait3A_1766 = arith.constant 0 : i32
        %dma_wait3A_1767 = tpu.memref_slice %arg10[%dma_wait3A_1763, %dma_wait3A_1766] : memref<80x125xi32, #tpu.memory_space<vmem>> -> memref<1x125xi32, #tpu.memory_space<vmem>>
        %dma_wait3A_1768 = tpu.memref_squeeze %dma_wait3A_1767 : memref<1x125xi32, #tpu.memory_space<vmem>> -> memref<125xi32, #tpu.memory_space<vmem>>
        %dma_wait3A_1769 = arith.constant 0 : i32
        %dma_wait3A_1770 = tpu.memref_slice %arg23[%dma_wait3A_1769] : memref<10240xf32, #tpu.memory_space<vmem_shared>> -> memref<10240xf32, #tpu.memory_space<vmem_shared>>
        tpu.wait_indirect_dma semaphore(%arg26 : memref<!tpu.dma_semaphore, #tpu.memory_space<semaphore_mem>>) src(%dma_wait3A_1765 : memref<125xf32, #tpu.memory_space<vmem>>) dst(%dma_wait3A_1770 : memref<10240xf32, #tpu.memory_space<vmem_shared>>)
      } else {
      }
    }
    %scan3A_49 = arith.constant 80 : i32
    %dma_wait3A = arith.constant 0 : i32
    %dma_wait3A_50 = arith.constant 0 : i32
    %dma_wait3A_51 = tpu.memref_slice %arg11[%dma_wait3A_50] : memref<128xf32, #tpu.memory_space<vmem>> -> memref<125xf32, #tpu.memory_space<vmem>>
    %dma_wait3A_52 = arith.constant 0 : i32
    %dma_wait3A_53 = tpu.memref_slice %arg10[%dma_wait3A, %dma_wait3A_52] : memref<80x125xi32, #tpu.memory_space<vmem>> -> memref<1x125xi32, #tpu.memory_space<vmem>>
    %dma_wait3A_54 = tpu.memref_squeeze %dma_wait3A_53 : memref<1x125xi32, #tpu.memory_space<vmem>> -> memref<125xi32, #tpu.memory_space<vmem>>
    %dma_wait3A_55 = arith.constant 0 : i32
    %dma_wait3A_56 = tpu.memref_slice %arg23[%dma_wait3A_55] : memref<10240xf32, #tpu.memory_space<vmem_shared>> -> memref<10240xf32, #tpu.memory_space<vmem_shared>>
    tpu.wait_indirect_dma semaphore(%arg26 : memref<!tpu.dma_semaphore, #tpu.memory_space<semaphore_mem>>) src(%dma_wait3A_51 : memref<125xf32, #tpu.memory_space<vmem>>) dst(%dma_wait3A_56 : memref<10240xf32, #tpu.memory_space<vmem_shared>>)
    %dma_wait3A_57 = arith.constant 0 : i32
    %dma_wait3A_58 = arith.constant 0 : i32
    %dma_wait3A_59 = tpu.memref_slice %arg11[%dma_wait3A_58] : memref<128xf32, #tpu.memory_space<vmem>> -> memref<125xf32, #tpu.memory_space<vmem>>
    %dma_wait3A_60 = arith.constant 0 : i32
    %dma_wait3A_61 = tpu.memref_slice %arg10[%dma_wait3A_57, %dma_wait3A_60] : memref<80x125xi32, #tpu.memory_space<vmem>> -> memref<1x125xi32, #tpu.memory_space<vmem>>
    %dma_wait3A_62 = tpu.memref_squeeze %dma_wait3A_61 : memref<1x125xi32, #tpu.memory_space<vmem>> -> memref<125xi32, #tpu.memory_space<vmem>>
    %dma_wait3A_63 = arith.constant 0 : i32
    %dma_wait3A_64 = tpu.memref_slice %arg23[%dma_wait3A_63] : memref<10240xf32, #tpu.memory_space<vmem_shared>> -> memref<10240xf32, #tpu.memory_space<vmem_shared>>
    tpu.wait_indirect_dma semaphore(%arg26 : memref<!tpu.dma_semaphore, #tpu.memory_space<semaphore_mem>>) src(%dma_wait3A_59 : memref<125xf32, #tpu.memory_space<vmem>>) dst(%dma_wait3A_64 : memref<10240xf32, #tpu.memory_space<vmem_shared>>)
    %dma_wait3A_65 = arith.constant 0 : i32
    %dma_wait3A_66 = arith.constant 0 : i32
    %dma_wait3A_67 = tpu.memref_slice %arg11[%dma_wait3A_66] : memref<128xf32, #tpu.memory_space<vmem>> -> memref<125xf32, #tpu.memory_space<vmem>>
    %dma_wait3A_68 = arith.constant 0 : i32
    %dma_wait3A_69 = tpu.memref_slice %arg10[%dma_wait3A_65, %dma_wait3A_68] : memref<80x125xi32, #tpu.memory_space<vmem>> -> memref<1x125xi32, #tpu.memory_space<vmem>>
    %dma_wait3A_70 = tpu.memref_squeeze %dma_wait3A_69 : memref<1x125xi32, #tpu.memory_space<vmem>> -> memref<125xi32, #tpu.memory_space<vmem>>
    %dma_wait3A_71 = arith.constant 0 : i32
    %dma_wait3A_72 = tpu.memref_slice %arg23[%dma_wait3A_71] : memref<10240xf32, #tpu.memory_space<vmem_shared>> -> memref<10240xf32, #tpu.memory_space<vmem_shared>>
    tpu.wait_indirect_dma semaphore(%arg26 : memref<!tpu.dma_semaphore, #tpu.memory_space<semaphore_mem>>) src(%dma_wait3A_67 : memref<125xf32, #tpu.memory_space<vmem>>) dst(%dma_wait3A_72 : memref<10240xf32, #tpu.memory_space<vmem_shared>>)
    %dma_wait3A_73 = arith.constant 0 : i32
    %dma_wait3A_74 = arith.constant 0 : i32
    %dma_wait3A_75 = tpu.memref_slice %arg11[%dma_wait3A_74] : memref<128xf32, #tpu.memory_space<vmem>> -> memref<125xf32, #tpu.memory_space<vmem>>
    %dma_wait3A_76 = arith.constant 0 : i32
    %dma_wait3A_77 = tpu.memref_slice %arg10[%dma_wait3A_73, %dma_wait3A_76] : memref<80x125xi32, #tpu.memory_space<vmem>> -> memref<1x125xi32, #tpu.memory_space<vmem>>
    %dma_wait3A_78 = tpu.memref_squeeze %dma_wait3A_77 : memref<1x125xi32, #tpu.memory_space<vmem>> -> memref<125xi32, #tpu.memory_space<vmem>>
    %dma_wait3A_79 = arith.constant 0 : i32
    %dma_wait3A_80 = tpu.memref_slice %arg23[%dma_wait3A_79] : memref<10240xf32, #tpu.memory_space<vmem_shared>> -> memref<10240xf32, #tpu.memory_space<vmem_shared>>
    tpu.wait_indirect_dma semaphore(%arg26 : memref<!tpu.dma_semaphore, #tpu.memory_space<semaphore_mem>>) src(%dma_wait3A_75 : memref<125xf32, #tpu.memory_space<vmem>>) dst(%dma_wait3A_80 : memref<10240xf32, #tpu.memory_space<vmem_shared>>)
    %dma_wait3A_81 = arith.constant 0 : i32
    %dma_wait3A_82 = arith.constant 0 : i32
    %dma_wait3A_83 = tpu.memref_slice %arg11[%dma_wait3A_82] : memref<128xf32, #tpu.memory_space<vmem>> -> memref<125xf32, #tpu.memory_space<vmem>>
    %dma_wait3A_84 = arith.constant 0 : i32
    %dma_wait3A_85 = tpu.memref_slice %arg10[%dma_wait3A_81, %dma_wait3A_84] : memref<80x125xi32, #tpu.memory_space<vmem>> -> memref<1x125xi32, #tpu.memory_space<vmem>>
    %dma_wait3A_86 = tpu.memref_squeeze %dma_wait3A_85 : memref<1x125xi32, #tpu.memory_space<vmem>> -> memref<125xi32, #tpu.memory_space<vmem>>
    %dma_wait3A_87 = arith.constant 0 : i32
    %dma_wait3A_88 = tpu.memref_slice %arg23[%dma_wait3A_87] : memref<10240xf32, #tpu.memory_space<vmem_shared>> -> memref<10240xf32, #tpu.memory_space<vmem_shared>>
    tpu.wait_indirect_dma semaphore(%arg26 : memref<!tpu.dma_semaphore, #tpu.memory_space<semaphore_mem>>) src(%dma_wait3A_83 : memref<125xf32, #tpu.memory_space<vmem>>) dst(%dma_wait3A_88 : memref<10240xf32, #tpu.memory_space<vmem_shared>>)
    %dma_wait3A_89 = arith.constant 0 : i32
    %dma_wait3A_90 = arith.constant 0 : i32
    %dma_wait3A_91 = tpu.memref_slice %arg11[%dma_wait3A_90] : memref<128xf32, #tpu.memory_space<vmem>> -> memref<125xf32, #tpu.memory_space<vmem>>
    %dma_wait3A_92 = arith.constant 0 : i32
    %dma_wait3A_93 = tpu.memref_slice %arg10[%dma_wait3A_89, %dma_wait3A_92] : memref<80x125xi32, #tpu.memory_space<vmem>> -> memref<1x125xi32, #tpu.memory_space<vmem>>
    %dma_wait3A_94 = tpu.memref_squeeze %dma_wait3A_93 : memref<1x125xi32, #tpu.memory_space<vmem>> -> memref<125xi32, #tpu.memory_space<vmem>>
    %dma_wait3A_95 = arith.constant 0 : i32
    %dma_wait3A_96 = tpu.memref_slice %arg23[%dma_wait3A_95] : memref<10240xf32, #tpu.memory_space<vmem_shared>> -> memref<10240xf32, #tpu.memory_space<vmem_shared>>
    tpu.wait_indirect_dma semaphore(%arg26 : memref<!tpu.dma_semaphore, #tpu.memory_space<semaphore_mem>>) src(%dma_wait3A_91 : memref<125xf32, #tpu.memory_space<vmem>>) dst(%dma_wait3A_96 : memref<10240xf32, #tpu.memory_space<vmem_shared>>)
    %dma_wait3A_97 = arith.constant 0 : i32
    %dma_wait3A_98 = arith.constant 0 : i32
    %dma_wait3A_99 = tpu.memref_slice %arg11[%dma_wait3A_98] : memref<128xf32, #tpu.memory_space<vmem>> -> memref<125xf32, #tpu.memory_space<vmem>>
    %dma_wait3A_100 = arith.constant 0 : i32
    %dma_wait3A_101 = tpu.memref_slice %arg10[%dma_wait3A_97, %dma_wait3A_100] : memref<80x125xi32, #tpu.memory_space<vmem>> -> memref<1x125xi32, #tpu.memory_space<vmem>>
    %dma_wait3A_102 = tpu.memref_squeeze %dma_wait3A_101 : memref<1x125xi32, #tpu.memory_space<vmem>> -> memref<125xi32, #tpu.memory_space<vmem>>
    %dma_wait3A_103 = arith.constant 0 : i32
    %dma_wait3A_104 = tpu.memref_slice %arg23[%dma_wait3A_103] : memref<10240xf32, #tpu.memory_space<vmem_shared>> -> memref<10240xf32, #tpu.memory_space<vmem_shared>>
    tpu.wait_indirect_dma semaphore(%arg26 : memref<!tpu.dma_semaphore, #tpu.memory_space<semaphore_mem>>) src(%dma_wait3A_99 : memref<125xf32, #tpu.memory_space<vmem>>) dst(%dma_wait3A_104 : memref<10240xf32, #tpu.memory_space<vmem_shared>>)
    %dma_wait3A_105 = arith.constant 0 : i32
    %dma_wait3A_106 = arith.constant 0 : i32
    %dma_wait3A_107 = tpu.memref_slice %arg11[%dma_wait3A_106] : memref<128xf32, #tpu.memory_space<vmem>> -> memref<125xf32, #tpu.memory_space<vmem>>
    %dma_wait3A_108 = arith.constant 0 : i32
    %dma_wait3A_109 = tpu.memref_slice %arg10[%dma_wait3A_105, %dma_wait3A_108] : memref<80x125xi32, #tpu.memory_space<vmem>> -> memref<1x125xi32, #tpu.memory_space<vmem>>
    %dma_wait3A_110 = tpu.memref_squeeze %dma_wait3A_109 : memref<1x125xi32, #tpu.memory_space<vmem>> -> memref<125xi32, #tpu.memory_space<vmem>>
    %dma_wait3A_111 = arith.constant 0 : i32
    %dma_wait3A_112 = tpu.memref_slice %arg23[%dma_wait3A_111] : memref<10240xf32, #tpu.memory_space<vmem_shared>> -> memref<10240xf32, #tpu.memory_space<vmem_shared>>
    tpu.wait_indirect_dma semaphore(%arg26 : memref<!tpu.dma_semaphore, #tpu.memory_space<semaphore_mem>>) src(%dma_wait3A_107 : memref<125xf32, #tpu.memory_space<vmem>>) dst(%dma_wait3A_112 : memref<10240xf32, #tpu.memory_space<vmem_shared>>)
    %mul3A_113 = arith.constant 2 : i32
    %mul3A_114 = arith.muli %mul3A_113, %arg1 : i32
    %add3A_115 = arith.constant 1 : i32
    %add3A_116 = arith.addi %mul3A_114, %add3A_115 : i32
    "tpu.region"() ({
      %run_scoped3A = tpu.sem_alloc : memref<!tpu.dma_semaphore, #tpu.memory_space<semaphore_mem>>
      %dma_start3A_1751 = arith.constant 0 : i32
      %dma_start3A_1752 = arith.constant 0 : i32
      %dma_start3A_1753 = tpu.memref_slice %arg3[%add3A_116, %dma_start3A_1751, %dma_start3A_1752] : memref<32x80x125xi32, #tpu.memory_space<hbm>> -> memref<1x80x125xi32, #tpu.memory_space<hbm>>
      %dma_start3A_1754 = tpu.memref_squeeze %dma_start3A_1753 : memref<1x80x125xi32, #tpu.memory_space<hbm>> -> memref<80x125xi32, #tpu.memory_space<hbm>>
      %dma_start3A_1755 = arith.constant 0 : i32
      %dma_start3A_1756 = arith.constant 0 : i32
      %dma_start3A_1757 = tpu.memref_slice %arg3[%add3A_116, %dma_start3A_1755, %dma_start3A_1756] : memref<32x80x125xi32, #tpu.memory_space<hbm>> -> memref<1x80x125xi32, #tpu.memory_space<hbm>>
      %dma_start3A_1758 = tpu.memref_squeeze %dma_start3A_1757 : memref<1x80x125xi32, #tpu.memory_space<hbm>> -> memref<80x125xi32, #tpu.memory_space<hbm>>
      tpu.enqueue_dma source(%dma_start3A_1758 : memref<80x125xi32, #tpu.memory_space<hbm>>) target(%arg10 : memref<80x125xi32, #tpu.memory_space<vmem>>) target_semaphore(%run_scoped3A : memref<!tpu.dma_semaphore, #tpu.memory_space<semaphore_mem>>)
      %dma_wait3A_1759 = arith.constant 0 : i32
      %dma_wait3A_1760 = arith.constant 0 : i32
      %dma_wait3A_1761 = tpu.memref_slice %arg3[%add3A_116, %dma_wait3A_1759, %dma_wait3A_1760] : memref<32x80x125xi32, #tpu.memory_space<hbm>> -> memref<1x80x125xi32, #tpu.memory_space<hbm>>
      %dma_wait3A_1762 = tpu.memref_squeeze %dma_wait3A_1761 : memref<1x80x125xi32, #tpu.memory_space<hbm>> -> memref<80x125xi32, #tpu.memory_space<hbm>>
      %dma_wait3A_1763 = arith.constant 0 : i32
      %dma_wait3A_1764 = arith.constant 0 : i32
      %dma_wait3A_1765 = tpu.memref_slice %arg3[%add3A_116, %dma_wait3A_1763, %dma_wait3A_1764] : memref<32x80x125xi32, #tpu.memory_space<hbm>> -> memref<1x80x125xi32, #tpu.memory_space<hbm>>
      %dma_wait3A_1766 = tpu.memref_squeeze %dma_wait3A_1765 : memref<1x80x125xi32, #tpu.memory_space<hbm>> -> memref<80x125xi32, #tpu.memory_space<hbm>>
      tpu.wait_dma2 semaphore(%run_scoped3A : memref<!tpu.dma_semaphore, #tpu.memory_space<semaphore_mem>>) src(%dma_wait3A_1766 : memref<80x125xi32, #tpu.memory_space<hbm>>) dst(%arg10 : memref<80x125xi32, #tpu.memory_space<vmem>>)
      tpu.yield
    }) : () -> ()
    %scan3A_117 = arith.constant 0 : i32
    %scan3A_118 = arith.constant 0 : i32
    %scan3A_119 = arith.constant 80 : i32
    %scan3A_120 = arith.addi %scan3A_118, %scan3A_119 : i32
    %scan3A_121 = arith.constant 1 : i32
    scf.for %scan3A_1751 = %scan3A_118 to %scan3A_120 step %scan3A_121  : i32 {
      %dma_start3A_1752 = arith.constant 0 : i32
      %dma_start3A_1753 = tpu.memref_slice %arg11[%dma_start3A_1752] : memref<128xf32, #tpu.memory_space<vmem>> -> memref<125xf32, #tpu.memory_space<vmem>>
      %dma_start3A_1754 = arith.constant 0 : i32
      %dma_start3A_1755 = tpu.memref_slice %arg10[%scan3A_1751, %dma_start3A_1754] : memref<80x125xi32, #tpu.memory_space<vmem>> -> memref<1x125xi32, #tpu.memory_space<vmem>>
      %dma_start3A_1756 = tpu.memref_squeeze %dma_start3A_1755 : memref<1x125xi32, #tpu.memory_space<vmem>> -> memref<125xi32, #tpu.memory_space<vmem>>
      %dma_start3A_1757 = arith.constant 0 : i32
      %dma_start3A_1758 = tpu.memref_slice %arg23[%dma_start3A_1757] : memref<10240xf32, #tpu.memory_space<vmem_shared>> -> memref<10240xf32, #tpu.memory_space<vmem_shared>>
      tpu.enqueue_indirect_dma source(%dma_start3A_1753 : memref<125xf32, #tpu.memory_space<vmem>>) target(%dma_start3A_1758 : memref<10240xf32, #tpu.memory_space<vmem_shared>>) offsets(%dma_start3A_1756 : memref<125xi32, #tpu.memory_space<vmem>>) semaphore(%arg26 : memref<!tpu.dma_semaphore, #tpu.memory_space<semaphore_mem>>) {add = true}
      %ge3A = arith.constant 8 : i32
      %ge3A_1759 = arith.cmpi sge, %scan3A_1751, %ge3A : i32
      %convert_element_type3A_1760 = arith.extui %ge3A_1759 : i1 to i32
      %cond3A_1761 = arith.constant 0 : i32
      %cond3A_1762 = arith.cmpi ne, %convert_element_type3A_1760, %cond3A_1761 : i32
      scf.if %cond3A_1762 {
        %dma_wait3A_1763 = arith.constant 0 : i32
        %dma_wait3A_1764 = arith.constant 0 : i32
        %dma_wait3A_1765 = tpu.memref_slice %arg11[%dma_wait3A_1764] : memref<128xf32, #tpu.memory_space<vmem>> -> memref<125xf32, #tpu.memory_space<vmem>>
        %dma_wait3A_1766 = arith.constant 0 : i32
        %dma_wait3A_1767 = tpu.memref_slice %arg10[%dma_wait3A_1763, %dma_wait3A_1766] : memref<80x125xi32, #tpu.memory_space<vmem>> -> memref<1x125xi32, #tpu.memory_space<vmem>>
        %dma_wait3A_1768 = tpu.memref_squeeze %dma_wait3A_1767 : memref<1x125xi32, #tpu.memory_space<vmem>> -> memref<125xi32, #tpu.memory_space<vmem>>
        %dma_wait3A_1769 = arith.constant 0 : i32
        %dma_wait3A_1770 = tpu.memref_slice %arg23[%dma_wait3A_1769] : memref<10240xf32, #tpu.memory_space<vmem_shared>> -> memref<10240xf32, #tpu.memory_space<vmem_shared>>
        tpu.wait_indirect_dma semaphore(%arg26 : memref<!tpu.dma_semaphore, #tpu.memory_space<semaphore_mem>>) src(%dma_wait3A_1765 : memref<125xf32, #tpu.memory_space<vmem>>) dst(%dma_wait3A_1770 : memref<10240xf32, #tpu.memory_space<vmem_shared>>)
      } else {
      }
    }
    %scan3A_122 = arith.constant 80 : i32
    %dma_wait3A_123 = arith.constant 0 : i32
    %dma_wait3A_124 = arith.constant 0 : i32
    %dma_wait3A_125 = tpu.memref_slice %arg11[%dma_wait3A_124] : memref<128xf32, #tpu.memory_space<vmem>> -> memref<125xf32, #tpu.memory_space<vmem>>
    %dma_wait3A_126 = arith.constant 0 : i32
    %dma_wait3A_127 = tpu.memref_slice %arg10[%dma_wait3A_123, %dma_wait3A_126] : memref<80x125xi32, #tpu.memory_space<vmem>> -> memref<1x125xi32, #tpu.memory_space<vmem>>
    %dma_wait3A_128 = tpu.memref_squeeze %dma_wait3A_127 : memref<1x125xi32, #tpu.memory_space<vmem>> -> memref<125xi32, #tpu.memory_space<vmem>>
    %dma_wait3A_129 = arith.constant 0 : i32
    %dma_wait3A_130 = tpu.memref_slice %arg23[%dma_wait3A_129] : memref<10240xf32, #tpu.memory_space<vmem_shared>> -> memref<10240xf32, #tpu.memory_space<vmem_shared>>
    tpu.wait_indirect_dma semaphore(%arg26 : memref<!tpu.dma_semaphore, #tpu.memory_space<semaphore_mem>>) src(%dma_wait3A_125 : memref<125xf32, #tpu.memory_space<vmem>>) dst(%dma_wait3A_130 : memref<10240xf32, #tpu.memory_space<vmem_shared>>)
    %dma_wait3A_131 = arith.constant 0 : i32
    %dma_wait3A_132 = arith.constant 0 : i32
    %dma_wait3A_133 = tpu.memref_slice %arg11[%dma_wait3A_132] : memref<128xf32, #tpu.memory_space<vmem>> -> memref<125xf32, #tpu.memory_space<vmem>>
    %dma_wait3A_134 = arith.constant 0 : i32
    %dma_wait3A_135 = tpu.memref_slice %arg10[%dma_wait3A_131, %dma_wait3A_134] : memref<80x125xi32, #tpu.memory_space<vmem>> -> memref<1x125xi32, #tpu.memory_space<vmem>>
    %dma_wait3A_136 = tpu.memref_squeeze %dma_wait3A_135 : memref<1x125xi32, #tpu.memory_space<vmem>> -> memref<125xi32, #tpu.memory_space<vmem>>
    %dma_wait3A_137 = arith.constant 0 : i32
    %dma_wait3A_138 = tpu.memref_slice %arg23[%dma_wait3A_137] : memref<10240xf32, #tpu.memory_space<vmem_shared>> -> memref<10240xf32, #tpu.memory_space<vmem_shared>>
    tpu.wait_indirect_dma semaphore(%arg26 : memref<!tpu.dma_semaphore, #tpu.memory_space<semaphore_mem>>) src(%dma_wait3A_133 : memref<125xf32, #tpu.memory_space<vmem>>) dst(%dma_wait3A_138 : memref<10240xf32, #tpu.memory_space<vmem_shared>>)
    %dma_wait3A_139 = arith.constant 0 : i32
    %dma_wait3A_140 = arith.constant 0 : i32
    %dma_wait3A_141 = tpu.memref_slice %arg11[%dma_wait3A_140] : memref<128xf32, #tpu.memory_space<vmem>> -> memref<125xf32, #tpu.memory_space<vmem>>
    %dma_wait3A_142 = arith.constant 0 : i32
    %dma_wait3A_143 = tpu.memref_slice %arg10[%dma_wait3A_139, %dma_wait3A_142] : memref<80x125xi32, #tpu.memory_space<vmem>> -> memref<1x125xi32, #tpu.memory_space<vmem>>
    %dma_wait3A_144 = tpu.memref_squeeze %dma_wait3A_143 : memref<1x125xi32, #tpu.memory_space<vmem>> -> memref<125xi32, #tpu.memory_space<vmem>>
    %dma_wait3A_145 = arith.constant 0 : i32
    %dma_wait3A_146 = tpu.memref_slice %arg23[%dma_wait3A_145] : memref<10240xf32, #tpu.memory_space<vmem_shared>> -> memref<10240xf32, #tpu.memory_space<vmem_shared>>
    tpu.wait_indirect_dma semaphore(%arg26 : memref<!tpu.dma_semaphore, #tpu.memory_space<semaphore_mem>>) src(%dma_wait3A_141 : memref<125xf32, #tpu.memory_space<vmem>>) dst(%dma_wait3A_146 : memref<10240xf32, #tpu.memory_space<vmem_shared>>)
    %dma_wait3A_147 = arith.constant 0 : i32
    %dma_wait3A_148 = arith.constant 0 : i32
    %dma_wait3A_149 = tpu.memref_slice %arg11[%dma_wait3A_148] : memref<128xf32, #tpu.memory_space<vmem>> -> memref<125xf32, #tpu.memory_space<vmem>>
    %dma_wait3A_150 = arith.constant 0 : i32
    %dma_wait3A_151 = tpu.memref_slice %arg10[%dma_wait3A_147, %dma_wait3A_150] : memref<80x125xi32, #tpu.memory_space<vmem>> -> memref<1x125xi32, #tpu.memory_space<vmem>>
    %dma_wait3A_152 = tpu.memref_squeeze %dma_wait3A_151 : memref<1x125xi32, #tpu.memory_space<vmem>> -> memref<125xi32, #tpu.memory_space<vmem>>
    %dma_wait3A_153 = arith.constant 0 : i32
    %dma_wait3A_154 = tpu.memref_slice %arg23[%dma_wait3A_153] : memref<10240xf32, #tpu.memory_space<vmem_shared>> -> memref<10240xf32, #tpu.memory_space<vmem_shared>>
    tpu.wait_indirect_dma semaphore(%arg26 : memref<!tpu.dma_semaphore, #tpu.memory_space<semaphore_mem>>) src(%dma_wait3A_149 : memref<125xf32, #tpu.memory_space<vmem>>) dst(%dma_wait3A_154 : memref<10240xf32, #tpu.memory_space<vmem_shared>>)
    %dma_wait3A_155 = arith.constant 0 : i32
    %dma_wait3A_156 = arith.constant 0 : i32
    %dma_wait3A_157 = tpu.memref_slice %arg11[%dma_wait3A_156] : memref<128xf32, #tpu.memory_space<vmem>> -> memref<125xf32, #tpu.memory_space<vmem>>
    %dma_wait3A_158 = arith.constant 0 : i32
    %dma_wait3A_159 = tpu.memref_slice %arg10[%dma_wait3A_155, %dma_wait3A_158] : memref<80x125xi32, #tpu.memory_space<vmem>> -> memref<1x125xi32, #tpu.memory_space<vmem>>
    %dma_wait3A_160 = tpu.memref_squeeze %dma_wait3A_159 : memref<1x125xi32, #tpu.memory_space<vmem>> -> memref<125xi32, #tpu.memory_space<vmem>>
    %dma_wait3A_161 = arith.constant 0 : i32
    %dma_wait3A_162 = tpu.memref_slice %arg23[%dma_wait3A_161] : memref<10240xf32, #tpu.memory_space<vmem_shared>> -> memref<10240xf32, #tpu.memory_space<vmem_shared>>
    tpu.wait_indirect_dma semaphore(%arg26 : memref<!tpu.dma_semaphore, #tpu.memory_space<semaphore_mem>>) src(%dma_wait3A_157 : memref<125xf32, #tpu.memory_space<vmem>>) dst(%dma_wait3A_162 : memref<10240xf32, #tpu.memory_space<vmem_shared>>)
    %dma_wait3A_163 = arith.constant 0 : i32
    %dma_wait3A_164 = arith.constant 0 : i32
    %dma_wait3A_165 = tpu.memref_slice %arg11[%dma_wait3A_164] : memref<128xf32, #tpu.memory_space<vmem>> -> memref<125xf32, #tpu.memory_space<vmem>>
    %dma_wait3A_166 = arith.constant 0 : i32
    %dma_wait3A_167 = tpu.memref_slice %arg10[%dma_wait3A_163, %dma_wait3A_166] : memref<80x125xi32, #tpu.memory_space<vmem>> -> memref<1x125xi32, #tpu.memory_space<vmem>>
    %dma_wait3A_168 = tpu.memref_squeeze %dma_wait3A_167 : memref<1x125xi32, #tpu.memory_space<vmem>> -> memref<125xi32, #tpu.memory_space<vmem>>
    %dma_wait3A_169 = arith.constant 0 : i32
    %dma_wait3A_170 = tpu.memref_slice %arg23[%dma_wait3A_169] : memref<10240xf32, #tpu.memory_space<vmem_shared>> -> memref<10240xf32, #tpu.memory_space<vmem_shared>>
    tpu.wait_indirect_dma semaphore(%arg26 : memref<!tpu.dma_semaphore, #tpu.memory_space<semaphore_mem>>) src(%dma_wait3A_165 : memref<125xf32, #tpu.memory_space<vmem>>) dst(%dma_wait3A_170 : memref<10240xf32, #tpu.memory_space<vmem_shared>>)
    %dma_wait3A_171 = arith.constant 0 : i32
    %dma_wait3A_172 = arith.constant 0 : i32
    %dma_wait3A_173 = tpu.memref_slice %arg11[%dma_wait3A_172] : memref<128xf32, #tpu.memory_space<vmem>> -> memref<125xf32, #tpu.memory_space<vmem>>
    %dma_wait3A_174 = arith.constant 0 : i32
    %dma_wait3A_175 = tpu.memref_slice %arg10[%dma_wait3A_171, %dma_wait3A_174] : memref<80x125xi32, #tpu.memory_space<vmem>> -> memref<1x125xi32, #tpu.memory_space<vmem>>
    %dma_wait3A_176 = tpu.memref_squeeze %dma_wait3A_175 : memref<1x125xi32, #tpu.memory_space<vmem>> -> memref<125xi32, #tpu.memory_space<vmem>>
    %dma_wait3A_177 = arith.constant 0 : i32
    %dma_wait3A_178 = tpu.memref_slice %arg23[%dma_wait3A_177] : memref<10240xf32, #tpu.memory_space<vmem_shared>> -> memref<10240xf32, #tpu.memory_space<vmem_shared>>
    tpu.wait_indirect_dma semaphore(%arg26 : memref<!tpu.dma_semaphore, #tpu.memory_space<semaphore_mem>>) src(%dma_wait3A_173 : memref<125xf32, #tpu.memory_space<vmem>>) dst(%dma_wait3A_178 : memref<10240xf32, #tpu.memory_space<vmem_shared>>)
    %dma_wait3A_179 = arith.constant 0 : i32
    %dma_wait3A_180 = arith.constant 0 : i32
    %dma_wait3A_181 = tpu.memref_slice %arg11[%dma_wait3A_180] : memref<128xf32, #tpu.memory_space<vmem>> -> memref<125xf32, #tpu.memory_space<vmem>>
    %dma_wait3A_182 = arith.constant 0 : i32
    %dma_wait3A_183 = tpu.memref_slice %arg10[%dma_wait3A_179, %dma_wait3A_182] : memref<80x125xi32, #tpu.memory_space<vmem>> -> memref<1x125xi32, #tpu.memory_space<vmem>>
    %dma_wait3A_184 = tpu.memref_squeeze %dma_wait3A_183 : memref<1x125xi32, #tpu.memory_space<vmem>> -> memref<125xi32, #tpu.memory_space<vmem>>
    %dma_wait3A_185 = arith.constant 0 : i32
    %dma_wait3A_186 = tpu.memref_slice %arg23[%dma_wait3A_185] : memref<10240xf32, #tpu.memory_space<vmem_shared>> -> memref<10240xf32, #tpu.memory_space<vmem_shared>>
    tpu.wait_indirect_dma semaphore(%arg26 : memref<!tpu.dma_semaphore, #tpu.memory_space<semaphore_mem>>) src(%dma_wait3A_181 : memref<125xf32, #tpu.memory_space<vmem>>) dst(%dma_wait3A_186 : memref<10240xf32, #tpu.memory_space<vmem_shared>>)
    "tpu.region"() ({
      %run_scoped3A = tpu.sem_alloc : memref<!tpu.dma_semaphore, #tpu.memory_space<semaphore_mem>>
      %dma_start3A_1751 = arith.constant 0 : i32
      %dma_start3A_1752 = arith.constant 0 : i32
      %dma_start3A_1753 = tpu.memref_slice %arg2[%add3A, %dma_start3A_1751, %dma_start3A_1752] : memref<32x80x125xi32, #tpu.memory_space<hbm>> -> memref<1x80x125xi32, #tpu.memory_space<hbm>>
      %dma_start3A_1754 = tpu.memref_squeeze %dma_start3A_1753 : memref<1x80x125xi32, #tpu.memory_space<hbm>> -> memref<80x125xi32, #tpu.memory_space<hbm>>
      %dma_start3A_1755 = arith.constant 0 : i32
      %dma_start3A_1756 = arith.constant 0 : i32
      %dma_start3A_1757 = tpu.memref_slice %arg2[%add3A, %dma_start3A_1755, %dma_start3A_1756] : memref<32x80x125xi32, #tpu.memory_space<hbm>> -> memref<1x80x125xi32, #tpu.memory_space<hbm>>
      %dma_start3A_1758 = tpu.memref_squeeze %dma_start3A_1757 : memref<1x80x125xi32, #tpu.memory_space<hbm>> -> memref<80x125xi32, #tpu.memory_space<hbm>>
      tpu.enqueue_dma source(%dma_start3A_1758 : memref<80x125xi32, #tpu.memory_space<hbm>>) target(%arg9 : memref<80x125xi32, #tpu.memory_space<vmem>>) target_semaphore(%run_scoped3A : memref<!tpu.dma_semaphore, #tpu.memory_space<semaphore_mem>>)
      %dma_wait3A_1759 = arith.constant 0 : i32
      %dma_wait3A_1760 = arith.constant 0 : i32
      %dma_wait3A_1761 = tpu.memref_slice %arg2[%add3A, %dma_wait3A_1759, %dma_wait3A_1760] : memref<32x80x125xi32, #tpu.memory_space<hbm>> -> memref<1x80x125xi32, #tpu.memory_space<hbm>>
      %dma_wait3A_1762 = tpu.memref_squeeze %dma_wait3A_1761 : memref<1x80x125xi32, #tpu.memory_space<hbm>> -> memref<80x125xi32, #tpu.memory_space<hbm>>
      %dma_wait3A_1763 = arith.constant 0 : i32
      %dma_wait3A_1764 = arith.constant 0 : i32
      %dma_wait3A_1765 = tpu.memref_slice %arg2[%add3A, %dma_wait3A_1763, %dma_wait3A_1764] : memref<32x80x125xi32, #tpu.memory_space<hbm>> -> memref<1x80x125xi32, #tpu.memory_space<hbm>>
      %dma_wait3A_1766 = tpu.memref_squeeze %dma_wait3A_1765 : memref<1x80x125xi32, #tpu.memory_space<hbm>> -> memref<80x125xi32, #tpu.memory_space<hbm>>
      tpu.wait_dma2 semaphore(%run_scoped3A : memref<!tpu.dma_semaphore, #tpu.memory_space<semaphore_mem>>) src(%dma_wait3A_1766 : memref<80x125xi32, #tpu.memory_space<hbm>>) dst(%arg9 : memref<80x125xi32, #tpu.memory_space<vmem>>)
      tpu.yield
    }) : () -> ()
    "tpu.region"() ({
      %run_scoped3A = tpu.sem_alloc : memref<!tpu.dma_semaphore, #tpu.memory_space<semaphore_mem>>
      %dma_start3A_1751 = arith.constant 0 : i32
      %dma_start3A_1752 = arith.constant 0 : i32
      %dma_start3A_1753 = tpu.memref_slice %arg3[%add3A, %dma_start3A_1751, %dma_start3A_1752] : memref<32x80x125xi32, #tpu.memory_space<hbm>> -> memref<1x80x125xi32, #tpu.memory_space<hbm>>
      %dma_start3A_1754 = tpu.memref_squeeze %dma_start3A_1753 : memref<1x80x125xi32, #tpu.memory_space<hbm>> -> memref<80x125xi32, #tpu.memory_space<hbm>>
      %dma_start3A_1755 = arith.constant 0 : i32
      %dma_start3A_1756 = arith.constant 0 : i32
      %dma_start3A_1757 = tpu.memref_slice %arg3[%add3A, %dma_start3A_1755, %dma_start3A_1756] : memref<32x80x125xi32, #tpu.memory_space<hbm>> -> memref<1x80x125xi32, #tpu.memory_space<hbm>>
      %dma_start3A_1758 = tpu.memref_squeeze %dma_start3A_1757 : memref<1x80x125xi32, #tpu.memory_space<hbm>> -> memref<80x125xi32, #tpu.memory_space<hbm>>
      tpu.enqueue_dma source(%dma_start3A_1758 : memref<80x125xi32, #tpu.memory_space<hbm>>) target(%arg10 : memref<80x125xi32, #tpu.memory_space<vmem>>) target_semaphore(%run_scoped3A : memref<!tpu.dma_semaphore, #tpu.memory_space<semaphore_mem>>)
      %dma_wait3A_1759 = arith.constant 0 : i32
      %dma_wait3A_1760 = arith.constant 0 : i32
      %dma_wait3A_1761 = tpu.memref_slice %arg3[%add3A, %dma_wait3A_1759, %dma_wait3A_1760] : memref<32x80x125xi32, #tpu.memory_space<hbm>> -> memref<1x80x125xi32, #tpu.memory_space<hbm>>
      %dma_wait3A_1762 = tpu.memref_squeeze %dma_wait3A_1761 : memref<1x80x125xi32, #tpu.memory_space<hbm>> -> memref<80x125xi32, #tpu.memory_space<hbm>>
      %dma_wait3A_1763 = arith.constant 0 : i32
      %dma_wait3A_1764 = arith.constant 0 : i32
      %dma_wait3A_1765 = tpu.memref_slice %arg3[%add3A, %dma_wait3A_1763, %dma_wait3A_1764] : memref<32x80x125xi32, #tpu.memory_space<hbm>> -> memref<1x80x125xi32, #tpu.memory_space<hbm>>
      %dma_wait3A_1766 = tpu.memref_squeeze %dma_wait3A_1765 : memref<1x80x125xi32, #tpu.memory_space<hbm>> -> memref<80x125xi32, #tpu.memory_space<hbm>>
      tpu.wait_dma2 semaphore(%run_scoped3A : memref<!tpu.dma_semaphore, #tpu.memory_space<semaphore_mem>>) src(%dma_wait3A_1766 : memref<80x125xi32, #tpu.memory_space<hbm>>) dst(%arg10 : memref<80x125xi32, #tpu.memory_space<vmem>>)
      tpu.yield
    }) : () -> ()
    %barrier3A_187 = arith.constant 0 : index
    tpu.barrier barrier_id(%barrier3A_187)
    %mul3A_188 = arith.constant 640 : i32
    %mul3A_189 = arith.muli %arg1, %mul3A_188 : i32
    "tpu.region"() ({
      %run_scoped3A = tpu.sem_alloc : memref<!tpu.dma_semaphore, #tpu.memory_space<semaphore_mem>>
      %dma_start3A_1751 = tpu.memref_slice %arg23[%mul3A_189] : memref<10240xf32, #tpu.memory_space<vmem_shared>> -> memref<640xf32, #tpu.memory_space<vmem_shared>>
      %dma_start3A_1752 = tpu.memref_slice %arg23[%mul3A_189] : memref<10240xf32, #tpu.memory_space<vmem_shared>> -> memref<640xf32, #tpu.memory_space<vmem_shared>>
      tpu.enqueue_dma source(%dma_start3A_1752 : memref<640xf32, #tpu.memory_space<vmem_shared>>) target(%arg21 : memref<640xf32, #tpu.memory_space<vmem>>) target_semaphore(%run_scoped3A : memref<!tpu.dma_semaphore, #tpu.memory_space<semaphore_mem>>)
      %dma_wait3A_1753 = tpu.memref_slice %arg23[%mul3A_189] : memref<10240xf32, #tpu.memory_space<vmem_shared>> -> memref<640xf32, #tpu.memory_space<vmem_shared>>
      %dma_wait3A_1754 = tpu.memref_slice %arg23[%mul3A_189] : memref<10240xf32, #tpu.memory_space<vmem_shared>> -> memref<640xf32, #tpu.memory_space<vmem_shared>>
      tpu.wait_dma2 semaphore(%run_scoped3A : memref<!tpu.dma_semaphore, #tpu.memory_space<semaphore_mem>>) src(%dma_wait3A_1754 : memref<640xf32, #tpu.memory_space<vmem_shared>>) dst(%arg21 : memref<640xf32, #tpu.memory_space<vmem>>)
      tpu.yield
    }) : () -> ()
    %get3A = arith.constant 0 : index
    %get3A_190 = tpu.vector_load %arg21[%get3A] {strides = array<i32>} : memref<640xf32, #tpu.memory_space<vmem>>, vector<16xf32>,
    %add3A_191 = arith.constant 1.000000e+00 : f32
    %add3A_192 = vector.broadcast %add3A_191 : f32 to vector<16xf32>
    %add3A_193 = arith.addf %get3A_190, %add3A_192 : vector<16xf32>
    %bitcast3A = vector.bitcast %add3A_193 : vector<16xf32> to vector<16xi32>
    %shift_right_arithmetic3A = arith.constant 1 : i32
    %shift_right_arithmetic3A_194 = vector.broadcast %shift_right_arithmetic3A : i32 to vector<16xi32>
    %shift_right_arithmetic3A_195 = arith.shrsi %bitcast3A, %shift_right_arithmetic3A_194 : vector<16xi32>
    %sub3A = arith.constant 1597463007 : i32
    %sub3A_196 = vector.broadcast %sub3A : i32 to vector<16xi32>
    %sub3A_197 = arith.subi %sub3A_196, %shift_right_arithmetic3A_195 : vector<16xi32>
    %bitcast3A_198 = vector.bitcast %sub3A_197 : vector<16xi32> to vector<16xf32>
    %mul3A_199 = arith.constant 5.000000e-01 : f32
    %mul3A_200 = vector.broadcast %mul3A_199 : f32 to vector<16xf32>
    %mul3A_201 = arith.mulf %mul3A_200, %add3A_193 : vector<16xf32>
    %mul3A_202 = arith.mulf %mul3A_201, %bitcast3A_198 : vector<16xf32>
    %mul3A_203 = arith.mulf %mul3A_202, %bitcast3A_198 : vector<16xf32>
    %sub3A_204 = arith.constant 1.500000e+00 : f32
    %sub3A_205 = vector.broadcast %sub3A_204 : f32 to vector<16xf32>
    %sub3A_206 = arith.subf %sub3A_205, %mul3A_203 : vector<16xf32>
    %mul3A_207 = arith.mulf %bitcast3A_198, %sub3A_206 : vector<16xf32>
    %mul3A_208 = arith.constant 5.000000e-01 : f32
    %mul3A_209 = vector.broadcast %mul3A_208 : f32 to vector<16xf32>
    %mul3A_210 = arith.mulf %mul3A_209, %add3A_193 : vector<16xf32>
    %mul3A_211 = arith.mulf %mul3A_210, %mul3A_207 : vector<16xf32>
    %mul3A_212 = arith.mulf %mul3A_211, %mul3A_207 : vector<16xf32>
    %sub3A_213 = arith.constant 1.500000e+00 : f32
    %sub3A_214 = vector.broadcast %sub3A_213 : f32 to vector<16xf32>
    %sub3A_215 = arith.subf %sub3A_214, %mul3A_212 : vector<16xf32>
    %mul3A_216 = arith.mulf %mul3A_207, %sub3A_215 : vector<16xf32>
    %swap3A_217 = arith.constant 0 : index
    %swap3A_218 = tpu.vector_load %arg22[%swap3A_217] {strides = array<i32>} : memref<640xf32, #tpu.memory_space<vmem>>, vector<16xf32>,
    tpu.vector_store %arg22[%swap3A_217], %mul3A_216 {strides = array<i32>} : memref<640xf32, #tpu.memory_space<vmem>>, vector<16xf32>,
    %get3A_219 = arith.constant 16 : index
    %get3A_220 = tpu.vector_load %arg21[%get3A_219] {strides = array<i32>} : memref<640xf32, #tpu.memory_space<vmem>>, vector<16xf32>,
    %add3A_221 = arith.constant 1.000000e+00 : f32
    %add3A_222 = vector.broadcast %add3A_221 : f32 to vector<16xf32>
    %add3A_223 = arith.addf %get3A_220, %add3A_222 : vector<16xf32>
    %bitcast3A_224 = vector.bitcast %add3A_223 : vector<16xf32> to vector<16xi32>
    %shift_right_arithmetic3A_225 = arith.constant 1 : i32
    %shift_right_arithmetic3A_226 = vector.broadcast %shift_right_arithmetic3A_225 : i32 to vector<16xi32>
    %shift_right_arithmetic3A_227 = arith.shrsi %bitcast3A_224, %shift_right_arithmetic3A_226 : vector<16xi32>
    %sub3A_228 = arith.constant 1597463007 : i32
    %sub3A_229 = vector.broadcast %sub3A_228 : i32 to vector<16xi32>
    %sub3A_230 = arith.subi %sub3A_229, %shift_right_arithmetic3A_227 : vector<16xi32>
    %bitcast3A_231 = vector.bitcast %sub3A_230 : vector<16xi32> to vector<16xf32>
    %mul3A_232 = arith.constant 5.000000e-01 : f32
    %mul3A_233 = vector.broadcast %mul3A_232 : f32 to vector<16xf32>
    %mul3A_234 = arith.mulf %mul3A_233, %add3A_223 : vector<16xf32>
    %mul3A_235 = arith.mulf %mul3A_234, %bitcast3A_231 : vector<16xf32>
    %mul3A_236 = arith.mulf %mul3A_235, %bitcast3A_231 : vector<16xf32>
    %sub3A_237 = arith.constant 1.500000e+00 : f32
    %sub3A_238 = vector.broadcast %sub3A_237 : f32 to vector<16xf32>
    %sub3A_239 = arith.subf %sub3A_238, %mul3A_236 : vector<16xf32>
    %mul3A_240 = arith.mulf %bitcast3A_231, %sub3A_239 : vector<16xf32>
    %mul3A_241 = arith.constant 5.000000e-01 : f32
    %mul3A_242 = vector.broadcast %mul3A_241 : f32 to vector<16xf32>
    %mul3A_243 = arith.mulf %mul3A_242, %add3A_223 : vector<16xf32>
    %mul3A_244 = arith.mulf %mul3A_243, %mul3A_240 : vector<16xf32>
    %mul3A_245 = arith.mulf %mul3A_244, %mul3A_240 : vector<16xf32>
    %sub3A_246 = arith.constant 1.500000e+00 : f32
    %sub3A_247 = vector.broadcast %sub3A_246 : f32 to vector<16xf32>
    %sub3A_248 = arith.subf %sub3A_247, %mul3A_245 : vector<16xf32>
    %mul3A_249 = arith.mulf %mul3A_240, %sub3A_248 : vector<16xf32>
    %swap3A_250 = arith.constant 16 : index
    %swap3A_251 = tpu.vector_load %arg22[%swap3A_250] {strides = array<i32>} : memref<640xf32, #tpu.memory_space<vmem>>, vector<16xf32>,
    tpu.vector_store %arg22[%swap3A_250], %mul3A_249 {strides = array<i32>} : memref<640xf32, #tpu.memory_space<vmem>>, vector<16xf32>,
    %get3A_252 = arith.constant 32 : index
    %get3A_253 = tpu.vector_load %arg21[%get3A_252] {strides = array<i32>} : memref<640xf32, #tpu.memory_space<vmem>>, vector<16xf32>,
    %add3A_254 = arith.constant 1.000000e+00 : f32
    %add3A_255 = vector.broadcast %add3A_254 : f32 to vector<16xf32>
    %add3A_256 = arith.addf %get3A_253, %add3A_255 : vector<16xf32>
    %bitcast3A_257 = vector.bitcast %add3A_256 : vector<16xf32> to vector<16xi32>
    %shift_right_arithmetic3A_258 = arith.constant 1 : i32
    %shift_right_arithmetic3A_259 = vector.broadcast %shift_right_arithmetic3A_258 : i32 to vector<16xi32>
    %shift_right_arithmetic3A_260 = arith.shrsi %bitcast3A_257, %shift_right_arithmetic3A_259 : vector<16xi32>
    %sub3A_261 = arith.constant 1597463007 : i32
    %sub3A_262 = vector.broadcast %sub3A_261 : i32 to vector<16xi32>
    %sub3A_263 = arith.subi %sub3A_262, %shift_right_arithmetic3A_260 : vector<16xi32>
    %bitcast3A_264 = vector.bitcast %sub3A_263 : vector<16xi32> to vector<16xf32>
    %mul3A_265 = arith.constant 5.000000e-01 : f32
    %mul3A_266 = vector.broadcast %mul3A_265 : f32 to vector<16xf32>
    %mul3A_267 = arith.mulf %mul3A_266, %add3A_256 : vector<16xf32>
    %mul3A_268 = arith.mulf %mul3A_267, %bitcast3A_264 : vector<16xf32>
    %mul3A_269 = arith.mulf %mul3A_268, %bitcast3A_264 : vector<16xf32>
    %sub3A_270 = arith.constant 1.500000e+00 : f32
    %sub3A_271 = vector.broadcast %sub3A_270 : f32 to vector<16xf32>
    %sub3A_272 = arith.subf %sub3A_271, %mul3A_269 : vector<16xf32>
    %mul3A_273 = arith.mulf %bitcast3A_264, %sub3A_272 : vector<16xf32>
    %mul3A_274 = arith.constant 5.000000e-01 : f32
    %mul3A_275 = vector.broadcast %mul3A_274 : f32 to vector<16xf32>
    %mul3A_276 = arith.mulf %mul3A_275, %add3A_256 : vector<16xf32>
    %mul3A_277 = arith.mulf %mul3A_276, %mul3A_273 : vector<16xf32>
    %mul3A_278 = arith.mulf %mul3A_277, %mul3A_273 : vector<16xf32>
    %sub3A_279 = arith.constant 1.500000e+00 : f32
    %sub3A_280 = vector.broadcast %sub3A_279 : f32 to vector<16xf32>
    %sub3A_281 = arith.subf %sub3A_280, %mul3A_278 : vector<16xf32>
    %mul3A_282 = arith.mulf %mul3A_273, %sub3A_281 : vector<16xf32>
    %swap3A_283 = arith.constant 32 : index
    %swap3A_284 = tpu.vector_load %arg22[%swap3A_283] {strides = array<i32>} : memref<640xf32, #tpu.memory_space<vmem>>, vector<16xf32>,
    tpu.vector_store %arg22[%swap3A_283], %mul3A_282 {strides = array<i32>} : memref<640xf32, #tpu.memory_space<vmem>>, vector<16xf32>,
    %get3A_285 = arith.constant 48 : index
    %get3A_286 = tpu.vector_load %arg21[%get3A_285] {strides = array<i32>} : memref<640xf32, #tpu.memory_space<vmem>>, vector<16xf32>,
    %add3A_287 = arith.constant 1.000000e+00 : f32
    %add3A_288 = vector.broadcast %add3A_287 : f32 to vector<16xf32>
    %add3A_289 = arith.addf %get3A_286, %add3A_288 : vector<16xf32>
    %bitcast3A_290 = vector.bitcast %add3A_289 : vector<16xf32> to vector<16xi32>
    %shift_right_arithmetic3A_291 = arith.constant 1 : i32
    %shift_right_arithmetic3A_292 = vector.broadcast %shift_right_arithmetic3A_291 : i32 to vector<16xi32>
    %shift_right_arithmetic3A_293 = arith.shrsi %bitcast3A_290, %shift_right_arithmetic3A_292 : vector<16xi32>
    %sub3A_294 = arith.constant 1597463007 : i32
    %sub3A_295 = vector.broadcast %sub3A_294 : i32 to vector<16xi32>
    %sub3A_296 = arith.subi %sub3A_295, %shift_right_arithmetic3A_293 : vector<16xi32>
    %bitcast3A_297 = vector.bitcast %sub3A_296 : vector<16xi32> to vector<16xf32>
    %mul3A_298 = arith.constant 5.000000e-01 : f32
    %mul3A_299 = vector.broadcast %mul3A_298 : f32 to vector<16xf32>
    %mul3A_300 = arith.mulf %mul3A_299, %add3A_289 : vector<16xf32>
    %mul3A_301 = arith.mulf %mul3A_300, %bitcast3A_297 : vector<16xf32>
    %mul3A_302 = arith.mulf %mul3A_301, %bitcast3A_297 : vector<16xf32>
    %sub3A_303 = arith.constant 1.500000e+00 : f32
    %sub3A_304 = vector.broadcast %sub3A_303 : f32 to vector<16xf32>
    %sub3A_305 = arith.subf %sub3A_304, %mul3A_302 : vector<16xf32>
    %mul3A_306 = arith.mulf %bitcast3A_297, %sub3A_305 : vector<16xf32>
    %mul3A_307 = arith.constant 5.000000e-01 : f32
    %mul3A_308 = vector.broadcast %mul3A_307 : f32 to vector<16xf32>
    %mul3A_309 = arith.mulf %mul3A_308, %add3A_289 : vector<16xf32>
    %mul3A_310 = arith.mulf %mul3A_309, %mul3A_306 : vector<16xf32>
    %mul3A_311 = arith.mulf %mul3A_310, %mul3A_306 : vector<16xf32>
    %sub3A_312 = arith.constant 1.500000e+00 : f32
    %sub3A_313 = vector.broadcast %sub3A_312 : f32 to vector<16xf32>
    %sub3A_314 = arith.subf %sub3A_313, %mul3A_311 : vector<16xf32>
    %mul3A_315 = arith.mulf %mul3A_306, %sub3A_314 : vector<16xf32>
    %swap3A_316 = arith.constant 48 : index
    %swap3A_317 = tpu.vector_load %arg22[%swap3A_316] {strides = array<i32>} : memref<640xf32, #tpu.memory_space<vmem>>, vector<16xf32>,
    tpu.vector_store %arg22[%swap3A_316], %mul3A_315 {strides = array<i32>} : memref<640xf32, #tpu.memory_space<vmem>>, vector<16xf32>,
    %get3A_318 = arith.constant 64 : index
    %get3A_319 = tpu.vector_load %arg21[%get3A_318] {strides = array<i32>} : memref<640xf32, #tpu.memory_space<vmem>>, vector<16xf32>,
    %add3A_320 = arith.constant 1.000000e+00 : f32
    %add3A_321 = vector.broadcast %add3A_320 : f32 to vector<16xf32>
    %add3A_322 = arith.addf %get3A_319, %add3A_321 : vector<16xf32>
    %bitcast3A_323 = vector.bitcast %add3A_322 : vector<16xf32> to vector<16xi32>
    %shift_right_arithmetic3A_324 = arith.constant 1 : i32
    %shift_right_arithmetic3A_325 = vector.broadcast %shift_right_arithmetic3A_324 : i32 to vector<16xi32>
    %shift_right_arithmetic3A_326 = arith.shrsi %bitcast3A_323, %shift_right_arithmetic3A_325 : vector<16xi32>
    %sub3A_327 = arith.constant 1597463007 : i32
    %sub3A_328 = vector.broadcast %sub3A_327 : i32 to vector<16xi32>
    %sub3A_329 = arith.subi %sub3A_328, %shift_right_arithmetic3A_326 : vector<16xi32>
    %bitcast3A_330 = vector.bitcast %sub3A_329 : vector<16xi32> to vector<16xf32>
    %mul3A_331 = arith.constant 5.000000e-01 : f32
    %mul3A_332 = vector.broadcast %mul3A_331 : f32 to vector<16xf32>
    %mul3A_333 = arith.mulf %mul3A_332, %add3A_322 : vector<16xf32>
    %mul3A_334 = arith.mulf %mul3A_333, %bitcast3A_330 : vector<16xf32>
    %mul3A_335 = arith.mulf %mul3A_334, %bitcast3A_330 : vector<16xf32>
    %sub3A_336 = arith.constant 1.500000e+00 : f32
    %sub3A_337 = vector.broadcast %sub3A_336 : f32 to vector<16xf32>
    %sub3A_338 = arith.subf %sub3A_337, %mul3A_335 : vector<16xf32>
    %mul3A_339 = arith.mulf %bitcast3A_330, %sub3A_338 : vector<16xf32>
    %mul3A_340 = arith.constant 5.000000e-01 : f32
    %mul3A_341 = vector.broadcast %mul3A_340 : f32 to vector<16xf32>
    %mul3A_342 = arith.mulf %mul3A_341, %add3A_322 : vector<16xf32>
    %mul3A_343 = arith.mulf %mul3A_342, %mul3A_339 : vector<16xf32>
    %mul3A_344 = arith.mulf %mul3A_343, %mul3A_339 : vector<16xf32>
    %sub3A_345 = arith.constant 1.500000e+00 : f32
    %sub3A_346 = vector.broadcast %sub3A_345 : f32 to vector<16xf32>
    %sub3A_347 = arith.subf %sub3A_346, %mul3A_344 : vector<16xf32>
    %mul3A_348 = arith.mulf %mul3A_339, %sub3A_347 : vector<16xf32>
    %swap3A_349 = arith.constant 64 : index
    %swap3A_350 = tpu.vector_load %arg22[%swap3A_349] {strides = array<i32>} : memref<640xf32, #tpu.memory_space<vmem>>, vector<16xf32>,
    tpu.vector_store %arg22[%swap3A_349], %mul3A_348 {strides = array<i32>} : memref<640xf32, #tpu.memory_space<vmem>>, vector<16xf32>,
    %get3A_351 = arith.constant 80 : index
    %get3A_352 = tpu.vector_load %arg21[%get3A_351] {strides = array<i32>} : memref<640xf32, #tpu.memory_space<vmem>>, vector<16xf32>,
    %add3A_353 = arith.constant 1.000000e+00 : f32
    %add3A_354 = vector.broadcast %add3A_353 : f32 to vector<16xf32>
    %add3A_355 = arith.addf %get3A_352, %add3A_354 : vector<16xf32>
    %bitcast3A_356 = vector.bitcast %add3A_355 : vector<16xf32> to vector<16xi32>
    %shift_right_arithmetic3A_357 = arith.constant 1 : i32
    %shift_right_arithmetic3A_358 = vector.broadcast %shift_right_arithmetic3A_357 : i32 to vector<16xi32>
    %shift_right_arithmetic3A_359 = arith.shrsi %bitcast3A_356, %shift_right_arithmetic3A_358 : vector<16xi32>
    %sub3A_360 = arith.constant 1597463007 : i32
    %sub3A_361 = vector.broadcast %sub3A_360 : i32 to vector<16xi32>
    %sub3A_362 = arith.subi %sub3A_361, %shift_right_arithmetic3A_359 : vector<16xi32>
    %bitcast3A_363 = vector.bitcast %sub3A_362 : vector<16xi32> to vector<16xf32>
    %mul3A_364 = arith.constant 5.000000e-01 : f32
    %mul3A_365 = vector.broadcast %mul3A_364 : f32 to vector<16xf32>
    %mul3A_366 = arith.mulf %mul3A_365, %add3A_355 : vector<16xf32>
    %mul3A_367 = arith.mulf %mul3A_366, %bitcast3A_363 : vector<16xf32>
    %mul3A_368 = arith.mulf %mul3A_367, %bitcast3A_363 : vector<16xf32>
    %sub3A_369 = arith.constant 1.500000e+00 : f32
    %sub3A_370 = vector.broadcast %sub3A_369 : f32 to vector<16xf32>
    %sub3A_371 = arith.subf %sub3A_370, %mul3A_368 : vector<16xf32>
    %mul3A_372 = arith.mulf %bitcast3A_363, %sub3A_371 : vector<16xf32>
    %mul3A_373 = arith.constant 5.000000e-01 : f32
    %mul3A_374 = vector.broadcast %mul3A_373 : f32 to vector<16xf32>
    %mul3A_375 = arith.mulf %mul3A_374, %add3A_355 : vector<16xf32>
    %mul3A_376 = arith.mulf %mul3A_375, %mul3A_372 : vector<16xf32>
    %mul3A_377 = arith.mulf %mul3A_376, %mul3A_372 : vector<16xf32>
    %sub3A_378 = arith.constant 1.500000e+00 : f32
    %sub3A_379 = vector.broadcast %sub3A_378 : f32 to vector<16xf32>
    %sub3A_380 = arith.subf %sub3A_379, %mul3A_377 : vector<16xf32>
    %mul3A_381 = arith.mulf %mul3A_372, %sub3A_380 : vector<16xf32>
    %swap3A_382 = arith.constant 80 : index
    %swap3A_383 = tpu.vector_load %arg22[%swap3A_382] {strides = array<i32>} : memref<640xf32, #tpu.memory_space<vmem>>, vector<16xf32>,
    tpu.vector_store %arg22[%swap3A_382], %mul3A_381 {strides = array<i32>} : memref<640xf32, #tpu.memory_space<vmem>>, vector<16xf32>,
    %get3A_384 = arith.constant 96 : index
    %get3A_385 = tpu.vector_load %arg21[%get3A_384] {strides = array<i32>} : memref<640xf32, #tpu.memory_space<vmem>>, vector<16xf32>,
    %add3A_386 = arith.constant 1.000000e+00 : f32
    %add3A_387 = vector.broadcast %add3A_386 : f32 to vector<16xf32>
    %add3A_388 = arith.addf %get3A_385, %add3A_387 : vector<16xf32>
    %bitcast3A_389 = vector.bitcast %add3A_388 : vector<16xf32> to vector<16xi32>
    %shift_right_arithmetic3A_390 = arith.constant 1 : i32
    %shift_right_arithmetic3A_391 = vector.broadcast %shift_right_arithmetic3A_390 : i32 to vector<16xi32>
    %shift_right_arithmetic3A_392 = arith.shrsi %bitcast3A_389, %shift_right_arithmetic3A_391 : vector<16xi32>
    %sub3A_393 = arith.constant 1597463007 : i32
    %sub3A_394 = vector.broadcast %sub3A_393 : i32 to vector<16xi32>
    %sub3A_395 = arith.subi %sub3A_394, %shift_right_arithmetic3A_392 : vector<16xi32>
    %bitcast3A_396 = vector.bitcast %sub3A_395 : vector<16xi32> to vector<16xf32>
    %mul3A_397 = arith.constant 5.000000e-01 : f32
    %mul3A_398 = vector.broadcast %mul3A_397 : f32 to vector<16xf32>
    %mul3A_399 = arith.mulf %mul3A_398, %add3A_388 : vector<16xf32>
    %mul3A_400 = arith.mulf %mul3A_399, %bitcast3A_396 : vector<16xf32>
    %mul3A_401 = arith.mulf %mul3A_400, %bitcast3A_396 : vector<16xf32>
    %sub3A_402 = arith.constant 1.500000e+00 : f32
    %sub3A_403 = vector.broadcast %sub3A_402 : f32 to vector<16xf32>
    %sub3A_404 = arith.subf %sub3A_403, %mul3A_401 : vector<16xf32>
    %mul3A_405 = arith.mulf %bitcast3A_396, %sub3A_404 : vector<16xf32>
    %mul3A_406 = arith.constant 5.000000e-01 : f32
    %mul3A_407 = vector.broadcast %mul3A_406 : f32 to vector<16xf32>
    %mul3A_408 = arith.mulf %mul3A_407, %add3A_388 : vector<16xf32>
    %mul3A_409 = arith.mulf %mul3A_408, %mul3A_405 : vector<16xf32>
    %mul3A_410 = arith.mulf %mul3A_409, %mul3A_405 : vector<16xf32>
    %sub3A_411 = arith.constant 1.500000e+00 : f32
    %sub3A_412 = vector.broadcast %sub3A_411 : f32 to vector<16xf32>
    %sub3A_413 = arith.subf %sub3A_412, %mul3A_410 : vector<16xf32>
    %mul3A_414 = arith.mulf %mul3A_405, %sub3A_413 : vector<16xf32>
    %swap3A_415 = arith.constant 96 : index
    %swap3A_416 = tpu.vector_load %arg22[%swap3A_415] {strides = array<i32>} : memref<640xf32, #tpu.memory_space<vmem>>, vector<16xf32>,
    tpu.vector_store %arg22[%swap3A_415], %mul3A_414 {strides = array<i32>} : memref<640xf32, #tpu.memory_space<vmem>>, vector<16xf32>,
    %get3A_417 = arith.constant 112 : index
    %get3A_418 = tpu.vector_load %arg21[%get3A_417] {strides = array<i32>} : memref<640xf32, #tpu.memory_space<vmem>>, vector<16xf32>,
    %add3A_419 = arith.constant 1.000000e+00 : f32
    %add3A_420 = vector.broadcast %add3A_419 : f32 to vector<16xf32>
    %add3A_421 = arith.addf %get3A_418, %add3A_420 : vector<16xf32>
    %bitcast3A_422 = vector.bitcast %add3A_421 : vector<16xf32> to vector<16xi32>
    %shift_right_arithmetic3A_423 = arith.constant 1 : i32
    %shift_right_arithmetic3A_424 = vector.broadcast %shift_right_arithmetic3A_423 : i32 to vector<16xi32>
    %shift_right_arithmetic3A_425 = arith.shrsi %bitcast3A_422, %shift_right_arithmetic3A_424 : vector<16xi32>
    %sub3A_426 = arith.constant 1597463007 : i32
    %sub3A_427 = vector.broadcast %sub3A_426 : i32 to vector<16xi32>
    %sub3A_428 = arith.subi %sub3A_427, %shift_right_arithmetic3A_425 : vector<16xi32>
    %bitcast3A_429 = vector.bitcast %sub3A_428 : vector<16xi32> to vector<16xf32>
    %mul3A_430 = arith.constant 5.000000e-01 : f32
    %mul3A_431 = vector.broadcast %mul3A_430 : f32 to vector<16xf32>
    %mul3A_432 = arith.mulf %mul3A_431, %add3A_421 : vector<16xf32>
    %mul3A_433 = arith.mulf %mul3A_432, %bitcast3A_429 : vector<16xf32>
    %mul3A_434 = arith.mulf %mul3A_433, %bitcast3A_429 : vector<16xf32>
    %sub3A_435 = arith.constant 1.500000e+00 : f32
    %sub3A_436 = vector.broadcast %sub3A_435 : f32 to vector<16xf32>
    %sub3A_437 = arith.subf %sub3A_436, %mul3A_434 : vector<16xf32>
    %mul3A_438 = arith.mulf %bitcast3A_429, %sub3A_437 : vector<16xf32>
    %mul3A_439 = arith.constant 5.000000e-01 : f32
    %mul3A_440 = vector.broadcast %mul3A_439 : f32 to vector<16xf32>
    %mul3A_441 = arith.mulf %mul3A_440, %add3A_421 : vector<16xf32>
    %mul3A_442 = arith.mulf %mul3A_441, %mul3A_438 : vector<16xf32>
    %mul3A_443 = arith.mulf %mul3A_442, %mul3A_438 : vector<16xf32>
    %sub3A_444 = arith.constant 1.500000e+00 : f32
    %sub3A_445 = vector.broadcast %sub3A_444 : f32 to vector<16xf32>
    %sub3A_446 = arith.subf %sub3A_445, %mul3A_443 : vector<16xf32>
    %mul3A_447 = arith.mulf %mul3A_438, %sub3A_446 : vector<16xf32>
    %swap3A_448 = arith.constant 112 : index
    %swap3A_449 = tpu.vector_load %arg22[%swap3A_448] {strides = array<i32>} : memref<640xf32, #tpu.memory_space<vmem>>, vector<16xf32>,
    tpu.vector_store %arg22[%swap3A_448], %mul3A_447 {strides = array<i32>} : memref<640xf32, #tpu.memory_space<vmem>>, vector<16xf32>,
    %get3A_450 = arith.constant 128 : index
    %get3A_451 = tpu.vector_load %arg21[%get3A_450] {strides = array<i32>} : memref<640xf32, #tpu.memory_space<vmem>>, vector<16xf32>,
    %add3A_452 = arith.constant 1.000000e+00 : f32
    %add3A_453 = vector.broadcast %add3A_452 : f32 to vector<16xf32>
    %add3A_454 = arith.addf %get3A_451, %add3A_453 : vector<16xf32>
    %bitcast3A_455 = vector.bitcast %add3A_454 : vector<16xf32> to vector<16xi32>
    %shift_right_arithmetic3A_456 = arith.constant 1 : i32
    %shift_right_arithmetic3A_457 = vector.broadcast %shift_right_arithmetic3A_456 : i32 to vector<16xi32>
    %shift_right_arithmetic3A_458 = arith.shrsi %bitcast3A_455, %shift_right_arithmetic3A_457 : vector<16xi32>
    %sub3A_459 = arith.constant 1597463007 : i32
    %sub3A_460 = vector.broadcast %sub3A_459 : i32 to vector<16xi32>
    %sub3A_461 = arith.subi %sub3A_460, %shift_right_arithmetic3A_458 : vector<16xi32>
    %bitcast3A_462 = vector.bitcast %sub3A_461 : vector<16xi32> to vector<16xf32>
    %mul3A_463 = arith.constant 5.000000e-01 : f32
    %mul3A_464 = vector.broadcast %mul3A_463 : f32 to vector<16xf32>
    %mul3A_465 = arith.mulf %mul3A_464, %add3A_454 : vector<16xf32>
    %mul3A_466 = arith.mulf %mul3A_465, %bitcast3A_462 : vector<16xf32>
    %mul3A_467 = arith.mulf %mul3A_466, %bitcast3A_462 : vector<16xf32>
    %sub3A_468 = arith.constant 1.500000e+00 : f32
    %sub3A_469 = vector.broadcast %sub3A_468 : f32 to vector<16xf32>
    %sub3A_470 = arith.subf %sub3A_469, %mul3A_467 : vector<16xf32>
    %mul3A_471 = arith.mulf %bitcast3A_462, %sub3A_470 : vector<16xf32>
    %mul3A_472 = arith.constant 5.000000e-01 : f32
    %mul3A_473 = vector.broadcast %mul3A_472 : f32 to vector<16xf32>
    %mul3A_474 = arith.mulf %mul3A_473, %add3A_454 : vector<16xf32>
    %mul3A_475 = arith.mulf %mul3A_474, %mul3A_471 : vector<16xf32>
    %mul3A_476 = arith.mulf %mul3A_475, %mul3A_471 : vector<16xf32>
    %sub3A_477 = arith.constant 1.500000e+00 : f32
    %sub3A_478 = vector.broadcast %sub3A_477 : f32 to vector<16xf32>
    %sub3A_479 = arith.subf %sub3A_478, %mul3A_476 : vector<16xf32>
    %mul3A_480 = arith.mulf %mul3A_471, %sub3A_479 : vector<16xf32>
    %swap3A_481 = arith.constant 128 : index
    %swap3A_482 = tpu.vector_load %arg22[%swap3A_481] {strides = array<i32>} : memref<640xf32, #tpu.memory_space<vmem>>, vector<16xf32>,
    tpu.vector_store %arg22[%swap3A_481], %mul3A_480 {strides = array<i32>} : memref<640xf32, #tpu.memory_space<vmem>>, vector<16xf32>,
    %get3A_483 = arith.constant 144 : index
    %get3A_484 = tpu.vector_load %arg21[%get3A_483] {strides = array<i32>} : memref<640xf32, #tpu.memory_space<vmem>>, vector<16xf32>,
    %add3A_485 = arith.constant 1.000000e+00 : f32
    %add3A_486 = vector.broadcast %add3A_485 : f32 to vector<16xf32>
    %add3A_487 = arith.addf %get3A_484, %add3A_486 : vector<16xf32>
    %bitcast3A_488 = vector.bitcast %add3A_487 : vector<16xf32> to vector<16xi32>
    %shift_right_arithmetic3A_489 = arith.constant 1 : i32
    %shift_right_arithmetic3A_490 = vector.broadcast %shift_right_arithmetic3A_489 : i32 to vector<16xi32>
    %shift_right_arithmetic3A_491 = arith.shrsi %bitcast3A_488, %shift_right_arithmetic3A_490 : vector<16xi32>
    %sub3A_492 = arith.constant 1597463007 : i32
    %sub3A_493 = vector.broadcast %sub3A_492 : i32 to vector<16xi32>
    %sub3A_494 = arith.subi %sub3A_493, %shift_right_arithmetic3A_491 : vector<16xi32>
    %bitcast3A_495 = vector.bitcast %sub3A_494 : vector<16xi32> to vector<16xf32>
    %mul3A_496 = arith.constant 5.000000e-01 : f32
    %mul3A_497 = vector.broadcast %mul3A_496 : f32 to vector<16xf32>
    %mul3A_498 = arith.mulf %mul3A_497, %add3A_487 : vector<16xf32>
    %mul3A_499 = arith.mulf %mul3A_498, %bitcast3A_495 : vector<16xf32>
    %mul3A_500 = arith.mulf %mul3A_499, %bitcast3A_495 : vector<16xf32>
    %sub3A_501 = arith.constant 1.500000e+00 : f32
    %sub3A_502 = vector.broadcast %sub3A_501 : f32 to vector<16xf32>
    %sub3A_503 = arith.subf %sub3A_502, %mul3A_500 : vector<16xf32>
    %mul3A_504 = arith.mulf %bitcast3A_495, %sub3A_503 : vector<16xf32>
    %mul3A_505 = arith.constant 5.000000e-01 : f32
    %mul3A_506 = vector.broadcast %mul3A_505 : f32 to vector<16xf32>
    %mul3A_507 = arith.mulf %mul3A_506, %add3A_487 : vector<16xf32>
    %mul3A_508 = arith.mulf %mul3A_507, %mul3A_504 : vector<16xf32>
    %mul3A_509 = arith.mulf %mul3A_508, %mul3A_504 : vector<16xf32>
    %sub3A_510 = arith.constant 1.500000e+00 : f32
    %sub3A_511 = vector.broadcast %sub3A_510 : f32 to vector<16xf32>
    %sub3A_512 = arith.subf %sub3A_511, %mul3A_509 : vector<16xf32>
    %mul3A_513 = arith.mulf %mul3A_504, %sub3A_512 : vector<16xf32>
    %swap3A_514 = arith.constant 144 : index
    %swap3A_515 = tpu.vector_load %arg22[%swap3A_514] {strides = array<i32>} : memref<640xf32, #tpu.memory_space<vmem>>, vector<16xf32>,
    tpu.vector_store %arg22[%swap3A_514], %mul3A_513 {strides = array<i32>} : memref<640xf32, #tpu.memory_space<vmem>>, vector<16xf32>,
    %get3A_516 = arith.constant 160 : index
    %get3A_517 = tpu.vector_load %arg21[%get3A_516] {strides = array<i32>} : memref<640xf32, #tpu.memory_space<vmem>>, vector<16xf32>,
    %add3A_518 = arith.constant 1.000000e+00 : f32
    %add3A_519 = vector.broadcast %add3A_518 : f32 to vector<16xf32>
    %add3A_520 = arith.addf %get3A_517, %add3A_519 : vector<16xf32>
    %bitcast3A_521 = vector.bitcast %add3A_520 : vector<16xf32> to vector<16xi32>
    %shift_right_arithmetic3A_522 = arith.constant 1 : i32
    %shift_right_arithmetic3A_523 = vector.broadcast %shift_right_arithmetic3A_522 : i32 to vector<16xi32>
    %shift_right_arithmetic3A_524 = arith.shrsi %bitcast3A_521, %shift_right_arithmetic3A_523 : vector<16xi32>
    %sub3A_525 = arith.constant 1597463007 : i32
    %sub3A_526 = vector.broadcast %sub3A_525 : i32 to vector<16xi32>
    %sub3A_527 = arith.subi %sub3A_526, %shift_right_arithmetic3A_524 : vector<16xi32>
    %bitcast3A_528 = vector.bitcast %sub3A_527 : vector<16xi32> to vector<16xf32>
    %mul3A_529 = arith.constant 5.000000e-01 : f32
    %mul3A_530 = vector.broadcast %mul3A_529 : f32 to vector<16xf32>
    %mul3A_531 = arith.mulf %mul3A_530, %add3A_520 : vector<16xf32>
    %mul3A_532 = arith.mulf %mul3A_531, %bitcast3A_528 : vector<16xf32>
    %mul3A_533 = arith.mulf %mul3A_532, %bitcast3A_528 : vector<16xf32>
    %sub3A_534 = arith.constant 1.500000e+00 : f32
    %sub3A_535 = vector.broadcast %sub3A_534 : f32 to vector<16xf32>
    %sub3A_536 = arith.subf %sub3A_535, %mul3A_533 : vector<16xf32>
    %mul3A_537 = arith.mulf %bitcast3A_528, %sub3A_536 : vector<16xf32>
    %mul3A_538 = arith.constant 5.000000e-01 : f32
    %mul3A_539 = vector.broadcast %mul3A_538 : f32 to vector<16xf32>
    %mul3A_540 = arith.mulf %mul3A_539, %add3A_520 : vector<16xf32>
    %mul3A_541 = arith.mulf %mul3A_540, %mul3A_537 : vector<16xf32>
    %mul3A_542 = arith.mulf %mul3A_541, %mul3A_537 : vector<16xf32>
    %sub3A_543 = arith.constant 1.500000e+00 : f32
    %sub3A_544 = vector.broadcast %sub3A_543 : f32 to vector<16xf32>
    %sub3A_545 = arith.subf %sub3A_544, %mul3A_542 : vector<16xf32>
    %mul3A_546 = arith.mulf %mul3A_537, %sub3A_545 : vector<16xf32>
    %swap3A_547 = arith.constant 160 : index
    %swap3A_548 = tpu.vector_load %arg22[%swap3A_547] {strides = array<i32>} : memref<640xf32, #tpu.memory_space<vmem>>, vector<16xf32>,
    tpu.vector_store %arg22[%swap3A_547], %mul3A_546 {strides = array<i32>} : memref<640xf32, #tpu.memory_space<vmem>>, vector<16xf32>,
    %get3A_549 = arith.constant 176 : index
    %get3A_550 = tpu.vector_load %arg21[%get3A_549] {strides = array<i32>} : memref<640xf32, #tpu.memory_space<vmem>>, vector<16xf32>,
    %add3A_551 = arith.constant 1.000000e+00 : f32
    %add3A_552 = vector.broadcast %add3A_551 : f32 to vector<16xf32>
    %add3A_553 = arith.addf %get3A_550, %add3A_552 : vector<16xf32>
    %bitcast3A_554 = vector.bitcast %add3A_553 : vector<16xf32> to vector<16xi32>
    %shift_right_arithmetic3A_555 = arith.constant 1 : i32
    %shift_right_arithmetic3A_556 = vector.broadcast %shift_right_arithmetic3A_555 : i32 to vector<16xi32>
    %shift_right_arithmetic3A_557 = arith.shrsi %bitcast3A_554, %shift_right_arithmetic3A_556 : vector<16xi32>
    %sub3A_558 = arith.constant 1597463007 : i32
    %sub3A_559 = vector.broadcast %sub3A_558 : i32 to vector<16xi32>
    %sub3A_560 = arith.subi %sub3A_559, %shift_right_arithmetic3A_557 : vector<16xi32>
    %bitcast3A_561 = vector.bitcast %sub3A_560 : vector<16xi32> to vector<16xf32>
    %mul3A_562 = arith.constant 5.000000e-01 : f32
    %mul3A_563 = vector.broadcast %mul3A_562 : f32 to vector<16xf32>
    %mul3A_564 = arith.mulf %mul3A_563, %add3A_553 : vector<16xf32>
    %mul3A_565 = arith.mulf %mul3A_564, %bitcast3A_561 : vector<16xf32>
    %mul3A_566 = arith.mulf %mul3A_565, %bitcast3A_561 : vector<16xf32>
    %sub3A_567 = arith.constant 1.500000e+00 : f32
    %sub3A_568 = vector.broadcast %sub3A_567 : f32 to vector<16xf32>
    %sub3A_569 = arith.subf %sub3A_568, %mul3A_566 : vector<16xf32>
    %mul3A_570 = arith.mulf %bitcast3A_561, %sub3A_569 : vector<16xf32>
    %mul3A_571 = arith.constant 5.000000e-01 : f32
    %mul3A_572 = vector.broadcast %mul3A_571 : f32 to vector<16xf32>
    %mul3A_573 = arith.mulf %mul3A_572, %add3A_553 : vector<16xf32>
    %mul3A_574 = arith.mulf %mul3A_573, %mul3A_570 : vector<16xf32>
    %mul3A_575 = arith.mulf %mul3A_574, %mul3A_570 : vector<16xf32>
    %sub3A_576 = arith.constant 1.500000e+00 : f32
    %sub3A_577 = vector.broadcast %sub3A_576 : f32 to vector<16xf32>
    %sub3A_578 = arith.subf %sub3A_577, %mul3A_575 : vector<16xf32>
    %mul3A_579 = arith.mulf %mul3A_570, %sub3A_578 : vector<16xf32>
    %swap3A_580 = arith.constant 176 : index
    %swap3A_581 = tpu.vector_load %arg22[%swap3A_580] {strides = array<i32>} : memref<640xf32, #tpu.memory_space<vmem>>, vector<16xf32>,
    tpu.vector_store %arg22[%swap3A_580], %mul3A_579 {strides = array<i32>} : memref<640xf32, #tpu.memory_space<vmem>>, vector<16xf32>,
    %get3A_582 = arith.constant 192 : index
    %get3A_583 = tpu.vector_load %arg21[%get3A_582] {strides = array<i32>} : memref<640xf32, #tpu.memory_space<vmem>>, vector<16xf32>,
    %add3A_584 = arith.constant 1.000000e+00 : f32
    %add3A_585 = vector.broadcast %add3A_584 : f32 to vector<16xf32>
    %add3A_586 = arith.addf %get3A_583, %add3A_585 : vector<16xf32>
    %bitcast3A_587 = vector.bitcast %add3A_586 : vector<16xf32> to vector<16xi32>
    %shift_right_arithmetic3A_588 = arith.constant 1 : i32
    %shift_right_arithmetic3A_589 = vector.broadcast %shift_right_arithmetic3A_588 : i32 to vector<16xi32>
    %shift_right_arithmetic3A_590 = arith.shrsi %bitcast3A_587, %shift_right_arithmetic3A_589 : vector<16xi32>
    %sub3A_591 = arith.constant 1597463007 : i32
    %sub3A_592 = vector.broadcast %sub3A_591 : i32 to vector<16xi32>
    %sub3A_593 = arith.subi %sub3A_592, %shift_right_arithmetic3A_590 : vector<16xi32>
    %bitcast3A_594 = vector.bitcast %sub3A_593 : vector<16xi32> to vector<16xf32>
    %mul3A_595 = arith.constant 5.000000e-01 : f32
    %mul3A_596 = vector.broadcast %mul3A_595 : f32 to vector<16xf32>
    %mul3A_597 = arith.mulf %mul3A_596, %add3A_586 : vector<16xf32>
    %mul3A_598 = arith.mulf %mul3A_597, %bitcast3A_594 : vector<16xf32>
    %mul3A_599 = arith.mulf %mul3A_598, %bitcast3A_594 : vector<16xf32>
    %sub3A_600 = arith.constant 1.500000e+00 : f32
    %sub3A_601 = vector.broadcast %sub3A_600 : f32 to vector<16xf32>
    %sub3A_602 = arith.subf %sub3A_601, %mul3A_599 : vector<16xf32>
    %mul3A_603 = arith.mulf %bitcast3A_594, %sub3A_602 : vector<16xf32>
    %mul3A_604 = arith.constant 5.000000e-01 : f32
    %mul3A_605 = vector.broadcast %mul3A_604 : f32 to vector<16xf32>
    %mul3A_606 = arith.mulf %mul3A_605, %add3A_586 : vector<16xf32>
    %mul3A_607 = arith.mulf %mul3A_606, %mul3A_603 : vector<16xf32>
    %mul3A_608 = arith.mulf %mul3A_607, %mul3A_603 : vector<16xf32>
    %sub3A_609 = arith.constant 1.500000e+00 : f32
    %sub3A_610 = vector.broadcast %sub3A_609 : f32 to vector<16xf32>
    %sub3A_611 = arith.subf %sub3A_610, %mul3A_608 : vector<16xf32>
    %mul3A_612 = arith.mulf %mul3A_603, %sub3A_611 : vector<16xf32>
    %swap3A_613 = arith.constant 192 : index
    %swap3A_614 = tpu.vector_load %arg22[%swap3A_613] {strides = array<i32>} : memref<640xf32, #tpu.memory_space<vmem>>, vector<16xf32>,
    tpu.vector_store %arg22[%swap3A_613], %mul3A_612 {strides = array<i32>} : memref<640xf32, #tpu.memory_space<vmem>>, vector<16xf32>,
    %get3A_615 = arith.constant 208 : index
    %get3A_616 = tpu.vector_load %arg21[%get3A_615] {strides = array<i32>} : memref<640xf32, #tpu.memory_space<vmem>>, vector<16xf32>,
    %add3A_617 = arith.constant 1.000000e+00 : f32
    %add3A_618 = vector.broadcast %add3A_617 : f32 to vector<16xf32>
    %add3A_619 = arith.addf %get3A_616, %add3A_618 : vector<16xf32>
    %bitcast3A_620 = vector.bitcast %add3A_619 : vector<16xf32> to vector<16xi32>
    %shift_right_arithmetic3A_621 = arith.constant 1 : i32
    %shift_right_arithmetic3A_622 = vector.broadcast %shift_right_arithmetic3A_621 : i32 to vector<16xi32>
    %shift_right_arithmetic3A_623 = arith.shrsi %bitcast3A_620, %shift_right_arithmetic3A_622 : vector<16xi32>
    %sub3A_624 = arith.constant 1597463007 : i32
    %sub3A_625 = vector.broadcast %sub3A_624 : i32 to vector<16xi32>
    %sub3A_626 = arith.subi %sub3A_625, %shift_right_arithmetic3A_623 : vector<16xi32>
    %bitcast3A_627 = vector.bitcast %sub3A_626 : vector<16xi32> to vector<16xf32>
    %mul3A_628 = arith.constant 5.000000e-01 : f32
    %mul3A_629 = vector.broadcast %mul3A_628 : f32 to vector<16xf32>
    %mul3A_630 = arith.mulf %mul3A_629, %add3A_619 : vector<16xf32>
    %mul3A_631 = arith.mulf %mul3A_630, %bitcast3A_627 : vector<16xf32>
    %mul3A_632 = arith.mulf %mul3A_631, %bitcast3A_627 : vector<16xf32>
    %sub3A_633 = arith.constant 1.500000e+00 : f32
    %sub3A_634 = vector.broadcast %sub3A_633 : f32 to vector<16xf32>
    %sub3A_635 = arith.subf %sub3A_634, %mul3A_632 : vector<16xf32>
    %mul3A_636 = arith.mulf %bitcast3A_627, %sub3A_635 : vector<16xf32>
    %mul3A_637 = arith.constant 5.000000e-01 : f32
    %mul3A_638 = vector.broadcast %mul3A_637 : f32 to vector<16xf32>
    %mul3A_639 = arith.mulf %mul3A_638, %add3A_619 : vector<16xf32>
    %mul3A_640 = arith.mulf %mul3A_639, %mul3A_636 : vector<16xf32>
    %mul3A_641 = arith.mulf %mul3A_640, %mul3A_636 : vector<16xf32>
    %sub3A_642 = arith.constant 1.500000e+00 : f32
    %sub3A_643 = vector.broadcast %sub3A_642 : f32 to vector<16xf32>
    %sub3A_644 = arith.subf %sub3A_643, %mul3A_641 : vector<16xf32>
    %mul3A_645 = arith.mulf %mul3A_636, %sub3A_644 : vector<16xf32>
    %swap3A_646 = arith.constant 208 : index
    %swap3A_647 = tpu.vector_load %arg22[%swap3A_646] {strides = array<i32>} : memref<640xf32, #tpu.memory_space<vmem>>, vector<16xf32>,
    tpu.vector_store %arg22[%swap3A_646], %mul3A_645 {strides = array<i32>} : memref<640xf32, #tpu.memory_space<vmem>>, vector<16xf32>,
    %get3A_648 = arith.constant 224 : index
    %get3A_649 = tpu.vector_load %arg21[%get3A_648] {strides = array<i32>} : memref<640xf32, #tpu.memory_space<vmem>>, vector<16xf32>,
    %add3A_650 = arith.constant 1.000000e+00 : f32
    %add3A_651 = vector.broadcast %add3A_650 : f32 to vector<16xf32>
    %add3A_652 = arith.addf %get3A_649, %add3A_651 : vector<16xf32>
    %bitcast3A_653 = vector.bitcast %add3A_652 : vector<16xf32> to vector<16xi32>
    %shift_right_arithmetic3A_654 = arith.constant 1 : i32
    %shift_right_arithmetic3A_655 = vector.broadcast %shift_right_arithmetic3A_654 : i32 to vector<16xi32>
    %shift_right_arithmetic3A_656 = arith.shrsi %bitcast3A_653, %shift_right_arithmetic3A_655 : vector<16xi32>
    %sub3A_657 = arith.constant 1597463007 : i32
    %sub3A_658 = vector.broadcast %sub3A_657 : i32 to vector<16xi32>
    %sub3A_659 = arith.subi %sub3A_658, %shift_right_arithmetic3A_656 : vector<16xi32>
    %bitcast3A_660 = vector.bitcast %sub3A_659 : vector<16xi32> to vector<16xf32>
    %mul3A_661 = arith.constant 5.000000e-01 : f32
    %mul3A_662 = vector.broadcast %mul3A_661 : f32 to vector<16xf32>
    %mul3A_663 = arith.mulf %mul3A_662, %add3A_652 : vector<16xf32>
    %mul3A_664 = arith.mulf %mul3A_663, %bitcast3A_660 : vector<16xf32>
    %mul3A_665 = arith.mulf %mul3A_664, %bitcast3A_660 : vector<16xf32>
    %sub3A_666 = arith.constant 1.500000e+00 : f32
    %sub3A_667 = vector.broadcast %sub3A_666 : f32 to vector<16xf32>
    %sub3A_668 = arith.subf %sub3A_667, %mul3A_665 : vector<16xf32>
    %mul3A_669 = arith.mulf %bitcast3A_660, %sub3A_668 : vector<16xf32>
    %mul3A_670 = arith.constant 5.000000e-01 : f32
    %mul3A_671 = vector.broadcast %mul3A_670 : f32 to vector<16xf32>
    %mul3A_672 = arith.mulf %mul3A_671, %add3A_652 : vector<16xf32>
    %mul3A_673 = arith.mulf %mul3A_672, %mul3A_669 : vector<16xf32>
    %mul3A_674 = arith.mulf %mul3A_673, %mul3A_669 : vector<16xf32>
    %sub3A_675 = arith.constant 1.500000e+00 : f32
    %sub3A_676 = vector.broadcast %sub3A_675 : f32 to vector<16xf32>
    %sub3A_677 = arith.subf %sub3A_676, %mul3A_674 : vector<16xf32>
    %mul3A_678 = arith.mulf %mul3A_669, %sub3A_677 : vector<16xf32>
    %swap3A_679 = arith.constant 224 : index
    %swap3A_680 = tpu.vector_load %arg22[%swap3A_679] {strides = array<i32>} : memref<640xf32, #tpu.memory_space<vmem>>, vector<16xf32>,
    tpu.vector_store %arg22[%swap3A_679], %mul3A_678 {strides = array<i32>} : memref<640xf32, #tpu.memory_space<vmem>>, vector<16xf32>,
    %get3A_681 = arith.constant 240 : index
    %get3A_682 = tpu.vector_load %arg21[%get3A_681] {strides = array<i32>} : memref<640xf32, #tpu.memory_space<vmem>>, vector<16xf32>,
    %add3A_683 = arith.constant 1.000000e+00 : f32
    %add3A_684 = vector.broadcast %add3A_683 : f32 to vector<16xf32>
    %add3A_685 = arith.addf %get3A_682, %add3A_684 : vector<16xf32>
    %bitcast3A_686 = vector.bitcast %add3A_685 : vector<16xf32> to vector<16xi32>
    %shift_right_arithmetic3A_687 = arith.constant 1 : i32
    %shift_right_arithmetic3A_688 = vector.broadcast %shift_right_arithmetic3A_687 : i32 to vector<16xi32>
    %shift_right_arithmetic3A_689 = arith.shrsi %bitcast3A_686, %shift_right_arithmetic3A_688 : vector<16xi32>
    %sub3A_690 = arith.constant 1597463007 : i32
    %sub3A_691 = vector.broadcast %sub3A_690 : i32 to vector<16xi32>
    %sub3A_692 = arith.subi %sub3A_691, %shift_right_arithmetic3A_689 : vector<16xi32>
    %bitcast3A_693 = vector.bitcast %sub3A_692 : vector<16xi32> to vector<16xf32>
    %mul3A_694 = arith.constant 5.000000e-01 : f32
    %mul3A_695 = vector.broadcast %mul3A_694 : f32 to vector<16xf32>
    %mul3A_696 = arith.mulf %mul3A_695, %add3A_685 : vector<16xf32>
    %mul3A_697 = arith.mulf %mul3A_696, %bitcast3A_693 : vector<16xf32>
    %mul3A_698 = arith.mulf %mul3A_697, %bitcast3A_693 : vector<16xf32>
    %sub3A_699 = arith.constant 1.500000e+00 : f32
    %sub3A_700 = vector.broadcast %sub3A_699 : f32 to vector<16xf32>
    %sub3A_701 = arith.subf %sub3A_700, %mul3A_698 : vector<16xf32>
    %mul3A_702 = arith.mulf %bitcast3A_693, %sub3A_701 : vector<16xf32>
    %mul3A_703 = arith.constant 5.000000e-01 : f32
    %mul3A_704 = vector.broadcast %mul3A_703 : f32 to vector<16xf32>
    %mul3A_705 = arith.mulf %mul3A_704, %add3A_685 : vector<16xf32>
    %mul3A_706 = arith.mulf %mul3A_705, %mul3A_702 : vector<16xf32>
    %mul3A_707 = arith.mulf %mul3A_706, %mul3A_702 : vector<16xf32>
    %sub3A_708 = arith.constant 1.500000e+00 : f32
    %sub3A_709 = vector.broadcast %sub3A_708 : f32 to vector<16xf32>
    %sub3A_710 = arith.subf %sub3A_709, %mul3A_707 : vector<16xf32>
    %mul3A_711 = arith.mulf %mul3A_702, %sub3A_710 : vector<16xf32>
    %swap3A_712 = arith.constant 240 : index
    %swap3A_713 = tpu.vector_load %arg22[%swap3A_712] {strides = array<i32>} : memref<640xf32, #tpu.memory_space<vmem>>, vector<16xf32>,
    tpu.vector_store %arg22[%swap3A_712], %mul3A_711 {strides = array<i32>} : memref<640xf32, #tpu.memory_space<vmem>>, vector<16xf32>,
    %get3A_714 = arith.constant 256 : index
    %get3A_715 = tpu.vector_load %arg21[%get3A_714] {strides = array<i32>} : memref<640xf32, #tpu.memory_space<vmem>>, vector<16xf32>,
    %add3A_716 = arith.constant 1.000000e+00 : f32
    %add3A_717 = vector.broadcast %add3A_716 : f32 to vector<16xf32>
    %add3A_718 = arith.addf %get3A_715, %add3A_717 : vector<16xf32>
    %bitcast3A_719 = vector.bitcast %add3A_718 : vector<16xf32> to vector<16xi32>
    %shift_right_arithmetic3A_720 = arith.constant 1 : i32
    %shift_right_arithmetic3A_721 = vector.broadcast %shift_right_arithmetic3A_720 : i32 to vector<16xi32>
    %shift_right_arithmetic3A_722 = arith.shrsi %bitcast3A_719, %shift_right_arithmetic3A_721 : vector<16xi32>
    %sub3A_723 = arith.constant 1597463007 : i32
    %sub3A_724 = vector.broadcast %sub3A_723 : i32 to vector<16xi32>
    %sub3A_725 = arith.subi %sub3A_724, %shift_right_arithmetic3A_722 : vector<16xi32>
    %bitcast3A_726 = vector.bitcast %sub3A_725 : vector<16xi32> to vector<16xf32>
    %mul3A_727 = arith.constant 5.000000e-01 : f32
    %mul3A_728 = vector.broadcast %mul3A_727 : f32 to vector<16xf32>
    %mul3A_729 = arith.mulf %mul3A_728, %add3A_718 : vector<16xf32>
    %mul3A_730 = arith.mulf %mul3A_729, %bitcast3A_726 : vector<16xf32>
    %mul3A_731 = arith.mulf %mul3A_730, %bitcast3A_726 : vector<16xf32>
    %sub3A_732 = arith.constant 1.500000e+00 : f32
    %sub3A_733 = vector.broadcast %sub3A_732 : f32 to vector<16xf32>
    %sub3A_734 = arith.subf %sub3A_733, %mul3A_731 : vector<16xf32>
    %mul3A_735 = arith.mulf %bitcast3A_726, %sub3A_734 : vector<16xf32>
    %mul3A_736 = arith.constant 5.000000e-01 : f32
    %mul3A_737 = vector.broadcast %mul3A_736 : f32 to vector<16xf32>
    %mul3A_738 = arith.mulf %mul3A_737, %add3A_718 : vector<16xf32>
    %mul3A_739 = arith.mulf %mul3A_738, %mul3A_735 : vector<16xf32>
    %mul3A_740 = arith.mulf %mul3A_739, %mul3A_735 : vector<16xf32>
    %sub3A_741 = arith.constant 1.500000e+00 : f32
    %sub3A_742 = vector.broadcast %sub3A_741 : f32 to vector<16xf32>
    %sub3A_743 = arith.subf %sub3A_742, %mul3A_740 : vector<16xf32>
    %mul3A_744 = arith.mulf %mul3A_735, %sub3A_743 : vector<16xf32>
    %swap3A_745 = arith.constant 256 : index
    %swap3A_746 = tpu.vector_load %arg22[%swap3A_745] {strides = array<i32>} : memref<640xf32, #tpu.memory_space<vmem>>, vector<16xf32>,
    tpu.vector_store %arg22[%swap3A_745], %mul3A_744 {strides = array<i32>} : memref<640xf32, #tpu.memory_space<vmem>>, vector<16xf32>,
    %get3A_747 = arith.constant 272 : index
    %get3A_748 = tpu.vector_load %arg21[%get3A_747] {strides = array<i32>} : memref<640xf32, #tpu.memory_space<vmem>>, vector<16xf32>,
    %add3A_749 = arith.constant 1.000000e+00 : f32
    %add3A_750 = vector.broadcast %add3A_749 : f32 to vector<16xf32>
    %add3A_751 = arith.addf %get3A_748, %add3A_750 : vector<16xf32>
    %bitcast3A_752 = vector.bitcast %add3A_751 : vector<16xf32> to vector<16xi32>
    %shift_right_arithmetic3A_753 = arith.constant 1 : i32
    %shift_right_arithmetic3A_754 = vector.broadcast %shift_right_arithmetic3A_753 : i32 to vector<16xi32>
    %shift_right_arithmetic3A_755 = arith.shrsi %bitcast3A_752, %shift_right_arithmetic3A_754 : vector<16xi32>
    %sub3A_756 = arith.constant 1597463007 : i32
    %sub3A_757 = vector.broadcast %sub3A_756 : i32 to vector<16xi32>
    %sub3A_758 = arith.subi %sub3A_757, %shift_right_arithmetic3A_755 : vector<16xi32>
    %bitcast3A_759 = vector.bitcast %sub3A_758 : vector<16xi32> to vector<16xf32>
    %mul3A_760 = arith.constant 5.000000e-01 : f32
    %mul3A_761 = vector.broadcast %mul3A_760 : f32 to vector<16xf32>
    %mul3A_762 = arith.mulf %mul3A_761, %add3A_751 : vector<16xf32>
    %mul3A_763 = arith.mulf %mul3A_762, %bitcast3A_759 : vector<16xf32>
    %mul3A_764 = arith.mulf %mul3A_763, %bitcast3A_759 : vector<16xf32>
    %sub3A_765 = arith.constant 1.500000e+00 : f32
    %sub3A_766 = vector.broadcast %sub3A_765 : f32 to vector<16xf32>
    %sub3A_767 = arith.subf %sub3A_766, %mul3A_764 : vector<16xf32>
    %mul3A_768 = arith.mulf %bitcast3A_759, %sub3A_767 : vector<16xf32>
    %mul3A_769 = arith.constant 5.000000e-01 : f32
    %mul3A_770 = vector.broadcast %mul3A_769 : f32 to vector<16xf32>
    %mul3A_771 = arith.mulf %mul3A_770, %add3A_751 : vector<16xf32>
    %mul3A_772 = arith.mulf %mul3A_771, %mul3A_768 : vector<16xf32>
    %mul3A_773 = arith.mulf %mul3A_772, %mul3A_768 : vector<16xf32>
    %sub3A_774 = arith.constant 1.500000e+00 : f32
    %sub3A_775 = vector.broadcast %sub3A_774 : f32 to vector<16xf32>
    %sub3A_776 = arith.subf %sub3A_775, %mul3A_773 : vector<16xf32>
    %mul3A_777 = arith.mulf %mul3A_768, %sub3A_776 : vector<16xf32>
    %swap3A_778 = arith.constant 272 : index
    %swap3A_779 = tpu.vector_load %arg22[%swap3A_778] {strides = array<i32>} : memref<640xf32, #tpu.memory_space<vmem>>, vector<16xf32>,
    tpu.vector_store %arg22[%swap3A_778], %mul3A_777 {strides = array<i32>} : memref<640xf32, #tpu.memory_space<vmem>>, vector<16xf32>,
    %get3A_780 = arith.constant 288 : index
    %get3A_781 = tpu.vector_load %arg21[%get3A_780] {strides = array<i32>} : memref<640xf32, #tpu.memory_space<vmem>>, vector<16xf32>,
    %add3A_782 = arith.constant 1.000000e+00 : f32
    %add3A_783 = vector.broadcast %add3A_782 : f32 to vector<16xf32>
    %add3A_784 = arith.addf %get3A_781, %add3A_783 : vector<16xf32>
    %bitcast3A_785 = vector.bitcast %add3A_784 : vector<16xf32> to vector<16xi32>
    %shift_right_arithmetic3A_786 = arith.constant 1 : i32
    %shift_right_arithmetic3A_787 = vector.broadcast %shift_right_arithmetic3A_786 : i32 to vector<16xi32>
    %shift_right_arithmetic3A_788 = arith.shrsi %bitcast3A_785, %shift_right_arithmetic3A_787 : vector<16xi32>
    %sub3A_789 = arith.constant 1597463007 : i32
    %sub3A_790 = vector.broadcast %sub3A_789 : i32 to vector<16xi32>
    %sub3A_791 = arith.subi %sub3A_790, %shift_right_arithmetic3A_788 : vector<16xi32>
    %bitcast3A_792 = vector.bitcast %sub3A_791 : vector<16xi32> to vector<16xf32>
    %mul3A_793 = arith.constant 5.000000e-01 : f32
    %mul3A_794 = vector.broadcast %mul3A_793 : f32 to vector<16xf32>
    %mul3A_795 = arith.mulf %mul3A_794, %add3A_784 : vector<16xf32>
    %mul3A_796 = arith.mulf %mul3A_795, %bitcast3A_792 : vector<16xf32>
    %mul3A_797 = arith.mulf %mul3A_796, %bitcast3A_792 : vector<16xf32>
    %sub3A_798 = arith.constant 1.500000e+00 : f32
    %sub3A_799 = vector.broadcast %sub3A_798 : f32 to vector<16xf32>
    %sub3A_800 = arith.subf %sub3A_799, %mul3A_797 : vector<16xf32>
    %mul3A_801 = arith.mulf %bitcast3A_792, %sub3A_800 : vector<16xf32>
    %mul3A_802 = arith.constant 5.000000e-01 : f32
    %mul3A_803 = vector.broadcast %mul3A_802 : f32 to vector<16xf32>
    %mul3A_804 = arith.mulf %mul3A_803, %add3A_784 : vector<16xf32>
    %mul3A_805 = arith.mulf %mul3A_804, %mul3A_801 : vector<16xf32>
    %mul3A_806 = arith.mulf %mul3A_805, %mul3A_801 : vector<16xf32>
    %sub3A_807 = arith.constant 1.500000e+00 : f32
    %sub3A_808 = vector.broadcast %sub3A_807 : f32 to vector<16xf32>
    %sub3A_809 = arith.subf %sub3A_808, %mul3A_806 : vector<16xf32>
    %mul3A_810 = arith.mulf %mul3A_801, %sub3A_809 : vector<16xf32>
    %swap3A_811 = arith.constant 288 : index
    %swap3A_812 = tpu.vector_load %arg22[%swap3A_811] {strides = array<i32>} : memref<640xf32, #tpu.memory_space<vmem>>, vector<16xf32>,
    tpu.vector_store %arg22[%swap3A_811], %mul3A_810 {strides = array<i32>} : memref<640xf32, #tpu.memory_space<vmem>>, vector<16xf32>,
    %get3A_813 = arith.constant 304 : index
    %get3A_814 = tpu.vector_load %arg21[%get3A_813] {strides = array<i32>} : memref<640xf32, #tpu.memory_space<vmem>>, vector<16xf32>,
    %add3A_815 = arith.constant 1.000000e+00 : f32
    %add3A_816 = vector.broadcast %add3A_815 : f32 to vector<16xf32>
    %add3A_817 = arith.addf %get3A_814, %add3A_816 : vector<16xf32>
    %bitcast3A_818 = vector.bitcast %add3A_817 : vector<16xf32> to vector<16xi32>
    %shift_right_arithmetic3A_819 = arith.constant 1 : i32
    %shift_right_arithmetic3A_820 = vector.broadcast %shift_right_arithmetic3A_819 : i32 to vector<16xi32>
    %shift_right_arithmetic3A_821 = arith.shrsi %bitcast3A_818, %shift_right_arithmetic3A_820 : vector<16xi32>
    %sub3A_822 = arith.constant 1597463007 : i32
    %sub3A_823 = vector.broadcast %sub3A_822 : i32 to vector<16xi32>
    %sub3A_824 = arith.subi %sub3A_823, %shift_right_arithmetic3A_821 : vector<16xi32>
    %bitcast3A_825 = vector.bitcast %sub3A_824 : vector<16xi32> to vector<16xf32>
    %mul3A_826 = arith.constant 5.000000e-01 : f32
    %mul3A_827 = vector.broadcast %mul3A_826 : f32 to vector<16xf32>
    %mul3A_828 = arith.mulf %mul3A_827, %add3A_817 : vector<16xf32>
    %mul3A_829 = arith.mulf %mul3A_828, %bitcast3A_825 : vector<16xf32>
    %mul3A_830 = arith.mulf %mul3A_829, %bitcast3A_825 : vector<16xf32>
    %sub3A_831 = arith.constant 1.500000e+00 : f32
    %sub3A_832 = vector.broadcast %sub3A_831 : f32 to vector<16xf32>
    %sub3A_833 = arith.subf %sub3A_832, %mul3A_830 : vector<16xf32>
    %mul3A_834 = arith.mulf %bitcast3A_825, %sub3A_833 : vector<16xf32>
    %mul3A_835 = arith.constant 5.000000e-01 : f32
    %mul3A_836 = vector.broadcast %mul3A_835 : f32 to vector<16xf32>
    %mul3A_837 = arith.mulf %mul3A_836, %add3A_817 : vector<16xf32>
    %mul3A_838 = arith.mulf %mul3A_837, %mul3A_834 : vector<16xf32>
    %mul3A_839 = arith.mulf %mul3A_838, %mul3A_834 : vector<16xf32>
    %sub3A_840 = arith.constant 1.500000e+00 : f32
    %sub3A_841 = vector.broadcast %sub3A_840 : f32 to vector<16xf32>
    %sub3A_842 = arith.subf %sub3A_841, %mul3A_839 : vector<16xf32>
    %mul3A_843 = arith.mulf %mul3A_834, %sub3A_842 : vector<16xf32>
    %swap3A_844 = arith.constant 304 : index
    %swap3A_845 = tpu.vector_load %arg22[%swap3A_844] {strides = array<i32>} : memref<640xf32, #tpu.memory_space<vmem>>, vector<16xf32>,
    tpu.vector_store %arg22[%swap3A_844], %mul3A_843 {strides = array<i32>} : memref<640xf32, #tpu.memory_space<vmem>>, vector<16xf32>,
    %get3A_846 = arith.constant 320 : index
    %get3A_847 = tpu.vector_load %arg21[%get3A_846] {strides = array<i32>} : memref<640xf32, #tpu.memory_space<vmem>>, vector<16xf32>,
    %add3A_848 = arith.constant 1.000000e+00 : f32
    %add3A_849 = vector.broadcast %add3A_848 : f32 to vector<16xf32>
    %add3A_850 = arith.addf %get3A_847, %add3A_849 : vector<16xf32>
    %bitcast3A_851 = vector.bitcast %add3A_850 : vector<16xf32> to vector<16xi32>
    %shift_right_arithmetic3A_852 = arith.constant 1 : i32
    %shift_right_arithmetic3A_853 = vector.broadcast %shift_right_arithmetic3A_852 : i32 to vector<16xi32>
    %shift_right_arithmetic3A_854 = arith.shrsi %bitcast3A_851, %shift_right_arithmetic3A_853 : vector<16xi32>
    %sub3A_855 = arith.constant 1597463007 : i32
    %sub3A_856 = vector.broadcast %sub3A_855 : i32 to vector<16xi32>
    %sub3A_857 = arith.subi %sub3A_856, %shift_right_arithmetic3A_854 : vector<16xi32>
    %bitcast3A_858 = vector.bitcast %sub3A_857 : vector<16xi32> to vector<16xf32>
    %mul3A_859 = arith.constant 5.000000e-01 : f32
    %mul3A_860 = vector.broadcast %mul3A_859 : f32 to vector<16xf32>
    %mul3A_861 = arith.mulf %mul3A_860, %add3A_850 : vector<16xf32>
    %mul3A_862 = arith.mulf %mul3A_861, %bitcast3A_858 : vector<16xf32>
    %mul3A_863 = arith.mulf %mul3A_862, %bitcast3A_858 : vector<16xf32>
    %sub3A_864 = arith.constant 1.500000e+00 : f32
    %sub3A_865 = vector.broadcast %sub3A_864 : f32 to vector<16xf32>
    %sub3A_866 = arith.subf %sub3A_865, %mul3A_863 : vector<16xf32>
    %mul3A_867 = arith.mulf %bitcast3A_858, %sub3A_866 : vector<16xf32>
    %mul3A_868 = arith.constant 5.000000e-01 : f32
    %mul3A_869 = vector.broadcast %mul3A_868 : f32 to vector<16xf32>
    %mul3A_870 = arith.mulf %mul3A_869, %add3A_850 : vector<16xf32>
    %mul3A_871 = arith.mulf %mul3A_870, %mul3A_867 : vector<16xf32>
    %mul3A_872 = arith.mulf %mul3A_871, %mul3A_867 : vector<16xf32>
    %sub3A_873 = arith.constant 1.500000e+00 : f32
    %sub3A_874 = vector.broadcast %sub3A_873 : f32 to vector<16xf32>
    %sub3A_875 = arith.subf %sub3A_874, %mul3A_872 : vector<16xf32>
    %mul3A_876 = arith.mulf %mul3A_867, %sub3A_875 : vector<16xf32>
    %swap3A_877 = arith.constant 320 : index
    %swap3A_878 = tpu.vector_load %arg22[%swap3A_877] {strides = array<i32>} : memref<640xf32, #tpu.memory_space<vmem>>, vector<16xf32>,
    tpu.vector_store %arg22[%swap3A_877], %mul3A_876 {strides = array<i32>} : memref<640xf32, #tpu.memory_space<vmem>>, vector<16xf32>,
    %get3A_879 = arith.constant 336 : index
    %get3A_880 = tpu.vector_load %arg21[%get3A_879] {strides = array<i32>} : memref<640xf32, #tpu.memory_space<vmem>>, vector<16xf32>,
    %add3A_881 = arith.constant 1.000000e+00 : f32
    %add3A_882 = vector.broadcast %add3A_881 : f32 to vector<16xf32>
    %add3A_883 = arith.addf %get3A_880, %add3A_882 : vector<16xf32>
    %bitcast3A_884 = vector.bitcast %add3A_883 : vector<16xf32> to vector<16xi32>
    %shift_right_arithmetic3A_885 = arith.constant 1 : i32
    %shift_right_arithmetic3A_886 = vector.broadcast %shift_right_arithmetic3A_885 : i32 to vector<16xi32>
    %shift_right_arithmetic3A_887 = arith.shrsi %bitcast3A_884, %shift_right_arithmetic3A_886 : vector<16xi32>
    %sub3A_888 = arith.constant 1597463007 : i32
    %sub3A_889 = vector.broadcast %sub3A_888 : i32 to vector<16xi32>
    %sub3A_890 = arith.subi %sub3A_889, %shift_right_arithmetic3A_887 : vector<16xi32>
    %bitcast3A_891 = vector.bitcast %sub3A_890 : vector<16xi32> to vector<16xf32>
    %mul3A_892 = arith.constant 5.000000e-01 : f32
    %mul3A_893 = vector.broadcast %mul3A_892 : f32 to vector<16xf32>
    %mul3A_894 = arith.mulf %mul3A_893, %add3A_883 : vector<16xf32>
    %mul3A_895 = arith.mulf %mul3A_894, %bitcast3A_891 : vector<16xf32>
    %mul3A_896 = arith.mulf %mul3A_895, %bitcast3A_891 : vector<16xf32>
    %sub3A_897 = arith.constant 1.500000e+00 : f32
    %sub3A_898 = vector.broadcast %sub3A_897 : f32 to vector<16xf32>
    %sub3A_899 = arith.subf %sub3A_898, %mul3A_896 : vector<16xf32>
    %mul3A_900 = arith.mulf %bitcast3A_891, %sub3A_899 : vector<16xf32>
    %mul3A_901 = arith.constant 5.000000e-01 : f32
    %mul3A_902 = vector.broadcast %mul3A_901 : f32 to vector<16xf32>
    %mul3A_903 = arith.mulf %mul3A_902, %add3A_883 : vector<16xf32>
    %mul3A_904 = arith.mulf %mul3A_903, %mul3A_900 : vector<16xf32>
    %mul3A_905 = arith.mulf %mul3A_904, %mul3A_900 : vector<16xf32>
    %sub3A_906 = arith.constant 1.500000e+00 : f32
    %sub3A_907 = vector.broadcast %sub3A_906 : f32 to vector<16xf32>
    %sub3A_908 = arith.subf %sub3A_907, %mul3A_905 : vector<16xf32>
    %mul3A_909 = arith.mulf %mul3A_900, %sub3A_908 : vector<16xf32>
    %swap3A_910 = arith.constant 336 : index
    %swap3A_911 = tpu.vector_load %arg22[%swap3A_910] {strides = array<i32>} : memref<640xf32, #tpu.memory_space<vmem>>, vector<16xf32>,
    tpu.vector_store %arg22[%swap3A_910], %mul3A_909 {strides = array<i32>} : memref<640xf32, #tpu.memory_space<vmem>>, vector<16xf32>,
    %get3A_912 = arith.constant 352 : index
    %get3A_913 = tpu.vector_load %arg21[%get3A_912] {strides = array<i32>} : memref<640xf32, #tpu.memory_space<vmem>>, vector<16xf32>,
    %add3A_914 = arith.constant 1.000000e+00 : f32
    %add3A_915 = vector.broadcast %add3A_914 : f32 to vector<16xf32>
    %add3A_916 = arith.addf %get3A_913, %add3A_915 : vector<16xf32>
    %bitcast3A_917 = vector.bitcast %add3A_916 : vector<16xf32> to vector<16xi32>
    %shift_right_arithmetic3A_918 = arith.constant 1 : i32
    %shift_right_arithmetic3A_919 = vector.broadcast %shift_right_arithmetic3A_918 : i32 to vector<16xi32>
    %shift_right_arithmetic3A_920 = arith.shrsi %bitcast3A_917, %shift_right_arithmetic3A_919 : vector<16xi32>
    %sub3A_921 = arith.constant 1597463007 : i32
    %sub3A_922 = vector.broadcast %sub3A_921 : i32 to vector<16xi32>
    %sub3A_923 = arith.subi %sub3A_922, %shift_right_arithmetic3A_920 : vector<16xi32>
    %bitcast3A_924 = vector.bitcast %sub3A_923 : vector<16xi32> to vector<16xf32>
    %mul3A_925 = arith.constant 5.000000e-01 : f32
    %mul3A_926 = vector.broadcast %mul3A_925 : f32 to vector<16xf32>
    %mul3A_927 = arith.mulf %mul3A_926, %add3A_916 : vector<16xf32>
    %mul3A_928 = arith.mulf %mul3A_927, %bitcast3A_924 : vector<16xf32>
    %mul3A_929 = arith.mulf %mul3A_928, %bitcast3A_924 : vector<16xf32>
    %sub3A_930 = arith.constant 1.500000e+00 : f32
    %sub3A_931 = vector.broadcast %sub3A_930 : f32 to vector<16xf32>
    %sub3A_932 = arith.subf %sub3A_931, %mul3A_929 : vector<16xf32>
    %mul3A_933 = arith.mulf %bitcast3A_924, %sub3A_932 : vector<16xf32>
    %mul3A_934 = arith.constant 5.000000e-01 : f32
    %mul3A_935 = vector.broadcast %mul3A_934 : f32 to vector<16xf32>
    %mul3A_936 = arith.mulf %mul3A_935, %add3A_916 : vector<16xf32>
    %mul3A_937 = arith.mulf %mul3A_936, %mul3A_933 : vector<16xf32>
    %mul3A_938 = arith.mulf %mul3A_937, %mul3A_933 : vector<16xf32>
    %sub3A_939 = arith.constant 1.500000e+00 : f32
    %sub3A_940 = vector.broadcast %sub3A_939 : f32 to vector<16xf32>
    %sub3A_941 = arith.subf %sub3A_940, %mul3A_938 : vector<16xf32>
    %mul3A_942 = arith.mulf %mul3A_933, %sub3A_941 : vector<16xf32>
    %swap3A_943 = arith.constant 352 : index
    %swap3A_944 = tpu.vector_load %arg22[%swap3A_943] {strides = array<i32>} : memref<640xf32, #tpu.memory_space<vmem>>, vector<16xf32>,
    tpu.vector_store %arg22[%swap3A_943], %mul3A_942 {strides = array<i32>} : memref<640xf32, #tpu.memory_space<vmem>>, vector<16xf32>,
    %get3A_945 = arith.constant 368 : index
    %get3A_946 = tpu.vector_load %arg21[%get3A_945] {strides = array<i32>} : memref<640xf32, #tpu.memory_space<vmem>>, vector<16xf32>,
    %add3A_947 = arith.constant 1.000000e+00 : f32
    %add3A_948 = vector.broadcast %add3A_947 : f32 to vector<16xf32>
    %add3A_949 = arith.addf %get3A_946, %add3A_948 : vector<16xf32>
    %bitcast3A_950 = vector.bitcast %add3A_949 : vector<16xf32> to vector<16xi32>
    %shift_right_arithmetic3A_951 = arith.constant 1 : i32
    %shift_right_arithmetic3A_952 = vector.broadcast %shift_right_arithmetic3A_951 : i32 to vector<16xi32>
    %shift_right_arithmetic3A_953 = arith.shrsi %bitcast3A_950, %shift_right_arithmetic3A_952 : vector<16xi32>
    %sub3A_954 = arith.constant 1597463007 : i32
    %sub3A_955 = vector.broadcast %sub3A_954 : i32 to vector<16xi32>
    %sub3A_956 = arith.subi %sub3A_955, %shift_right_arithmetic3A_953 : vector<16xi32>
    %bitcast3A_957 = vector.bitcast %sub3A_956 : vector<16xi32> to vector<16xf32>
    %mul3A_958 = arith.constant 5.000000e-01 : f32
    %mul3A_959 = vector.broadcast %mul3A_958 : f32 to vector<16xf32>
    %mul3A_960 = arith.mulf %mul3A_959, %add3A_949 : vector<16xf32>
    %mul3A_961 = arith.mulf %mul3A_960, %bitcast3A_957 : vector<16xf32>
    %mul3A_962 = arith.mulf %mul3A_961, %bitcast3A_957 : vector<16xf32>
    %sub3A_963 = arith.constant 1.500000e+00 : f32
    %sub3A_964 = vector.broadcast %sub3A_963 : f32 to vector<16xf32>
    %sub3A_965 = arith.subf %sub3A_964, %mul3A_962 : vector<16xf32>
    %mul3A_966 = arith.mulf %bitcast3A_957, %sub3A_965 : vector<16xf32>
    %mul3A_967 = arith.constant 5.000000e-01 : f32
    %mul3A_968 = vector.broadcast %mul3A_967 : f32 to vector<16xf32>
    %mul3A_969 = arith.mulf %mul3A_968, %add3A_949 : vector<16xf32>
    %mul3A_970 = arith.mulf %mul3A_969, %mul3A_966 : vector<16xf32>
    %mul3A_971 = arith.mulf %mul3A_970, %mul3A_966 : vector<16xf32>
    %sub3A_972 = arith.constant 1.500000e+00 : f32
    %sub3A_973 = vector.broadcast %sub3A_972 : f32 to vector<16xf32>
    %sub3A_974 = arith.subf %sub3A_973, %mul3A_971 : vector<16xf32>
    %mul3A_975 = arith.mulf %mul3A_966, %sub3A_974 : vector<16xf32>
    %swap3A_976 = arith.constant 368 : index
    %swap3A_977 = tpu.vector_load %arg22[%swap3A_976] {strides = array<i32>} : memref<640xf32, #tpu.memory_space<vmem>>, vector<16xf32>,
    tpu.vector_store %arg22[%swap3A_976], %mul3A_975 {strides = array<i32>} : memref<640xf32, #tpu.memory_space<vmem>>, vector<16xf32>,
    %get3A_978 = arith.constant 384 : index
    %get3A_979 = tpu.vector_load %arg21[%get3A_978] {strides = array<i32>} : memref<640xf32, #tpu.memory_space<vmem>>, vector<16xf32>,
    %add3A_980 = arith.constant 1.000000e+00 : f32
    %add3A_981 = vector.broadcast %add3A_980 : f32 to vector<16xf32>
    %add3A_982 = arith.addf %get3A_979, %add3A_981 : vector<16xf32>
    %bitcast3A_983 = vector.bitcast %add3A_982 : vector<16xf32> to vector<16xi32>
    %shift_right_arithmetic3A_984 = arith.constant 1 : i32
    %shift_right_arithmetic3A_985 = vector.broadcast %shift_right_arithmetic3A_984 : i32 to vector<16xi32>
    %shift_right_arithmetic3A_986 = arith.shrsi %bitcast3A_983, %shift_right_arithmetic3A_985 : vector<16xi32>
    %sub3A_987 = arith.constant 1597463007 : i32
    %sub3A_988 = vector.broadcast %sub3A_987 : i32 to vector<16xi32>
    %sub3A_989 = arith.subi %sub3A_988, %shift_right_arithmetic3A_986 : vector<16xi32>
    %bitcast3A_990 = vector.bitcast %sub3A_989 : vector<16xi32> to vector<16xf32>
    %mul3A_991 = arith.constant 5.000000e-01 : f32
    %mul3A_992 = vector.broadcast %mul3A_991 : f32 to vector<16xf32>
    %mul3A_993 = arith.mulf %mul3A_992, %add3A_982 : vector<16xf32>
    %mul3A_994 = arith.mulf %mul3A_993, %bitcast3A_990 : vector<16xf32>
    %mul3A_995 = arith.mulf %mul3A_994, %bitcast3A_990 : vector<16xf32>
    %sub3A_996 = arith.constant 1.500000e+00 : f32
    %sub3A_997 = vector.broadcast %sub3A_996 : f32 to vector<16xf32>
    %sub3A_998 = arith.subf %sub3A_997, %mul3A_995 : vector<16xf32>
    %mul3A_999 = arith.mulf %bitcast3A_990, %sub3A_998 : vector<16xf32>
    %mul3A_1000 = arith.constant 5.000000e-01 : f32
    %mul3A_1001 = vector.broadcast %mul3A_1000 : f32 to vector<16xf32>
    %mul3A_1002 = arith.mulf %mul3A_1001, %add3A_982 : vector<16xf32>
    %mul3A_1003 = arith.mulf %mul3A_1002, %mul3A_999 : vector<16xf32>
    %mul3A_1004 = arith.mulf %mul3A_1003, %mul3A_999 : vector<16xf32>
    %sub3A_1005 = arith.constant 1.500000e+00 : f32
    %sub3A_1006 = vector.broadcast %sub3A_1005 : f32 to vector<16xf32>
    %sub3A_1007 = arith.subf %sub3A_1006, %mul3A_1004 : vector<16xf32>
    %mul3A_1008 = arith.mulf %mul3A_999, %sub3A_1007 : vector<16xf32>
    %swap3A_1009 = arith.constant 384 : index
    %swap3A_1010 = tpu.vector_load %arg22[%swap3A_1009] {strides = array<i32>} : memref<640xf32, #tpu.memory_space<vmem>>, vector<16xf32>,
    tpu.vector_store %arg22[%swap3A_1009], %mul3A_1008 {strides = array<i32>} : memref<640xf32, #tpu.memory_space<vmem>>, vector<16xf32>,
    %get3A_1011 = arith.constant 400 : index
    %get3A_1012 = tpu.vector_load %arg21[%get3A_1011] {strides = array<i32>} : memref<640xf32, #tpu.memory_space<vmem>>, vector<16xf32>,
    %add3A_1013 = arith.constant 1.000000e+00 : f32
    %add3A_1014 = vector.broadcast %add3A_1013 : f32 to vector<16xf32>
    %add3A_1015 = arith.addf %get3A_1012, %add3A_1014 : vector<16xf32>
    %bitcast3A_1016 = vector.bitcast %add3A_1015 : vector<16xf32> to vector<16xi32>
    %shift_right_arithmetic3A_1017 = arith.constant 1 : i32
    %shift_right_arithmetic3A_1018 = vector.broadcast %shift_right_arithmetic3A_1017 : i32 to vector<16xi32>
    %shift_right_arithmetic3A_1019 = arith.shrsi %bitcast3A_1016, %shift_right_arithmetic3A_1018 : vector<16xi32>
    %sub3A_1020 = arith.constant 1597463007 : i32
    %sub3A_1021 = vector.broadcast %sub3A_1020 : i32 to vector<16xi32>
    %sub3A_1022 = arith.subi %sub3A_1021, %shift_right_arithmetic3A_1019 : vector<16xi32>
    %bitcast3A_1023 = vector.bitcast %sub3A_1022 : vector<16xi32> to vector<16xf32>
    %mul3A_1024 = arith.constant 5.000000e-01 : f32
    %mul3A_1025 = vector.broadcast %mul3A_1024 : f32 to vector<16xf32>
    %mul3A_1026 = arith.mulf %mul3A_1025, %add3A_1015 : vector<16xf32>
    %mul3A_1027 = arith.mulf %mul3A_1026, %bitcast3A_1023 : vector<16xf32>
    %mul3A_1028 = arith.mulf %mul3A_1027, %bitcast3A_1023 : vector<16xf32>
    %sub3A_1029 = arith.constant 1.500000e+00 : f32
    %sub3A_1030 = vector.broadcast %sub3A_1029 : f32 to vector<16xf32>
    %sub3A_1031 = arith.subf %sub3A_1030, %mul3A_1028 : vector<16xf32>
    %mul3A_1032 = arith.mulf %bitcast3A_1023, %sub3A_1031 : vector<16xf32>
    %mul3A_1033 = arith.constant 5.000000e-01 : f32
    %mul3A_1034 = vector.broadcast %mul3A_1033 : f32 to vector<16xf32>
    %mul3A_1035 = arith.mulf %mul3A_1034, %add3A_1015 : vector<16xf32>
    %mul3A_1036 = arith.mulf %mul3A_1035, %mul3A_1032 : vector<16xf32>
    %mul3A_1037 = arith.mulf %mul3A_1036, %mul3A_1032 : vector<16xf32>
    %sub3A_1038 = arith.constant 1.500000e+00 : f32
    %sub3A_1039 = vector.broadcast %sub3A_1038 : f32 to vector<16xf32>
    %sub3A_1040 = arith.subf %sub3A_1039, %mul3A_1037 : vector<16xf32>
    %mul3A_1041 = arith.mulf %mul3A_1032, %sub3A_1040 : vector<16xf32>
    %swap3A_1042 = arith.constant 400 : index
    %swap3A_1043 = tpu.vector_load %arg22[%swap3A_1042] {strides = array<i32>} : memref<640xf32, #tpu.memory_space<vmem>>, vector<16xf32>,
    tpu.vector_store %arg22[%swap3A_1042], %mul3A_1041 {strides = array<i32>} : memref<640xf32, #tpu.memory_space<vmem>>, vector<16xf32>,
    %get3A_1044 = arith.constant 416 : index
    %get3A_1045 = tpu.vector_load %arg21[%get3A_1044] {strides = array<i32>} : memref<640xf32, #tpu.memory_space<vmem>>, vector<16xf32>,
    %add3A_1046 = arith.constant 1.000000e+00 : f32
    %add3A_1047 = vector.broadcast %add3A_1046 : f32 to vector<16xf32>
    %add3A_1048 = arith.addf %get3A_1045, %add3A_1047 : vector<16xf32>
    %bitcast3A_1049 = vector.bitcast %add3A_1048 : vector<16xf32> to vector<16xi32>
    %shift_right_arithmetic3A_1050 = arith.constant 1 : i32
    %shift_right_arithmetic3A_1051 = vector.broadcast %shift_right_arithmetic3A_1050 : i32 to vector<16xi32>
    %shift_right_arithmetic3A_1052 = arith.shrsi %bitcast3A_1049, %shift_right_arithmetic3A_1051 : vector<16xi32>
    %sub3A_1053 = arith.constant 1597463007 : i32
    %sub3A_1054 = vector.broadcast %sub3A_1053 : i32 to vector<16xi32>
    %sub3A_1055 = arith.subi %sub3A_1054, %shift_right_arithmetic3A_1052 : vector<16xi32>
    %bitcast3A_1056 = vector.bitcast %sub3A_1055 : vector<16xi32> to vector<16xf32>
    %mul3A_1057 = arith.constant 5.000000e-01 : f32
    %mul3A_1058 = vector.broadcast %mul3A_1057 : f32 to vector<16xf32>
    %mul3A_1059 = arith.mulf %mul3A_1058, %add3A_1048 : vector<16xf32>
    %mul3A_1060 = arith.mulf %mul3A_1059, %bitcast3A_1056 : vector<16xf32>
    %mul3A_1061 = arith.mulf %mul3A_1060, %bitcast3A_1056 : vector<16xf32>
    %sub3A_1062 = arith.constant 1.500000e+00 : f32
    %sub3A_1063 = vector.broadcast %sub3A_1062 : f32 to vector<16xf32>
    %sub3A_1064 = arith.subf %sub3A_1063, %mul3A_1061 : vector<16xf32>
    %mul3A_1065 = arith.mulf %bitcast3A_1056, %sub3A_1064 : vector<16xf32>
    %mul3A_1066 = arith.constant 5.000000e-01 : f32
    %mul3A_1067 = vector.broadcast %mul3A_1066 : f32 to vector<16xf32>
    %mul3A_1068 = arith.mulf %mul3A_1067, %add3A_1048 : vector<16xf32>
    %mul3A_1069 = arith.mulf %mul3A_1068, %mul3A_1065 : vector<16xf32>
    %mul3A_1070 = arith.mulf %mul3A_1069, %mul3A_1065 : vector<16xf32>
    %sub3A_1071 = arith.constant 1.500000e+00 : f32
    %sub3A_1072 = vector.broadcast %sub3A_1071 : f32 to vector<16xf32>
    %sub3A_1073 = arith.subf %sub3A_1072, %mul3A_1070 : vector<16xf32>
    %mul3A_1074 = arith.mulf %mul3A_1065, %sub3A_1073 : vector<16xf32>
    %swap3A_1075 = arith.constant 416 : index
    %swap3A_1076 = tpu.vector_load %arg22[%swap3A_1075] {strides = array<i32>} : memref<640xf32, #tpu.memory_space<vmem>>, vector<16xf32>,
    tpu.vector_store %arg22[%swap3A_1075], %mul3A_1074 {strides = array<i32>} : memref<640xf32, #tpu.memory_space<vmem>>, vector<16xf32>,
    %get3A_1077 = arith.constant 432 : index
    %get3A_1078 = tpu.vector_load %arg21[%get3A_1077] {strides = array<i32>} : memref<640xf32, #tpu.memory_space<vmem>>, vector<16xf32>,
    %add3A_1079 = arith.constant 1.000000e+00 : f32
    %add3A_1080 = vector.broadcast %add3A_1079 : f32 to vector<16xf32>
    %add3A_1081 = arith.addf %get3A_1078, %add3A_1080 : vector<16xf32>
    %bitcast3A_1082 = vector.bitcast %add3A_1081 : vector<16xf32> to vector<16xi32>
    %shift_right_arithmetic3A_1083 = arith.constant 1 : i32
    %shift_right_arithmetic3A_1084 = vector.broadcast %shift_right_arithmetic3A_1083 : i32 to vector<16xi32>
    %shift_right_arithmetic3A_1085 = arith.shrsi %bitcast3A_1082, %shift_right_arithmetic3A_1084 : vector<16xi32>
    %sub3A_1086 = arith.constant 1597463007 : i32
    %sub3A_1087 = vector.broadcast %sub3A_1086 : i32 to vector<16xi32>
    %sub3A_1088 = arith.subi %sub3A_1087, %shift_right_arithmetic3A_1085 : vector<16xi32>
    %bitcast3A_1089 = vector.bitcast %sub3A_1088 : vector<16xi32> to vector<16xf32>
    %mul3A_1090 = arith.constant 5.000000e-01 : f32
    %mul3A_1091 = vector.broadcast %mul3A_1090 : f32 to vector<16xf32>
    %mul3A_1092 = arith.mulf %mul3A_1091, %add3A_1081 : vector<16xf32>
    %mul3A_1093 = arith.mulf %mul3A_1092, %bitcast3A_1089 : vector<16xf32>
    %mul3A_1094 = arith.mulf %mul3A_1093, %bitcast3A_1089 : vector<16xf32>
    %sub3A_1095 = arith.constant 1.500000e+00 : f32
    %sub3A_1096 = vector.broadcast %sub3A_1095 : f32 to vector<16xf32>
    %sub3A_1097 = arith.subf %sub3A_1096, %mul3A_1094 : vector<16xf32>
    %mul3A_1098 = arith.mulf %bitcast3A_1089, %sub3A_1097 : vector<16xf32>
    %mul3A_1099 = arith.constant 5.000000e-01 : f32
    %mul3A_1100 = vector.broadcast %mul3A_1099 : f32 to vector<16xf32>
    %mul3A_1101 = arith.mulf %mul3A_1100, %add3A_1081 : vector<16xf32>
    %mul3A_1102 = arith.mulf %mul3A_1101, %mul3A_1098 : vector<16xf32>
    %mul3A_1103 = arith.mulf %mul3A_1102, %mul3A_1098 : vector<16xf32>
    %sub3A_1104 = arith.constant 1.500000e+00 : f32
    %sub3A_1105 = vector.broadcast %sub3A_1104 : f32 to vector<16xf32>
    %sub3A_1106 = arith.subf %sub3A_1105, %mul3A_1103 : vector<16xf32>
    %mul3A_1107 = arith.mulf %mul3A_1098, %sub3A_1106 : vector<16xf32>
    %swap3A_1108 = arith.constant 432 : index
    %swap3A_1109 = tpu.vector_load %arg22[%swap3A_1108] {strides = array<i32>} : memref<640xf32, #tpu.memory_space<vmem>>, vector<16xf32>,
    tpu.vector_store %arg22[%swap3A_1108], %mul3A_1107 {strides = array<i32>} : memref<640xf32, #tpu.memory_space<vmem>>, vector<16xf32>,
    %get3A_1110 = arith.constant 448 : index
    %get3A_1111 = tpu.vector_load %arg21[%get3A_1110] {strides = array<i32>} : memref<640xf32, #tpu.memory_space<vmem>>, vector<16xf32>,
    %add3A_1112 = arith.constant 1.000000e+00 : f32
    %add3A_1113 = vector.broadcast %add3A_1112 : f32 to vector<16xf32>
    %add3A_1114 = arith.addf %get3A_1111, %add3A_1113 : vector<16xf32>
    %bitcast3A_1115 = vector.bitcast %add3A_1114 : vector<16xf32> to vector<16xi32>
    %shift_right_arithmetic3A_1116 = arith.constant 1 : i32
    %shift_right_arithmetic3A_1117 = vector.broadcast %shift_right_arithmetic3A_1116 : i32 to vector<16xi32>
    %shift_right_arithmetic3A_1118 = arith.shrsi %bitcast3A_1115, %shift_right_arithmetic3A_1117 : vector<16xi32>
    %sub3A_1119 = arith.constant 1597463007 : i32
    %sub3A_1120 = vector.broadcast %sub3A_1119 : i32 to vector<16xi32>
    %sub3A_1121 = arith.subi %sub3A_1120, %shift_right_arithmetic3A_1118 : vector<16xi32>
    %bitcast3A_1122 = vector.bitcast %sub3A_1121 : vector<16xi32> to vector<16xf32>
    %mul3A_1123 = arith.constant 5.000000e-01 : f32
    %mul3A_1124 = vector.broadcast %mul3A_1123 : f32 to vector<16xf32>
    %mul3A_1125 = arith.mulf %mul3A_1124, %add3A_1114 : vector<16xf32>
    %mul3A_1126 = arith.mulf %mul3A_1125, %bitcast3A_1122 : vector<16xf32>
    %mul3A_1127 = arith.mulf %mul3A_1126, %bitcast3A_1122 : vector<16xf32>
    %sub3A_1128 = arith.constant 1.500000e+00 : f32
    %sub3A_1129 = vector.broadcast %sub3A_1128 : f32 to vector<16xf32>
    %sub3A_1130 = arith.subf %sub3A_1129, %mul3A_1127 : vector<16xf32>
    %mul3A_1131 = arith.mulf %bitcast3A_1122, %sub3A_1130 : vector<16xf32>
    %mul3A_1132 = arith.constant 5.000000e-01 : f32
    %mul3A_1133 = vector.broadcast %mul3A_1132 : f32 to vector<16xf32>
    %mul3A_1134 = arith.mulf %mul3A_1133, %add3A_1114 : vector<16xf32>
    %mul3A_1135 = arith.mulf %mul3A_1134, %mul3A_1131 : vector<16xf32>
    %mul3A_1136 = arith.mulf %mul3A_1135, %mul3A_1131 : vector<16xf32>
    %sub3A_1137 = arith.constant 1.500000e+00 : f32
    %sub3A_1138 = vector.broadcast %sub3A_1137 : f32 to vector<16xf32>
    %sub3A_1139 = arith.subf %sub3A_1138, %mul3A_1136 : vector<16xf32>
    %mul3A_1140 = arith.mulf %mul3A_1131, %sub3A_1139 : vector<16xf32>
    %swap3A_1141 = arith.constant 448 : index
    %swap3A_1142 = tpu.vector_load %arg22[%swap3A_1141] {strides = array<i32>} : memref<640xf32, #tpu.memory_space<vmem>>, vector<16xf32>,
    tpu.vector_store %arg22[%swap3A_1141], %mul3A_1140 {strides = array<i32>} : memref<640xf32, #tpu.memory_space<vmem>>, vector<16xf32>,
    %get3A_1143 = arith.constant 464 : index
    %get3A_1144 = tpu.vector_load %arg21[%get3A_1143] {strides = array<i32>} : memref<640xf32, #tpu.memory_space<vmem>>, vector<16xf32>,
    %add3A_1145 = arith.constant 1.000000e+00 : f32
    %add3A_1146 = vector.broadcast %add3A_1145 : f32 to vector<16xf32>
    %add3A_1147 = arith.addf %get3A_1144, %add3A_1146 : vector<16xf32>
    %bitcast3A_1148 = vector.bitcast %add3A_1147 : vector<16xf32> to vector<16xi32>
    %shift_right_arithmetic3A_1149 = arith.constant 1 : i32
    %shift_right_arithmetic3A_1150 = vector.broadcast %shift_right_arithmetic3A_1149 : i32 to vector<16xi32>
    %shift_right_arithmetic3A_1151 = arith.shrsi %bitcast3A_1148, %shift_right_arithmetic3A_1150 : vector<16xi32>
    %sub3A_1152 = arith.constant 1597463007 : i32
    %sub3A_1153 = vector.broadcast %sub3A_1152 : i32 to vector<16xi32>
    %sub3A_1154 = arith.subi %sub3A_1153, %shift_right_arithmetic3A_1151 : vector<16xi32>
    %bitcast3A_1155 = vector.bitcast %sub3A_1154 : vector<16xi32> to vector<16xf32>
    %mul3A_1156 = arith.constant 5.000000e-01 : f32
    %mul3A_1157 = vector.broadcast %mul3A_1156 : f32 to vector<16xf32>
    %mul3A_1158 = arith.mulf %mul3A_1157, %add3A_1147 : vector<16xf32>
    %mul3A_1159 = arith.mulf %mul3A_1158, %bitcast3A_1155 : vector<16xf32>
    %mul3A_1160 = arith.mulf %mul3A_1159, %bitcast3A_1155 : vector<16xf32>
    %sub3A_1161 = arith.constant 1.500000e+00 : f32
    %sub3A_1162 = vector.broadcast %sub3A_1161 : f32 to vector<16xf32>
    %sub3A_1163 = arith.subf %sub3A_1162, %mul3A_1160 : vector<16xf32>
    %mul3A_1164 = arith.mulf %bitcast3A_1155, %sub3A_1163 : vector<16xf32>
    %mul3A_1165 = arith.constant 5.000000e-01 : f32
    %mul3A_1166 = vector.broadcast %mul3A_1165 : f32 to vector<16xf32>
    %mul3A_1167 = arith.mulf %mul3A_1166, %add3A_1147 : vector<16xf32>
    %mul3A_1168 = arith.mulf %mul3A_1167, %mul3A_1164 : vector<16xf32>
    %mul3A_1169 = arith.mulf %mul3A_1168, %mul3A_1164 : vector<16xf32>
    %sub3A_1170 = arith.constant 1.500000e+00 : f32
    %sub3A_1171 = vector.broadcast %sub3A_1170 : f32 to vector<16xf32>
    %sub3A_1172 = arith.subf %sub3A_1171, %mul3A_1169 : vector<16xf32>
    %mul3A_1173 = arith.mulf %mul3A_1164, %sub3A_1172 : vector<16xf32>
    %swap3A_1174 = arith.constant 464 : index
    %swap3A_1175 = tpu.vector_load %arg22[%swap3A_1174] {strides = array<i32>} : memref<640xf32, #tpu.memory_space<vmem>>, vector<16xf32>,
    tpu.vector_store %arg22[%swap3A_1174], %mul3A_1173 {strides = array<i32>} : memref<640xf32, #tpu.memory_space<vmem>>, vector<16xf32>,
    %get3A_1176 = arith.constant 480 : index
    %get3A_1177 = tpu.vector_load %arg21[%get3A_1176] {strides = array<i32>} : memref<640xf32, #tpu.memory_space<vmem>>, vector<16xf32>,
    %add3A_1178 = arith.constant 1.000000e+00 : f32
    %add3A_1179 = vector.broadcast %add3A_1178 : f32 to vector<16xf32>
    %add3A_1180 = arith.addf %get3A_1177, %add3A_1179 : vector<16xf32>
    %bitcast3A_1181 = vector.bitcast %add3A_1180 : vector<16xf32> to vector<16xi32>
    %shift_right_arithmetic3A_1182 = arith.constant 1 : i32
    %shift_right_arithmetic3A_1183 = vector.broadcast %shift_right_arithmetic3A_1182 : i32 to vector<16xi32>
    %shift_right_arithmetic3A_1184 = arith.shrsi %bitcast3A_1181, %shift_right_arithmetic3A_1183 : vector<16xi32>
    %sub3A_1185 = arith.constant 1597463007 : i32
    %sub3A_1186 = vector.broadcast %sub3A_1185 : i32 to vector<16xi32>
    %sub3A_1187 = arith.subi %sub3A_1186, %shift_right_arithmetic3A_1184 : vector<16xi32>
    %bitcast3A_1188 = vector.bitcast %sub3A_1187 : vector<16xi32> to vector<16xf32>
    %mul3A_1189 = arith.constant 5.000000e-01 : f32
    %mul3A_1190 = vector.broadcast %mul3A_1189 : f32 to vector<16xf32>
    %mul3A_1191 = arith.mulf %mul3A_1190, %add3A_1180 : vector<16xf32>
    %mul3A_1192 = arith.mulf %mul3A_1191, %bitcast3A_1188 : vector<16xf32>
    %mul3A_1193 = arith.mulf %mul3A_1192, %bitcast3A_1188 : vector<16xf32>
    %sub3A_1194 = arith.constant 1.500000e+00 : f32
    %sub3A_1195 = vector.broadcast %sub3A_1194 : f32 to vector<16xf32>
    %sub3A_1196 = arith.subf %sub3A_1195, %mul3A_1193 : vector<16xf32>
    %mul3A_1197 = arith.mulf %bitcast3A_1188, %sub3A_1196 : vector<16xf32>
    %mul3A_1198 = arith.constant 5.000000e-01 : f32
    %mul3A_1199 = vector.broadcast %mul3A_1198 : f32 to vector<16xf32>
    %mul3A_1200 = arith.mulf %mul3A_1199, %add3A_1180 : vector<16xf32>
    %mul3A_1201 = arith.mulf %mul3A_1200, %mul3A_1197 : vector<16xf32>
    %mul3A_1202 = arith.mulf %mul3A_1201, %mul3A_1197 : vector<16xf32>
    %sub3A_1203 = arith.constant 1.500000e+00 : f32
    %sub3A_1204 = vector.broadcast %sub3A_1203 : f32 to vector<16xf32>
    %sub3A_1205 = arith.subf %sub3A_1204, %mul3A_1202 : vector<16xf32>
    %mul3A_1206 = arith.mulf %mul3A_1197, %sub3A_1205 : vector<16xf32>
    %swap3A_1207 = arith.constant 480 : index
    %swap3A_1208 = tpu.vector_load %arg22[%swap3A_1207] {strides = array<i32>} : memref<640xf32, #tpu.memory_space<vmem>>, vector<16xf32>,
    tpu.vector_store %arg22[%swap3A_1207], %mul3A_1206 {strides = array<i32>} : memref<640xf32, #tpu.memory_space<vmem>>, vector<16xf32>,
    %get3A_1209 = arith.constant 496 : index
    %get3A_1210 = tpu.vector_load %arg21[%get3A_1209] {strides = array<i32>} : memref<640xf32, #tpu.memory_space<vmem>>, vector<16xf32>,
    %add3A_1211 = arith.constant 1.000000e+00 : f32
    %add3A_1212 = vector.broadcast %add3A_1211 : f32 to vector<16xf32>
    %add3A_1213 = arith.addf %get3A_1210, %add3A_1212 : vector<16xf32>
    %bitcast3A_1214 = vector.bitcast %add3A_1213 : vector<16xf32> to vector<16xi32>
    %shift_right_arithmetic3A_1215 = arith.constant 1 : i32
    %shift_right_arithmetic3A_1216 = vector.broadcast %shift_right_arithmetic3A_1215 : i32 to vector<16xi32>
    %shift_right_arithmetic3A_1217 = arith.shrsi %bitcast3A_1214, %shift_right_arithmetic3A_1216 : vector<16xi32>
    %sub3A_1218 = arith.constant 1597463007 : i32
    %sub3A_1219 = vector.broadcast %sub3A_1218 : i32 to vector<16xi32>
    %sub3A_1220 = arith.subi %sub3A_1219, %shift_right_arithmetic3A_1217 : vector<16xi32>
    %bitcast3A_1221 = vector.bitcast %sub3A_1220 : vector<16xi32> to vector<16xf32>
    %mul3A_1222 = arith.constant 5.000000e-01 : f32
    %mul3A_1223 = vector.broadcast %mul3A_1222 : f32 to vector<16xf32>
    %mul3A_1224 = arith.mulf %mul3A_1223, %add3A_1213 : vector<16xf32>
    %mul3A_1225 = arith.mulf %mul3A_1224, %bitcast3A_1221 : vector<16xf32>
    %mul3A_1226 = arith.mulf %mul3A_1225, %bitcast3A_1221 : vector<16xf32>
    %sub3A_1227 = arith.constant 1.500000e+00 : f32
    %sub3A_1228 = vector.broadcast %sub3A_1227 : f32 to vector<16xf32>
    %sub3A_1229 = arith.subf %sub3A_1228, %mul3A_1226 : vector<16xf32>
    %mul3A_1230 = arith.mulf %bitcast3A_1221, %sub3A_1229 : vector<16xf32>
    %mul3A_1231 = arith.constant 5.000000e-01 : f32
    %mul3A_1232 = vector.broadcast %mul3A_1231 : f32 to vector<16xf32>
    %mul3A_1233 = arith.mulf %mul3A_1232, %add3A_1213 : vector<16xf32>
    %mul3A_1234 = arith.mulf %mul3A_1233, %mul3A_1230 : vector<16xf32>
    %mul3A_1235 = arith.mulf %mul3A_1234, %mul3A_1230 : vector<16xf32>
    %sub3A_1236 = arith.constant 1.500000e+00 : f32
    %sub3A_1237 = vector.broadcast %sub3A_1236 : f32 to vector<16xf32>
    %sub3A_1238 = arith.subf %sub3A_1237, %mul3A_1235 : vector<16xf32>
    %mul3A_1239 = arith.mulf %mul3A_1230, %sub3A_1238 : vector<16xf32>
    %swap3A_1240 = arith.constant 496 : index
    %swap3A_1241 = tpu.vector_load %arg22[%swap3A_1240] {strides = array<i32>} : memref<640xf32, #tpu.memory_space<vmem>>, vector<16xf32>,
    tpu.vector_store %arg22[%swap3A_1240], %mul3A_1239 {strides = array<i32>} : memref<640xf32, #tpu.memory_space<vmem>>, vector<16xf32>,
    %get3A_1242 = arith.constant 512 : index
    %get3A_1243 = tpu.vector_load %arg21[%get3A_1242] {strides = array<i32>} : memref<640xf32, #tpu.memory_space<vmem>>, vector<16xf32>,
    %add3A_1244 = arith.constant 1.000000e+00 : f32
    %add3A_1245 = vector.broadcast %add3A_1244 : f32 to vector<16xf32>
    %add3A_1246 = arith.addf %get3A_1243, %add3A_1245 : vector<16xf32>
    %bitcast3A_1247 = vector.bitcast %add3A_1246 : vector<16xf32> to vector<16xi32>
    %shift_right_arithmetic3A_1248 = arith.constant 1 : i32
    %shift_right_arithmetic3A_1249 = vector.broadcast %shift_right_arithmetic3A_1248 : i32 to vector<16xi32>
    %shift_right_arithmetic3A_1250 = arith.shrsi %bitcast3A_1247, %shift_right_arithmetic3A_1249 : vector<16xi32>
    %sub3A_1251 = arith.constant 1597463007 : i32
    %sub3A_1252 = vector.broadcast %sub3A_1251 : i32 to vector<16xi32>
    %sub3A_1253 = arith.subi %sub3A_1252, %shift_right_arithmetic3A_1250 : vector<16xi32>
    %bitcast3A_1254 = vector.bitcast %sub3A_1253 : vector<16xi32> to vector<16xf32>
    %mul3A_1255 = arith.constant 5.000000e-01 : f32
    %mul3A_1256 = vector.broadcast %mul3A_1255 : f32 to vector<16xf32>
    %mul3A_1257 = arith.mulf %mul3A_1256, %add3A_1246 : vector<16xf32>
    %mul3A_1258 = arith.mulf %mul3A_1257, %bitcast3A_1254 : vector<16xf32>
    %mul3A_1259 = arith.mulf %mul3A_1258, %bitcast3A_1254 : vector<16xf32>
    %sub3A_1260 = arith.constant 1.500000e+00 : f32
    %sub3A_1261 = vector.broadcast %sub3A_1260 : f32 to vector<16xf32>
    %sub3A_1262 = arith.subf %sub3A_1261, %mul3A_1259 : vector<16xf32>
    %mul3A_1263 = arith.mulf %bitcast3A_1254, %sub3A_1262 : vector<16xf32>
    %mul3A_1264 = arith.constant 5.000000e-01 : f32
    %mul3A_1265 = vector.broadcast %mul3A_1264 : f32 to vector<16xf32>
    %mul3A_1266 = arith.mulf %mul3A_1265, %add3A_1246 : vector<16xf32>
    %mul3A_1267 = arith.mulf %mul3A_1266, %mul3A_1263 : vector<16xf32>
    %mul3A_1268 = arith.mulf %mul3A_1267, %mul3A_1263 : vector<16xf32>
    %sub3A_1269 = arith.constant 1.500000e+00 : f32
    %sub3A_1270 = vector.broadcast %sub3A_1269 : f32 to vector<16xf32>
    %sub3A_1271 = arith.subf %sub3A_1270, %mul3A_1268 : vector<16xf32>
    %mul3A_1272 = arith.mulf %mul3A_1263, %sub3A_1271 : vector<16xf32>
    %swap3A_1273 = arith.constant 512 : index
    %swap3A_1274 = tpu.vector_load %arg22[%swap3A_1273] {strides = array<i32>} : memref<640xf32, #tpu.memory_space<vmem>>, vector<16xf32>,
    tpu.vector_store %arg22[%swap3A_1273], %mul3A_1272 {strides = array<i32>} : memref<640xf32, #tpu.memory_space<vmem>>, vector<16xf32>,
    %get3A_1275 = arith.constant 528 : index
    %get3A_1276 = tpu.vector_load %arg21[%get3A_1275] {strides = array<i32>} : memref<640xf32, #tpu.memory_space<vmem>>, vector<16xf32>,
    %add3A_1277 = arith.constant 1.000000e+00 : f32
    %add3A_1278 = vector.broadcast %add3A_1277 : f32 to vector<16xf32>
    %add3A_1279 = arith.addf %get3A_1276, %add3A_1278 : vector<16xf32>
    %bitcast3A_1280 = vector.bitcast %add3A_1279 : vector<16xf32> to vector<16xi32>
    %shift_right_arithmetic3A_1281 = arith.constant 1 : i32
    %shift_right_arithmetic3A_1282 = vector.broadcast %shift_right_arithmetic3A_1281 : i32 to vector<16xi32>
    %shift_right_arithmetic3A_1283 = arith.shrsi %bitcast3A_1280, %shift_right_arithmetic3A_1282 : vector<16xi32>
    %sub3A_1284 = arith.constant 1597463007 : i32
    %sub3A_1285 = vector.broadcast %sub3A_1284 : i32 to vector<16xi32>
    %sub3A_1286 = arith.subi %sub3A_1285, %shift_right_arithmetic3A_1283 : vector<16xi32>
    %bitcast3A_1287 = vector.bitcast %sub3A_1286 : vector<16xi32> to vector<16xf32>
    %mul3A_1288 = arith.constant 5.000000e-01 : f32
    %mul3A_1289 = vector.broadcast %mul3A_1288 : f32 to vector<16xf32>
    %mul3A_1290 = arith.mulf %mul3A_1289, %add3A_1279 : vector<16xf32>
    %mul3A_1291 = arith.mulf %mul3A_1290, %bitcast3A_1287 : vector<16xf32>
    %mul3A_1292 = arith.mulf %mul3A_1291, %bitcast3A_1287 : vector<16xf32>
    %sub3A_1293 = arith.constant 1.500000e+00 : f32
    %sub3A_1294 = vector.broadcast %sub3A_1293 : f32 to vector<16xf32>
    %sub3A_1295 = arith.subf %sub3A_1294, %mul3A_1292 : vector<16xf32>
    %mul3A_1296 = arith.mulf %bitcast3A_1287, %sub3A_1295 : vector<16xf32>
    %mul3A_1297 = arith.constant 5.000000e-01 : f32
    %mul3A_1298 = vector.broadcast %mul3A_1297 : f32 to vector<16xf32>
    %mul3A_1299 = arith.mulf %mul3A_1298, %add3A_1279 : vector<16xf32>
    %mul3A_1300 = arith.mulf %mul3A_1299, %mul3A_1296 : vector<16xf32>
    %mul3A_1301 = arith.mulf %mul3A_1300, %mul3A_1296 : vector<16xf32>
    %sub3A_1302 = arith.constant 1.500000e+00 : f32
    %sub3A_1303 = vector.broadcast %sub3A_1302 : f32 to vector<16xf32>
    %sub3A_1304 = arith.subf %sub3A_1303, %mul3A_1301 : vector<16xf32>
    %mul3A_1305 = arith.mulf %mul3A_1296, %sub3A_1304 : vector<16xf32>
    %swap3A_1306 = arith.constant 528 : index
    %swap3A_1307 = tpu.vector_load %arg22[%swap3A_1306] {strides = array<i32>} : memref<640xf32, #tpu.memory_space<vmem>>, vector<16xf32>,
    tpu.vector_store %arg22[%swap3A_1306], %mul3A_1305 {strides = array<i32>} : memref<640xf32, #tpu.memory_space<vmem>>, vector<16xf32>,
    %get3A_1308 = arith.constant 544 : index
    %get3A_1309 = tpu.vector_load %arg21[%get3A_1308] {strides = array<i32>} : memref<640xf32, #tpu.memory_space<vmem>>, vector<16xf32>,
    %add3A_1310 = arith.constant 1.000000e+00 : f32
    %add3A_1311 = vector.broadcast %add3A_1310 : f32 to vector<16xf32>
    %add3A_1312 = arith.addf %get3A_1309, %add3A_1311 : vector<16xf32>
    %bitcast3A_1313 = vector.bitcast %add3A_1312 : vector<16xf32> to vector<16xi32>
    %shift_right_arithmetic3A_1314 = arith.constant 1 : i32
    %shift_right_arithmetic3A_1315 = vector.broadcast %shift_right_arithmetic3A_1314 : i32 to vector<16xi32>
    %shift_right_arithmetic3A_1316 = arith.shrsi %bitcast3A_1313, %shift_right_arithmetic3A_1315 : vector<16xi32>
    %sub3A_1317 = arith.constant 1597463007 : i32
    %sub3A_1318 = vector.broadcast %sub3A_1317 : i32 to vector<16xi32>
    %sub3A_1319 = arith.subi %sub3A_1318, %shift_right_arithmetic3A_1316 : vector<16xi32>
    %bitcast3A_1320 = vector.bitcast %sub3A_1319 : vector<16xi32> to vector<16xf32>
    %mul3A_1321 = arith.constant 5.000000e-01 : f32
    %mul3A_1322 = vector.broadcast %mul3A_1321 : f32 to vector<16xf32>
    %mul3A_1323 = arith.mulf %mul3A_1322, %add3A_1312 : vector<16xf32>
    %mul3A_1324 = arith.mulf %mul3A_1323, %bitcast3A_1320 : vector<16xf32>
    %mul3A_1325 = arith.mulf %mul3A_1324, %bitcast3A_1320 : vector<16xf32>
    %sub3A_1326 = arith.constant 1.500000e+00 : f32
    %sub3A_1327 = vector.broadcast %sub3A_1326 : f32 to vector<16xf32>
    %sub3A_1328 = arith.subf %sub3A_1327, %mul3A_1325 : vector<16xf32>
    %mul3A_1329 = arith.mulf %bitcast3A_1320, %sub3A_1328 : vector<16xf32>
    %mul3A_1330 = arith.constant 5.000000e-01 : f32
    %mul3A_1331 = vector.broadcast %mul3A_1330 : f32 to vector<16xf32>
    %mul3A_1332 = arith.mulf %mul3A_1331, %add3A_1312 : vector<16xf32>
    %mul3A_1333 = arith.mulf %mul3A_1332, %mul3A_1329 : vector<16xf32>
    %mul3A_1334 = arith.mulf %mul3A_1333, %mul3A_1329 : vector<16xf32>
    %sub3A_1335 = arith.constant 1.500000e+00 : f32
    %sub3A_1336 = vector.broadcast %sub3A_1335 : f32 to vector<16xf32>
    %sub3A_1337 = arith.subf %sub3A_1336, %mul3A_1334 : vector<16xf32>
    %mul3A_1338 = arith.mulf %mul3A_1329, %sub3A_1337 : vector<16xf32>
    %swap3A_1339 = arith.constant 544 : index
    %swap3A_1340 = tpu.vector_load %arg22[%swap3A_1339] {strides = array<i32>} : memref<640xf32, #tpu.memory_space<vmem>>, vector<16xf32>,
    tpu.vector_store %arg22[%swap3A_1339], %mul3A_1338 {strides = array<i32>} : memref<640xf32, #tpu.memory_space<vmem>>, vector<16xf32>,
    %get3A_1341 = arith.constant 560 : index
    %get3A_1342 = tpu.vector_load %arg21[%get3A_1341] {strides = array<i32>} : memref<640xf32, #tpu.memory_space<vmem>>, vector<16xf32>,
    %add3A_1343 = arith.constant 1.000000e+00 : f32
    %add3A_1344 = vector.broadcast %add3A_1343 : f32 to vector<16xf32>
    %add3A_1345 = arith.addf %get3A_1342, %add3A_1344 : vector<16xf32>
    %bitcast3A_1346 = vector.bitcast %add3A_1345 : vector<16xf32> to vector<16xi32>
    %shift_right_arithmetic3A_1347 = arith.constant 1 : i32
    %shift_right_arithmetic3A_1348 = vector.broadcast %shift_right_arithmetic3A_1347 : i32 to vector<16xi32>
    %shift_right_arithmetic3A_1349 = arith.shrsi %bitcast3A_1346, %shift_right_arithmetic3A_1348 : vector<16xi32>
    %sub3A_1350 = arith.constant 1597463007 : i32
    %sub3A_1351 = vector.broadcast %sub3A_1350 : i32 to vector<16xi32>
    %sub3A_1352 = arith.subi %sub3A_1351, %shift_right_arithmetic3A_1349 : vector<16xi32>
    %bitcast3A_1353 = vector.bitcast %sub3A_1352 : vector<16xi32> to vector<16xf32>
    %mul3A_1354 = arith.constant 5.000000e-01 : f32
    %mul3A_1355 = vector.broadcast %mul3A_1354 : f32 to vector<16xf32>
    %mul3A_1356 = arith.mulf %mul3A_1355, %add3A_1345 : vector<16xf32>
    %mul3A_1357 = arith.mulf %mul3A_1356, %bitcast3A_1353 : vector<16xf32>
    %mul3A_1358 = arith.mulf %mul3A_1357, %bitcast3A_1353 : vector<16xf32>
    %sub3A_1359 = arith.constant 1.500000e+00 : f32
    %sub3A_1360 = vector.broadcast %sub3A_1359 : f32 to vector<16xf32>
    %sub3A_1361 = arith.subf %sub3A_1360, %mul3A_1358 : vector<16xf32>
    %mul3A_1362 = arith.mulf %bitcast3A_1353, %sub3A_1361 : vector<16xf32>
    %mul3A_1363 = arith.constant 5.000000e-01 : f32
    %mul3A_1364 = vector.broadcast %mul3A_1363 : f32 to vector<16xf32>
    %mul3A_1365 = arith.mulf %mul3A_1364, %add3A_1345 : vector<16xf32>
    %mul3A_1366 = arith.mulf %mul3A_1365, %mul3A_1362 : vector<16xf32>
    %mul3A_1367 = arith.mulf %mul3A_1366, %mul3A_1362 : vector<16xf32>
    %sub3A_1368 = arith.constant 1.500000e+00 : f32
    %sub3A_1369 = vector.broadcast %sub3A_1368 : f32 to vector<16xf32>
    %sub3A_1370 = arith.subf %sub3A_1369, %mul3A_1367 : vector<16xf32>
    %mul3A_1371 = arith.mulf %mul3A_1362, %sub3A_1370 : vector<16xf32>
    %swap3A_1372 = arith.constant 560 : index
    %swap3A_1373 = tpu.vector_load %arg22[%swap3A_1372] {strides = array<i32>} : memref<640xf32, #tpu.memory_space<vmem>>, vector<16xf32>,
    tpu.vector_store %arg22[%swap3A_1372], %mul3A_1371 {strides = array<i32>} : memref<640xf32, #tpu.memory_space<vmem>>, vector<16xf32>,
    %get3A_1374 = arith.constant 576 : index
    %get3A_1375 = tpu.vector_load %arg21[%get3A_1374] {strides = array<i32>} : memref<640xf32, #tpu.memory_space<vmem>>, vector<16xf32>,
    %add3A_1376 = arith.constant 1.000000e+00 : f32
    %add3A_1377 = vector.broadcast %add3A_1376 : f32 to vector<16xf32>
    %add3A_1378 = arith.addf %get3A_1375, %add3A_1377 : vector<16xf32>
    %bitcast3A_1379 = vector.bitcast %add3A_1378 : vector<16xf32> to vector<16xi32>
    %shift_right_arithmetic3A_1380 = arith.constant 1 : i32
    %shift_right_arithmetic3A_1381 = vector.broadcast %shift_right_arithmetic3A_1380 : i32 to vector<16xi32>
    %shift_right_arithmetic3A_1382 = arith.shrsi %bitcast3A_1379, %shift_right_arithmetic3A_1381 : vector<16xi32>
    %sub3A_1383 = arith.constant 1597463007 : i32
    %sub3A_1384 = vector.broadcast %sub3A_1383 : i32 to vector<16xi32>
    %sub3A_1385 = arith.subi %sub3A_1384, %shift_right_arithmetic3A_1382 : vector<16xi32>
    %bitcast3A_1386 = vector.bitcast %sub3A_1385 : vector<16xi32> to vector<16xf32>
    %mul3A_1387 = arith.constant 5.000000e-01 : f32
    %mul3A_1388 = vector.broadcast %mul3A_1387 : f32 to vector<16xf32>
    %mul3A_1389 = arith.mulf %mul3A_1388, %add3A_1378 : vector<16xf32>
    %mul3A_1390 = arith.mulf %mul3A_1389, %bitcast3A_1386 : vector<16xf32>
    %mul3A_1391 = arith.mulf %mul3A_1390, %bitcast3A_1386 : vector<16xf32>
    %sub3A_1392 = arith.constant 1.500000e+00 : f32
    %sub3A_1393 = vector.broadcast %sub3A_1392 : f32 to vector<16xf32>
    %sub3A_1394 = arith.subf %sub3A_1393, %mul3A_1391 : vector<16xf32>
    %mul3A_1395 = arith.mulf %bitcast3A_1386, %sub3A_1394 : vector<16xf32>
    %mul3A_1396 = arith.constant 5.000000e-01 : f32
    %mul3A_1397 = vector.broadcast %mul3A_1396 : f32 to vector<16xf32>
    %mul3A_1398 = arith.mulf %mul3A_1397, %add3A_1378 : vector<16xf32>
    %mul3A_1399 = arith.mulf %mul3A_1398, %mul3A_1395 : vector<16xf32>
    %mul3A_1400 = arith.mulf %mul3A_1399, %mul3A_1395 : vector<16xf32>
    %sub3A_1401 = arith.constant 1.500000e+00 : f32
    %sub3A_1402 = vector.broadcast %sub3A_1401 : f32 to vector<16xf32>
    %sub3A_1403 = arith.subf %sub3A_1402, %mul3A_1400 : vector<16xf32>
    %mul3A_1404 = arith.mulf %mul3A_1395, %sub3A_1403 : vector<16xf32>
    %swap3A_1405 = arith.constant 576 : index
    %swap3A_1406 = tpu.vector_load %arg22[%swap3A_1405] {strides = array<i32>} : memref<640xf32, #tpu.memory_space<vmem>>, vector<16xf32>,
    tpu.vector_store %arg22[%swap3A_1405], %mul3A_1404 {strides = array<i32>} : memref<640xf32, #tpu.memory_space<vmem>>, vector<16xf32>,
    %get3A_1407 = arith.constant 592 : index
    %get3A_1408 = tpu.vector_load %arg21[%get3A_1407] {strides = array<i32>} : memref<640xf32, #tpu.memory_space<vmem>>, vector<16xf32>,
    %add3A_1409 = arith.constant 1.000000e+00 : f32
    %add3A_1410 = vector.broadcast %add3A_1409 : f32 to vector<16xf32>
    %add3A_1411 = arith.addf %get3A_1408, %add3A_1410 : vector<16xf32>
    %bitcast3A_1412 = vector.bitcast %add3A_1411 : vector<16xf32> to vector<16xi32>
    %shift_right_arithmetic3A_1413 = arith.constant 1 : i32
    %shift_right_arithmetic3A_1414 = vector.broadcast %shift_right_arithmetic3A_1413 : i32 to vector<16xi32>
    %shift_right_arithmetic3A_1415 = arith.shrsi %bitcast3A_1412, %shift_right_arithmetic3A_1414 : vector<16xi32>
    %sub3A_1416 = arith.constant 1597463007 : i32
    %sub3A_1417 = vector.broadcast %sub3A_1416 : i32 to vector<16xi32>
    %sub3A_1418 = arith.subi %sub3A_1417, %shift_right_arithmetic3A_1415 : vector<16xi32>
    %bitcast3A_1419 = vector.bitcast %sub3A_1418 : vector<16xi32> to vector<16xf32>
    %mul3A_1420 = arith.constant 5.000000e-01 : f32
    %mul3A_1421 = vector.broadcast %mul3A_1420 : f32 to vector<16xf32>
    %mul3A_1422 = arith.mulf %mul3A_1421, %add3A_1411 : vector<16xf32>
    %mul3A_1423 = arith.mulf %mul3A_1422, %bitcast3A_1419 : vector<16xf32>
    %mul3A_1424 = arith.mulf %mul3A_1423, %bitcast3A_1419 : vector<16xf32>
    %sub3A_1425 = arith.constant 1.500000e+00 : f32
    %sub3A_1426 = vector.broadcast %sub3A_1425 : f32 to vector<16xf32>
    %sub3A_1427 = arith.subf %sub3A_1426, %mul3A_1424 : vector<16xf32>
    %mul3A_1428 = arith.mulf %bitcast3A_1419, %sub3A_1427 : vector<16xf32>
    %mul3A_1429 = arith.constant 5.000000e-01 : f32
    %mul3A_1430 = vector.broadcast %mul3A_1429 : f32 to vector<16xf32>
    %mul3A_1431 = arith.mulf %mul3A_1430, %add3A_1411 : vector<16xf32>
    %mul3A_1432 = arith.mulf %mul3A_1431, %mul3A_1428 : vector<16xf32>
    %mul3A_1433 = arith.mulf %mul3A_1432, %mul3A_1428 : vector<16xf32>
    %sub3A_1434 = arith.constant 1.500000e+00 : f32
    %sub3A_1435 = vector.broadcast %sub3A_1434 : f32 to vector<16xf32>
    %sub3A_1436 = arith.subf %sub3A_1435, %mul3A_1433 : vector<16xf32>
    %mul3A_1437 = arith.mulf %mul3A_1428, %sub3A_1436 : vector<16xf32>
    %swap3A_1438 = arith.constant 592 : index
    %swap3A_1439 = tpu.vector_load %arg22[%swap3A_1438] {strides = array<i32>} : memref<640xf32, #tpu.memory_space<vmem>>, vector<16xf32>,
    tpu.vector_store %arg22[%swap3A_1438], %mul3A_1437 {strides = array<i32>} : memref<640xf32, #tpu.memory_space<vmem>>, vector<16xf32>,
    %get3A_1440 = arith.constant 608 : index
    %get3A_1441 = tpu.vector_load %arg21[%get3A_1440] {strides = array<i32>} : memref<640xf32, #tpu.memory_space<vmem>>, vector<16xf32>,
    %add3A_1442 = arith.constant 1.000000e+00 : f32
    %add3A_1443 = vector.broadcast %add3A_1442 : f32 to vector<16xf32>
    %add3A_1444 = arith.addf %get3A_1441, %add3A_1443 : vector<16xf32>
    %bitcast3A_1445 = vector.bitcast %add3A_1444 : vector<16xf32> to vector<16xi32>
    %shift_right_arithmetic3A_1446 = arith.constant 1 : i32
    %shift_right_arithmetic3A_1447 = vector.broadcast %shift_right_arithmetic3A_1446 : i32 to vector<16xi32>
    %shift_right_arithmetic3A_1448 = arith.shrsi %bitcast3A_1445, %shift_right_arithmetic3A_1447 : vector<16xi32>
    %sub3A_1449 = arith.constant 1597463007 : i32
    %sub3A_1450 = vector.broadcast %sub3A_1449 : i32 to vector<16xi32>
    %sub3A_1451 = arith.subi %sub3A_1450, %shift_right_arithmetic3A_1448 : vector<16xi32>
    %bitcast3A_1452 = vector.bitcast %sub3A_1451 : vector<16xi32> to vector<16xf32>
    %mul3A_1453 = arith.constant 5.000000e-01 : f32
    %mul3A_1454 = vector.broadcast %mul3A_1453 : f32 to vector<16xf32>
    %mul3A_1455 = arith.mulf %mul3A_1454, %add3A_1444 : vector<16xf32>
    %mul3A_1456 = arith.mulf %mul3A_1455, %bitcast3A_1452 : vector<16xf32>
    %mul3A_1457 = arith.mulf %mul3A_1456, %bitcast3A_1452 : vector<16xf32>
    %sub3A_1458 = arith.constant 1.500000e+00 : f32
    %sub3A_1459 = vector.broadcast %sub3A_1458 : f32 to vector<16xf32>
    %sub3A_1460 = arith.subf %sub3A_1459, %mul3A_1457 : vector<16xf32>
    %mul3A_1461 = arith.mulf %bitcast3A_1452, %sub3A_1460 : vector<16xf32>
    %mul3A_1462 = arith.constant 5.000000e-01 : f32
    %mul3A_1463 = vector.broadcast %mul3A_1462 : f32 to vector<16xf32>
    %mul3A_1464 = arith.mulf %mul3A_1463, %add3A_1444 : vector<16xf32>
    %mul3A_1465 = arith.mulf %mul3A_1464, %mul3A_1461 : vector<16xf32>
    %mul3A_1466 = arith.mulf %mul3A_1465, %mul3A_1461 : vector<16xf32>
    %sub3A_1467 = arith.constant 1.500000e+00 : f32
    %sub3A_1468 = vector.broadcast %sub3A_1467 : f32 to vector<16xf32>
    %sub3A_1469 = arith.subf %sub3A_1468, %mul3A_1466 : vector<16xf32>
    %mul3A_1470 = arith.mulf %mul3A_1461, %sub3A_1469 : vector<16xf32>
    %swap3A_1471 = arith.constant 608 : index
    %swap3A_1472 = tpu.vector_load %arg22[%swap3A_1471] {strides = array<i32>} : memref<640xf32, #tpu.memory_space<vmem>>, vector<16xf32>,
    tpu.vector_store %arg22[%swap3A_1471], %mul3A_1470 {strides = array<i32>} : memref<640xf32, #tpu.memory_space<vmem>>, vector<16xf32>,
    %get3A_1473 = arith.constant 624 : index
    %get3A_1474 = tpu.vector_load %arg21[%get3A_1473] {strides = array<i32>} : memref<640xf32, #tpu.memory_space<vmem>>, vector<16xf32>,
    %add3A_1475 = arith.constant 1.000000e+00 : f32
    %add3A_1476 = vector.broadcast %add3A_1475 : f32 to vector<16xf32>
    %add3A_1477 = arith.addf %get3A_1474, %add3A_1476 : vector<16xf32>
    %bitcast3A_1478 = vector.bitcast %add3A_1477 : vector<16xf32> to vector<16xi32>
    %shift_right_arithmetic3A_1479 = arith.constant 1 : i32
    %shift_right_arithmetic3A_1480 = vector.broadcast %shift_right_arithmetic3A_1479 : i32 to vector<16xi32>
    %shift_right_arithmetic3A_1481 = arith.shrsi %bitcast3A_1478, %shift_right_arithmetic3A_1480 : vector<16xi32>
    %sub3A_1482 = arith.constant 1597463007 : i32
    %sub3A_1483 = vector.broadcast %sub3A_1482 : i32 to vector<16xi32>
    %sub3A_1484 = arith.subi %sub3A_1483, %shift_right_arithmetic3A_1481 : vector<16xi32>
    %bitcast3A_1485 = vector.bitcast %sub3A_1484 : vector<16xi32> to vector<16xf32>
    %mul3A_1486 = arith.constant 5.000000e-01 : f32
    %mul3A_1487 = vector.broadcast %mul3A_1486 : f32 to vector<16xf32>
    %mul3A_1488 = arith.mulf %mul3A_1487, %add3A_1477 : vector<16xf32>
    %mul3A_1489 = arith.mulf %mul3A_1488, %bitcast3A_1485 : vector<16xf32>
    %mul3A_1490 = arith.mulf %mul3A_1489, %bitcast3A_1485 : vector<16xf32>
    %sub3A_1491 = arith.constant 1.500000e+00 : f32
    %sub3A_1492 = vector.broadcast %sub3A_1491 : f32 to vector<16xf32>
    %sub3A_1493 = arith.subf %sub3A_1492, %mul3A_1490 : vector<16xf32>
    %mul3A_1494 = arith.mulf %bitcast3A_1485, %sub3A_1493 : vector<16xf32>
    %mul3A_1495 = arith.constant 5.000000e-01 : f32
    %mul3A_1496 = vector.broadcast %mul3A_1495 : f32 to vector<16xf32>
    %mul3A_1497 = arith.mulf %mul3A_1496, %add3A_1477 : vector<16xf32>
    %mul3A_1498 = arith.mulf %mul3A_1497, %mul3A_1494 : vector<16xf32>
    %mul3A_1499 = arith.mulf %mul3A_1498, %mul3A_1494 : vector<16xf32>
    %sub3A_1500 = arith.constant 1.500000e+00 : f32
    %sub3A_1501 = vector.broadcast %sub3A_1500 : f32 to vector<16xf32>
    %sub3A_1502 = arith.subf %sub3A_1501, %mul3A_1499 : vector<16xf32>
    %mul3A_1503 = arith.mulf %mul3A_1494, %sub3A_1502 : vector<16xf32>
    %swap3A_1504 = arith.constant 624 : index
    %swap3A_1505 = tpu.vector_load %arg22[%swap3A_1504] {strides = array<i32>} : memref<640xf32, #tpu.memory_space<vmem>>, vector<16xf32>,
    tpu.vector_store %arg22[%swap3A_1504], %mul3A_1503 {strides = array<i32>} : memref<640xf32, #tpu.memory_space<vmem>>, vector<16xf32>,
    "tpu.region"() ({
      %run_scoped3A = tpu.sem_alloc : memref<!tpu.dma_semaphore, #tpu.memory_space<semaphore_mem>>
      %dma_start3A_1751 = arith.constant 0 : i32
      %dma_start3A_1752 = tpu.memref_slice %arg8[%arg0, %arg1, %dma_start3A_1751] : memref<2x16x640xf32, #tpu.memory_space<hbm>> -> memref<1x1x640xf32, #tpu.memory_space<hbm>>
      %dma_start3A_1753 = tpu.memref_squeeze %dma_start3A_1752 : memref<1x1x640xf32, #tpu.memory_space<hbm>> -> memref<640xf32, #tpu.memory_space<hbm>>
      %dma_start3A_1754 = arith.constant 0 : i32
      %dma_start3A_1755 = tpu.memref_slice %arg8[%arg0, %arg1, %dma_start3A_1754] : memref<2x16x640xf32, #tpu.memory_space<hbm>> -> memref<1x1x640xf32, #tpu.memory_space<hbm>>
      %dma_start3A_1756 = tpu.memref_squeeze %dma_start3A_1755 : memref<1x1x640xf32, #tpu.memory_space<hbm>> -> memref<640xf32, #tpu.memory_space<hbm>>
      tpu.enqueue_dma source(%arg22 : memref<640xf32, #tpu.memory_space<vmem>>) target(%dma_start3A_1756 : memref<640xf32, #tpu.memory_space<hbm>>) target_semaphore(%run_scoped3A : memref<!tpu.dma_semaphore, #tpu.memory_space<semaphore_mem>>)
      %dma_wait3A_1757 = arith.constant 0 : i32
      %dma_wait3A_1758 = tpu.memref_slice %arg8[%arg0, %arg1, %dma_wait3A_1757] : memref<2x16x640xf32, #tpu.memory_space<hbm>> -> memref<1x1x640xf32, #tpu.memory_space<hbm>>
      %dma_wait3A_1759 = tpu.memref_squeeze %dma_wait3A_1758 : memref<1x1x640xf32, #tpu.memory_space<hbm>> -> memref<640xf32, #tpu.memory_space<hbm>>
      %dma_wait3A_1760 = arith.constant 0 : i32
      %dma_wait3A_1761 = tpu.memref_slice %arg8[%arg0, %arg1, %dma_wait3A_1760] : memref<2x16x640xf32, #tpu.memory_space<hbm>> -> memref<1x1x640xf32, #tpu.memory_space<hbm>>
      %dma_wait3A_1762 = tpu.memref_squeeze %dma_wait3A_1761 : memref<1x1x640xf32, #tpu.memory_space<hbm>> -> memref<640xf32, #tpu.memory_space<hbm>>
      tpu.wait_dma2 semaphore(%run_scoped3A : memref<!tpu.dma_semaphore, #tpu.memory_space<semaphore_mem>>) src(%arg22 : memref<640xf32, #tpu.memory_space<vmem>>) dst(%dma_wait3A_1762 : memref<640xf32, #tpu.memory_space<hbm>>)
      tpu.yield
    }) : () -> ()
    %mul3A_1506 = arith.constant 640 : i32
    %mul3A_1507 = arith.muli %arg1, %mul3A_1506 : i32
    "tpu.region"() ({
      %run_scoped3A = tpu.sem_alloc : memref<!tpu.dma_semaphore, #tpu.memory_space<semaphore_mem>>
      %dma_start3A_1751 = arith.constant 0 : i32
      %dma_start3A_1752 = tpu.memref_slice %arg24[%mul3A_1507, %dma_start3A_1751] : memref<10240x64xbf16, #tpu.memory_space<vmem_shared>> -> memref<640x64xbf16, #tpu.memory_space<vmem_shared>>
      %dma_start3A_1753 = arith.constant 0 : i32
      %dma_start3A_1754 = tpu.memref_slice %arg24[%mul3A_1507, %dma_start3A_1753] : memref<10240x64xbf16, #tpu.memory_space<vmem_shared>> -> memref<640x64xbf16, #tpu.memory_space<vmem_shared>>
      tpu.enqueue_dma source(%dma_start3A_1754 : memref<640x64xbf16, #tpu.memory_space<vmem_shared>>) target(%arg20 : memref<640x64xbf16, #tpu.memory_space<vmem>>) target_semaphore(%run_scoped3A : memref<!tpu.dma_semaphore, #tpu.memory_space<semaphore_mem>>)
      %dma_wait3A_1755 = arith.constant 0 : i32
      %dma_wait3A_1756 = tpu.memref_slice %arg24[%mul3A_1507, %dma_wait3A_1755] : memref<10240x64xbf16, #tpu.memory_space<vmem_shared>> -> memref<640x64xbf16, #tpu.memory_space<vmem_shared>>
      %dma_wait3A_1757 = arith.constant 0 : i32
      %dma_wait3A_1758 = tpu.memref_slice %arg24[%mul3A_1507, %dma_wait3A_1757] : memref<10240x64xbf16, #tpu.memory_space<vmem_shared>> -> memref<640x64xbf16, #tpu.memory_space<vmem_shared>>
      tpu.wait_dma2 semaphore(%run_scoped3A : memref<!tpu.dma_semaphore, #tpu.memory_space<semaphore_mem>>) src(%dma_wait3A_1758 : memref<640x64xbf16, #tpu.memory_space<vmem_shared>>) dst(%arg20 : memref<640x64xbf16, #tpu.memory_space<vmem>>)
      tpu.yield
    }) : () -> ()
    %scan3A_1508 = arith.constant 0 : i32
    %scan3A_1509 = arith.constant 0 : i32
    %scan3A_1510 = arith.constant 40 : i32
    %scan3A_1511 = arith.addi %scan3A_1509, %scan3A_1510 : i32
    %scan3A_1512 = arith.constant 1 : i32
    scf.for %scan3A_1751 = %scan3A_1509 to %scan3A_1511 step %scan3A_1512  : i32 {
      %mul3A_1752 = arith.constant 16 : i32
      %mul3A_1753 = arith.muli %scan3A_1751, %mul3A_1752 : i32
      %get3A_1754 = arith.index_cast %mul3A_1753 : i32 to index
      %get3A_1755 = tpu.vector_load %arg22[%get3A_1754] {strides = array<i32>} : memref<640xf32, #tpu.memory_space<vmem>>, vector<16xf32>,
      %slice3A = vector.extract_strided_slice %get3A_1755 {offsets = [0], sizes = [1], strides = [1]} : vector<16xf32> to vector<1xf32>
      %squeeze3A = vector.extract %slice3A[0] : f32 from vector<1xf32>
      %broadcast_in_dim3A_1756 = vector.broadcast %squeeze3A : f32 to vector<16xf32>
      %mul3A_1757 = arith.constant 16 : i32
      %mul3A_1758 = arith.muli %scan3A_1751, %mul3A_1757 : i32
      %add3A_1759 = arith.constant 0 : i32
      %add3A_1760 = arith.addi %mul3A_1758, %add3A_1759 : i32
      %get3A_1761 = arith.index_cast %add3A_1760 : i32 to index
      %get3A_1762 = arith.constant 0 : index
      %get3A_1763 = tpu.vector_load %arg20[%get3A_1761, %get3A_1762] {strides = array<i32>} : memref<640x64xbf16, #tpu.memory_space<vmem>>, vector<32xbf16>,
      %unpack3A = tpu.unpack_subelements %get3A_1763, 0 {pack_format = #tpu.pack_format<interleaved>} : vector<32xbf16> -> vector<16xf32>
      %unpack3A_1764 = tpu.unpack_subelements %get3A_1763, 1 {pack_format = #tpu.pack_format<interleaved>} : vector<32xbf16> -> vector<16xf32>
      %mul3A_1765 = arith.mulf %unpack3A, %broadcast_in_dim3A_1756 : vector<16xf32>
      %mul3A_1766 = arith.mulf %unpack3A_1764, %broadcast_in_dim3A_1756 : vector<16xf32>
      %pack3A = tpu.pack_subelements %mul3A_1765, %mul3A_1766 {pack_format = #tpu.pack_format<interleaved>, positions = array<i32: 0, 1>} : vector<16xf32>, vector<16xf32> -> vector<32xbf16>
      %swap3A_1767 = arith.index_cast %add3A_1760 : i32 to index
      %swap3A_1768 = arith.constant 0 : index
      %swap3A_1769 = tpu.vector_load %arg20[%swap3A_1767, %swap3A_1768] {strides = array<i32>} : memref<640x64xbf16, #tpu.memory_space<vmem>>, vector<32xbf16>,
      tpu.vector_store %arg20[%swap3A_1767, %swap3A_1768], %pack3A {strides = array<i32>} : memref<640x64xbf16, #tpu.memory_space<vmem>>, vector<32xbf16>,
      %get3A_1770 = arith.index_cast %add3A_1760 : i32 to index
      %get3A_1771 = arith.constant 32 : index
      %get3A_1772 = tpu.vector_load %arg20[%get3A_1770, %get3A_1771] {strides = array<i32>} : memref<640x64xbf16, #tpu.memory_space<vmem>>, vector<32xbf16>,
      %unpack3A_1773 = tpu.unpack_subelements %get3A_1772, 0 {pack_format = #tpu.pack_format<interleaved>} : vector<32xbf16> -> vector<16xf32>
      %unpack3A_1774 = tpu.unpack_subelements %get3A_1772, 1 {pack_format = #tpu.pack_format<interleaved>} : vector<32xbf16> -> vector<16xf32>
      %mul3A_1775 = arith.mulf %unpack3A_1773, %broadcast_in_dim3A_1756 : vector<16xf32>
      %mul3A_1776 = arith.mulf %unpack3A_1774, %broadcast_in_dim3A_1756 : vector<16xf32>
      %pack3A_1777 = tpu.pack_subelements %mul3A_1775, %mul3A_1776 {pack_format = #tpu.pack_format<interleaved>, positions = array<i32: 0, 1>} : vector<16xf32>, vector<16xf32> -> vector<32xbf16>
      %swap3A_1778 = arith.index_cast %add3A_1760 : i32 to index
      %swap3A_1779 = arith.constant 32 : index
      %swap3A_1780 = tpu.vector_load %arg20[%swap3A_1778, %swap3A_1779] {strides = array<i32>} : memref<640x64xbf16, #tpu.memory_space<vmem>>, vector<32xbf16>,
      tpu.vector_store %arg20[%swap3A_1778, %swap3A_1779], %pack3A_1777 {strides = array<i32>} : memref<640x64xbf16, #tpu.memory_space<vmem>>, vector<32xbf16>,
      %slice3A_1781 = vector.extract_strided_slice %get3A_1755 {offsets = [1], sizes = [1], strides = [1]} : vector<16xf32> to vector<1xf32>
      %squeeze3A_1782 = vector.extract %slice3A_1781[0] : f32 from vector<1xf32>
      %broadcast_in_dim3A_1783 = vector.broadcast %squeeze3A_1782 : f32 to vector<16xf32>
      %mul3A_1784 = arith.constant 16 : i32
      %mul3A_1785 = arith.muli %scan3A_1751, %mul3A_1784 : i32
      %add3A_1786 = arith.constant 1 : i32
      %add3A_1787 = arith.addi %mul3A_1785, %add3A_1786 : i32
      %get3A_1788 = arith.index_cast %add3A_1787 : i32 to index
      %get3A_1789 = arith.constant 0 : index
      %get3A_1790 = tpu.vector_load %arg20[%get3A_1788, %get3A_1789] {strides = array<i32>} : memref<640x64xbf16, #tpu.memory_space<vmem>>, vector<32xbf16>,
      %unpack3A_1791 = tpu.unpack_subelements %get3A_1790, 0 {pack_format = #tpu.pack_format<interleaved>} : vector<32xbf16> -> vector<16xf32>
      %unpack3A_1792 = tpu.unpack_subelements %get3A_1790, 1 {pack_format = #tpu.pack_format<interleaved>} : vector<32xbf16> -> vector<16xf32>
      %mul3A_1793 = arith.mulf %unpack3A_1791, %broadcast_in_dim3A_1783 : vector<16xf32>
      %mul3A_1794 = arith.mulf %unpack3A_1792, %broadcast_in_dim3A_1783 : vector<16xf32>
      %pack3A_1795 = tpu.pack_subelements %mul3A_1793, %mul3A_1794 {pack_format = #tpu.pack_format<interleaved>, positions = array<i32: 0, 1>} : vector<16xf32>, vector<16xf32> -> vector<32xbf16>
      %swap3A_1796 = arith.index_cast %add3A_1787 : i32 to index
      %swap3A_1797 = arith.constant 0 : index
      %swap3A_1798 = tpu.vector_load %arg20[%swap3A_1796, %swap3A_1797] {strides = array<i32>} : memref<640x64xbf16, #tpu.memory_space<vmem>>, vector<32xbf16>,
      tpu.vector_store %arg20[%swap3A_1796, %swap3A_1797], %pack3A_1795 {strides = array<i32>} : memref<640x64xbf16, #tpu.memory_space<vmem>>, vector<32xbf16>,
      %get3A_1799 = arith.index_cast %add3A_1787 : i32 to index
      %get3A_1800 = arith.constant 32 : index
      %get3A_1801 = tpu.vector_load %arg20[%get3A_1799, %get3A_1800] {strides = array<i32>} : memref<640x64xbf16, #tpu.memory_space<vmem>>, vector<32xbf16>,
      %unpack3A_1802 = tpu.unpack_subelements %get3A_1801, 0 {pack_format = #tpu.pack_format<interleaved>} : vector<32xbf16> -> vector<16xf32>
      %unpack3A_1803 = tpu.unpack_subelements %get3A_1801, 1 {pack_format = #tpu.pack_format<interleaved>} : vector<32xbf16> -> vector<16xf32>
      %mul3A_1804 = arith.mulf %unpack3A_1802, %broadcast_in_dim3A_1783 : vector<16xf32>
      %mul3A_1805 = arith.mulf %unpack3A_1803, %broadcast_in_dim3A_1783 : vector<16xf32>
      %pack3A_1806 = tpu.pack_subelements %mul3A_1804, %mul3A_1805 {pack_format = #tpu.pack_format<interleaved>, positions = array<i32: 0, 1>} : vector<16xf32>, vector<16xf32> -> vector<32xbf16>
      %swap3A_1807 = arith.index_cast %add3A_1787 : i32 to index
      %swap3A_1808 = arith.constant 32 : index
      %swap3A_1809 = tpu.vector_load %arg20[%swap3A_1807, %swap3A_1808] {strides = array<i32>} : memref<640x64xbf16, #tpu.memory_space<vmem>>, vector<32xbf16>,
      tpu.vector_store %arg20[%swap3A_1807, %swap3A_1808], %pack3A_1806 {strides = array<i32>} : memref<640x64xbf16, #tpu.memory_space<vmem>>, vector<32xbf16>,
      %slice3A_1810 = vector.extract_strided_slice %get3A_1755 {offsets = [2], sizes = [1], strides = [1]} : vector<16xf32> to vector<1xf32>
      %squeeze3A_1811 = vector.extract %slice3A_1810[0] : f32 from vector<1xf32>
      %broadcast_in_dim3A_1812 = vector.broadcast %squeeze3A_1811 : f32 to vector<16xf32>
      %mul3A_1813 = arith.constant 16 : i32
      %mul3A_1814 = arith.muli %scan3A_1751, %mul3A_1813 : i32
      %add3A_1815 = arith.constant 2 : i32
      %add3A_1816 = arith.addi %mul3A_1814, %add3A_1815 : i32
      %get3A_1817 = arith.index_cast %add3A_1816 : i32 to index
      %get3A_1818 = arith.constant 0 : index
      %get3A_1819 = tpu.vector_load %arg20[%get3A_1817, %get3A_1818] {strides = array<i32>} : memref<640x64xbf16, #tpu.memory_space<vmem>>, vector<32xbf16>,
      %unpack3A_1820 = tpu.unpack_subelements %get3A_1819, 0 {pack_format = #tpu.pack_format<interleaved>} : vector<32xbf16> -> vector<16xf32>
      %unpack3A_1821 = tpu.unpack_subelements %get3A_1819, 1 {pack_format = #tpu.pack_format<interleaved>} : vector<32xbf16> -> vector<16xf32>
      %mul3A_1822 = arith.mulf %unpack3A_1820, %broadcast_in_dim3A_1812 : vector<16xf32>
      %mul3A_1823 = arith.mulf %unpack3A_1821, %broadcast_in_dim3A_1812 : vector<16xf32>
      %pack3A_1824 = tpu.pack_subelements %mul3A_1822, %mul3A_1823 {pack_format = #tpu.pack_format<interleaved>, positions = array<i32: 0, 1>} : vector<16xf32>, vector<16xf32> -> vector<32xbf16>
      %swap3A_1825 = arith.index_cast %add3A_1816 : i32 to index
      %swap3A_1826 = arith.constant 0 : index
      %swap3A_1827 = tpu.vector_load %arg20[%swap3A_1825, %swap3A_1826] {strides = array<i32>} : memref<640x64xbf16, #tpu.memory_space<vmem>>, vector<32xbf16>,
      tpu.vector_store %arg20[%swap3A_1825, %swap3A_1826], %pack3A_1824 {strides = array<i32>} : memref<640x64xbf16, #tpu.memory_space<vmem>>, vector<32xbf16>,
      %get3A_1828 = arith.index_cast %add3A_1816 : i32 to index
      %get3A_1829 = arith.constant 32 : index
      %get3A_1830 = tpu.vector_load %arg20[%get3A_1828, %get3A_1829] {strides = array<i32>} : memref<640x64xbf16, #tpu.memory_space<vmem>>, vector<32xbf16>,
      %unpack3A_1831 = tpu.unpack_subelements %get3A_1830, 0 {pack_format = #tpu.pack_format<interleaved>} : vector<32xbf16> -> vector<16xf32>
      %unpack3A_1832 = tpu.unpack_subelements %get3A_1830, 1 {pack_format = #tpu.pack_format<interleaved>} : vector<32xbf16> -> vector<16xf32>
      %mul3A_1833 = arith.mulf %unpack3A_1831, %broadcast_in_dim3A_1812 : vector<16xf32>
      %mul3A_1834 = arith.mulf %unpack3A_1832, %broadcast_in_dim3A_1812 : vector<16xf32>
      %pack3A_1835 = tpu.pack_subelements %mul3A_1833, %mul3A_1834 {pack_format = #tpu.pack_format<interleaved>, positions = array<i32: 0, 1>} : vector<16xf32>, vector<16xf32> -> vector<32xbf16>
      %swap3A_1836 = arith.index_cast %add3A_1816 : i32 to index
      %swap3A_1837 = arith.constant 32 : index
      %swap3A_1838 = tpu.vector_load %arg20[%swap3A_1836, %swap3A_1837] {strides = array<i32>} : memref<640x64xbf16, #tpu.memory_space<vmem>>, vector<32xbf16>,
      tpu.vector_store %arg20[%swap3A_1836, %swap3A_1837], %pack3A_1835 {strides = array<i32>} : memref<640x64xbf16, #tpu.memory_space<vmem>>, vector<32xbf16>,
      %slice3A_1839 = vector.extract_strided_slice %get3A_1755 {offsets = [3], sizes = [1], strides = [1]} : vector<16xf32> to vector<1xf32>
      %squeeze3A_1840 = vector.extract %slice3A_1839[0] : f32 from vector<1xf32>
      %broadcast_in_dim3A_1841 = vector.broadcast %squeeze3A_1840 : f32 to vector<16xf32>
      %mul3A_1842 = arith.constant 16 : i32
      %mul3A_1843 = arith.muli %scan3A_1751, %mul3A_1842 : i32
      %add3A_1844 = arith.constant 3 : i32
      %add3A_1845 = arith.addi %mul3A_1843, %add3A_1844 : i32
      %get3A_1846 = arith.index_cast %add3A_1845 : i32 to index
      %get3A_1847 = arith.constant 0 : index
      %get3A_1848 = tpu.vector_load %arg20[%get3A_1846, %get3A_1847] {strides = array<i32>} : memref<640x64xbf16, #tpu.memory_space<vmem>>, vector<32xbf16>,
      %unpack3A_1849 = tpu.unpack_subelements %get3A_1848, 0 {pack_format = #tpu.pack_format<interleaved>} : vector<32xbf16> -> vector<16xf32>
      %unpack3A_1850 = tpu.unpack_subelements %get3A_1848, 1 {pack_format = #tpu.pack_format<interleaved>} : vector<32xbf16> -> vector<16xf32>
      %mul3A_1851 = arith.mulf %unpack3A_1849, %broadcast_in_dim3A_1841 : vector<16xf32>
      %mul3A_1852 = arith.mulf %unpack3A_1850, %broadcast_in_dim3A_1841 : vector<16xf32>
      %pack3A_1853 = tpu.pack_subelements %mul3A_1851, %mul3A_1852 {pack_format = #tpu.pack_format<interleaved>, positions = array<i32: 0, 1>} : vector<16xf32>, vector<16xf32> -> vector<32xbf16>
      %swap3A_1854 = arith.index_cast %add3A_1845 : i32 to index
      %swap3A_1855 = arith.constant 0 : index
      %swap3A_1856 = tpu.vector_load %arg20[%swap3A_1854, %swap3A_1855] {strides = array<i32>} : memref<640x64xbf16, #tpu.memory_space<vmem>>, vector<32xbf16>,
      tpu.vector_store %arg20[%swap3A_1854, %swap3A_1855], %pack3A_1853 {strides = array<i32>} : memref<640x64xbf16, #tpu.memory_space<vmem>>, vector<32xbf16>,
      %get3A_1857 = arith.index_cast %add3A_1845 : i32 to index
      %get3A_1858 = arith.constant 32 : index
      %get3A_1859 = tpu.vector_load %arg20[%get3A_1857, %get3A_1858] {strides = array<i32>} : memref<640x64xbf16, #tpu.memory_space<vmem>>, vector<32xbf16>,
      %unpack3A_1860 = tpu.unpack_subelements %get3A_1859, 0 {pack_format = #tpu.pack_format<interleaved>} : vector<32xbf16> -> vector<16xf32>
      %unpack3A_1861 = tpu.unpack_subelements %get3A_1859, 1 {pack_format = #tpu.pack_format<interleaved>} : vector<32xbf16> -> vector<16xf32>
      %mul3A_1862 = arith.mulf %unpack3A_1860, %broadcast_in_dim3A_1841 : vector<16xf32>
      %mul3A_1863 = arith.mulf %unpack3A_1861, %broadcast_in_dim3A_1841 : vector<16xf32>
      %pack3A_1864 = tpu.pack_subelements %mul3A_1862, %mul3A_1863 {pack_format = #tpu.pack_format<interleaved>, positions = array<i32: 0, 1>} : vector<16xf32>, vector<16xf32> -> vector<32xbf16>
      %swap3A_1865 = arith.index_cast %add3A_1845 : i32 to index
      %swap3A_1866 = arith.constant 32 : index
      %swap3A_1867 = tpu.vector_load %arg20[%swap3A_1865, %swap3A_1866] {strides = array<i32>} : memref<640x64xbf16, #tpu.memory_space<vmem>>, vector<32xbf16>,
      tpu.vector_store %arg20[%swap3A_1865, %swap3A_1866], %pack3A_1864 {strides = array<i32>} : memref<640x64xbf16, #tpu.memory_space<vmem>>, vector<32xbf16>,
      %slice3A_1868 = vector.extract_strided_slice %get3A_1755 {offsets = [4], sizes = [1], strides = [1]} : vector<16xf32> to vector<1xf32>
      %squeeze3A_1869 = vector.extract %slice3A_1868[0] : f32 from vector<1xf32>
      %broadcast_in_dim3A_1870 = vector.broadcast %squeeze3A_1869 : f32 to vector<16xf32>
      %mul3A_1871 = arith.constant 16 : i32
      %mul3A_1872 = arith.muli %scan3A_1751, %mul3A_1871 : i32
      %add3A_1873 = arith.constant 4 : i32
      %add3A_1874 = arith.addi %mul3A_1872, %add3A_1873 : i32
      %get3A_1875 = arith.index_cast %add3A_1874 : i32 to index
      %get3A_1876 = arith.constant 0 : index
      %get3A_1877 = tpu.vector_load %arg20[%get3A_1875, %get3A_1876] {strides = array<i32>} : memref<640x64xbf16, #tpu.memory_space<vmem>>, vector<32xbf16>,
      %unpack3A_1878 = tpu.unpack_subelements %get3A_1877, 0 {pack_format = #tpu.pack_format<interleaved>} : vector<32xbf16> -> vector<16xf32>
      %unpack3A_1879 = tpu.unpack_subelements %get3A_1877, 1 {pack_format = #tpu.pack_format<interleaved>} : vector<32xbf16> -> vector<16xf32>
      %mul3A_1880 = arith.mulf %unpack3A_1878, %broadcast_in_dim3A_1870 : vector<16xf32>
      %mul3A_1881 = arith.mulf %unpack3A_1879, %broadcast_in_dim3A_1870 : vector<16xf32>
      %pack3A_1882 = tpu.pack_subelements %mul3A_1880, %mul3A_1881 {pack_format = #tpu.pack_format<interleaved>, positions = array<i32: 0, 1>} : vector<16xf32>, vector<16xf32> -> vector<32xbf16>
      %swap3A_1883 = arith.index_cast %add3A_1874 : i32 to index
      %swap3A_1884 = arith.constant 0 : index
      %swap3A_1885 = tpu.vector_load %arg20[%swap3A_1883, %swap3A_1884] {strides = array<i32>} : memref<640x64xbf16, #tpu.memory_space<vmem>>, vector<32xbf16>,
      tpu.vector_store %arg20[%swap3A_1883, %swap3A_1884], %pack3A_1882 {strides = array<i32>} : memref<640x64xbf16, #tpu.memory_space<vmem>>, vector<32xbf16>,
      %get3A_1886 = arith.index_cast %add3A_1874 : i32 to index
      %get3A_1887 = arith.constant 32 : index
      %get3A_1888 = tpu.vector_load %arg20[%get3A_1886, %get3A_1887] {strides = array<i32>} : memref<640x64xbf16, #tpu.memory_space<vmem>>, vector<32xbf16>,
      %unpack3A_1889 = tpu.unpack_subelements %get3A_1888, 0 {pack_format = #tpu.pack_format<interleaved>} : vector<32xbf16> -> vector<16xf32>
      %unpack3A_1890 = tpu.unpack_subelements %get3A_1888, 1 {pack_format = #tpu.pack_format<interleaved>} : vector<32xbf16> -> vector<16xf32>
      %mul3A_1891 = arith.mulf %unpack3A_1889, %broadcast_in_dim3A_1870 : vector<16xf32>
      %mul3A_1892 = arith.mulf %unpack3A_1890, %broadcast_in_dim3A_1870 : vector<16xf32>
      %pack3A_1893 = tpu.pack_subelements %mul3A_1891, %mul3A_1892 {pack_format = #tpu.pack_format<interleaved>, positions = array<i32: 0, 1>} : vector<16xf32>, vector<16xf32> -> vector<32xbf16>
      %swap3A_1894 = arith.index_cast %add3A_1874 : i32 to index
      %swap3A_1895 = arith.constant 32 : index
      %swap3A_1896 = tpu.vector_load %arg20[%swap3A_1894, %swap3A_1895] {strides = array<i32>} : memref<640x64xbf16, #tpu.memory_space<vmem>>, vector<32xbf16>,
      tpu.vector_store %arg20[%swap3A_1894, %swap3A_1895], %pack3A_1893 {strides = array<i32>} : memref<640x64xbf16, #tpu.memory_space<vmem>>, vector<32xbf16>,
      %slice3A_1897 = vector.extract_strided_slice %get3A_1755 {offsets = [5], sizes = [1], strides = [1]} : vector<16xf32> to vector<1xf32>
      %squeeze3A_1898 = vector.extract %slice3A_1897[0] : f32 from vector<1xf32>
      %broadcast_in_dim3A_1899 = vector.broadcast %squeeze3A_1898 : f32 to vector<16xf32>
      %mul3A_1900 = arith.constant 16 : i32
      %mul3A_1901 = arith.muli %scan3A_1751, %mul3A_1900 : i32
      %add3A_1902 = arith.constant 5 : i32
      %add3A_1903 = arith.addi %mul3A_1901, %add3A_1902 : i32
      %get3A_1904 = arith.index_cast %add3A_1903 : i32 to index
      %get3A_1905 = arith.constant 0 : index
      %get3A_1906 = tpu.vector_load %arg20[%get3A_1904, %get3A_1905] {strides = array<i32>} : memref<640x64xbf16, #tpu.memory_space<vmem>>, vector<32xbf16>,
      %unpack3A_1907 = tpu.unpack_subelements %get3A_1906, 0 {pack_format = #tpu.pack_format<interleaved>} : vector<32xbf16> -> vector<16xf32>
      %unpack3A_1908 = tpu.unpack_subelements %get3A_1906, 1 {pack_format = #tpu.pack_format<interleaved>} : vector<32xbf16> -> vector<16xf32>
      %mul3A_1909 = arith.mulf %unpack3A_1907, %broadcast_in_dim3A_1899 : vector<16xf32>
      %mul3A_1910 = arith.mulf %unpack3A_1908, %broadcast_in_dim3A_1899 : vector<16xf32>
      %pack3A_1911 = tpu.pack_subelements %mul3A_1909, %mul3A_1910 {pack_format = #tpu.pack_format<interleaved>, positions = array<i32: 0, 1>} : vector<16xf32>, vector<16xf32> -> vector<32xbf16>
      %swap3A_1912 = arith.index_cast %add3A_1903 : i32 to index
      %swap3A_1913 = arith.constant 0 : index
      %swap3A_1914 = tpu.vector_load %arg20[%swap3A_1912, %swap3A_1913] {strides = array<i32>} : memref<640x64xbf16, #tpu.memory_space<vmem>>, vector<32xbf16>,
      tpu.vector_store %arg20[%swap3A_1912, %swap3A_1913], %pack3A_1911 {strides = array<i32>} : memref<640x64xbf16, #tpu.memory_space<vmem>>, vector<32xbf16>,
      %get3A_1915 = arith.index_cast %add3A_1903 : i32 to index
      %get3A_1916 = arith.constant 32 : index
      %get3A_1917 = tpu.vector_load %arg20[%get3A_1915, %get3A_1916] {strides = array<i32>} : memref<640x64xbf16, #tpu.memory_space<vmem>>, vector<32xbf16>,
      %unpack3A_1918 = tpu.unpack_subelements %get3A_1917, 0 {pack_format = #tpu.pack_format<interleaved>} : vector<32xbf16> -> vector<16xf32>
      %unpack3A_1919 = tpu.unpack_subelements %get3A_1917, 1 {pack_format = #tpu.pack_format<interleaved>} : vector<32xbf16> -> vector<16xf32>
      %mul3A_1920 = arith.mulf %unpack3A_1918, %broadcast_in_dim3A_1899 : vector<16xf32>
      %mul3A_1921 = arith.mulf %unpack3A_1919, %broadcast_in_dim3A_1899 : vector<16xf32>
      %pack3A_1922 = tpu.pack_subelements %mul3A_1920, %mul3A_1921 {pack_format = #tpu.pack_format<interleaved>, positions = array<i32: 0, 1>} : vector<16xf32>, vector<16xf32> -> vector<32xbf16>
      %swap3A_1923 = arith.index_cast %add3A_1903 : i32 to index
      %swap3A_1924 = arith.constant 32 : index
      %swap3A_1925 = tpu.vector_load %arg20[%swap3A_1923, %swap3A_1924] {strides = array<i32>} : memref<640x64xbf16, #tpu.memory_space<vmem>>, vector<32xbf16>,
      tpu.vector_store %arg20[%swap3A_1923, %swap3A_1924], %pack3A_1922 {strides = array<i32>} : memref<640x64xbf16, #tpu.memory_space<vmem>>, vector<32xbf16>,
      %slice3A_1926 = vector.extract_strided_slice %get3A_1755 {offsets = [6], sizes = [1], strides = [1]} : vector<16xf32> to vector<1xf32>
      %squeeze3A_1927 = vector.extract %slice3A_1926[0] : f32 from vector<1xf32>
      %broadcast_in_dim3A_1928 = vector.broadcast %squeeze3A_1927 : f32 to vector<16xf32>
      %mul3A_1929 = arith.constant 16 : i32
      %mul3A_1930 = arith.muli %scan3A_1751, %mul3A_1929 : i32
      %add3A_1931 = arith.constant 6 : i32
      %add3A_1932 = arith.addi %mul3A_1930, %add3A_1931 : i32
      %get3A_1933 = arith.index_cast %add3A_1932 : i32 to index
      %get3A_1934 = arith.constant 0 : index
      %get3A_1935 = tpu.vector_load %arg20[%get3A_1933, %get3A_1934] {strides = array<i32>} : memref<640x64xbf16, #tpu.memory_space<vmem>>, vector<32xbf16>,
      %unpack3A_1936 = tpu.unpack_subelements %get3A_1935, 0 {pack_format = #tpu.pack_format<interleaved>} : vector<32xbf16> -> vector<16xf32>
      %unpack3A_1937 = tpu.unpack_subelements %get3A_1935, 1 {pack_format = #tpu.pack_format<interleaved>} : vector<32xbf16> -> vector<16xf32>
      %mul3A_1938 = arith.mulf %unpack3A_1936, %broadcast_in_dim3A_1928 : vector<16xf32>
      %mul3A_1939 = arith.mulf %unpack3A_1937, %broadcast_in_dim3A_1928 : vector<16xf32>
      %pack3A_1940 = tpu.pack_subelements %mul3A_1938, %mul3A_1939 {pack_format = #tpu.pack_format<interleaved>, positions = array<i32: 0, 1>} : vector<16xf32>, vector<16xf32> -> vector<32xbf16>
      %swap3A_1941 = arith.index_cast %add3A_1932 : i32 to index
      %swap3A_1942 = arith.constant 0 : index
      %swap3A_1943 = tpu.vector_load %arg20[%swap3A_1941, %swap3A_1942] {strides = array<i32>} : memref<640x64xbf16, #tpu.memory_space<vmem>>, vector<32xbf16>,
      tpu.vector_store %arg20[%swap3A_1941, %swap3A_1942], %pack3A_1940 {strides = array<i32>} : memref<640x64xbf16, #tpu.memory_space<vmem>>, vector<32xbf16>,
      %get3A_1944 = arith.index_cast %add3A_1932 : i32 to index
      %get3A_1945 = arith.constant 32 : index
      %get3A_1946 = tpu.vector_load %arg20[%get3A_1944, %get3A_1945] {strides = array<i32>} : memref<640x64xbf16, #tpu.memory_space<vmem>>, vector<32xbf16>,
      %unpack3A_1947 = tpu.unpack_subelements %get3A_1946, 0 {pack_format = #tpu.pack_format<interleaved>} : vector<32xbf16> -> vector<16xf32>
      %unpack3A_1948 = tpu.unpack_subelements %get3A_1946, 1 {pack_format = #tpu.pack_format<interleaved>} : vector<32xbf16> -> vector<16xf32>
      %mul3A_1949 = arith.mulf %unpack3A_1947, %broadcast_in_dim3A_1928 : vector<16xf32>
      %mul3A_1950 = arith.mulf %unpack3A_1948, %broadcast_in_dim3A_1928 : vector<16xf32>
      %pack3A_1951 = tpu.pack_subelements %mul3A_1949, %mul3A_1950 {pack_format = #tpu.pack_format<interleaved>, positions = array<i32: 0, 1>} : vector<16xf32>, vector<16xf32> -> vector<32xbf16>
      %swap3A_1952 = arith.index_cast %add3A_1932 : i32 to index
      %swap3A_1953 = arith.constant 32 : index
      %swap3A_1954 = tpu.vector_load %arg20[%swap3A_1952, %swap3A_1953] {strides = array<i32>} : memref<640x64xbf16, #tpu.memory_space<vmem>>, vector<32xbf16>,
      tpu.vector_store %arg20[%swap3A_1952, %swap3A_1953], %pack3A_1951 {strides = array<i32>} : memref<640x64xbf16, #tpu.memory_space<vmem>>, vector<32xbf16>,
      %slice3A_1955 = vector.extract_strided_slice %get3A_1755 {offsets = [7], sizes = [1], strides = [1]} : vector<16xf32> to vector<1xf32>
      %squeeze3A_1956 = vector.extract %slice3A_1955[0] : f32 from vector<1xf32>
      %broadcast_in_dim3A_1957 = vector.broadcast %squeeze3A_1956 : f32 to vector<16xf32>
      %mul3A_1958 = arith.constant 16 : i32
      %mul3A_1959 = arith.muli %scan3A_1751, %mul3A_1958 : i32
      %add3A_1960 = arith.constant 7 : i32
      %add3A_1961 = arith.addi %mul3A_1959, %add3A_1960 : i32
      %get3A_1962 = arith.index_cast %add3A_1961 : i32 to index
      %get3A_1963 = arith.constant 0 : index
      %get3A_1964 = tpu.vector_load %arg20[%get3A_1962, %get3A_1963] {strides = array<i32>} : memref<640x64xbf16, #tpu.memory_space<vmem>>, vector<32xbf16>,
      %unpack3A_1965 = tpu.unpack_subelements %get3A_1964, 0 {pack_format = #tpu.pack_format<interleaved>} : vector<32xbf16> -> vector<16xf32>
      %unpack3A_1966 = tpu.unpack_subelements %get3A_1964, 1 {pack_format = #tpu.pack_format<interleaved>} : vector<32xbf16> -> vector<16xf32>
      %mul3A_1967 = arith.mulf %unpack3A_1965, %broadcast_in_dim3A_1957 : vector<16xf32>
      %mul3A_1968 = arith.mulf %unpack3A_1966, %broadcast_in_dim3A_1957 : vector<16xf32>
      %pack3A_1969 = tpu.pack_subelements %mul3A_1967, %mul3A_1968 {pack_format = #tpu.pack_format<interleaved>, positions = array<i32: 0, 1>} : vector<16xf32>, vector<16xf32> -> vector<32xbf16>
      %swap3A_1970 = arith.index_cast %add3A_1961 : i32 to index
      %swap3A_1971 = arith.constant 0 : index
      %swap3A_1972 = tpu.vector_load %arg20[%swap3A_1970, %swap3A_1971] {strides = array<i32>} : memref<640x64xbf16, #tpu.memory_space<vmem>>, vector<32xbf16>,
      tpu.vector_store %arg20[%swap3A_1970, %swap3A_1971], %pack3A_1969 {strides = array<i32>} : memref<640x64xbf16, #tpu.memory_space<vmem>>, vector<32xbf16>,
      %get3A_1973 = arith.index_cast %add3A_1961 : i32 to index
      %get3A_1974 = arith.constant 32 : index
      %get3A_1975 = tpu.vector_load %arg20[%get3A_1973, %get3A_1974] {strides = array<i32>} : memref<640x64xbf16, #tpu.memory_space<vmem>>, vector<32xbf16>,
      %unpack3A_1976 = tpu.unpack_subelements %get3A_1975, 0 {pack_format = #tpu.pack_format<interleaved>} : vector<32xbf16> -> vector<16xf32>
      %unpack3A_1977 = tpu.unpack_subelements %get3A_1975, 1 {pack_format = #tpu.pack_format<interleaved>} : vector<32xbf16> -> vector<16xf32>
      %mul3A_1978 = arith.mulf %unpack3A_1976, %broadcast_in_dim3A_1957 : vector<16xf32>
      %mul3A_1979 = arith.mulf %unpack3A_1977, %broadcast_in_dim3A_1957 : vector<16xf32>
      %pack3A_1980 = tpu.pack_subelements %mul3A_1978, %mul3A_1979 {pack_format = #tpu.pack_format<interleaved>, positions = array<i32: 0, 1>} : vector<16xf32>, vector<16xf32> -> vector<32xbf16>
      %swap3A_1981 = arith.index_cast %add3A_1961 : i32 to index
      %swap3A_1982 = arith.constant 32 : index
      %swap3A_1983 = tpu.vector_load %arg20[%swap3A_1981, %swap3A_1982] {strides = array<i32>} : memref<640x64xbf16, #tpu.memory_space<vmem>>, vector<32xbf16>,
      tpu.vector_store %arg20[%swap3A_1981, %swap3A_1982], %pack3A_1980 {strides = array<i32>} : memref<640x64xbf16, #tpu.memory_space<vmem>>, vector<32xbf16>,
      %slice3A_1984 = vector.extract_strided_slice %get3A_1755 {offsets = [8], sizes = [1], strides = [1]} : vector<16xf32> to vector<1xf32>
      %squeeze3A_1985 = vector.extract %slice3A_1984[0] : f32 from vector<1xf32>
      %broadcast_in_dim3A_1986 = vector.broadcast %squeeze3A_1985 : f32 to vector<16xf32>
      %mul3A_1987 = arith.constant 16 : i32
      %mul3A_1988 = arith.muli %scan3A_1751, %mul3A_1987 : i32
      %add3A_1989 = arith.constant 8 : i32
      %add3A_1990 = arith.addi %mul3A_1988, %add3A_1989 : i32
      %get3A_1991 = arith.index_cast %add3A_1990 : i32 to index
      %get3A_1992 = arith.constant 0 : index
      %get3A_1993 = tpu.vector_load %arg20[%get3A_1991, %get3A_1992] {strides = array<i32>} : memref<640x64xbf16, #tpu.memory_space<vmem>>, vector<32xbf16>,
      %unpack3A_1994 = tpu.unpack_subelements %get3A_1993, 0 {pack_format = #tpu.pack_format<interleaved>} : vector<32xbf16> -> vector<16xf32>
      %unpack3A_1995 = tpu.unpack_subelements %get3A_1993, 1 {pack_format = #tpu.pack_format<interleaved>} : vector<32xbf16> -> vector<16xf32>
      %mul3A_1996 = arith.mulf %unpack3A_1994, %broadcast_in_dim3A_1986 : vector<16xf32>
      %mul3A_1997 = arith.mulf %unpack3A_1995, %broadcast_in_dim3A_1986 : vector<16xf32>
      %pack3A_1998 = tpu.pack_subelements %mul3A_1996, %mul3A_1997 {pack_format = #tpu.pack_format<interleaved>, positions = array<i32: 0, 1>} : vector<16xf32>, vector<16xf32> -> vector<32xbf16>
      %swap3A_1999 = arith.index_cast %add3A_1990 : i32 to index
      %swap3A_2000 = arith.constant 0 : index
      %swap3A_2001 = tpu.vector_load %arg20[%swap3A_1999, %swap3A_2000] {strides = array<i32>} : memref<640x64xbf16, #tpu.memory_space<vmem>>, vector<32xbf16>,
      tpu.vector_store %arg20[%swap3A_1999, %swap3A_2000], %pack3A_1998 {strides = array<i32>} : memref<640x64xbf16, #tpu.memory_space<vmem>>, vector<32xbf16>,
      %get3A_2002 = arith.index_cast %add3A_1990 : i32 to index
      %get3A_2003 = arith.constant 32 : index
      %get3A_2004 = tpu.vector_load %arg20[%get3A_2002, %get3A_2003] {strides = array<i32>} : memref<640x64xbf16, #tpu.memory_space<vmem>>, vector<32xbf16>,
      %unpack3A_2005 = tpu.unpack_subelements %get3A_2004, 0 {pack_format = #tpu.pack_format<interleaved>} : vector<32xbf16> -> vector<16xf32>
      %unpack3A_2006 = tpu.unpack_subelements %get3A_2004, 1 {pack_format = #tpu.pack_format<interleaved>} : vector<32xbf16> -> vector<16xf32>
      %mul3A_2007 = arith.mulf %unpack3A_2005, %broadcast_in_dim3A_1986 : vector<16xf32>
      %mul3A_2008 = arith.mulf %unpack3A_2006, %broadcast_in_dim3A_1986 : vector<16xf32>
      %pack3A_2009 = tpu.pack_subelements %mul3A_2007, %mul3A_2008 {pack_format = #tpu.pack_format<interleaved>, positions = array<i32: 0, 1>} : vector<16xf32>, vector<16xf32> -> vector<32xbf16>
      %swap3A_2010 = arith.index_cast %add3A_1990 : i32 to index
      %swap3A_2011 = arith.constant 32 : index
      %swap3A_2012 = tpu.vector_load %arg20[%swap3A_2010, %swap3A_2011] {strides = array<i32>} : memref<640x64xbf16, #tpu.memory_space<vmem>>, vector<32xbf16>,
      tpu.vector_store %arg20[%swap3A_2010, %swap3A_2011], %pack3A_2009 {strides = array<i32>} : memref<640x64xbf16, #tpu.memory_space<vmem>>, vector<32xbf16>,
      %slice3A_2013 = vector.extract_strided_slice %get3A_1755 {offsets = [9], sizes = [1], strides = [1]} : vector<16xf32> to vector<1xf32>
      %squeeze3A_2014 = vector.extract %slice3A_2013[0] : f32 from vector<1xf32>
      %broadcast_in_dim3A_2015 = vector.broadcast %squeeze3A_2014 : f32 to vector<16xf32>
      %mul3A_2016 = arith.constant 16 : i32
      %mul3A_2017 = arith.muli %scan3A_1751, %mul3A_2016 : i32
      %add3A_2018 = arith.constant 9 : i32
      %add3A_2019 = arith.addi %mul3A_2017, %add3A_2018 : i32
      %get3A_2020 = arith.index_cast %add3A_2019 : i32 to index
      %get3A_2021 = arith.constant 0 : index
      %get3A_2022 = tpu.vector_load %arg20[%get3A_2020, %get3A_2021] {strides = array<i32>} : memref<640x64xbf16, #tpu.memory_space<vmem>>, vector<32xbf16>,
      %unpack3A_2023 = tpu.unpack_subelements %get3A_2022, 0 {pack_format = #tpu.pack_format<interleaved>} : vector<32xbf16> -> vector<16xf32>
      %unpack3A_2024 = tpu.unpack_subelements %get3A_2022, 1 {pack_format = #tpu.pack_format<interleaved>} : vector<32xbf16> -> vector<16xf32>
      %mul3A_2025 = arith.mulf %unpack3A_2023, %broadcast_in_dim3A_2015 : vector<16xf32>
      %mul3A_2026 = arith.mulf %unpack3A_2024, %broadcast_in_dim3A_2015 : vector<16xf32>
      %pack3A_2027 = tpu.pack_subelements %mul3A_2025, %mul3A_2026 {pack_format = #tpu.pack_format<interleaved>, positions = array<i32: 0, 1>} : vector<16xf32>, vector<16xf32> -> vector<32xbf16>
      %swap3A_2028 = arith.index_cast %add3A_2019 : i32 to index
      %swap3A_2029 = arith.constant 0 : index
      %swap3A_2030 = tpu.vector_load %arg20[%swap3A_2028, %swap3A_2029] {strides = array<i32>} : memref<640x64xbf16, #tpu.memory_space<vmem>>, vector<32xbf16>,
      tpu.vector_store %arg20[%swap3A_2028, %swap3A_2029], %pack3A_2027 {strides = array<i32>} : memref<640x64xbf16, #tpu.memory_space<vmem>>, vector<32xbf16>,
      %get3A_2031 = arith.index_cast %add3A_2019 : i32 to index
      %get3A_2032 = arith.constant 32 : index
      %get3A_2033 = tpu.vector_load %arg20[%get3A_2031, %get3A_2032] {strides = array<i32>} : memref<640x64xbf16, #tpu.memory_space<vmem>>, vector<32xbf16>,
      %unpack3A_2034 = tpu.unpack_subelements %get3A_2033, 0 {pack_format = #tpu.pack_format<interleaved>} : vector<32xbf16> -> vector<16xf32>
      %unpack3A_2035 = tpu.unpack_subelements %get3A_2033, 1 {pack_format = #tpu.pack_format<interleaved>} : vector<32xbf16> -> vector<16xf32>
      %mul3A_2036 = arith.mulf %unpack3A_2034, %broadcast_in_dim3A_2015 : vector<16xf32>
      %mul3A_2037 = arith.mulf %unpack3A_2035, %broadcast_in_dim3A_2015 : vector<16xf32>
      %pack3A_2038 = tpu.pack_subelements %mul3A_2036, %mul3A_2037 {pack_format = #tpu.pack_format<interleaved>, positions = array<i32: 0, 1>} : vector<16xf32>, vector<16xf32> -> vector<32xbf16>
      %swap3A_2039 = arith.index_cast %add3A_2019 : i32 to index
      %swap3A_2040 = arith.constant 32 : index
      %swap3A_2041 = tpu.vector_load %arg20[%swap3A_2039, %swap3A_2040] {strides = array<i32>} : memref<640x64xbf16, #tpu.memory_space<vmem>>, vector<32xbf16>,
      tpu.vector_store %arg20[%swap3A_2039, %swap3A_2040], %pack3A_2038 {strides = array<i32>} : memref<640x64xbf16, #tpu.memory_space<vmem>>, vector<32xbf16>,
      %slice3A_2042 = vector.extract_strided_slice %get3A_1755 {offsets = [10], sizes = [1], strides = [1]} : vector<16xf32> to vector<1xf32>
      %squeeze3A_2043 = vector.extract %slice3A_2042[0] : f32 from vector<1xf32>
      %broadcast_in_dim3A_2044 = vector.broadcast %squeeze3A_2043 : f32 to vector<16xf32>
      %mul3A_2045 = arith.constant 16 : i32
      %mul3A_2046 = arith.muli %scan3A_1751, %mul3A_2045 : i32
      %add3A_2047 = arith.constant 10 : i32
      %add3A_2048 = arith.addi %mul3A_2046, %add3A_2047 : i32
      %get3A_2049 = arith.index_cast %add3A_2048 : i32 to index
      %get3A_2050 = arith.constant 0 : index
      %get3A_2051 = tpu.vector_load %arg20[%get3A_2049, %get3A_2050] {strides = array<i32>} : memref<640x64xbf16, #tpu.memory_space<vmem>>, vector<32xbf16>,
      %unpack3A_2052 = tpu.unpack_subelements %get3A_2051, 0 {pack_format = #tpu.pack_format<interleaved>} : vector<32xbf16> -> vector<16xf32>
      %unpack3A_2053 = tpu.unpack_subelements %get3A_2051, 1 {pack_format = #tpu.pack_format<interleaved>} : vector<32xbf16> -> vector<16xf32>
      %mul3A_2054 = arith.mulf %unpack3A_2052, %broadcast_in_dim3A_2044 : vector<16xf32>
      %mul3A_2055 = arith.mulf %unpack3A_2053, %broadcast_in_dim3A_2044 : vector<16xf32>
      %pack3A_2056 = tpu.pack_subelements %mul3A_2054, %mul3A_2055 {pack_format = #tpu.pack_format<interleaved>, positions = array<i32: 0, 1>} : vector<16xf32>, vector<16xf32> -> vector<32xbf16>
      %swap3A_2057 = arith.index_cast %add3A_2048 : i32 to index
      %swap3A_2058 = arith.constant 0 : index
      %swap3A_2059 = tpu.vector_load %arg20[%swap3A_2057, %swap3A_2058] {strides = array<i32>} : memref<640x64xbf16, #tpu.memory_space<vmem>>, vector<32xbf16>,
      tpu.vector_store %arg20[%swap3A_2057, %swap3A_2058], %pack3A_2056 {strides = array<i32>} : memref<640x64xbf16, #tpu.memory_space<vmem>>, vector<32xbf16>,
      %get3A_2060 = arith.index_cast %add3A_2048 : i32 to index
      %get3A_2061 = arith.constant 32 : index
      %get3A_2062 = tpu.vector_load %arg20[%get3A_2060, %get3A_2061] {strides = array<i32>} : memref<640x64xbf16, #tpu.memory_space<vmem>>, vector<32xbf16>,
      %unpack3A_2063 = tpu.unpack_subelements %get3A_2062, 0 {pack_format = #tpu.pack_format<interleaved>} : vector<32xbf16> -> vector<16xf32>
      %unpack3A_2064 = tpu.unpack_subelements %get3A_2062, 1 {pack_format = #tpu.pack_format<interleaved>} : vector<32xbf16> -> vector<16xf32>
      %mul3A_2065 = arith.mulf %unpack3A_2063, %broadcast_in_dim3A_2044 : vector<16xf32>
      %mul3A_2066 = arith.mulf %unpack3A_2064, %broadcast_in_dim3A_2044 : vector<16xf32>
      %pack3A_2067 = tpu.pack_subelements %mul3A_2065, %mul3A_2066 {pack_format = #tpu.pack_format<interleaved>, positions = array<i32: 0, 1>} : vector<16xf32>, vector<16xf32> -> vector<32xbf16>
      %swap3A_2068 = arith.index_cast %add3A_2048 : i32 to index
      %swap3A_2069 = arith.constant 32 : index
      %swap3A_2070 = tpu.vector_load %arg20[%swap3A_2068, %swap3A_2069] {strides = array<i32>} : memref<640x64xbf16, #tpu.memory_space<vmem>>, vector<32xbf16>,
      tpu.vector_store %arg20[%swap3A_2068, %swap3A_2069], %pack3A_2067 {strides = array<i32>} : memref<640x64xbf16, #tpu.memory_space<vmem>>, vector<32xbf16>,
      %slice3A_2071 = vector.extract_strided_slice %get3A_1755 {offsets = [11], sizes = [1], strides = [1]} : vector<16xf32> to vector<1xf32>
      %squeeze3A_2072 = vector.extract %slice3A_2071[0] : f32 from vector<1xf32>
      %broadcast_in_dim3A_2073 = vector.broadcast %squeeze3A_2072 : f32 to vector<16xf32>
      %mul3A_2074 = arith.constant 16 : i32
      %mul3A_2075 = arith.muli %scan3A_1751, %mul3A_2074 : i32
      %add3A_2076 = arith.constant 11 : i32
      %add3A_2077 = arith.addi %mul3A_2075, %add3A_2076 : i32
      %get3A_2078 = arith.index_cast %add3A_2077 : i32 to index
      %get3A_2079 = arith.constant 0 : index
      %get3A_2080 = tpu.vector_load %arg20[%get3A_2078, %get3A_2079] {strides = array<i32>} : memref<640x64xbf16, #tpu.memory_space<vmem>>, vector<32xbf16>,
      %unpack3A_2081 = tpu.unpack_subelements %get3A_2080, 0 {pack_format = #tpu.pack_format<interleaved>} : vector<32xbf16> -> vector<16xf32>
      %unpack3A_2082 = tpu.unpack_subelements %get3A_2080, 1 {pack_format = #tpu.pack_format<interleaved>} : vector<32xbf16> -> vector<16xf32>
      %mul3A_2083 = arith.mulf %unpack3A_2081, %broadcast_in_dim3A_2073 : vector<16xf32>
      %mul3A_2084 = arith.mulf %unpack3A_2082, %broadcast_in_dim3A_2073 : vector<16xf32>
      %pack3A_2085 = tpu.pack_subelements %mul3A_2083, %mul3A_2084 {pack_format = #tpu.pack_format<interleaved>, positions = array<i32: 0, 1>} : vector<16xf32>, vector<16xf32> -> vector<32xbf16>
      %swap3A_2086 = arith.index_cast %add3A_2077 : i32 to index
      %swap3A_2087 = arith.constant 0 : index
      %swap3A_2088 = tpu.vector_load %arg20[%swap3A_2086, %swap3A_2087] {strides = array<i32>} : memref<640x64xbf16, #tpu.memory_space<vmem>>, vector<32xbf16>,
      tpu.vector_store %arg20[%swap3A_2086, %swap3A_2087], %pack3A_2085 {strides = array<i32>} : memref<640x64xbf16, #tpu.memory_space<vmem>>, vector<32xbf16>,
      %get3A_2089 = arith.index_cast %add3A_2077 : i32 to index
      %get3A_2090 = arith.constant 32 : index
      %get3A_2091 = tpu.vector_load %arg20[%get3A_2089, %get3A_2090] {strides = array<i32>} : memref<640x64xbf16, #tpu.memory_space<vmem>>, vector<32xbf16>,
      %unpack3A_2092 = tpu.unpack_subelements %get3A_2091, 0 {pack_format = #tpu.pack_format<interleaved>} : vector<32xbf16> -> vector<16xf32>
      %unpack3A_2093 = tpu.unpack_subelements %get3A_2091, 1 {pack_format = #tpu.pack_format<interleaved>} : vector<32xbf16> -> vector<16xf32>
      %mul3A_2094 = arith.mulf %unpack3A_2092, %broadcast_in_dim3A_2073 : vector<16xf32>
      %mul3A_2095 = arith.mulf %unpack3A_2093, %broadcast_in_dim3A_2073 : vector<16xf32>
      %pack3A_2096 = tpu.pack_subelements %mul3A_2094, %mul3A_2095 {pack_format = #tpu.pack_format<interleaved>, positions = array<i32: 0, 1>} : vector<16xf32>, vector<16xf32> -> vector<32xbf16>
      %swap3A_2097 = arith.index_cast %add3A_2077 : i32 to index
      %swap3A_2098 = arith.constant 32 : index
      %swap3A_2099 = tpu.vector_load %arg20[%swap3A_2097, %swap3A_2098] {strides = array<i32>} : memref<640x64xbf16, #tpu.memory_space<vmem>>, vector<32xbf16>,
      tpu.vector_store %arg20[%swap3A_2097, %swap3A_2098], %pack3A_2096 {strides = array<i32>} : memref<640x64xbf16, #tpu.memory_space<vmem>>, vector<32xbf16>,
      %slice3A_2100 = vector.extract_strided_slice %get3A_1755 {offsets = [12], sizes = [1], strides = [1]} : vector<16xf32> to vector<1xf32>
      %squeeze3A_2101 = vector.extract %slice3A_2100[0] : f32 from vector<1xf32>
      %broadcast_in_dim3A_2102 = vector.broadcast %squeeze3A_2101 : f32 to vector<16xf32>
      %mul3A_2103 = arith.constant 16 : i32
      %mul3A_2104 = arith.muli %scan3A_1751, %mul3A_2103 : i32
      %add3A_2105 = arith.constant 12 : i32
      %add3A_2106 = arith.addi %mul3A_2104, %add3A_2105 : i32
      %get3A_2107 = arith.index_cast %add3A_2106 : i32 to index
      %get3A_2108 = arith.constant 0 : index
      %get3A_2109 = tpu.vector_load %arg20[%get3A_2107, %get3A_2108] {strides = array<i32>} : memref<640x64xbf16, #tpu.memory_space<vmem>>, vector<32xbf16>,
      %unpack3A_2110 = tpu.unpack_subelements %get3A_2109, 0 {pack_format = #tpu.pack_format<interleaved>} : vector<32xbf16> -> vector<16xf32>
      %unpack3A_2111 = tpu.unpack_subelements %get3A_2109, 1 {pack_format = #tpu.pack_format<interleaved>} : vector<32xbf16> -> vector<16xf32>
      %mul3A_2112 = arith.mulf %unpack3A_2110, %broadcast_in_dim3A_2102 : vector<16xf32>
      %mul3A_2113 = arith.mulf %unpack3A_2111, %broadcast_in_dim3A_2102 : vector<16xf32>
      %pack3A_2114 = tpu.pack_subelements %mul3A_2112, %mul3A_2113 {pack_format = #tpu.pack_format<interleaved>, positions = array<i32: 0, 1>} : vector<16xf32>, vector<16xf32> -> vector<32xbf16>
      %swap3A_2115 = arith.index_cast %add3A_2106 : i32 to index
      %swap3A_2116 = arith.constant 0 : index
      %swap3A_2117 = tpu.vector_load %arg20[%swap3A_2115, %swap3A_2116] {strides = array<i32>} : memref<640x64xbf16, #tpu.memory_space<vmem>>, vector<32xbf16>,
      tpu.vector_store %arg20[%swap3A_2115, %swap3A_2116], %pack3A_2114 {strides = array<i32>} : memref<640x64xbf16, #tpu.memory_space<vmem>>, vector<32xbf16>,
      %get3A_2118 = arith.index_cast %add3A_2106 : i32 to index
      %get3A_2119 = arith.constant 32 : index
      %get3A_2120 = tpu.vector_load %arg20[%get3A_2118, %get3A_2119] {strides = array<i32>} : memref<640x64xbf16, #tpu.memory_space<vmem>>, vector<32xbf16>,
      %unpack3A_2121 = tpu.unpack_subelements %get3A_2120, 0 {pack_format = #tpu.pack_format<interleaved>} : vector<32xbf16> -> vector<16xf32>
      %unpack3A_2122 = tpu.unpack_subelements %get3A_2120, 1 {pack_format = #tpu.pack_format<interleaved>} : vector<32xbf16> -> vector<16xf32>
      %mul3A_2123 = arith.mulf %unpack3A_2121, %broadcast_in_dim3A_2102 : vector<16xf32>
      %mul3A_2124 = arith.mulf %unpack3A_2122, %broadcast_in_dim3A_2102 : vector<16xf32>
      %pack3A_2125 = tpu.pack_subelements %mul3A_2123, %mul3A_2124 {pack_format = #tpu.pack_format<interleaved>, positions = array<i32: 0, 1>} : vector<16xf32>, vector<16xf32> -> vector<32xbf16>
      %swap3A_2126 = arith.index_cast %add3A_2106 : i32 to index
      %swap3A_2127 = arith.constant 32 : index
      %swap3A_2128 = tpu.vector_load %arg20[%swap3A_2126, %swap3A_2127] {strides = array<i32>} : memref<640x64xbf16, #tpu.memory_space<vmem>>, vector<32xbf16>,
      tpu.vector_store %arg20[%swap3A_2126, %swap3A_2127], %pack3A_2125 {strides = array<i32>} : memref<640x64xbf16, #tpu.memory_space<vmem>>, vector<32xbf16>,
      %slice3A_2129 = vector.extract_strided_slice %get3A_1755 {offsets = [13], sizes = [1], strides = [1]} : vector<16xf32> to vector<1xf32>
      %squeeze3A_2130 = vector.extract %slice3A_2129[0] : f32 from vector<1xf32>
      %broadcast_in_dim3A_2131 = vector.broadcast %squeeze3A_2130 : f32 to vector<16xf32>
      %mul3A_2132 = arith.constant 16 : i32
      %mul3A_2133 = arith.muli %scan3A_1751, %mul3A_2132 : i32
      %add3A_2134 = arith.constant 13 : i32
      %add3A_2135 = arith.addi %mul3A_2133, %add3A_2134 : i32
      %get3A_2136 = arith.index_cast %add3A_2135 : i32 to index
      %get3A_2137 = arith.constant 0 : index
      %get3A_2138 = tpu.vector_load %arg20[%get3A_2136, %get3A_2137] {strides = array<i32>} : memref<640x64xbf16, #tpu.memory_space<vmem>>, vector<32xbf16>,
      %unpack3A_2139 = tpu.unpack_subelements %get3A_2138, 0 {pack_format = #tpu.pack_format<interleaved>} : vector<32xbf16> -> vector<16xf32>
      %unpack3A_2140 = tpu.unpack_subelements %get3A_2138, 1 {pack_format = #tpu.pack_format<interleaved>} : vector<32xbf16> -> vector<16xf32>
      %mul3A_2141 = arith.mulf %unpack3A_2139, %broadcast_in_dim3A_2131 : vector<16xf32>
      %mul3A_2142 = arith.mulf %unpack3A_2140, %broadcast_in_dim3A_2131 : vector<16xf32>
      %pack3A_2143 = tpu.pack_subelements %mul3A_2141, %mul3A_2142 {pack_format = #tpu.pack_format<interleaved>, positions = array<i32: 0, 1>} : vector<16xf32>, vector<16xf32> -> vector<32xbf16>
      %swap3A_2144 = arith.index_cast %add3A_2135 : i32 to index
      %swap3A_2145 = arith.constant 0 : index
      %swap3A_2146 = tpu.vector_load %arg20[%swap3A_2144, %swap3A_2145] {strides = array<i32>} : memref<640x64xbf16, #tpu.memory_space<vmem>>, vector<32xbf16>,
      tpu.vector_store %arg20[%swap3A_2144, %swap3A_2145], %pack3A_2143 {strides = array<i32>} : memref<640x64xbf16, #tpu.memory_space<vmem>>, vector<32xbf16>,
      %get3A_2147 = arith.index_cast %add3A_2135 : i32 to index
      %get3A_2148 = arith.constant 32 : index
      %get3A_2149 = tpu.vector_load %arg20[%get3A_2147, %get3A_2148] {strides = array<i32>} : memref<640x64xbf16, #tpu.memory_space<vmem>>, vector<32xbf16>,
      %unpack3A_2150 = tpu.unpack_subelements %get3A_2149, 0 {pack_format = #tpu.pack_format<interleaved>} : vector<32xbf16> -> vector<16xf32>
      %unpack3A_2151 = tpu.unpack_subelements %get3A_2149, 1 {pack_format = #tpu.pack_format<interleaved>} : vector<32xbf16> -> vector<16xf32>
      %mul3A_2152 = arith.mulf %unpack3A_2150, %broadcast_in_dim3A_2131 : vector<16xf32>
      %mul3A_2153 = arith.mulf %unpack3A_2151, %broadcast_in_dim3A_2131 : vector<16xf32>
      %pack3A_2154 = tpu.pack_subelements %mul3A_2152, %mul3A_2153 {pack_format = #tpu.pack_format<interleaved>, positions = array<i32: 0, 1>} : vector<16xf32>, vector<16xf32> -> vector<32xbf16>
      %swap3A_2155 = arith.index_cast %add3A_2135 : i32 to index
      %swap3A_2156 = arith.constant 32 : index
      %swap3A_2157 = tpu.vector_load %arg20[%swap3A_2155, %swap3A_2156] {strides = array<i32>} : memref<640x64xbf16, #tpu.memory_space<vmem>>, vector<32xbf16>,
      tpu.vector_store %arg20[%swap3A_2155, %swap3A_2156], %pack3A_2154 {strides = array<i32>} : memref<640x64xbf16, #tpu.memory_space<vmem>>, vector<32xbf16>,
      %slice3A_2158 = vector.extract_strided_slice %get3A_1755 {offsets = [14], sizes = [1], strides = [1]} : vector<16xf32> to vector<1xf32>
      %squeeze3A_2159 = vector.extract %slice3A_2158[0] : f32 from vector<1xf32>
      %broadcast_in_dim3A_2160 = vector.broadcast %squeeze3A_2159 : f32 to vector<16xf32>
      %mul3A_2161 = arith.constant 16 : i32
      %mul3A_2162 = arith.muli %scan3A_1751, %mul3A_2161 : i32
      %add3A_2163 = arith.constant 14 : i32
      %add3A_2164 = arith.addi %mul3A_2162, %add3A_2163 : i32
      %get3A_2165 = arith.index_cast %add3A_2164 : i32 to index
      %get3A_2166 = arith.constant 0 : index
      %get3A_2167 = tpu.vector_load %arg20[%get3A_2165, %get3A_2166] {strides = array<i32>} : memref<640x64xbf16, #tpu.memory_space<vmem>>, vector<32xbf16>,
      %unpack3A_2168 = tpu.unpack_subelements %get3A_2167, 0 {pack_format = #tpu.pack_format<interleaved>} : vector<32xbf16> -> vector<16xf32>
      %unpack3A_2169 = tpu.unpack_subelements %get3A_2167, 1 {pack_format = #tpu.pack_format<interleaved>} : vector<32xbf16> -> vector<16xf32>
      %mul3A_2170 = arith.mulf %unpack3A_2168, %broadcast_in_dim3A_2160 : vector<16xf32>
      %mul3A_2171 = arith.mulf %unpack3A_2169, %broadcast_in_dim3A_2160 : vector<16xf32>
      %pack3A_2172 = tpu.pack_subelements %mul3A_2170, %mul3A_2171 {pack_format = #tpu.pack_format<interleaved>, positions = array<i32: 0, 1>} : vector<16xf32>, vector<16xf32> -> vector<32xbf16>
      %swap3A_2173 = arith.index_cast %add3A_2164 : i32 to index
      %swap3A_2174 = arith.constant 0 : index
      %swap3A_2175 = tpu.vector_load %arg20[%swap3A_2173, %swap3A_2174] {strides = array<i32>} : memref<640x64xbf16, #tpu.memory_space<vmem>>, vector<32xbf16>,
      tpu.vector_store %arg20[%swap3A_2173, %swap3A_2174], %pack3A_2172 {strides = array<i32>} : memref<640x64xbf16, #tpu.memory_space<vmem>>, vector<32xbf16>,
      %get3A_2176 = arith.index_cast %add3A_2164 : i32 to index
      %get3A_2177 = arith.constant 32 : index
      %get3A_2178 = tpu.vector_load %arg20[%get3A_2176, %get3A_2177] {strides = array<i32>} : memref<640x64xbf16, #tpu.memory_space<vmem>>, vector<32xbf16>,
      %unpack3A_2179 = tpu.unpack_subelements %get3A_2178, 0 {pack_format = #tpu.pack_format<interleaved>} : vector<32xbf16> -> vector<16xf32>
      %unpack3A_2180 = tpu.unpack_subelements %get3A_2178, 1 {pack_format = #tpu.pack_format<interleaved>} : vector<32xbf16> -> vector<16xf32>
      %mul3A_2181 = arith.mulf %unpack3A_2179, %broadcast_in_dim3A_2160 : vector<16xf32>
      %mul3A_2182 = arith.mulf %unpack3A_2180, %broadcast_in_dim3A_2160 : vector<16xf32>
      %pack3A_2183 = tpu.pack_subelements %mul3A_2181, %mul3A_2182 {pack_format = #tpu.pack_format<interleaved>, positions = array<i32: 0, 1>} : vector<16xf32>, vector<16xf32> -> vector<32xbf16>
      %swap3A_2184 = arith.index_cast %add3A_2164 : i32 to index
      %swap3A_2185 = arith.constant 32 : index
      %swap3A_2186 = tpu.vector_load %arg20[%swap3A_2184, %swap3A_2185] {strides = array<i32>} : memref<640x64xbf16, #tpu.memory_space<vmem>>, vector<32xbf16>,
      tpu.vector_store %arg20[%swap3A_2184, %swap3A_2185], %pack3A_2183 {strides = array<i32>} : memref<640x64xbf16, #tpu.memory_space<vmem>>, vector<32xbf16>,
      %slice3A_2187 = vector.extract_strided_slice %get3A_1755 {offsets = [15], sizes = [1], strides = [1]} : vector<16xf32> to vector<1xf32>
      %squeeze3A_2188 = vector.extract %slice3A_2187[0] : f32 from vector<1xf32>
      %broadcast_in_dim3A_2189 = vector.broadcast %squeeze3A_2188 : f32 to vector<16xf32>
      %mul3A_2190 = arith.constant 16 : i32
      %mul3A_2191 = arith.muli %scan3A_1751, %mul3A_2190 : i32
      %add3A_2192 = arith.constant 15 : i32
      %add3A_2193 = arith.addi %mul3A_2191, %add3A_2192 : i32
      %get3A_2194 = arith.index_cast %add3A_2193 : i32 to index
      %get3A_2195 = arith.constant 0 : index
      %get3A_2196 = tpu.vector_load %arg20[%get3A_2194, %get3A_2195] {strides = array<i32>} : memref<640x64xbf16, #tpu.memory_space<vmem>>, vector<32xbf16>,
      %unpack3A_2197 = tpu.unpack_subelements %get3A_2196, 0 {pack_format = #tpu.pack_format<interleaved>} : vector<32xbf16> -> vector<16xf32>
      %unpack3A_2198 = tpu.unpack_subelements %get3A_2196, 1 {pack_format = #tpu.pack_format<interleaved>} : vector<32xbf16> -> vector<16xf32>
      %mul3A_2199 = arith.mulf %unpack3A_2197, %broadcast_in_dim3A_2189 : vector<16xf32>
      %mul3A_2200 = arith.mulf %unpack3A_2198, %broadcast_in_dim3A_2189 : vector<16xf32>
      %pack3A_2201 = tpu.pack_subelements %mul3A_2199, %mul3A_2200 {pack_format = #tpu.pack_format<interleaved>, positions = array<i32: 0, 1>} : vector<16xf32>, vector<16xf32> -> vector<32xbf16>
      %swap3A_2202 = arith.index_cast %add3A_2193 : i32 to index
      %swap3A_2203 = arith.constant 0 : index
      %swap3A_2204 = tpu.vector_load %arg20[%swap3A_2202, %swap3A_2203] {strides = array<i32>} : memref<640x64xbf16, #tpu.memory_space<vmem>>, vector<32xbf16>,
      tpu.vector_store %arg20[%swap3A_2202, %swap3A_2203], %pack3A_2201 {strides = array<i32>} : memref<640x64xbf16, #tpu.memory_space<vmem>>, vector<32xbf16>,
      %get3A_2205 = arith.index_cast %add3A_2193 : i32 to index
      %get3A_2206 = arith.constant 32 : index
      %get3A_2207 = tpu.vector_load %arg20[%get3A_2205, %get3A_2206] {strides = array<i32>} : memref<640x64xbf16, #tpu.memory_space<vmem>>, vector<32xbf16>,
      %unpack3A_2208 = tpu.unpack_subelements %get3A_2207, 0 {pack_format = #tpu.pack_format<interleaved>} : vector<32xbf16> -> vector<16xf32>
      %unpack3A_2209 = tpu.unpack_subelements %get3A_2207, 1 {pack_format = #tpu.pack_format<interleaved>} : vector<32xbf16> -> vector<16xf32>
      %mul3A_2210 = arith.mulf %unpack3A_2208, %broadcast_in_dim3A_2189 : vector<16xf32>
      %mul3A_2211 = arith.mulf %unpack3A_2209, %broadcast_in_dim3A_2189 : vector<16xf32>
      %pack3A_2212 = tpu.pack_subelements %mul3A_2210, %mul3A_2211 {pack_format = #tpu.pack_format<interleaved>, positions = array<i32: 0, 1>} : vector<16xf32>, vector<16xf32> -> vector<32xbf16>
      %swap3A_2213 = arith.index_cast %add3A_2193 : i32 to index
      %swap3A_2214 = arith.constant 32 : index
      %swap3A_2215 = tpu.vector_load %arg20[%swap3A_2213, %swap3A_2214] {strides = array<i32>} : memref<640x64xbf16, #tpu.memory_space<vmem>>, vector<32xbf16>,
      tpu.vector_store %arg20[%swap3A_2213, %swap3A_2214], %pack3A_2212 {strides = array<i32>} : memref<640x64xbf16, #tpu.memory_space<vmem>>, vector<32xbf16>,
    }
    %scan3A_1513 = arith.constant 40 : i32
    %mul3A_1514 = arith.constant 640 : i32
    %mul3A_1515 = arith.muli %arg1, %mul3A_1514 : i32
    "tpu.region"() ({
      %run_scoped3A = tpu.sem_alloc : memref<!tpu.dma_semaphore, #tpu.memory_space<semaphore_mem>>
      %dma_start3A_1751 = arith.constant 0 : i32
      %dma_start3A_1752 = tpu.memref_slice %arg24[%mul3A_1515, %dma_start3A_1751] : memref<10240x64xbf16, #tpu.memory_space<vmem_shared>> -> memref<640x64xbf16, #tpu.memory_space<vmem_shared>>
      %dma_start3A_1753 = arith.constant 0 : i32
      %dma_start3A_1754 = tpu.memref_slice %arg24[%mul3A_1515, %dma_start3A_1753] : memref<10240x64xbf16, #tpu.memory_space<vmem_shared>> -> memref<640x64xbf16, #tpu.memory_space<vmem_shared>>
      tpu.enqueue_dma source(%arg20 : memref<640x64xbf16, #tpu.memory_space<vmem>>) target(%dma_start3A_1754 : memref<640x64xbf16, #tpu.memory_space<vmem_shared>>) target_semaphore(%run_scoped3A : memref<!tpu.dma_semaphore, #tpu.memory_space<semaphore_mem>>)
      %dma_wait3A_1755 = arith.constant 0 : i32
      %dma_wait3A_1756 = tpu.memref_slice %arg24[%mul3A_1515, %dma_wait3A_1755] : memref<10240x64xbf16, #tpu.memory_space<vmem_shared>> -> memref<640x64xbf16, #tpu.memory_space<vmem_shared>>
      %dma_wait3A_1757 = arith.constant 0 : i32
      %dma_wait3A_1758 = tpu.memref_slice %arg24[%mul3A_1515, %dma_wait3A_1757] : memref<10240x64xbf16, #tpu.memory_space<vmem_shared>> -> memref<640x64xbf16, #tpu.memory_space<vmem_shared>>
      tpu.wait_dma2 semaphore(%run_scoped3A : memref<!tpu.dma_semaphore, #tpu.memory_space<semaphore_mem>>) src(%arg20 : memref<640x64xbf16, #tpu.memory_space<vmem>>) dst(%dma_wait3A_1758 : memref<640x64xbf16, #tpu.memory_space<vmem_shared>>)
      tpu.yield
    }) : () -> ()
    %barrier3A_1516 = arith.constant 0 : index
    tpu.barrier barrier_id(%barrier3A_1516)
    %dma_start3A = arith.constant 0 : i32
    %dma_start3A_1517 = arith.constant 0 : i32
    %dma_start3A_1518 = tpu.memref_slice %arg9[%dma_start3A, %dma_start3A_1517] : memref<80x125xi32, #tpu.memory_space<vmem>> -> memref<1x125xi32, #tpu.memory_space<vmem>>
    %dma_start3A_1519 = tpu.memref_squeeze %dma_start3A_1518 : memref<1x125xi32, #tpu.memory_space<vmem>> -> memref<125xi32, #tpu.memory_space<vmem>>
    %dma_start3A_1520 = arith.constant 0 : i32
    %dma_start3A_1521 = arith.constant 0 : i32
    %dma_start3A_1522 = tpu.memref_slice %arg24[%dma_start3A_1520, %dma_start3A_1521] : memref<10240x64xbf16, #tpu.memory_space<vmem_shared>> -> memref<10240x64xbf16, #tpu.memory_space<vmem_shared>>
    tpu.enqueue_indirect_dma source(%dma_start3A_1522 : memref<10240x64xbf16, #tpu.memory_space<vmem_shared>>) target(%arg12 : memref<125x64xbf16, #tpu.memory_space<vmem>>) offsets(%dma_start3A_1519 : memref<125xi32, #tpu.memory_space<vmem>>) semaphore(%arg27 : memref<!tpu.dma_semaphore, #tpu.memory_space<semaphore_mem>>)
    %dma_start3A_1523 = arith.constant 1 : i32
    %dma_start3A_1524 = arith.constant 0 : i32
    %dma_start3A_1525 = tpu.memref_slice %arg9[%dma_start3A_1523, %dma_start3A_1524] : memref<80x125xi32, #tpu.memory_space<vmem>> -> memref<1x125xi32, #tpu.memory_space<vmem>>
    %dma_start3A_1526 = tpu.memref_squeeze %dma_start3A_1525 : memref<1x125xi32, #tpu.memory_space<vmem>> -> memref<125xi32, #tpu.memory_space<vmem>>
    %dma_start3A_1527 = arith.constant 0 : i32
    %dma_start3A_1528 = arith.constant 0 : i32
    %dma_start3A_1529 = tpu.memref_slice %arg24[%dma_start3A_1527, %dma_start3A_1528] : memref<10240x64xbf16, #tpu.memory_space<vmem_shared>> -> memref<10240x64xbf16, #tpu.memory_space<vmem_shared>>
    tpu.enqueue_indirect_dma source(%dma_start3A_1529 : memref<10240x64xbf16, #tpu.memory_space<vmem_shared>>) target(%arg13 : memref<125x64xbf16, #tpu.memory_space<vmem>>) offsets(%dma_start3A_1526 : memref<125xi32, #tpu.memory_space<vmem>>) semaphore(%arg28 : memref<!tpu.dma_semaphore, #tpu.memory_space<semaphore_mem>>)
    %dma_start3A_1530 = arith.constant 2 : i32
    %dma_start3A_1531 = arith.constant 0 : i32
    %dma_start3A_1532 = tpu.memref_slice %arg9[%dma_start3A_1530, %dma_start3A_1531] : memref<80x125xi32, #tpu.memory_space<vmem>> -> memref<1x125xi32, #tpu.memory_space<vmem>>
    %dma_start3A_1533 = tpu.memref_squeeze %dma_start3A_1532 : memref<1x125xi32, #tpu.memory_space<vmem>> -> memref<125xi32, #tpu.memory_space<vmem>>
    %dma_start3A_1534 = arith.constant 0 : i32
    %dma_start3A_1535 = arith.constant 0 : i32
    %dma_start3A_1536 = tpu.memref_slice %arg24[%dma_start3A_1534, %dma_start3A_1535] : memref<10240x64xbf16, #tpu.memory_space<vmem_shared>> -> memref<10240x64xbf16, #tpu.memory_space<vmem_shared>>
    tpu.enqueue_indirect_dma source(%dma_start3A_1536 : memref<10240x64xbf16, #tpu.memory_space<vmem_shared>>) target(%arg14 : memref<125x64xbf16, #tpu.memory_space<vmem>>) offsets(%dma_start3A_1533 : memref<125xi32, #tpu.memory_space<vmem>>) semaphore(%arg29 : memref<!tpu.dma_semaphore, #tpu.memory_space<semaphore_mem>>)
    %dma_start3A_1537 = arith.constant 3 : i32
    %dma_start3A_1538 = arith.constant 0 : i32
    %dma_start3A_1539 = tpu.memref_slice %arg9[%dma_start3A_1537, %dma_start3A_1538] : memref<80x125xi32, #tpu.memory_space<vmem>> -> memref<1x125xi32, #tpu.memory_space<vmem>>
    %dma_start3A_1540 = tpu.memref_squeeze %dma_start3A_1539 : memref<1x125xi32, #tpu.memory_space<vmem>> -> memref<125xi32, #tpu.memory_space<vmem>>
    %dma_start3A_1541 = arith.constant 0 : i32
    %dma_start3A_1542 = arith.constant 0 : i32
    %dma_start3A_1543 = tpu.memref_slice %arg24[%dma_start3A_1541, %dma_start3A_1542] : memref<10240x64xbf16, #tpu.memory_space<vmem_shared>> -> memref<10240x64xbf16, #tpu.memory_space<vmem_shared>>
    tpu.enqueue_indirect_dma source(%dma_start3A_1543 : memref<10240x64xbf16, #tpu.memory_space<vmem_shared>>) target(%arg15 : memref<125x64xbf16, #tpu.memory_space<vmem>>) offsets(%dma_start3A_1540 : memref<125xi32, #tpu.memory_space<vmem>>) semaphore(%arg30 : memref<!tpu.dma_semaphore, #tpu.memory_space<semaphore_mem>>)
    %dma_start3A_1544 = arith.constant 4 : i32
    %dma_start3A_1545 = arith.constant 0 : i32
    %dma_start3A_1546 = tpu.memref_slice %arg9[%dma_start3A_1544, %dma_start3A_1545] : memref<80x125xi32, #tpu.memory_space<vmem>> -> memref<1x125xi32, #tpu.memory_space<vmem>>
    %dma_start3A_1547 = tpu.memref_squeeze %dma_start3A_1546 : memref<1x125xi32, #tpu.memory_space<vmem>> -> memref<125xi32, #tpu.memory_space<vmem>>
    %dma_start3A_1548 = arith.constant 0 : i32
    %dma_start3A_1549 = arith.constant 0 : i32
    %dma_start3A_1550 = tpu.memref_slice %arg24[%dma_start3A_1548, %dma_start3A_1549] : memref<10240x64xbf16, #tpu.memory_space<vmem_shared>> -> memref<10240x64xbf16, #tpu.memory_space<vmem_shared>>
    tpu.enqueue_indirect_dma source(%dma_start3A_1550 : memref<10240x64xbf16, #tpu.memory_space<vmem_shared>>) target(%arg16 : memref<125x64xbf16, #tpu.memory_space<vmem>>) offsets(%dma_start3A_1547 : memref<125xi32, #tpu.memory_space<vmem>>) semaphore(%arg31 : memref<!tpu.dma_semaphore, #tpu.memory_space<semaphore_mem>>)
    %dma_start3A_1551 = arith.constant 5 : i32
    %dma_start3A_1552 = arith.constant 0 : i32
    %dma_start3A_1553 = tpu.memref_slice %arg9[%dma_start3A_1551, %dma_start3A_1552] : memref<80x125xi32, #tpu.memory_space<vmem>> -> memref<1x125xi32, #tpu.memory_space<vmem>>
    %dma_start3A_1554 = tpu.memref_squeeze %dma_start3A_1553 : memref<1x125xi32, #tpu.memory_space<vmem>> -> memref<125xi32, #tpu.memory_space<vmem>>
    %dma_start3A_1555 = arith.constant 0 : i32
    %dma_start3A_1556 = arith.constant 0 : i32
    %dma_start3A_1557 = tpu.memref_slice %arg24[%dma_start3A_1555, %dma_start3A_1556] : memref<10240x64xbf16, #tpu.memory_space<vmem_shared>> -> memref<10240x64xbf16, #tpu.memory_space<vmem_shared>>
    tpu.enqueue_indirect_dma source(%dma_start3A_1557 : memref<10240x64xbf16, #tpu.memory_space<vmem_shared>>) target(%arg17 : memref<125x64xbf16, #tpu.memory_space<vmem>>) offsets(%dma_start3A_1554 : memref<125xi32, #tpu.memory_space<vmem>>) semaphore(%arg32 : memref<!tpu.dma_semaphore, #tpu.memory_space<semaphore_mem>>)
    %dma_start3A_1558 = arith.constant 6 : i32
    %dma_start3A_1559 = arith.constant 0 : i32
    %dma_start3A_1560 = tpu.memref_slice %arg9[%dma_start3A_1558, %dma_start3A_1559] : memref<80x125xi32, #tpu.memory_space<vmem>> -> memref<1x125xi32, #tpu.memory_space<vmem>>
    %dma_start3A_1561 = tpu.memref_squeeze %dma_start3A_1560 : memref<1x125xi32, #tpu.memory_space<vmem>> -> memref<125xi32, #tpu.memory_space<vmem>>
    %dma_start3A_1562 = arith.constant 0 : i32
    %dma_start3A_1563 = arith.constant 0 : i32
    %dma_start3A_1564 = tpu.memref_slice %arg24[%dma_start3A_1562, %dma_start3A_1563] : memref<10240x64xbf16, #tpu.memory_space<vmem_shared>> -> memref<10240x64xbf16, #tpu.memory_space<vmem_shared>>
    tpu.enqueue_indirect_dma source(%dma_start3A_1564 : memref<10240x64xbf16, #tpu.memory_space<vmem_shared>>) target(%arg18 : memref<125x64xbf16, #tpu.memory_space<vmem>>) offsets(%dma_start3A_1561 : memref<125xi32, #tpu.memory_space<vmem>>) semaphore(%arg33 : memref<!tpu.dma_semaphore, #tpu.memory_space<semaphore_mem>>)
    %dma_start3A_1565 = arith.constant 7 : i32
    %dma_start3A_1566 = arith.constant 0 : i32
    %dma_start3A_1567 = tpu.memref_slice %arg9[%dma_start3A_1565, %dma_start3A_1566] : memref<80x125xi32, #tpu.memory_space<vmem>> -> memref<1x125xi32, #tpu.memory_space<vmem>>
    %dma_start3A_1568 = tpu.memref_squeeze %dma_start3A_1567 : memref<1x125xi32, #tpu.memory_space<vmem>> -> memref<125xi32, #tpu.memory_space<vmem>>
    %dma_start3A_1569 = arith.constant 0 : i32
    %dma_start3A_1570 = arith.constant 0 : i32
    %dma_start3A_1571 = tpu.memref_slice %arg24[%dma_start3A_1569, %dma_start3A_1570] : memref<10240x64xbf16, #tpu.memory_space<vmem_shared>> -> memref<10240x64xbf16, #tpu.memory_space<vmem_shared>>
    tpu.enqueue_indirect_dma source(%dma_start3A_1571 : memref<10240x64xbf16, #tpu.memory_space<vmem_shared>>) target(%arg19 : memref<125x64xbf16, #tpu.memory_space<vmem>>) offsets(%dma_start3A_1568 : memref<125xi32, #tpu.memory_space<vmem>>) semaphore(%arg34 : memref<!tpu.dma_semaphore, #tpu.memory_space<semaphore_mem>>)
    %scan3A_1572 = arith.constant 0 : i32
    %scan3A_1573 = arith.constant 0 : i32
    %scan3A_1574 = arith.constant 9 : i32
    %scan3A_1575 = arith.addi %scan3A_1573, %scan3A_1574 : i32
    %scan3A_1576 = arith.constant 1 : i32
    scf.for %scan3A_1751 = %scan3A_1573 to %scan3A_1575 step %scan3A_1576  : i32 {
      %mul3A_1752 = arith.constant 8 : i32
      %mul3A_1753 = arith.muli %scan3A_1751, %mul3A_1752 : i32
      %add3A_1754 = arith.constant 0 : i32
      %add3A_1755 = arith.addi %mul3A_1753, %add3A_1754 : i32
      %dma_wait3A_1756 = arith.constant 0 : i32
      %dma_wait3A_1757 = tpu.memref_slice %arg9[%add3A_1755, %dma_wait3A_1756] : memref<80x125xi32, #tpu.memory_space<vmem>> -> memref<1x125xi32, #tpu.memory_space<vmem>>
      %dma_wait3A_1758 = tpu.memref_squeeze %dma_wait3A_1757 : memref<1x125xi32, #tpu.memory_space<vmem>> -> memref<125xi32, #tpu.memory_space<vmem>>
      %dma_wait3A_1759 = arith.constant 0 : i32
      %dma_wait3A_1760 = arith.constant 0 : i32
      %dma_wait3A_1761 = tpu.memref_slice %arg24[%dma_wait3A_1759, %dma_wait3A_1760] : memref<10240x64xbf16, #tpu.memory_space<vmem_shared>> -> memref<10240x64xbf16, #tpu.memory_space<vmem_shared>>
      tpu.wait_indirect_dma semaphore(%arg27 : memref<!tpu.dma_semaphore, #tpu.memory_space<semaphore_mem>>) src(%dma_wait3A_1761 : memref<10240x64xbf16, #tpu.memory_space<vmem_shared>>) dst(%arg12 : memref<125x64xbf16, #tpu.memory_space<vmem>>)
      %add3A_1762 = arith.constant 0 : i32
      %add3A_1763 = arith.addi %mul3A_1753, %add3A_1762 : i32
      %dma_start3A_1764 = arith.constant 0 : i32
      %dma_start3A_1765 = tpu.memref_slice %arg10[%add3A_1763, %dma_start3A_1764] : memref<80x125xi32, #tpu.memory_space<vmem>> -> memref<1x125xi32, #tpu.memory_space<vmem>>
      %dma_start3A_1766 = tpu.memref_squeeze %dma_start3A_1765 : memref<1x125xi32, #tpu.memory_space<vmem>> -> memref<125xi32, #tpu.memory_space<vmem>>
      %dma_start3A_1767 = arith.constant 0 : i32
      %dma_start3A_1768 = arith.constant 0 : i32
      %dma_start3A_1769 = tpu.memref_slice %arg25[%dma_start3A_1767, %dma_start3A_1768] : memref<10240x64xbf16, #tpu.memory_space<vmem_shared>> -> memref<10240x64xbf16, #tpu.memory_space<vmem_shared>>
      tpu.enqueue_indirect_dma source(%arg12 : memref<125x64xbf16, #tpu.memory_space<vmem>>) target(%dma_start3A_1769 : memref<10240x64xbf16, #tpu.memory_space<vmem_shared>>) offsets(%dma_start3A_1766 : memref<125xi32, #tpu.memory_space<vmem>>) semaphore(%arg35 : memref<!tpu.dma_semaphore, #tpu.memory_space<semaphore_mem>>) {add = true}
      %add3A_1770 = arith.constant 1 : i32
      %add3A_1771 = arith.addi %mul3A_1753, %add3A_1770 : i32
      %dma_wait3A_1772 = arith.constant 0 : i32
      %dma_wait3A_1773 = tpu.memref_slice %arg9[%add3A_1771, %dma_wait3A_1772] : memref<80x125xi32, #tpu.memory_space<vmem>> -> memref<1x125xi32, #tpu.memory_space<vmem>>
      %dma_wait3A_1774 = tpu.memref_squeeze %dma_wait3A_1773 : memref<1x125xi32, #tpu.memory_space<vmem>> -> memref<125xi32, #tpu.memory_space<vmem>>
      %dma_wait3A_1775 = arith.constant 0 : i32
      %dma_wait3A_1776 = arith.constant 0 : i32
      %dma_wait3A_1777 = tpu.memref_slice %arg24[%dma_wait3A_1775, %dma_wait3A_1776] : memref<10240x64xbf16, #tpu.memory_space<vmem_shared>> -> memref<10240x64xbf16, #tpu.memory_space<vmem_shared>>
      tpu.wait_indirect_dma semaphore(%arg28 : memref<!tpu.dma_semaphore, #tpu.memory_space<semaphore_mem>>) src(%dma_wait3A_1777 : memref<10240x64xbf16, #tpu.memory_space<vmem_shared>>) dst(%arg13 : memref<125x64xbf16, #tpu.memory_space<vmem>>)
      %add3A_1778 = arith.constant 1 : i32
      %add3A_1779 = arith.addi %mul3A_1753, %add3A_1778 : i32
      %dma_start3A_1780 = arith.constant 0 : i32
      %dma_start3A_1781 = tpu.memref_slice %arg10[%add3A_1779, %dma_start3A_1780] : memref<80x125xi32, #tpu.memory_space<vmem>> -> memref<1x125xi32, #tpu.memory_space<vmem>>
      %dma_start3A_1782 = tpu.memref_squeeze %dma_start3A_1781 : memref<1x125xi32, #tpu.memory_space<vmem>> -> memref<125xi32, #tpu.memory_space<vmem>>
      %dma_start3A_1783 = arith.constant 0 : i32
      %dma_start3A_1784 = arith.constant 0 : i32
      %dma_start3A_1785 = tpu.memref_slice %arg25[%dma_start3A_1783, %dma_start3A_1784] : memref<10240x64xbf16, #tpu.memory_space<vmem_shared>> -> memref<10240x64xbf16, #tpu.memory_space<vmem_shared>>
      tpu.enqueue_indirect_dma source(%arg13 : memref<125x64xbf16, #tpu.memory_space<vmem>>) target(%dma_start3A_1785 : memref<10240x64xbf16, #tpu.memory_space<vmem_shared>>) offsets(%dma_start3A_1782 : memref<125xi32, #tpu.memory_space<vmem>>) semaphore(%arg36 : memref<!tpu.dma_semaphore, #tpu.memory_space<semaphore_mem>>) {add = true}
      %add3A_1786 = arith.constant 2 : i32
      %add3A_1787 = arith.addi %mul3A_1753, %add3A_1786 : i32
      %dma_wait3A_1788 = arith.constant 0 : i32
      %dma_wait3A_1789 = tpu.memref_slice %arg9[%add3A_1787, %dma_wait3A_1788] : memref<80x125xi32, #tpu.memory_space<vmem>> -> memref<1x125xi32, #tpu.memory_space<vmem>>
      %dma_wait3A_1790 = tpu.memref_squeeze %dma_wait3A_1789 : memref<1x125xi32, #tpu.memory_space<vmem>> -> memref<125xi32, #tpu.memory_space<vmem>>
      %dma_wait3A_1791 = arith.constant 0 : i32
      %dma_wait3A_1792 = arith.constant 0 : i32
      %dma_wait3A_1793 = tpu.memref_slice %arg24[%dma_wait3A_1791, %dma_wait3A_1792] : memref<10240x64xbf16, #tpu.memory_space<vmem_shared>> -> memref<10240x64xbf16, #tpu.memory_space<vmem_shared>>
      tpu.wait_indirect_dma semaphore(%arg29 : memref<!tpu.dma_semaphore, #tpu.memory_space<semaphore_mem>>) src(%dma_wait3A_1793 : memref<10240x64xbf16, #tpu.memory_space<vmem_shared>>) dst(%arg14 : memref<125x64xbf16, #tpu.memory_space<vmem>>)
      %add3A_1794 = arith.constant 2 : i32
      %add3A_1795 = arith.addi %mul3A_1753, %add3A_1794 : i32
      %dma_start3A_1796 = arith.constant 0 : i32
      %dma_start3A_1797 = tpu.memref_slice %arg10[%add3A_1795, %dma_start3A_1796] : memref<80x125xi32, #tpu.memory_space<vmem>> -> memref<1x125xi32, #tpu.memory_space<vmem>>
      %dma_start3A_1798 = tpu.memref_squeeze %dma_start3A_1797 : memref<1x125xi32, #tpu.memory_space<vmem>> -> memref<125xi32, #tpu.memory_space<vmem>>
      %dma_start3A_1799 = arith.constant 0 : i32
      %dma_start3A_1800 = arith.constant 0 : i32
      %dma_start3A_1801 = tpu.memref_slice %arg25[%dma_start3A_1799, %dma_start3A_1800] : memref<10240x64xbf16, #tpu.memory_space<vmem_shared>> -> memref<10240x64xbf16, #tpu.memory_space<vmem_shared>>
      tpu.enqueue_indirect_dma source(%arg14 : memref<125x64xbf16, #tpu.memory_space<vmem>>) target(%dma_start3A_1801 : memref<10240x64xbf16, #tpu.memory_space<vmem_shared>>) offsets(%dma_start3A_1798 : memref<125xi32, #tpu.memory_space<vmem>>) semaphore(%arg37 : memref<!tpu.dma_semaphore, #tpu.memory_space<semaphore_mem>>) {add = true}
      %add3A_1802 = arith.constant 3 : i32
      %add3A_1803 = arith.addi %mul3A_1753, %add3A_1802 : i32
      %dma_wait3A_1804 = arith.constant 0 : i32
      %dma_wait3A_1805 = tpu.memref_slice %arg9[%add3A_1803, %dma_wait3A_1804] : memref<80x125xi32, #tpu.memory_space<vmem>> -> memref<1x125xi32, #tpu.memory_space<vmem>>
      %dma_wait3A_1806 = tpu.memref_squeeze %dma_wait3A_1805 : memref<1x125xi32, #tpu.memory_space<vmem>> -> memref<125xi32, #tpu.memory_space<vmem>>
      %dma_wait3A_1807 = arith.constant 0 : i32
      %dma_wait3A_1808 = arith.constant 0 : i32
      %dma_wait3A_1809 = tpu.memref_slice %arg24[%dma_wait3A_1807, %dma_wait3A_1808] : memref<10240x64xbf16, #tpu.memory_space<vmem_shared>> -> memref<10240x64xbf16, #tpu.memory_space<vmem_shared>>
      tpu.wait_indirect_dma semaphore(%arg30 : memref<!tpu.dma_semaphore, #tpu.memory_space<semaphore_mem>>) src(%dma_wait3A_1809 : memref<10240x64xbf16, #tpu.memory_space<vmem_shared>>) dst(%arg15 : memref<125x64xbf16, #tpu.memory_space<vmem>>)
      %add3A_1810 = arith.constant 3 : i32
      %add3A_1811 = arith.addi %mul3A_1753, %add3A_1810 : i32
      %dma_start3A_1812 = arith.constant 0 : i32
      %dma_start3A_1813 = tpu.memref_slice %arg10[%add3A_1811, %dma_start3A_1812] : memref<80x125xi32, #tpu.memory_space<vmem>> -> memref<1x125xi32, #tpu.memory_space<vmem>>
      %dma_start3A_1814 = tpu.memref_squeeze %dma_start3A_1813 : memref<1x125xi32, #tpu.memory_space<vmem>> -> memref<125xi32, #tpu.memory_space<vmem>>
      %dma_start3A_1815 = arith.constant 0 : i32
      %dma_start3A_1816 = arith.constant 0 : i32
      %dma_start3A_1817 = tpu.memref_slice %arg25[%dma_start3A_1815, %dma_start3A_1816] : memref<10240x64xbf16, #tpu.memory_space<vmem_shared>> -> memref<10240x64xbf16, #tpu.memory_space<vmem_shared>>
      tpu.enqueue_indirect_dma source(%arg15 : memref<125x64xbf16, #tpu.memory_space<vmem>>) target(%dma_start3A_1817 : memref<10240x64xbf16, #tpu.memory_space<vmem_shared>>) offsets(%dma_start3A_1814 : memref<125xi32, #tpu.memory_space<vmem>>) semaphore(%arg38 : memref<!tpu.dma_semaphore, #tpu.memory_space<semaphore_mem>>) {add = true}
      %add3A_1818 = arith.constant 4 : i32
      %add3A_1819 = arith.addi %mul3A_1753, %add3A_1818 : i32
      %dma_wait3A_1820 = arith.constant 0 : i32
      %dma_wait3A_1821 = tpu.memref_slice %arg9[%add3A_1819, %dma_wait3A_1820] : memref<80x125xi32, #tpu.memory_space<vmem>> -> memref<1x125xi32, #tpu.memory_space<vmem>>
      %dma_wait3A_1822 = tpu.memref_squeeze %dma_wait3A_1821 : memref<1x125xi32, #tpu.memory_space<vmem>> -> memref<125xi32, #tpu.memory_space<vmem>>
      %dma_wait3A_1823 = arith.constant 0 : i32
      %dma_wait3A_1824 = arith.constant 0 : i32
      %dma_wait3A_1825 = tpu.memref_slice %arg24[%dma_wait3A_1823, %dma_wait3A_1824] : memref<10240x64xbf16, #tpu.memory_space<vmem_shared>> -> memref<10240x64xbf16, #tpu.memory_space<vmem_shared>>
      tpu.wait_indirect_dma semaphore(%arg31 : memref<!tpu.dma_semaphore, #tpu.memory_space<semaphore_mem>>) src(%dma_wait3A_1825 : memref<10240x64xbf16, #tpu.memory_space<vmem_shared>>) dst(%arg16 : memref<125x64xbf16, #tpu.memory_space<vmem>>)
      %add3A_1826 = arith.constant 4 : i32
      %add3A_1827 = arith.addi %mul3A_1753, %add3A_1826 : i32
      %dma_start3A_1828 = arith.constant 0 : i32
      %dma_start3A_1829 = tpu.memref_slice %arg10[%add3A_1827, %dma_start3A_1828] : memref<80x125xi32, #tpu.memory_space<vmem>> -> memref<1x125xi32, #tpu.memory_space<vmem>>
      %dma_start3A_1830 = tpu.memref_squeeze %dma_start3A_1829 : memref<1x125xi32, #tpu.memory_space<vmem>> -> memref<125xi32, #tpu.memory_space<vmem>>
      %dma_start3A_1831 = arith.constant 0 : i32
      %dma_start3A_1832 = arith.constant 0 : i32
      %dma_start3A_1833 = tpu.memref_slice %arg25[%dma_start3A_1831, %dma_start3A_1832] : memref<10240x64xbf16, #tpu.memory_space<vmem_shared>> -> memref<10240x64xbf16, #tpu.memory_space<vmem_shared>>
      tpu.enqueue_indirect_dma source(%arg16 : memref<125x64xbf16, #tpu.memory_space<vmem>>) target(%dma_start3A_1833 : memref<10240x64xbf16, #tpu.memory_space<vmem_shared>>) offsets(%dma_start3A_1830 : memref<125xi32, #tpu.memory_space<vmem>>) semaphore(%arg39 : memref<!tpu.dma_semaphore, #tpu.memory_space<semaphore_mem>>) {add = true}
      %add3A_1834 = arith.constant 5 : i32
      %add3A_1835 = arith.addi %mul3A_1753, %add3A_1834 : i32
      %dma_wait3A_1836 = arith.constant 0 : i32
      %dma_wait3A_1837 = tpu.memref_slice %arg9[%add3A_1835, %dma_wait3A_1836] : memref<80x125xi32, #tpu.memory_space<vmem>> -> memref<1x125xi32, #tpu.memory_space<vmem>>
      %dma_wait3A_1838 = tpu.memref_squeeze %dma_wait3A_1837 : memref<1x125xi32, #tpu.memory_space<vmem>> -> memref<125xi32, #tpu.memory_space<vmem>>
      %dma_wait3A_1839 = arith.constant 0 : i32
      %dma_wait3A_1840 = arith.constant 0 : i32
      %dma_wait3A_1841 = tpu.memref_slice %arg24[%dma_wait3A_1839, %dma_wait3A_1840] : memref<10240x64xbf16, #tpu.memory_space<vmem_shared>> -> memref<10240x64xbf16, #tpu.memory_space<vmem_shared>>
      tpu.wait_indirect_dma semaphore(%arg32 : memref<!tpu.dma_semaphore, #tpu.memory_space<semaphore_mem>>) src(%dma_wait3A_1841 : memref<10240x64xbf16, #tpu.memory_space<vmem_shared>>) dst(%arg17 : memref<125x64xbf16, #tpu.memory_space<vmem>>)
      %add3A_1842 = arith.constant 5 : i32
      %add3A_1843 = arith.addi %mul3A_1753, %add3A_1842 : i32
      %dma_start3A_1844 = arith.constant 0 : i32
      %dma_start3A_1845 = tpu.memref_slice %arg10[%add3A_1843, %dma_start3A_1844] : memref<80x125xi32, #tpu.memory_space<vmem>> -> memref<1x125xi32, #tpu.memory_space<vmem>>
      %dma_start3A_1846 = tpu.memref_squeeze %dma_start3A_1845 : memref<1x125xi32, #tpu.memory_space<vmem>> -> memref<125xi32, #tpu.memory_space<vmem>>
      %dma_start3A_1847 = arith.constant 0 : i32
      %dma_start3A_1848 = arith.constant 0 : i32
      %dma_start3A_1849 = tpu.memref_slice %arg25[%dma_start3A_1847, %dma_start3A_1848] : memref<10240x64xbf16, #tpu.memory_space<vmem_shared>> -> memref<10240x64xbf16, #tpu.memory_space<vmem_shared>>
      tpu.enqueue_indirect_dma source(%arg17 : memref<125x64xbf16, #tpu.memory_space<vmem>>) target(%dma_start3A_1849 : memref<10240x64xbf16, #tpu.memory_space<vmem_shared>>) offsets(%dma_start3A_1846 : memref<125xi32, #tpu.memory_space<vmem>>) semaphore(%arg40 : memref<!tpu.dma_semaphore, #tpu.memory_space<semaphore_mem>>) {add = true}
      %add3A_1850 = arith.constant 6 : i32
      %add3A_1851 = arith.addi %mul3A_1753, %add3A_1850 : i32
      %dma_wait3A_1852 = arith.constant 0 : i32
      %dma_wait3A_1853 = tpu.memref_slice %arg9[%add3A_1851, %dma_wait3A_1852] : memref<80x125xi32, #tpu.memory_space<vmem>> -> memref<1x125xi32, #tpu.memory_space<vmem>>
      %dma_wait3A_1854 = tpu.memref_squeeze %dma_wait3A_1853 : memref<1x125xi32, #tpu.memory_space<vmem>> -> memref<125xi32, #tpu.memory_space<vmem>>
      %dma_wait3A_1855 = arith.constant 0 : i32
      %dma_wait3A_1856 = arith.constant 0 : i32
      %dma_wait3A_1857 = tpu.memref_slice %arg24[%dma_wait3A_1855, %dma_wait3A_1856] : memref<10240x64xbf16, #tpu.memory_space<vmem_shared>> -> memref<10240x64xbf16, #tpu.memory_space<vmem_shared>>
      tpu.wait_indirect_dma semaphore(%arg33 : memref<!tpu.dma_semaphore, #tpu.memory_space<semaphore_mem>>) src(%dma_wait3A_1857 : memref<10240x64xbf16, #tpu.memory_space<vmem_shared>>) dst(%arg18 : memref<125x64xbf16, #tpu.memory_space<vmem>>)
      %add3A_1858 = arith.constant 6 : i32
      %add3A_1859 = arith.addi %mul3A_1753, %add3A_1858 : i32
      %dma_start3A_1860 = arith.constant 0 : i32
      %dma_start3A_1861 = tpu.memref_slice %arg10[%add3A_1859, %dma_start3A_1860] : memref<80x125xi32, #tpu.memory_space<vmem>> -> memref<1x125xi32, #tpu.memory_space<vmem>>
      %dma_start3A_1862 = tpu.memref_squeeze %dma_start3A_1861 : memref<1x125xi32, #tpu.memory_space<vmem>> -> memref<125xi32, #tpu.memory_space<vmem>>
      %dma_start3A_1863 = arith.constant 0 : i32
      %dma_start3A_1864 = arith.constant 0 : i32
      %dma_start3A_1865 = tpu.memref_slice %arg25[%dma_start3A_1863, %dma_start3A_1864] : memref<10240x64xbf16, #tpu.memory_space<vmem_shared>> -> memref<10240x64xbf16, #tpu.memory_space<vmem_shared>>
      tpu.enqueue_indirect_dma source(%arg18 : memref<125x64xbf16, #tpu.memory_space<vmem>>) target(%dma_start3A_1865 : memref<10240x64xbf16, #tpu.memory_space<vmem_shared>>) offsets(%dma_start3A_1862 : memref<125xi32, #tpu.memory_space<vmem>>) semaphore(%arg41 : memref<!tpu.dma_semaphore, #tpu.memory_space<semaphore_mem>>) {add = true}
      %add3A_1866 = arith.constant 7 : i32
      %add3A_1867 = arith.addi %mul3A_1753, %add3A_1866 : i32
      %dma_wait3A_1868 = arith.constant 0 : i32
      %dma_wait3A_1869 = tpu.memref_slice %arg9[%add3A_1867, %dma_wait3A_1868] : memref<80x125xi32, #tpu.memory_space<vmem>> -> memref<1x125xi32, #tpu.memory_space<vmem>>
      %dma_wait3A_1870 = tpu.memref_squeeze %dma_wait3A_1869 : memref<1x125xi32, #tpu.memory_space<vmem>> -> memref<125xi32, #tpu.memory_space<vmem>>
      %dma_wait3A_1871 = arith.constant 0 : i32
      %dma_wait3A_1872 = arith.constant 0 : i32
      %dma_wait3A_1873 = tpu.memref_slice %arg24[%dma_wait3A_1871, %dma_wait3A_1872] : memref<10240x64xbf16, #tpu.memory_space<vmem_shared>> -> memref<10240x64xbf16, #tpu.memory_space<vmem_shared>>
      tpu.wait_indirect_dma semaphore(%arg34 : memref<!tpu.dma_semaphore, #tpu.memory_space<semaphore_mem>>) src(%dma_wait3A_1873 : memref<10240x64xbf16, #tpu.memory_space<vmem_shared>>) dst(%arg19 : memref<125x64xbf16, #tpu.memory_space<vmem>>)
      %add3A_1874 = arith.constant 7 : i32
      %add3A_1875 = arith.addi %mul3A_1753, %add3A_1874 : i32
      %dma_start3A_1876 = arith.constant 0 : i32
      %dma_start3A_1877 = tpu.memref_slice %arg10[%add3A_1875, %dma_start3A_1876] : memref<80x125xi32, #tpu.memory_space<vmem>> -> memref<1x125xi32, #tpu.memory_space<vmem>>
      %dma_start3A_1878 = tpu.memref_squeeze %dma_start3A_1877 : memref<1x125xi32, #tpu.memory_space<vmem>> -> memref<125xi32, #tpu.memory_space<vmem>>
      %dma_start3A_1879 = arith.constant 0 : i32
      %dma_start3A_1880 = arith.constant 0 : i32
      %dma_start3A_1881 = tpu.memref_slice %arg25[%dma_start3A_1879, %dma_start3A_1880] : memref<10240x64xbf16, #tpu.memory_space<vmem_shared>> -> memref<10240x64xbf16, #tpu.memory_space<vmem_shared>>
      tpu.enqueue_indirect_dma source(%arg19 : memref<125x64xbf16, #tpu.memory_space<vmem>>) target(%dma_start3A_1881 : memref<10240x64xbf16, #tpu.memory_space<vmem_shared>>) offsets(%dma_start3A_1878 : memref<125xi32, #tpu.memory_space<vmem>>) semaphore(%arg42 : memref<!tpu.dma_semaphore, #tpu.memory_space<semaphore_mem>>) {add = true}
      %add3A_1882 = arith.constant 0 : i32
      %add3A_1883 = arith.addi %mul3A_1753, %add3A_1882 : i32
      %dma_wait3A_1884 = arith.constant 0 : i32
      %dma_wait3A_1885 = tpu.memref_slice %arg10[%add3A_1883, %dma_wait3A_1884] : memref<80x125xi32, #tpu.memory_space<vmem>> -> memref<1x125xi32, #tpu.memory_space<vmem>>
      %dma_wait3A_1886 = tpu.memref_squeeze %dma_wait3A_1885 : memref<1x125xi32, #tpu.memory_space<vmem>> -> memref<125xi32, #tpu.memory_space<vmem>>
      %dma_wait3A_1887 = arith.constant 0 : i32
      %dma_wait3A_1888 = arith.constant 0 : i32
      %dma_wait3A_1889 = tpu.memref_slice %arg25[%dma_wait3A_1887, %dma_wait3A_1888] : memref<10240x64xbf16, #tpu.memory_space<vmem_shared>> -> memref<10240x64xbf16, #tpu.memory_space<vmem_shared>>
      tpu.wait_indirect_dma semaphore(%arg35 : memref<!tpu.dma_semaphore, #tpu.memory_space<semaphore_mem>>) src(%arg12 : memref<125x64xbf16, #tpu.memory_space<vmem>>) dst(%dma_wait3A_1889 : memref<10240x64xbf16, #tpu.memory_space<vmem_shared>>)
      %add3A_1890 = arith.constant 8 : i32
      %add3A_1891 = arith.addi %mul3A_1753, %add3A_1890 : i32
      %add3A_1892 = arith.constant 0 : i32
      %add3A_1893 = arith.addi %add3A_1891, %add3A_1892 : i32
      %dma_start3A_1894 = arith.constant 0 : i32
      %dma_start3A_1895 = tpu.memref_slice %arg9[%add3A_1893, %dma_start3A_1894] : memref<80x125xi32, #tpu.memory_space<vmem>> -> memref<1x125xi32, #tpu.memory_space<vmem>>
      %dma_start3A_1896 = tpu.memref_squeeze %dma_start3A_1895 : memref<1x125xi32, #tpu.memory_space<vmem>> -> memref<125xi32, #tpu.memory_space<vmem>>
      %dma_start3A_1897 = arith.constant 0 : i32
      %dma_start3A_1898 = arith.constant 0 : i32
      %dma_start3A_1899 = tpu.memref_slice %arg24[%dma_start3A_1897, %dma_start3A_1898] : memref<10240x64xbf16, #tpu.memory_space<vmem_shared>> -> memref<10240x64xbf16, #tpu.memory_space<vmem_shared>>
      tpu.enqueue_indirect_dma source(%dma_start3A_1899 : memref<10240x64xbf16, #tpu.memory_space<vmem_shared>>) target(%arg12 : memref<125x64xbf16, #tpu.memory_space<vmem>>) offsets(%dma_start3A_1896 : memref<125xi32, #tpu.memory_space<vmem>>) semaphore(%arg27 : memref<!tpu.dma_semaphore, #tpu.memory_space<semaphore_mem>>)
      %add3A_1900 = arith.constant 1 : i32
      %add3A_1901 = arith.addi %mul3A_1753, %add3A_1900 : i32
      %dma_wait3A_1902 = arith.constant 0 : i32
      %dma_wait3A_1903 = tpu.memref_slice %arg10[%add3A_1901, %dma_wait3A_1902] : memref<80x125xi32, #tpu.memory_space<vmem>> -> memref<1x125xi32, #tpu.memory_space<vmem>>
      %dma_wait3A_1904 = tpu.memref_squeeze %dma_wait3A_1903 : memref<1x125xi32, #tpu.memory_space<vmem>> -> memref<125xi32, #tpu.memory_space<vmem>>
      %dma_wait3A_1905 = arith.constant 0 : i32
      %dma_wait3A_1906 = arith.constant 0 : i32
      %dma_wait3A_1907 = tpu.memref_slice %arg25[%dma_wait3A_1905, %dma_wait3A_1906] : memref<10240x64xbf16, #tpu.memory_space<vmem_shared>> -> memref<10240x64xbf16, #tpu.memory_space<vmem_shared>>
      tpu.wait_indirect_dma semaphore(%arg36 : memref<!tpu.dma_semaphore, #tpu.memory_space<semaphore_mem>>) src(%arg13 : memref<125x64xbf16, #tpu.memory_space<vmem>>) dst(%dma_wait3A_1907 : memref<10240x64xbf16, #tpu.memory_space<vmem_shared>>)
      %add3A_1908 = arith.constant 8 : i32
      %add3A_1909 = arith.addi %mul3A_1753, %add3A_1908 : i32
      %add3A_1910 = arith.constant 1 : i32
      %add3A_1911 = arith.addi %add3A_1909, %add3A_1910 : i32
      %dma_start3A_1912 = arith.constant 0 : i32
      %dma_start3A_1913 = tpu.memref_slice %arg9[%add3A_1911, %dma_start3A_1912] : memref<80x125xi32, #tpu.memory_space<vmem>> -> memref<1x125xi32, #tpu.memory_space<vmem>>
      %dma_start3A_1914 = tpu.memref_squeeze %dma_start3A_1913 : memref<1x125xi32, #tpu.memory_space<vmem>> -> memref<125xi32, #tpu.memory_space<vmem>>
      %dma_start3A_1915 = arith.constant 0 : i32
      %dma_start3A_1916 = arith.constant 0 : i32
      %dma_start3A_1917 = tpu.memref_slice %arg24[%dma_start3A_1915, %dma_start3A_1916] : memref<10240x64xbf16, #tpu.memory_space<vmem_shared>> -> memref<10240x64xbf16, #tpu.memory_space<vmem_shared>>
      tpu.enqueue_indirect_dma source(%dma_start3A_1917 : memref<10240x64xbf16, #tpu.memory_space<vmem_shared>>) target(%arg13 : memref<125x64xbf16, #tpu.memory_space<vmem>>) offsets(%dma_start3A_1914 : memref<125xi32, #tpu.memory_space<vmem>>) semaphore(%arg28 : memref<!tpu.dma_semaphore, #tpu.memory_space<semaphore_mem>>)
      %add3A_1918 = arith.constant 2 : i32
      %add3A_1919 = arith.addi %mul3A_1753, %add3A_1918 : i32
      %dma_wait3A_1920 = arith.constant 0 : i32
      %dma_wait3A_1921 = tpu.memref_slice %arg10[%add3A_1919, %dma_wait3A_1920] : memref<80x125xi32, #tpu.memory_space<vmem>> -> memref<1x125xi32, #tpu.memory_space<vmem>>
      %dma_wait3A_1922 = tpu.memref_squeeze %dma_wait3A_1921 : memref<1x125xi32, #tpu.memory_space<vmem>> -> memref<125xi32, #tpu.memory_space<vmem>>
      %dma_wait3A_1923 = arith.constant 0 : i32
      %dma_wait3A_1924 = arith.constant 0 : i32
      %dma_wait3A_1925 = tpu.memref_slice %arg25[%dma_wait3A_1923, %dma_wait3A_1924] : memref<10240x64xbf16, #tpu.memory_space<vmem_shared>> -> memref<10240x64xbf16, #tpu.memory_space<vmem_shared>>
      tpu.wait_indirect_dma semaphore(%arg37 : memref<!tpu.dma_semaphore, #tpu.memory_space<semaphore_mem>>) src(%arg14 : memref<125x64xbf16, #tpu.memory_space<vmem>>) dst(%dma_wait3A_1925 : memref<10240x64xbf16, #tpu.memory_space<vmem_shared>>)
      %add3A_1926 = arith.constant 8 : i32
      %add3A_1927 = arith.addi %mul3A_1753, %add3A_1926 : i32
      %add3A_1928 = arith.constant 2 : i32
      %add3A_1929 = arith.addi %add3A_1927, %add3A_1928 : i32
      %dma_start3A_1930 = arith.constant 0 : i32
      %dma_start3A_1931 = tpu.memref_slice %arg9[%add3A_1929, %dma_start3A_1930] : memref<80x125xi32, #tpu.memory_space<vmem>> -> memref<1x125xi32, #tpu.memory_space<vmem>>
      %dma_start3A_1932 = tpu.memref_squeeze %dma_start3A_1931 : memref<1x125xi32, #tpu.memory_space<vmem>> -> memref<125xi32, #tpu.memory_space<vmem>>
      %dma_start3A_1933 = arith.constant 0 : i32
      %dma_start3A_1934 = arith.constant 0 : i32
      %dma_start3A_1935 = tpu.memref_slice %arg24[%dma_start3A_1933, %dma_start3A_1934] : memref<10240x64xbf16, #tpu.memory_space<vmem_shared>> -> memref<10240x64xbf16, #tpu.memory_space<vmem_shared>>
      tpu.enqueue_indirect_dma source(%dma_start3A_1935 : memref<10240x64xbf16, #tpu.memory_space<vmem_shared>>) target(%arg14 : memref<125x64xbf16, #tpu.memory_space<vmem>>) offsets(%dma_start3A_1932 : memref<125xi32, #tpu.memory_space<vmem>>) semaphore(%arg29 : memref<!tpu.dma_semaphore, #tpu.memory_space<semaphore_mem>>)
      %add3A_1936 = arith.constant 3 : i32
      %add3A_1937 = arith.addi %mul3A_1753, %add3A_1936 : i32
      %dma_wait3A_1938 = arith.constant 0 : i32
      %dma_wait3A_1939 = tpu.memref_slice %arg10[%add3A_1937, %dma_wait3A_1938] : memref<80x125xi32, #tpu.memory_space<vmem>> -> memref<1x125xi32, #tpu.memory_space<vmem>>
      %dma_wait3A_1940 = tpu.memref_squeeze %dma_wait3A_1939 : memref<1x125xi32, #tpu.memory_space<vmem>> -> memref<125xi32, #tpu.memory_space<vmem>>
      %dma_wait3A_1941 = arith.constant 0 : i32
      %dma_wait3A_1942 = arith.constant 0 : i32
      %dma_wait3A_1943 = tpu.memref_slice %arg25[%dma_wait3A_1941, %dma_wait3A_1942] : memref<10240x64xbf16, #tpu.memory_space<vmem_shared>> -> memref<10240x64xbf16, #tpu.memory_space<vmem_shared>>
      tpu.wait_indirect_dma semaphore(%arg38 : memref<!tpu.dma_semaphore, #tpu.memory_space<semaphore_mem>>) src(%arg15 : memref<125x64xbf16, #tpu.memory_space<vmem>>) dst(%dma_wait3A_1943 : memref<10240x64xbf16, #tpu.memory_space<vmem_shared>>)
      %add3A_1944 = arith.constant 8 : i32
      %add3A_1945 = arith.addi %mul3A_1753, %add3A_1944 : i32
      %add3A_1946 = arith.constant 3 : i32
      %add3A_1947 = arith.addi %add3A_1945, %add3A_1946 : i32
      %dma_start3A_1948 = arith.constant 0 : i32
      %dma_start3A_1949 = tpu.memref_slice %arg9[%add3A_1947, %dma_start3A_1948] : memref<80x125xi32, #tpu.memory_space<vmem>> -> memref<1x125xi32, #tpu.memory_space<vmem>>
      %dma_start3A_1950 = tpu.memref_squeeze %dma_start3A_1949 : memref<1x125xi32, #tpu.memory_space<vmem>> -> memref<125xi32, #tpu.memory_space<vmem>>
      %dma_start3A_1951 = arith.constant 0 : i32
      %dma_start3A_1952 = arith.constant 0 : i32
      %dma_start3A_1953 = tpu.memref_slice %arg24[%dma_start3A_1951, %dma_start3A_1952] : memref<10240x64xbf16, #tpu.memory_space<vmem_shared>> -> memref<10240x64xbf16, #tpu.memory_space<vmem_shared>>
      tpu.enqueue_indirect_dma source(%dma_start3A_1953 : memref<10240x64xbf16, #tpu.memory_space<vmem_shared>>) target(%arg15 : memref<125x64xbf16, #tpu.memory_space<vmem>>) offsets(%dma_start3A_1950 : memref<125xi32, #tpu.memory_space<vmem>>) semaphore(%arg30 : memref<!tpu.dma_semaphore, #tpu.memory_space<semaphore_mem>>)
      %add3A_1954 = arith.constant 4 : i32
      %add3A_1955 = arith.addi %mul3A_1753, %add3A_1954 : i32
      %dma_wait3A_1956 = arith.constant 0 : i32
      %dma_wait3A_1957 = tpu.memref_slice %arg10[%add3A_1955, %dma_wait3A_1956] : memref<80x125xi32, #tpu.memory_space<vmem>> -> memref<1x125xi32, #tpu.memory_space<vmem>>
      %dma_wait3A_1958 = tpu.memref_squeeze %dma_wait3A_1957 : memref<1x125xi32, #tpu.memory_space<vmem>> -> memref<125xi32, #tpu.memory_space<vmem>>
      %dma_wait3A_1959 = arith.constant 0 : i32
      %dma_wait3A_1960 = arith.constant 0 : i32
      %dma_wait3A_1961 = tpu.memref_slice %arg25[%dma_wait3A_1959, %dma_wait3A_1960] : memref<10240x64xbf16, #tpu.memory_space<vmem_shared>> -> memref<10240x64xbf16, #tpu.memory_space<vmem_shared>>
      tpu.wait_indirect_dma semaphore(%arg39 : memref<!tpu.dma_semaphore, #tpu.memory_space<semaphore_mem>>) src(%arg16 : memref<125x64xbf16, #tpu.memory_space<vmem>>) dst(%dma_wait3A_1961 : memref<10240x64xbf16, #tpu.memory_space<vmem_shared>>)
      %add3A_1962 = arith.constant 8 : i32
      %add3A_1963 = arith.addi %mul3A_1753, %add3A_1962 : i32
      %add3A_1964 = arith.constant 4 : i32
      %add3A_1965 = arith.addi %add3A_1963, %add3A_1964 : i32
      %dma_start3A_1966 = arith.constant 0 : i32
      %dma_start3A_1967 = tpu.memref_slice %arg9[%add3A_1965, %dma_start3A_1966] : memref<80x125xi32, #tpu.memory_space<vmem>> -> memref<1x125xi32, #tpu.memory_space<vmem>>
      %dma_start3A_1968 = tpu.memref_squeeze %dma_start3A_1967 : memref<1x125xi32, #tpu.memory_space<vmem>> -> memref<125xi32, #tpu.memory_space<vmem>>
      %dma_start3A_1969 = arith.constant 0 : i32
      %dma_start3A_1970 = arith.constant 0 : i32
      %dma_start3A_1971 = tpu.memref_slice %arg24[%dma_start3A_1969, %dma_start3A_1970] : memref<10240x64xbf16, #tpu.memory_space<vmem_shared>> -> memref<10240x64xbf16, #tpu.memory_space<vmem_shared>>
      tpu.enqueue_indirect_dma source(%dma_start3A_1971 : memref<10240x64xbf16, #tpu.memory_space<vmem_shared>>) target(%arg16 : memref<125x64xbf16, #tpu.memory_space<vmem>>) offsets(%dma_start3A_1968 : memref<125xi32, #tpu.memory_space<vmem>>) semaphore(%arg31 : memref<!tpu.dma_semaphore, #tpu.memory_space<semaphore_mem>>)
      %add3A_1972 = arith.constant 5 : i32
      %add3A_1973 = arith.addi %mul3A_1753, %add3A_1972 : i32
      %dma_wait3A_1974 = arith.constant 0 : i32
      %dma_wait3A_1975 = tpu.memref_slice %arg10[%add3A_1973, %dma_wait3A_1974] : memref<80x125xi32, #tpu.memory_space<vmem>> -> memref<1x125xi32, #tpu.memory_space<vmem>>
      %dma_wait3A_1976 = tpu.memref_squeeze %dma_wait3A_1975 : memref<1x125xi32, #tpu.memory_space<vmem>> -> memref<125xi32, #tpu.memory_space<vmem>>
      %dma_wait3A_1977 = arith.constant 0 : i32
      %dma_wait3A_1978 = arith.constant 0 : i32
      %dma_wait3A_1979 = tpu.memref_slice %arg25[%dma_wait3A_1977, %dma_wait3A_1978] : memref<10240x64xbf16, #tpu.memory_space<vmem_shared>> -> memref<10240x64xbf16, #tpu.memory_space<vmem_shared>>
      tpu.wait_indirect_dma semaphore(%arg40 : memref<!tpu.dma_semaphore, #tpu.memory_space<semaphore_mem>>) src(%arg17 : memref<125x64xbf16, #tpu.memory_space<vmem>>) dst(%dma_wait3A_1979 : memref<10240x64xbf16, #tpu.memory_space<vmem_shared>>)
      %add3A_1980 = arith.constant 8 : i32
      %add3A_1981 = arith.addi %mul3A_1753, %add3A_1980 : i32
      %add3A_1982 = arith.constant 5 : i32
      %add3A_1983 = arith.addi %add3A_1981, %add3A_1982 : i32
      %dma_start3A_1984 = arith.constant 0 : i32
      %dma_start3A_1985 = tpu.memref_slice %arg9[%add3A_1983, %dma_start3A_1984] : memref<80x125xi32, #tpu.memory_space<vmem>> -> memref<1x125xi32, #tpu.memory_space<vmem>>
      %dma_start3A_1986 = tpu.memref_squeeze %dma_start3A_1985 : memref<1x125xi32, #tpu.memory_space<vmem>> -> memref<125xi32, #tpu.memory_space<vmem>>
      %dma_start3A_1987 = arith.constant 0 : i32
      %dma_start3A_1988 = arith.constant 0 : i32
      %dma_start3A_1989 = tpu.memref_slice %arg24[%dma_start3A_1987, %dma_start3A_1988] : memref<10240x64xbf16, #tpu.memory_space<vmem_shared>> -> memref<10240x64xbf16, #tpu.memory_space<vmem_shared>>
      tpu.enqueue_indirect_dma source(%dma_start3A_1989 : memref<10240x64xbf16, #tpu.memory_space<vmem_shared>>) target(%arg17 : memref<125x64xbf16, #tpu.memory_space<vmem>>) offsets(%dma_start3A_1986 : memref<125xi32, #tpu.memory_space<vmem>>) semaphore(%arg32 : memref<!tpu.dma_semaphore, #tpu.memory_space<semaphore_mem>>)
      %add3A_1990 = arith.constant 6 : i32
      %add3A_1991 = arith.addi %mul3A_1753, %add3A_1990 : i32
      %dma_wait3A_1992 = arith.constant 0 : i32
      %dma_wait3A_1993 = tpu.memref_slice %arg10[%add3A_1991, %dma_wait3A_1992] : memref<80x125xi32, #tpu.memory_space<vmem>> -> memref<1x125xi32, #tpu.memory_space<vmem>>
      %dma_wait3A_1994 = tpu.memref_squeeze %dma_wait3A_1993 : memref<1x125xi32, #tpu.memory_space<vmem>> -> memref<125xi32, #tpu.memory_space<vmem>>
      %dma_wait3A_1995 = arith.constant 0 : i32
      %dma_wait3A_1996 = arith.constant 0 : i32
      %dma_wait3A_1997 = tpu.memref_slice %arg25[%dma_wait3A_1995, %dma_wait3A_1996] : memref<10240x64xbf16, #tpu.memory_space<vmem_shared>> -> memref<10240x64xbf16, #tpu.memory_space<vmem_shared>>
      tpu.wait_indirect_dma semaphore(%arg41 : memref<!tpu.dma_semaphore, #tpu.memory_space<semaphore_mem>>) src(%arg18 : memref<125x64xbf16, #tpu.memory_space<vmem>>) dst(%dma_wait3A_1997 : memref<10240x64xbf16, #tpu.memory_space<vmem_shared>>)
      %add3A_1998 = arith.constant 8 : i32
      %add3A_1999 = arith.addi %mul3A_1753, %add3A_1998 : i32
      %add3A_2000 = arith.constant 6 : i32
      %add3A_2001 = arith.addi %add3A_1999, %add3A_2000 : i32
      %dma_start3A_2002 = arith.constant 0 : i32
      %dma_start3A_2003 = tpu.memref_slice %arg9[%add3A_2001, %dma_start3A_2002] : memref<80x125xi32, #tpu.memory_space<vmem>> -> memref<1x125xi32, #tpu.memory_space<vmem>>
      %dma_start3A_2004 = tpu.memref_squeeze %dma_start3A_2003 : memref<1x125xi32, #tpu.memory_space<vmem>> -> memref<125xi32, #tpu.memory_space<vmem>>
      %dma_start3A_2005 = arith.constant 0 : i32
      %dma_start3A_2006 = arith.constant 0 : i32
      %dma_start3A_2007 = tpu.memref_slice %arg24[%dma_start3A_2005, %dma_start3A_2006] : memref<10240x64xbf16, #tpu.memory_space<vmem_shared>> -> memref<10240x64xbf16, #tpu.memory_space<vmem_shared>>
      tpu.enqueue_indirect_dma source(%dma_start3A_2007 : memref<10240x64xbf16, #tpu.memory_space<vmem_shared>>) target(%arg18 : memref<125x64xbf16, #tpu.memory_space<vmem>>) offsets(%dma_start3A_2004 : memref<125xi32, #tpu.memory_space<vmem>>) semaphore(%arg33 : memref<!tpu.dma_semaphore, #tpu.memory_space<semaphore_mem>>)
      %add3A_2008 = arith.constant 7 : i32
      %add3A_2009 = arith.addi %mul3A_1753, %add3A_2008 : i32
      %dma_wait3A_2010 = arith.constant 0 : i32
      %dma_wait3A_2011 = tpu.memref_slice %arg10[%add3A_2009, %dma_wait3A_2010] : memref<80x125xi32, #tpu.memory_space<vmem>> -> memref<1x125xi32, #tpu.memory_space<vmem>>
      %dma_wait3A_2012 = tpu.memref_squeeze %dma_wait3A_2011 : memref<1x125xi32, #tpu.memory_space<vmem>> -> memref<125xi32, #tpu.memory_space<vmem>>
      %dma_wait3A_2013 = arith.constant 0 : i32
      %dma_wait3A_2014 = arith.constant 0 : i32
      %dma_wait3A_2015 = tpu.memref_slice %arg25[%dma_wait3A_2013, %dma_wait3A_2014] : memref<10240x64xbf16, #tpu.memory_space<vmem_shared>> -> memref<10240x64xbf16, #tpu.memory_space<vmem_shared>>
      tpu.wait_indirect_dma semaphore(%arg42 : memref<!tpu.dma_semaphore, #tpu.memory_space<semaphore_mem>>) src(%arg19 : memref<125x64xbf16, #tpu.memory_space<vmem>>) dst(%dma_wait3A_2015 : memref<10240x64xbf16, #tpu.memory_space<vmem_shared>>)
      %add3A_2016 = arith.constant 8 : i32
      %add3A_2017 = arith.addi %mul3A_1753, %add3A_2016 : i32
      %add3A_2018 = arith.constant 7 : i32
      %add3A_2019 = arith.addi %add3A_2017, %add3A_2018 : i32
      %dma_start3A_2020 = arith.constant 0 : i32
      %dma_start3A_2021 = tpu.memref_slice %arg9[%add3A_2019, %dma_start3A_2020] : memref<80x125xi32, #tpu.memory_space<vmem>> -> memref<1x125xi32, #tpu.memory_space<vmem>>
      %dma_start3A_2022 = tpu.memref_squeeze %dma_start3A_2021 : memref<1x125xi32, #tpu.memory_space<vmem>> -> memref<125xi32, #tpu.memory_space<vmem>>
      %dma_start3A_2023 = arith.constant 0 : i32
      %dma_start3A_2024 = arith.constant 0 : i32
      %dma_start3A_2025 = tpu.memref_slice %arg24[%dma_start3A_2023, %dma_start3A_2024] : memref<10240x64xbf16, #tpu.memory_space<vmem_shared>> -> memref<10240x64xbf16, #tpu.memory_space<vmem_shared>>
      tpu.enqueue_indirect_dma source(%dma_start3A_2025 : memref<10240x64xbf16, #tpu.memory_space<vmem_shared>>) target(%arg19 : memref<125x64xbf16, #tpu.memory_space<vmem>>) offsets(%dma_start3A_2022 : memref<125xi32, #tpu.memory_space<vmem>>) semaphore(%arg34 : memref<!tpu.dma_semaphore, #tpu.memory_space<semaphore_mem>>)
    }
    %scan3A_1577 = arith.constant 9 : i32
    %dma_wait3A_1578 = arith.constant 72 : i32
    %dma_wait3A_1579 = arith.constant 0 : i32
    %dma_wait3A_1580 = tpu.memref_slice %arg9[%dma_wait3A_1578, %dma_wait3A_1579] : memref<80x125xi32, #tpu.memory_space<vmem>> -> memref<1x125xi32, #tpu.memory_space<vmem>>
    %dma_wait3A_1581 = tpu.memref_squeeze %dma_wait3A_1580 : memref<1x125xi32, #tpu.memory_space<vmem>> -> memref<125xi32, #tpu.memory_space<vmem>>
    %dma_wait3A_1582 = arith.constant 0 : i32
    %dma_wait3A_1583 = arith.constant 0 : i32
    %dma_wait3A_1584 = tpu.memref_slice %arg24[%dma_wait3A_1582, %dma_wait3A_1583] : memref<10240x64xbf16, #tpu.memory_space<vmem_shared>> -> memref<10240x64xbf16, #tpu.memory_space<vmem_shared>>
    tpu.wait_indirect_dma semaphore(%arg27 : memref<!tpu.dma_semaphore, #tpu.memory_space<semaphore_mem>>) src(%dma_wait3A_1584 : memref<10240x64xbf16, #tpu.memory_space<vmem_shared>>) dst(%arg12 : memref<125x64xbf16, #tpu.memory_space<vmem>>)
    %dma_start3A_1585 = arith.constant 72 : i32
    %dma_start3A_1586 = arith.constant 0 : i32
    %dma_start3A_1587 = tpu.memref_slice %arg10[%dma_start3A_1585, %dma_start3A_1586] : memref<80x125xi32, #tpu.memory_space<vmem>> -> memref<1x125xi32, #tpu.memory_space<vmem>>
    %dma_start3A_1588 = tpu.memref_squeeze %dma_start3A_1587 : memref<1x125xi32, #tpu.memory_space<vmem>> -> memref<125xi32, #tpu.memory_space<vmem>>
    %dma_start3A_1589 = arith.constant 0 : i32
    %dma_start3A_1590 = arith.constant 0 : i32
    %dma_start3A_1591 = tpu.memref_slice %arg25[%dma_start3A_1589, %dma_start3A_1590] : memref<10240x64xbf16, #tpu.memory_space<vmem_shared>> -> memref<10240x64xbf16, #tpu.memory_space<vmem_shared>>
    tpu.enqueue_indirect_dma source(%arg12 : memref<125x64xbf16, #tpu.memory_space<vmem>>) target(%dma_start3A_1591 : memref<10240x64xbf16, #tpu.memory_space<vmem_shared>>) offsets(%dma_start3A_1588 : memref<125xi32, #tpu.memory_space<vmem>>) semaphore(%arg35 : memref<!tpu.dma_semaphore, #tpu.memory_space<semaphore_mem>>) {add = true}
    %dma_wait3A_1592 = arith.constant 73 : i32
    %dma_wait3A_1593 = arith.constant 0 : i32
    %dma_wait3A_1594 = tpu.memref_slice %arg9[%dma_wait3A_1592, %dma_wait3A_1593] : memref<80x125xi32, #tpu.memory_space<vmem>> -> memref<1x125xi32, #tpu.memory_space<vmem>>
    %dma_wait3A_1595 = tpu.memref_squeeze %dma_wait3A_1594 : memref<1x125xi32, #tpu.memory_space<vmem>> -> memref<125xi32, #tpu.memory_space<vmem>>
    %dma_wait3A_1596 = arith.constant 0 : i32
    %dma_wait3A_1597 = arith.constant 0 : i32
    %dma_wait3A_1598 = tpu.memref_slice %arg24[%dma_wait3A_1596, %dma_wait3A_1597] : memref<10240x64xbf16, #tpu.memory_space<vmem_shared>> -> memref<10240x64xbf16, #tpu.memory_space<vmem_shared>>
    tpu.wait_indirect_dma semaphore(%arg28 : memref<!tpu.dma_semaphore, #tpu.memory_space<semaphore_mem>>) src(%dma_wait3A_1598 : memref<10240x64xbf16, #tpu.memory_space<vmem_shared>>) dst(%arg13 : memref<125x64xbf16, #tpu.memory_space<vmem>>)
    %dma_start3A_1599 = arith.constant 73 : i32
    %dma_start3A_1600 = arith.constant 0 : i32
    %dma_start3A_1601 = tpu.memref_slice %arg10[%dma_start3A_1599, %dma_start3A_1600] : memref<80x125xi32, #tpu.memory_space<vmem>> -> memref<1x125xi32, #tpu.memory_space<vmem>>
    %dma_start3A_1602 = tpu.memref_squeeze %dma_start3A_1601 : memref<1x125xi32, #tpu.memory_space<vmem>> -> memref<125xi32, #tpu.memory_space<vmem>>
    %dma_start3A_1603 = arith.constant 0 : i32
    %dma_start3A_1604 = arith.constant 0 : i32
    %dma_start3A_1605 = tpu.memref_slice %arg25[%dma_start3A_1603, %dma_start3A_1604] : memref<10240x64xbf16, #tpu.memory_space<vmem_shared>> -> memref<10240x64xbf16, #tpu.memory_space<vmem_shared>>
    tpu.enqueue_indirect_dma source(%arg13 : memref<125x64xbf16, #tpu.memory_space<vmem>>) target(%dma_start3A_1605 : memref<10240x64xbf16, #tpu.memory_space<vmem_shared>>) offsets(%dma_start3A_1602 : memref<125xi32, #tpu.memory_space<vmem>>) semaphore(%arg36 : memref<!tpu.dma_semaphore, #tpu.memory_space<semaphore_mem>>) {add = true}
    %dma_wait3A_1606 = arith.constant 74 : i32
    %dma_wait3A_1607 = arith.constant 0 : i32
    %dma_wait3A_1608 = tpu.memref_slice %arg9[%dma_wait3A_1606, %dma_wait3A_1607] : memref<80x125xi32, #tpu.memory_space<vmem>> -> memref<1x125xi32, #tpu.memory_space<vmem>>
    %dma_wait3A_1609 = tpu.memref_squeeze %dma_wait3A_1608 : memref<1x125xi32, #tpu.memory_space<vmem>> -> memref<125xi32, #tpu.memory_space<vmem>>
    %dma_wait3A_1610 = arith.constant 0 : i32
    %dma_wait3A_1611 = arith.constant 0 : i32
    %dma_wait3A_1612 = tpu.memref_slice %arg24[%dma_wait3A_1610, %dma_wait3A_1611] : memref<10240x64xbf16, #tpu.memory_space<vmem_shared>> -> memref<10240x64xbf16, #tpu.memory_space<vmem_shared>>
    tpu.wait_indirect_dma semaphore(%arg29 : memref<!tpu.dma_semaphore, #tpu.memory_space<semaphore_mem>>) src(%dma_wait3A_1612 : memref<10240x64xbf16, #tpu.memory_space<vmem_shared>>) dst(%arg14 : memref<125x64xbf16, #tpu.memory_space<vmem>>)
    %dma_start3A_1613 = arith.constant 74 : i32
    %dma_start3A_1614 = arith.constant 0 : i32
    %dma_start3A_1615 = tpu.memref_slice %arg10[%dma_start3A_1613, %dma_start3A_1614] : memref<80x125xi32, #tpu.memory_space<vmem>> -> memref<1x125xi32, #tpu.memory_space<vmem>>
    %dma_start3A_1616 = tpu.memref_squeeze %dma_start3A_1615 : memref<1x125xi32, #tpu.memory_space<vmem>> -> memref<125xi32, #tpu.memory_space<vmem>>
    %dma_start3A_1617 = arith.constant 0 : i32
    %dma_start3A_1618 = arith.constant 0 : i32
    %dma_start3A_1619 = tpu.memref_slice %arg25[%dma_start3A_1617, %dma_start3A_1618] : memref<10240x64xbf16, #tpu.memory_space<vmem_shared>> -> memref<10240x64xbf16, #tpu.memory_space<vmem_shared>>
    tpu.enqueue_indirect_dma source(%arg14 : memref<125x64xbf16, #tpu.memory_space<vmem>>) target(%dma_start3A_1619 : memref<10240x64xbf16, #tpu.memory_space<vmem_shared>>) offsets(%dma_start3A_1616 : memref<125xi32, #tpu.memory_space<vmem>>) semaphore(%arg37 : memref<!tpu.dma_semaphore, #tpu.memory_space<semaphore_mem>>) {add = true}
    %dma_wait3A_1620 = arith.constant 75 : i32
    %dma_wait3A_1621 = arith.constant 0 : i32
    %dma_wait3A_1622 = tpu.memref_slice %arg9[%dma_wait3A_1620, %dma_wait3A_1621] : memref<80x125xi32, #tpu.memory_space<vmem>> -> memref<1x125xi32, #tpu.memory_space<vmem>>
    %dma_wait3A_1623 = tpu.memref_squeeze %dma_wait3A_1622 : memref<1x125xi32, #tpu.memory_space<vmem>> -> memref<125xi32, #tpu.memory_space<vmem>>
    %dma_wait3A_1624 = arith.constant 0 : i32
    %dma_wait3A_1625 = arith.constant 0 : i32
    %dma_wait3A_1626 = tpu.memref_slice %arg24[%dma_wait3A_1624, %dma_wait3A_1625] : memref<10240x64xbf16, #tpu.memory_space<vmem_shared>> -> memref<10240x64xbf16, #tpu.memory_space<vmem_shared>>
    tpu.wait_indirect_dma semaphore(%arg30 : memref<!tpu.dma_semaphore, #tpu.memory_space<semaphore_mem>>) src(%dma_wait3A_1626 : memref<10240x64xbf16, #tpu.memory_space<vmem_shared>>) dst(%arg15 : memref<125x64xbf16, #tpu.memory_space<vmem>>)
    %dma_start3A_1627 = arith.constant 75 : i32
    %dma_start3A_1628 = arith.constant 0 : i32
    %dma_start3A_1629 = tpu.memref_slice %arg10[%dma_start3A_1627, %dma_start3A_1628] : memref<80x125xi32, #tpu.memory_space<vmem>> -> memref<1x125xi32, #tpu.memory_space<vmem>>
    %dma_start3A_1630 = tpu.memref_squeeze %dma_start3A_1629 : memref<1x125xi32, #tpu.memory_space<vmem>> -> memref<125xi32, #tpu.memory_space<vmem>>
    %dma_start3A_1631 = arith.constant 0 : i32
    %dma_start3A_1632 = arith.constant 0 : i32
    %dma_start3A_1633 = tpu.memref_slice %arg25[%dma_start3A_1631, %dma_start3A_1632] : memref<10240x64xbf16, #tpu.memory_space<vmem_shared>> -> memref<10240x64xbf16, #tpu.memory_space<vmem_shared>>
    tpu.enqueue_indirect_dma source(%arg15 : memref<125x64xbf16, #tpu.memory_space<vmem>>) target(%dma_start3A_1633 : memref<10240x64xbf16, #tpu.memory_space<vmem_shared>>) offsets(%dma_start3A_1630 : memref<125xi32, #tpu.memory_space<vmem>>) semaphore(%arg38 : memref<!tpu.dma_semaphore, #tpu.memory_space<semaphore_mem>>) {add = true}
    %dma_wait3A_1634 = arith.constant 76 : i32
    %dma_wait3A_1635 = arith.constant 0 : i32
    %dma_wait3A_1636 = tpu.memref_slice %arg9[%dma_wait3A_1634, %dma_wait3A_1635] : memref<80x125xi32, #tpu.memory_space<vmem>> -> memref<1x125xi32, #tpu.memory_space<vmem>>
    %dma_wait3A_1637 = tpu.memref_squeeze %dma_wait3A_1636 : memref<1x125xi32, #tpu.memory_space<vmem>> -> memref<125xi32, #tpu.memory_space<vmem>>
    %dma_wait3A_1638 = arith.constant 0 : i32
    %dma_wait3A_1639 = arith.constant 0 : i32
    %dma_wait3A_1640 = tpu.memref_slice %arg24[%dma_wait3A_1638, %dma_wait3A_1639] : memref<10240x64xbf16, #tpu.memory_space<vmem_shared>> -> memref<10240x64xbf16, #tpu.memory_space<vmem_shared>>
    tpu.wait_indirect_dma semaphore(%arg31 : memref<!tpu.dma_semaphore, #tpu.memory_space<semaphore_mem>>) src(%dma_wait3A_1640 : memref<10240x64xbf16, #tpu.memory_space<vmem_shared>>) dst(%arg16 : memref<125x64xbf16, #tpu.memory_space<vmem>>)
    %dma_start3A_1641 = arith.constant 76 : i32
    %dma_start3A_1642 = arith.constant 0 : i32
    %dma_start3A_1643 = tpu.memref_slice %arg10[%dma_start3A_1641, %dma_start3A_1642] : memref<80x125xi32, #tpu.memory_space<vmem>> -> memref<1x125xi32, #tpu.memory_space<vmem>>
    %dma_start3A_1644 = tpu.memref_squeeze %dma_start3A_1643 : memref<1x125xi32, #tpu.memory_space<vmem>> -> memref<125xi32, #tpu.memory_space<vmem>>
    %dma_start3A_1645 = arith.constant 0 : i32
    %dma_start3A_1646 = arith.constant 0 : i32
    %dma_start3A_1647 = tpu.memref_slice %arg25[%dma_start3A_1645, %dma_start3A_1646] : memref<10240x64xbf16, #tpu.memory_space<vmem_shared>> -> memref<10240x64xbf16, #tpu.memory_space<vmem_shared>>
    tpu.enqueue_indirect_dma source(%arg16 : memref<125x64xbf16, #tpu.memory_space<vmem>>) target(%dma_start3A_1647 : memref<10240x64xbf16, #tpu.memory_space<vmem_shared>>) offsets(%dma_start3A_1644 : memref<125xi32, #tpu.memory_space<vmem>>) semaphore(%arg39 : memref<!tpu.dma_semaphore, #tpu.memory_space<semaphore_mem>>) {add = true}
    %dma_wait3A_1648 = arith.constant 77 : i32
    %dma_wait3A_1649 = arith.constant 0 : i32
    %dma_wait3A_1650 = tpu.memref_slice %arg9[%dma_wait3A_1648, %dma_wait3A_1649] : memref<80x125xi32, #tpu.memory_space<vmem>> -> memref<1x125xi32, #tpu.memory_space<vmem>>
    %dma_wait3A_1651 = tpu.memref_squeeze %dma_wait3A_1650 : memref<1x125xi32, #tpu.memory_space<vmem>> -> memref<125xi32, #tpu.memory_space<vmem>>
    %dma_wait3A_1652 = arith.constant 0 : i32
    %dma_wait3A_1653 = arith.constant 0 : i32
    %dma_wait3A_1654 = tpu.memref_slice %arg24[%dma_wait3A_1652, %dma_wait3A_1653] : memref<10240x64xbf16, #tpu.memory_space<vmem_shared>> -> memref<10240x64xbf16, #tpu.memory_space<vmem_shared>>
    tpu.wait_indirect_dma semaphore(%arg32 : memref<!tpu.dma_semaphore, #tpu.memory_space<semaphore_mem>>) src(%dma_wait3A_1654 : memref<10240x64xbf16, #tpu.memory_space<vmem_shared>>) dst(%arg17 : memref<125x64xbf16, #tpu.memory_space<vmem>>)
    %dma_start3A_1655 = arith.constant 77 : i32
    %dma_start3A_1656 = arith.constant 0 : i32
    %dma_start3A_1657 = tpu.memref_slice %arg10[%dma_start3A_1655, %dma_start3A_1656] : memref<80x125xi32, #tpu.memory_space<vmem>> -> memref<1x125xi32, #tpu.memory_space<vmem>>
    %dma_start3A_1658 = tpu.memref_squeeze %dma_start3A_1657 : memref<1x125xi32, #tpu.memory_space<vmem>> -> memref<125xi32, #tpu.memory_space<vmem>>
    %dma_start3A_1659 = arith.constant 0 : i32
    %dma_start3A_1660 = arith.constant 0 : i32
    %dma_start3A_1661 = tpu.memref_slice %arg25[%dma_start3A_1659, %dma_start3A_1660] : memref<10240x64xbf16, #tpu.memory_space<vmem_shared>> -> memref<10240x64xbf16, #tpu.memory_space<vmem_shared>>
    tpu.enqueue_indirect_dma source(%arg17 : memref<125x64xbf16, #tpu.memory_space<vmem>>) target(%dma_start3A_1661 : memref<10240x64xbf16, #tpu.memory_space<vmem_shared>>) offsets(%dma_start3A_1658 : memref<125xi32, #tpu.memory_space<vmem>>) semaphore(%arg40 : memref<!tpu.dma_semaphore, #tpu.memory_space<semaphore_mem>>) {add = true}
    %dma_wait3A_1662 = arith.constant 78 : i32
    %dma_wait3A_1663 = arith.constant 0 : i32
    %dma_wait3A_1664 = tpu.memref_slice %arg9[%dma_wait3A_1662, %dma_wait3A_1663] : memref<80x125xi32, #tpu.memory_space<vmem>> -> memref<1x125xi32, #tpu.memory_space<vmem>>
    %dma_wait3A_1665 = tpu.memref_squeeze %dma_wait3A_1664 : memref<1x125xi32, #tpu.memory_space<vmem>> -> memref<125xi32, #tpu.memory_space<vmem>>
    %dma_wait3A_1666 = arith.constant 0 : i32
    %dma_wait3A_1667 = arith.constant 0 : i32
    %dma_wait3A_1668 = tpu.memref_slice %arg24[%dma_wait3A_1666, %dma_wait3A_1667] : memref<10240x64xbf16, #tpu.memory_space<vmem_shared>> -> memref<10240x64xbf16, #tpu.memory_space<vmem_shared>>
    tpu.wait_indirect_dma semaphore(%arg33 : memref<!tpu.dma_semaphore, #tpu.memory_space<semaphore_mem>>) src(%dma_wait3A_1668 : memref<10240x64xbf16, #tpu.memory_space<vmem_shared>>) dst(%arg18 : memref<125x64xbf16, #tpu.memory_space<vmem>>)
    %dma_start3A_1669 = arith.constant 78 : i32
    %dma_start3A_1670 = arith.constant 0 : i32
    %dma_start3A_1671 = tpu.memref_slice %arg10[%dma_start3A_1669, %dma_start3A_1670] : memref<80x125xi32, #tpu.memory_space<vmem>> -> memref<1x125xi32, #tpu.memory_space<vmem>>
    %dma_start3A_1672 = tpu.memref_squeeze %dma_start3A_1671 : memref<1x125xi32, #tpu.memory_space<vmem>> -> memref<125xi32, #tpu.memory_space<vmem>>
    %dma_start3A_1673 = arith.constant 0 : i32
    %dma_start3A_1674 = arith.constant 0 : i32
    %dma_start3A_1675 = tpu.memref_slice %arg25[%dma_start3A_1673, %dma_start3A_1674] : memref<10240x64xbf16, #tpu.memory_space<vmem_shared>> -> memref<10240x64xbf16, #tpu.memory_space<vmem_shared>>
    tpu.enqueue_indirect_dma source(%arg18 : memref<125x64xbf16, #tpu.memory_space<vmem>>) target(%dma_start3A_1675 : memref<10240x64xbf16, #tpu.memory_space<vmem_shared>>) offsets(%dma_start3A_1672 : memref<125xi32, #tpu.memory_space<vmem>>) semaphore(%arg41 : memref<!tpu.dma_semaphore, #tpu.memory_space<semaphore_mem>>) {add = true}
    %dma_wait3A_1676 = arith.constant 79 : i32
    %dma_wait3A_1677 = arith.constant 0 : i32
    %dma_wait3A_1678 = tpu.memref_slice %arg9[%dma_wait3A_1676, %dma_wait3A_1677] : memref<80x125xi32, #tpu.memory_space<vmem>> -> memref<1x125xi32, #tpu.memory_space<vmem>>
    %dma_wait3A_1679 = tpu.memref_squeeze %dma_wait3A_1678 : memref<1x125xi32, #tpu.memory_space<vmem>> -> memref<125xi32, #tpu.memory_space<vmem>>
    %dma_wait3A_1680 = arith.constant 0 : i32
    %dma_wait3A_1681 = arith.constant 0 : i32
    %dma_wait3A_1682 = tpu.memref_slice %arg24[%dma_wait3A_1680, %dma_wait3A_1681] : memref<10240x64xbf16, #tpu.memory_space<vmem_shared>> -> memref<10240x64xbf16, #tpu.memory_space<vmem_shared>>
    tpu.wait_indirect_dma semaphore(%arg34 : memref<!tpu.dma_semaphore, #tpu.memory_space<semaphore_mem>>) src(%dma_wait3A_1682 : memref<10240x64xbf16, #tpu.memory_space<vmem_shared>>) dst(%arg19 : memref<125x64xbf16, #tpu.memory_space<vmem>>)
    %dma_start3A_1683 = arith.constant 79 : i32
    %dma_start3A_1684 = arith.constant 0 : i32
    %dma_start3A_1685 = tpu.memref_slice %arg10[%dma_start3A_1683, %dma_start3A_1684] : memref<80x125xi32, #tpu.memory_space<vmem>> -> memref<1x125xi32, #tpu.memory_space<vmem>>
    %dma_start3A_1686 = tpu.memref_squeeze %dma_start3A_1685 : memref<1x125xi32, #tpu.memory_space<vmem>> -> memref<125xi32, #tpu.memory_space<vmem>>
    %dma_start3A_1687 = arith.constant 0 : i32
    %dma_start3A_1688 = arith.constant 0 : i32
    %dma_start3A_1689 = tpu.memref_slice %arg25[%dma_start3A_1687, %dma_start3A_1688] : memref<10240x64xbf16, #tpu.memory_space<vmem_shared>> -> memref<10240x64xbf16, #tpu.memory_space<vmem_shared>>
    tpu.enqueue_indirect_dma source(%arg19 : memref<125x64xbf16, #tpu.memory_space<vmem>>) target(%dma_start3A_1689 : memref<10240x64xbf16, #tpu.memory_space<vmem_shared>>) offsets(%dma_start3A_1686 : memref<125xi32, #tpu.memory_space<vmem>>) semaphore(%arg42 : memref<!tpu.dma_semaphore, #tpu.memory_space<semaphore_mem>>) {add = true}
    %dma_wait3A_1690 = arith.constant 72 : i32
    %dma_wait3A_1691 = arith.constant 0 : i32
    %dma_wait3A_1692 = tpu.memref_slice %arg10[%dma_wait3A_1690, %dma_wait3A_1691] : memref<80x125xi32, #tpu.memory_space<vmem>> -> memref<1x125xi32, #tpu.memory_space<vmem>>
    %dma_wait3A_1693 = tpu.memref_squeeze %dma_wait3A_1692 : memref<1x125xi32, #tpu.memory_space<vmem>> -> memref<125xi32, #tpu.memory_space<vmem>>
    %dma_wait3A_1694 = arith.constant 0 : i32
    %dma_wait3A_1695 = arith.constant 0 : i32
    %dma_wait3A_1696 = tpu.memref_slice %arg25[%dma_wait3A_1694, %dma_wait3A_1695] : memref<10240x64xbf16, #tpu.memory_space<vmem_shared>> -> memref<10240x64xbf16, #tpu.memory_space<vmem_shared>>
    tpu.wait_indirect_dma semaphore(%arg35 : memref<!tpu.dma_semaphore, #tpu.memory_space<semaphore_mem>>) src(%arg12 : memref<125x64xbf16, #tpu.memory_space<vmem>>) dst(%dma_wait3A_1696 : memref<10240x64xbf16, #tpu.memory_space<vmem_shared>>)
    %dma_wait3A_1697 = arith.constant 73 : i32
    %dma_wait3A_1698 = arith.constant 0 : i32
    %dma_wait3A_1699 = tpu.memref_slice %arg10[%dma_wait3A_1697, %dma_wait3A_1698] : memref<80x125xi32, #tpu.memory_space<vmem>> -> memref<1x125xi32, #tpu.memory_space<vmem>>
    %dma_wait3A_1700 = tpu.memref_squeeze %dma_wait3A_1699 : memref<1x125xi32, #tpu.memory_space<vmem>> -> memref<125xi32, #tpu.memory_space<vmem>>
    %dma_wait3A_1701 = arith.constant 0 : i32
    %dma_wait3A_1702 = arith.constant 0 : i32
    %dma_wait3A_1703 = tpu.memref_slice %arg25[%dma_wait3A_1701, %dma_wait3A_1702] : memref<10240x64xbf16, #tpu.memory_space<vmem_shared>> -> memref<10240x64xbf16, #tpu.memory_space<vmem_shared>>
    tpu.wait_indirect_dma semaphore(%arg36 : memref<!tpu.dma_semaphore, #tpu.memory_space<semaphore_mem>>) src(%arg13 : memref<125x64xbf16, #tpu.memory_space<vmem>>) dst(%dma_wait3A_1703 : memref<10240x64xbf16, #tpu.memory_space<vmem_shared>>)
    %dma_wait3A_1704 = arith.constant 74 : i32
    %dma_wait3A_1705 = arith.constant 0 : i32
    %dma_wait3A_1706 = tpu.memref_slice %arg10[%dma_wait3A_1704, %dma_wait3A_1705] : memref<80x125xi32, #tpu.memory_space<vmem>> -> memref<1x125xi32, #tpu.memory_space<vmem>>
    %dma_wait3A_1707 = tpu.memref_squeeze %dma_wait3A_1706 : memref<1x125xi32, #tpu.memory_space<vmem>> -> memref<125xi32, #tpu.memory_space<vmem>>
    %dma_wait3A_1708 = arith.constant 0 : i32
    %dma_wait3A_1709 = arith.constant 0 : i32
    %dma_wait3A_1710 = tpu.memref_slice %arg25[%dma_wait3A_1708, %dma_wait3A_1709] : memref<10240x64xbf16, #tpu.memory_space<vmem_shared>> -> memref<10240x64xbf16, #tpu.memory_space<vmem_shared>>
    tpu.wait_indirect_dma semaphore(%arg37 : memref<!tpu.dma_semaphore, #tpu.memory_space<semaphore_mem>>) src(%arg14 : memref<125x64xbf16, #tpu.memory_space<vmem>>) dst(%dma_wait3A_1710 : memref<10240x64xbf16, #tpu.memory_space<vmem_shared>>)
    %dma_wait3A_1711 = arith.constant 75 : i32
    %dma_wait3A_1712 = arith.constant 0 : i32
    %dma_wait3A_1713 = tpu.memref_slice %arg10[%dma_wait3A_1711, %dma_wait3A_1712] : memref<80x125xi32, #tpu.memory_space<vmem>> -> memref<1x125xi32, #tpu.memory_space<vmem>>
    %dma_wait3A_1714 = tpu.memref_squeeze %dma_wait3A_1713 : memref<1x125xi32, #tpu.memory_space<vmem>> -> memref<125xi32, #tpu.memory_space<vmem>>
    %dma_wait3A_1715 = arith.constant 0 : i32
    %dma_wait3A_1716 = arith.constant 0 : i32
    %dma_wait3A_1717 = tpu.memref_slice %arg25[%dma_wait3A_1715, %dma_wait3A_1716] : memref<10240x64xbf16, #tpu.memory_space<vmem_shared>> -> memref<10240x64xbf16, #tpu.memory_space<vmem_shared>>
    tpu.wait_indirect_dma semaphore(%arg38 : memref<!tpu.dma_semaphore, #tpu.memory_space<semaphore_mem>>) src(%arg15 : memref<125x64xbf16, #tpu.memory_space<vmem>>) dst(%dma_wait3A_1717 : memref<10240x64xbf16, #tpu.memory_space<vmem_shared>>)
    %dma_wait3A_1718 = arith.constant 76 : i32
    %dma_wait3A_1719 = arith.constant 0 : i32
    %dma_wait3A_1720 = tpu.memref_slice %arg10[%dma_wait3A_1718, %dma_wait3A_1719] : memref<80x125xi32, #tpu.memory_space<vmem>> -> memref<1x125xi32, #tpu.memory_space<vmem>>
    %dma_wait3A_1721 = tpu.memref_squeeze %dma_wait3A_1720 : memref<1x125xi32, #tpu.memory_space<vmem>> -> memref<125xi32, #tpu.memory_space<vmem>>
    %dma_wait3A_1722 = arith.constant 0 : i32
    %dma_wait3A_1723 = arith.constant 0 : i32
    %dma_wait3A_1724 = tpu.memref_slice %arg25[%dma_wait3A_1722, %dma_wait3A_1723] : memref<10240x64xbf16, #tpu.memory_space<vmem_shared>> -> memref<10240x64xbf16, #tpu.memory_space<vmem_shared>>
    tpu.wait_indirect_dma semaphore(%arg39 : memref<!tpu.dma_semaphore, #tpu.memory_space<semaphore_mem>>) src(%arg16 : memref<125x64xbf16, #tpu.memory_space<vmem>>) dst(%dma_wait3A_1724 : memref<10240x64xbf16, #tpu.memory_space<vmem_shared>>)
    %dma_wait3A_1725 = arith.constant 77 : i32
    %dma_wait3A_1726 = arith.constant 0 : i32
    %dma_wait3A_1727 = tpu.memref_slice %arg10[%dma_wait3A_1725, %dma_wait3A_1726] : memref<80x125xi32, #tpu.memory_space<vmem>> -> memref<1x125xi32, #tpu.memory_space<vmem>>
    %dma_wait3A_1728 = tpu.memref_squeeze %dma_wait3A_1727 : memref<1x125xi32, #tpu.memory_space<vmem>> -> memref<125xi32, #tpu.memory_space<vmem>>
    %dma_wait3A_1729 = arith.constant 0 : i32
    %dma_wait3A_1730 = arith.constant 0 : i32
    %dma_wait3A_1731 = tpu.memref_slice %arg25[%dma_wait3A_1729, %dma_wait3A_1730] : memref<10240x64xbf16, #tpu.memory_space<vmem_shared>> -> memref<10240x64xbf16, #tpu.memory_space<vmem_shared>>
    tpu.wait_indirect_dma semaphore(%arg40 : memref<!tpu.dma_semaphore, #tpu.memory_space<semaphore_mem>>) src(%arg17 : memref<125x64xbf16, #tpu.memory_space<vmem>>) dst(%dma_wait3A_1731 : memref<10240x64xbf16, #tpu.memory_space<vmem_shared>>)
    %dma_wait3A_1732 = arith.constant 78 : i32
    %dma_wait3A_1733 = arith.constant 0 : i32
    %dma_wait3A_1734 = tpu.memref_slice %arg10[%dma_wait3A_1732, %dma_wait3A_1733] : memref<80x125xi32, #tpu.memory_space<vmem>> -> memref<1x125xi32, #tpu.memory_space<vmem>>
    %dma_wait3A_1735 = tpu.memref_squeeze %dma_wait3A_1734 : memref<1x125xi32, #tpu.memory_space<vmem>> -> memref<125xi32, #tpu.memory_space<vmem>>
    %dma_wait3A_1736 = arith.constant 0 : i32
    %dma_wait3A_1737 = arith.constant 0 : i32
    %dma_wait3A_1738 = tpu.memref_slice %arg25[%dma_wait3A_1736, %dma_wait3A_1737] : memref<10240x64xbf16, #tpu.memory_space<vmem_shared>> -> memref<10240x64xbf16, #tpu.memory_space<vmem_shared>>
    tpu.wait_indirect_dma semaphore(%arg41 : memref<!tpu.dma_semaphore, #tpu.memory_space<semaphore_mem>>) src(%arg18 : memref<125x64xbf16, #tpu.memory_space<vmem>>) dst(%dma_wait3A_1738 : memref<10240x64xbf16, #tpu.memory_space<vmem_shared>>)
    %dma_wait3A_1739 = arith.constant 79 : i32
    %dma_wait3A_1740 = arith.constant 0 : i32
    %dma_wait3A_1741 = tpu.memref_slice %arg10[%dma_wait3A_1739, %dma_wait3A_1740] : memref<80x125xi32, #tpu.memory_space<vmem>> -> memref<1x125xi32, #tpu.memory_space<vmem>>
    %dma_wait3A_1742 = tpu.memref_squeeze %dma_wait3A_1741 : memref<1x125xi32, #tpu.memory_space<vmem>> -> memref<125xi32, #tpu.memory_space<vmem>>
    %dma_wait3A_1743 = arith.constant 0 : i32
    %dma_wait3A_1744 = arith.constant 0 : i32
    %dma_wait3A_1745 = tpu.memref_slice %arg25[%dma_wait3A_1743, %dma_wait3A_1744] : memref<10240x64xbf16, #tpu.memory_space<vmem_shared>> -> memref<10240x64xbf16, #tpu.memory_space<vmem_shared>>
    tpu.wait_indirect_dma semaphore(%arg42 : memref<!tpu.dma_semaphore, #tpu.memory_space<semaphore_mem>>) src(%arg19 : memref<125x64xbf16, #tpu.memory_space<vmem>>) dst(%dma_wait3A_1745 : memref<10240x64xbf16, #tpu.memory_space<vmem_shared>>)
    %barrier3A_1746 = arith.constant 0 : index
    tpu.barrier barrier_id(%barrier3A_1746)
    %mul3A_1747 = arith.constant 640 : i32
    %mul3A_1748 = arith.muli %arg1, %mul3A_1747 : i32
    %mul3A_1749 = arith.constant 640 : i32
    %mul3A_1750 = arith.muli %arg1, %mul3A_1749 : i32
    "tpu.region"() ({
      %run_scoped3A = tpu.sem_alloc : memref<!tpu.dma_semaphore, #tpu.memory_space<semaphore_mem>>
      %dma_start3A_1751 = arith.constant 0 : i32
      %dma_start3A_1752 = tpu.memref_slice %arg7[%arg0, %mul3A_1750, %dma_start3A_1751] : memref<2x10240x64xbf16, #tpu.memory_space<hbm>> -> memref<1x640x64xbf16, #tpu.memory_space<hbm>>
      %dma_start3A_1753 = tpu.memref_squeeze %dma_start3A_1752 : memref<1x640x64xbf16, #tpu.memory_space<hbm>> -> memref<640x64xbf16, #tpu.memory_space<hbm>>
      %dma_start3A_1754 = arith.constant 0 : i32
      %dma_start3A_1755 = tpu.memref_slice %arg25[%mul3A_1748, %dma_start3A_1754] : memref<10240x64xbf16, #tpu.memory_space<vmem_shared>> -> memref<640x64xbf16, #tpu.memory_space<vmem_shared>>
      tpu.enqueue_dma source(%dma_start3A_1755 : memref<640x64xbf16, #tpu.memory_space<vmem_shared>>) target(%dma_start3A_1753 : memref<640x64xbf16, #tpu.memory_space<hbm>>) target_semaphore(%run_scoped3A : memref<!tpu.dma_semaphore, #tpu.memory_space<semaphore_mem>>)
      %dma_wait3A_1756 = arith.constant 0 : i32
      %dma_wait3A_1757 = tpu.memref_slice %arg7[%arg0, %mul3A_1750, %dma_wait3A_1756] : memref<2x10240x64xbf16, #tpu.memory_space<hbm>> -> memref<1x640x64xbf16, #tpu.memory_space<hbm>>
      %dma_wait3A_1758 = tpu.memref_squeeze %dma_wait3A_1757 : memref<1x640x64xbf16, #tpu.memory_space<hbm>> -> memref<640x64xbf16, #tpu.memory_space<hbm>>
      %dma_wait3A_1759 = arith.constant 0 : i32
      %dma_wait3A_1760 = tpu.memref_slice %arg25[%mul3A_1748, %dma_wait3A_1759] : memref<10240x64xbf16, #tpu.memory_space<vmem_shared>> -> memref<640x64xbf16, #tpu.memory_space<vmem_shared>>
      tpu.wait_dma2 semaphore(%run_scoped3A : memref<!tpu.dma_semaphore, #tpu.memory_space<semaphore_mem>>) src(%dma_wait3A_1760 : memref<640x64xbf16, #tpu.memory_space<vmem_shared>>) dst(%dma_wait3A_1758 : memref<640x64xbf16, #tpu.memory_space<hbm>>)
      tpu.yield
    }) : () -> ()
    return
  }
}

module attributes {stable_mosaic.version = 14 : i64} {
  func.func @_mm1_body(%arg0: i32, %arg1: memref<2000x128xf32, #tpu.memory_space<vmem>>, %arg2: memref<128x64xf32, #tpu.memory_space<vmem>>, %arg3: memref<2000x64xf32, #tpu.memory_space<vmem>>, %arg4: memref<2000x64xbf16, #tpu.memory_space<vmem>>) attributes {dimension_semantics = [#tpu.dimension_semantics<arbitrary>], iteration_bounds = array<i64: 5>, scalar_prefetch = 0 : i64, scratch_operands = 0 : i64, tpu.core_type = #tpu.core_type<tc>, window_params = [{transform_indices = @transform_0, window_bounds = array<i64: 2000, 128>}, {pipeline_mode = #tpu.pipeline_mode<synchronous>, transform_indices = @transform_1, window_bounds = array<i64: 128, 64>}, {transform_indices = @transform_2, window_bounds = array<i64: 2000, 64>}, {transform_indices = @transform_3, window_bounds = array<i64: 2000, 64>}]} {
    %get3A = arith.constant 0 : index
    %get3A_0 = arith.constant 0 : index
    %get3A_1 = vector.load %arg1[%get3A, %get3A_0] : memref<2000x128xf32, #tpu.memory_space<vmem>>, vector<2000x128xf32>
    %get3A_2 = arith.constant 0 : index
    %get3A_3 = arith.constant 0 : index
    %get3A_4 = vector.load %arg2[%get3A_2, %get3A_3] : memref<128x64xf32, #tpu.memory_space<vmem>>, vector<128x64xf32>
    %dot_general3A = arith.constant dense<0.000000e+00> : vector<2000x64xf32>
    %dot_general3A_5 = tpu.matmul %get3A_1, %get3A_4, %dot_general3A {dimension_numbers = #tpu.dot_dimension_numbers<[1], [0], [0], [1], [0, 0, 1, 1], [], []>, transpose_lhs_hint = false} : vector<2000x128xf32>, vector<128x64xf32>, vector<2000x64xf32> -> vector<2000x64xf32>
    %swap3A = arith.constant 0 : index
    %swap3A_6 = arith.constant 0 : index
    %swap3A_7 = vector.load %arg3[%swap3A, %swap3A_6] : memref<2000x64xf32, #tpu.memory_space<vmem>>, vector<2000x64xf32>
    tpu.vector_store %arg3[%swap3A, %swap3A_6], %dot_general3A_5 {strides = array<i32>} : memref<2000x64xf32, #tpu.memory_space<vmem>>, vector<2000x64xf32>,
    %convert_element_type3A = arith.truncf %dot_general3A_5 : vector<2000x64xf32> to vector<2000x64xbf16>
    %swap3A_8 = arith.constant 0 : index
    %swap3A_9 = arith.constant 0 : index
    %swap3A_10 = vector.load %arg4[%swap3A_8, %swap3A_9] : memref<2000x64xbf16, #tpu.memory_space<vmem>>, vector<2000x64xbf16>
    tpu.vector_store %arg4[%swap3A_8, %swap3A_9], %convert_element_type3A {strides = array<i32>} : memref<2000x64xbf16, #tpu.memory_space<vmem>>, vector<2000x64xbf16>,
    return
  }
  func.func @transform_0(%arg0: i32) -> (i32, i32) {
    %c0_i32 = arith.constant 0 : i32
    %c0_i32_0 = arith.constant 0 : i32
    return %arg0, %c0_i32 : i32, i32
  }
  func.func @transform_1(%arg0: i32) -> (i32, i32) {
    %c0_i32 = arith.constant 0 : i32
    %c0_i32_0 = arith.constant 0 : i32
    %c0_i32_1 = arith.constant 0 : i32
    return %c0_i32, %c0_i32_0 : i32, i32
  }
  func.func @transform_2(%arg0: i32) -> (i32, i32) {
    %c0_i32 = arith.constant 0 : i32
    %c0_i32_0 = arith.constant 0 : i32
    return %arg0, %c0_i32 : i32, i32
  }
  func.func @transform_3(%arg0: i32) -> (i32, i32) {
    %c0_i32 = arith.constant 0 : i32
    %c0_i32_0 = arith.constant 0 : i32
    return %arg0, %c0_i32 : i32, i32
  }
}

module attributes {stable_mosaic.version = 14 : i64} {
  func.func @_dense2_body(%arg0: i32, %arg1: memref<1x2000x64xbf16, #tpu.memory_space<vmem>>, %arg2: memref<1x2000x64xbf16, #tpu.memory_space<vmem>>, %arg3: memref<2000x64xf32, #tpu.memory_space<vmem>>, %arg4: memref<2000x1xf32, #tpu.memory_space<vmem>>, %arg5: memref<1x64xf32, #tpu.memory_space<vmem>>, %arg6: memref<64x64xf32, #tpu.memory_space<vmem>>, %arg7: memref<2000x64xf32, #tpu.memory_space<vmem>>, %arg8: memref<2000x64xbf16, #tpu.memory_space<vmem>>) attributes {dimension_semantics = [#tpu.dimension_semantics<arbitrary>], iteration_bounds = array<i64: 5>, scalar_prefetch = 0 : i64, scratch_operands = 0 : i64, tpu.core_type = #tpu.core_type<tc>, window_params = [{transform_indices = @transform_0, window_bounds = array<i64: 1, 2000, 64>}, {transform_indices = @transform_1, window_bounds = array<i64: 1, 2000, 64>}, {transform_indices = @transform_2, window_bounds = array<i64: 2000, 64>}, {transform_indices = @transform_3, window_bounds = array<i64: 2000, 1>}, {pipeline_mode = #tpu.pipeline_mode<synchronous>, transform_indices = @transform_4, window_bounds = array<i64: 1, 64>}, {pipeline_mode = #tpu.pipeline_mode<synchronous>, transform_indices = @transform_5, window_bounds = array<i64: 64, 64>}, {transform_indices = @transform_6, window_bounds = array<i64: 2000, 64>}, {transform_indices = @transform_7, window_bounds = array<i64: 2000, 64>}]} {
    %get3A = arith.constant 0 : index
    %get3A_0 = arith.constant 0 : index
    %get3A_1 = arith.constant 0 : index
    %get3A_2 = vector.load %arg1[%get3A, %get3A_0, %get3A_1] : memref<1x2000x64xbf16, #tpu.memory_space<vmem>>, vector<1x2000x64xbf16>
    %get3A_3 = vector.shape_cast %get3A_2 : vector<1x2000x64xbf16> to vector<2000x64xbf16>
    %convert_element_type3A = arith.extf %get3A_3 : vector<2000x64xbf16> to vector<2000x64xf32>
    %get3A_4 = arith.constant 0 : index
    %get3A_5 = arith.constant 0 : index
    %get3A_6 = arith.constant 0 : index
    %get3A_7 = vector.load %arg2[%get3A_4, %get3A_5, %get3A_6] : memref<1x2000x64xbf16, #tpu.memory_space<vmem>>, vector<1x2000x64xbf16>
    %get3A_8 = vector.shape_cast %get3A_7 : vector<1x2000x64xbf16> to vector<2000x64xbf16>
    %convert_element_type3A_9 = arith.extf %get3A_8 : vector<2000x64xbf16> to vector<2000x64xf32>
    %add3A = arith.addf %convert_element_type3A, %convert_element_type3A_9 : vector<2000x64xf32>
    %get3A_10 = arith.constant 0 : index
    %get3A_11 = arith.constant 0 : index
    %get3A_12 = vector.load %arg3[%get3A_10, %get3A_11] : memref<2000x64xf32, #tpu.memory_space<vmem>>, vector<2000x64xf32>
    %get3A_13 = arith.constant 0 : index
    %get3A_14 = arith.constant 0 : index
    %get3A_15 = vector.load %arg4[%get3A_13, %get3A_14] : memref<2000x1xf32, #tpu.memory_space<vmem>>, vector<2000x1xf32>
    %mul3A = vector.broadcast %get3A_15 : vector<2000x1xf32> to vector<2000x64xf32>
    %mul3A_16 = arith.mulf %get3A_12, %mul3A : vector<2000x64xf32>
    %get3A_17 = arith.constant 0 : index
    %get3A_18 = arith.constant 0 : index
    %get3A_19 = vector.load %arg4[%get3A_17, %get3A_18] : memref<2000x1xf32, #tpu.memory_space<vmem>>, vector<2000x1xf32>
    %add3A_20 = arith.addf %add3A, %mul3A_16 : vector<2000x64xf32>
    %mul3A_21 = vector.broadcast %get3A_19 : vector<2000x1xf32> to vector<2000x64xf32>
    %mul3A_22 = arith.mulf %mul3A_21, %add3A_20 : vector<2000x64xf32>
    %get3A_23 = arith.constant 0 : index
    %get3A_24 = arith.constant 0 : index
    %get3A_25 = vector.load %arg5[%get3A_23, %get3A_24] : memref<1x64xf32, #tpu.memory_space<vmem>>, vector<1x64xf32>
    %add3A_26 = vector.broadcast %get3A_25 : vector<1x64xf32> to vector<2000x64xf32>
    %add3A_27 = arith.addf %mul3A_22, %add3A_26 : vector<2000x64xf32>
    %max3A = arith.constant 0.000000e+00 : f32
    %max3A_28 = vector.broadcast %max3A : f32 to vector<2000x64xf32>
    %max3A_29 = arith.maximumf %add3A_27, %max3A_28 : vector<2000x64xf32>
    %get3A_30 = arith.constant 0 : index
    %get3A_31 = arith.constant 0 : index
    %get3A_32 = vector.load %arg6[%get3A_30, %get3A_31] : memref<64x64xf32, #tpu.memory_space<vmem>>, vector<64x64xf32>
    %dot_general3A = arith.constant dense<0.000000e+00> : vector<2000x64xf32>
    %dot_general3A_33 = tpu.matmul %max3A_29, %get3A_32, %dot_general3A {dimension_numbers = #tpu.dot_dimension_numbers<[1], [0], [0], [1], [0, 0, 1, 1], [], []>, transpose_lhs_hint = false} : vector<2000x64xf32>, vector<64x64xf32>, vector<2000x64xf32> -> vector<2000x64xf32>
    %get3A_34 = arith.constant 0 : index
    %get3A_35 = arith.constant 0 : index
    %get3A_36 = vector.load %arg4[%get3A_34, %get3A_35] : memref<2000x1xf32, #tpu.memory_space<vmem>>, vector<2000x1xf32>
    %mul3A_37 = vector.broadcast %get3A_36 : vector<2000x1xf32> to vector<2000x64xf32>
    %mul3A_38 = arith.mulf %dot_general3A_33, %mul3A_37 : vector<2000x64xf32>
    %swap3A = arith.constant 0 : index
    %swap3A_39 = arith.constant 0 : index
    %swap3A_40 = vector.load %arg7[%swap3A, %swap3A_39] : memref<2000x64xf32, #tpu.memory_space<vmem>>, vector<2000x64xf32>
    tpu.vector_store %arg7[%swap3A, %swap3A_39], %mul3A_38 {strides = array<i32>} : memref<2000x64xf32, #tpu.memory_space<vmem>>, vector<2000x64xf32>,
    %convert_element_type3A_41 = arith.truncf %mul3A_38 : vector<2000x64xf32> to vector<2000x64xbf16>
    %swap3A_42 = arith.constant 0 : index
    %swap3A_43 = arith.constant 0 : index
    %swap3A_44 = vector.load %arg8[%swap3A_42, %swap3A_43] : memref<2000x64xbf16, #tpu.memory_space<vmem>>, vector<2000x64xbf16>
    tpu.vector_store %arg8[%swap3A_42, %swap3A_43], %convert_element_type3A_41 {strides = array<i32>} : memref<2000x64xbf16, #tpu.memory_space<vmem>>, vector<2000x64xbf16>,
    return
  }
  func.func @transform_0(%arg0: i32) -> (i32, i32, i32) {
    %c0_i32 = arith.constant 0 : i32
    %c0_i32_0 = arith.constant 0 : i32
    %c0_i32_1 = arith.constant 0 : i32
    return %c0_i32, %arg0, %c0_i32_0 : i32, i32, i32
  }
  func.func @transform_1(%arg0: i32) -> (i32, i32, i32) {
    %c1_i32 = arith.constant 1 : i32
    %c0_i32 = arith.constant 0 : i32
    %c0_i32_0 = arith.constant 0 : i32
    return %c1_i32, %arg0, %c0_i32 : i32, i32, i32
  }
  func.func @transform_2(%arg0: i32) -> (i32, i32) {
    %c0_i32 = arith.constant 0 : i32
    %c0_i32_0 = arith.constant 0 : i32
    return %arg0, %c0_i32 : i32, i32
  }
  func.func @transform_3(%arg0: i32) -> (i32, i32) {
    %c0_i32 = arith.constant 0 : i32
    %c0_i32_0 = arith.constant 0 : i32
    return %arg0, %c0_i32 : i32, i32
  }
  func.func @transform_4(%arg0: i32) -> (i32, i32) {
    %c0_i32 = arith.constant 0 : i32
    %c0_i32_0 = arith.constant 0 : i32
    %c0_i32_1 = arith.constant 0 : i32
    return %c0_i32, %c0_i32_0 : i32, i32
  }
  func.func @transform_5(%arg0: i32) -> (i32, i32) {
    %c0_i32 = arith.constant 0 : i32
    %c0_i32_0 = arith.constant 0 : i32
    %c0_i32_1 = arith.constant 0 : i32
    return %c0_i32, %c0_i32_0 : i32, i32
  }
  func.func @transform_6(%arg0: i32) -> (i32, i32) {
    %c0_i32 = arith.constant 0 : i32
    %c0_i32_0 = arith.constant 0 : i32
    return %arg0, %c0_i32 : i32, i32
  }
  func.func @transform_7(%arg0: i32) -> (i32, i32) {
    %c0_i32 = arith.constant 0 : i32
    %c0_i32_0 = arith.constant 0 : i32
    return %arg0, %c0_i32 : i32, i32
  }
}

module attributes {stable_mosaic.version = 14 : i64} {
  func.func @_dense3_body(%arg0: i32, %arg1: memref<1x2000x64xbf16, #tpu.memory_space<vmem>>, %arg2: memref<1x2000x64xbf16, #tpu.memory_space<vmem>>, %arg3: memref<2000x64xf32, #tpu.memory_space<vmem>>, %arg4: memref<2000x1xf32, #tpu.memory_space<vmem>>, %arg5: memref<1x64xf32, #tpu.memory_space<vmem>>, %arg6: memref<64x8xf32, #tpu.memory_space<vmem>>, %arg7: memref<1x8xf32, #tpu.memory_space<vmem>>, %arg8: memref<2000x8xf32, #tpu.memory_space<vmem>>) attributes {dimension_semantics = [#tpu.dimension_semantics<arbitrary>], iteration_bounds = array<i64: 5>, scalar_prefetch = 0 : i64, scratch_operands = 0 : i64, tpu.core_type = #tpu.core_type<tc>, window_params = [{transform_indices = @transform_0, window_bounds = array<i64: 1, 2000, 64>}, {transform_indices = @transform_1, window_bounds = array<i64: 1, 2000, 64>}, {transform_indices = @transform_2, window_bounds = array<i64: 2000, 64>}, {transform_indices = @transform_3, window_bounds = array<i64: 2000, 1>}, {pipeline_mode = #tpu.pipeline_mode<synchronous>, transform_indices = @transform_4, window_bounds = array<i64: 1, 64>}, {pipeline_mode = #tpu.pipeline_mode<synchronous>, transform_indices = @transform_5, window_bounds = array<i64: 64, 8>}, {pipeline_mode = #tpu.pipeline_mode<synchronous>, transform_indices = @transform_6, window_bounds = array<i64: 1, 8>}, {transform_indices = @transform_7, window_bounds = array<i64: 2000, 8>}]} {
    %get3A = arith.constant 0 : index
    %get3A_0 = arith.constant 0 : index
    %get3A_1 = arith.constant 0 : index
    %get3A_2 = vector.load %arg1[%get3A, %get3A_0, %get3A_1] : memref<1x2000x64xbf16, #tpu.memory_space<vmem>>, vector<1x2000x64xbf16>
    %get3A_3 = vector.shape_cast %get3A_2 : vector<1x2000x64xbf16> to vector<2000x64xbf16>
    %convert_element_type3A = arith.extf %get3A_3 : vector<2000x64xbf16> to vector<2000x64xf32>
    %get3A_4 = arith.constant 0 : index
    %get3A_5 = arith.constant 0 : index
    %get3A_6 = arith.constant 0 : index
    %get3A_7 = vector.load %arg2[%get3A_4, %get3A_5, %get3A_6] : memref<1x2000x64xbf16, #tpu.memory_space<vmem>>, vector<1x2000x64xbf16>
    %get3A_8 = vector.shape_cast %get3A_7 : vector<1x2000x64xbf16> to vector<2000x64xbf16>
    %convert_element_type3A_9 = arith.extf %get3A_8 : vector<2000x64xbf16> to vector<2000x64xf32>
    %add3A = arith.addf %convert_element_type3A, %convert_element_type3A_9 : vector<2000x64xf32>
    %get3A_10 = arith.constant 0 : index
    %get3A_11 = arith.constant 0 : index
    %get3A_12 = vector.load %arg4[%get3A_10, %get3A_11] : memref<2000x1xf32, #tpu.memory_space<vmem>>, vector<2000x1xf32>
    %get3A_13 = arith.constant 0 : index
    %get3A_14 = arith.constant 0 : index
    %get3A_15 = vector.load %arg3[%get3A_13, %get3A_14] : memref<2000x64xf32, #tpu.memory_space<vmem>>, vector<2000x64xf32>
    %add3A_16 = arith.addf %add3A, %get3A_15 : vector<2000x64xf32>
    %mul3A = vector.broadcast %get3A_12 : vector<2000x1xf32> to vector<2000x64xf32>
    %mul3A_17 = arith.mulf %mul3A, %add3A_16 : vector<2000x64xf32>
    %get3A_18 = arith.constant 0 : index
    %get3A_19 = arith.constant 0 : index
    %get3A_20 = vector.load %arg5[%get3A_18, %get3A_19] : memref<1x64xf32, #tpu.memory_space<vmem>>, vector<1x64xf32>
    %add3A_21 = vector.broadcast %get3A_20 : vector<1x64xf32> to vector<2000x64xf32>
    %add3A_22 = arith.addf %mul3A_17, %add3A_21 : vector<2000x64xf32>
    %max3A = arith.constant 0.000000e+00 : f32
    %max3A_23 = vector.broadcast %max3A : f32 to vector<2000x64xf32>
    %max3A_24 = arith.maximumf %add3A_22, %max3A_23 : vector<2000x64xf32>
    %get3A_25 = arith.constant 0 : index
    %get3A_26 = arith.constant 0 : index
    %get3A_27 = vector.load %arg6[%get3A_25, %get3A_26] : memref<64x8xf32, #tpu.memory_space<vmem>>, vector<64x8xf32>
    %dot_general3A = arith.constant dense<0.000000e+00> : vector<2000x8xf32>
    %dot_general3A_28 = tpu.matmul %max3A_24, %get3A_27, %dot_general3A {dimension_numbers = #tpu.dot_dimension_numbers<[1], [0], [0], [1], [0, 0, 1, 1], [], []>, transpose_lhs_hint = false} : vector<2000x64xf32>, vector<64x8xf32>, vector<2000x8xf32> -> vector<2000x8xf32>
    %get3A_29 = arith.constant 0 : index
    %get3A_30 = arith.constant 0 : index
    %get3A_31 = vector.load %arg7[%get3A_29, %get3A_30] : memref<1x8xf32, #tpu.memory_space<vmem>>, vector<1x8xf32>
    %add3A_32 = vector.broadcast %get3A_31 : vector<1x8xf32> to vector<2000x8xf32>
    %add3A_33 = arith.addf %dot_general3A_28, %add3A_32 : vector<2000x8xf32>
    %swap3A = arith.constant 0 : index
    %swap3A_34 = arith.constant 0 : index
    %swap3A_35 = vector.load %arg8[%swap3A, %swap3A_34] : memref<2000x8xf32, #tpu.memory_space<vmem>>, vector<2000x8xf32>
    tpu.vector_store %arg8[%swap3A, %swap3A_34], %add3A_33 {strides = array<i32>} : memref<2000x8xf32, #tpu.memory_space<vmem>>, vector<2000x8xf32>,
    return
  }
  func.func @transform_0(%arg0: i32) -> (i32, i32, i32) {
    %c0_i32 = arith.constant 0 : i32
    %c0_i32_0 = arith.constant 0 : i32
    %c0_i32_1 = arith.constant 0 : i32
    return %c0_i32, %arg0, %c0_i32_0 : i32, i32, i32
  }
  func.func @transform_1(%arg0: i32) -> (i32, i32, i32) {
    %c1_i32 = arith.constant 1 : i32
    %c0_i32 = arith.constant 0 : i32
    %c0_i32_0 = arith.constant 0 : i32
    return %c1_i32, %arg0, %c0_i32 : i32, i32, i32
  }
  func.func @transform_2(%arg0: i32) -> (i32, i32) {
    %c0_i32 = arith.constant 0 : i32
    %c0_i32_0 = arith.constant 0 : i32
    return %arg0, %c0_i32 : i32, i32
  }
  func.func @transform_3(%arg0: i32) -> (i32, i32) {
    %c0_i32 = arith.constant 0 : i32
    %c0_i32_0 = arith.constant 0 : i32
    return %arg0, %c0_i32 : i32, i32
  }
  func.func @transform_4(%arg0: i32) -> (i32, i32) {
    %c0_i32 = arith.constant 0 : i32
    %c0_i32_0 = arith.constant 0 : i32
    %c0_i32_1 = arith.constant 0 : i32
    return %c0_i32, %c0_i32_0 : i32, i32
  }
  func.func @transform_5(%arg0: i32) -> (i32, i32) {
    %c0_i32 = arith.constant 0 : i32
    %c0_i32_0 = arith.constant 0 : i32
    %c0_i32_1 = arith.constant 0 : i32
    return %c0_i32, %c0_i32_0 : i32, i32
  }
  func.func @transform_6(%arg0: i32) -> (i32, i32) {
    %c0_i32 = arith.constant 0 : i32
    %c0_i32_0 = arith.constant 0 : i32
    %c0_i32_1 = arith.constant 0 : i32
    return %c0_i32, %c0_i32_0 : i32, i32
  }
  func.func @transform_7(%arg0: i32) -> (i32, i32) {
    %c0_i32 = arith.constant 0 : i32
    %c0_i32_0 = arith.constant 0 : i32
    return %arg0, %c0_i32 : i32, i32
  }
}

</mosaic_0001>

<sc_bundles>
// kernel: kernel.10.cloned.1.call-start
scs
__scs_entry_jumppad:
0x0: {  	(pc) =	sbr.rel $0x88, $3  }
0x1: {  	(tag) =	ssettag $0x0;
	lr =	simm.s32 $0x1  }
0x2: {  	[smem:$0x3F99] =	sst lr;
	_ =	strace $0xD0000000  }
0x3: {  	_ = 	snop  }
0x4: {  	_ = 	snop  }
0x5: {  	_ = 	snop  }
0x6: {  	_ = 	snop  }
0x7: {  	_ = 	snop  }
__scs_overlays_trampoline_lowered:
0x8: {  	[smem:$0x3FA8] =	sst s0  }
0x9: {  	[smem:$0x3FA9] =	sst s1  }
0xa: {  	[smem:$0x3FAA] =	sst s2  }
0xb: {  	[smem:$0x3FAB] =	sst s3  }
0xc: {  	[smem:$0x3FAC] =	sst s4  }
0xd: {  	[smem:$0x3FAD] =	sst s5  }
0xe: {  	[smem:$0x3FAE] =	sst s6  }
0xf: {  	[smem:$0x3FAF] =	sst s7  }
0x10: {  	[smem:$0x3FB0] =	sst s8  }
0x11: {  	[smem:$0x3FB1] =	sst s9;
	s0 =	simm.s32 @!p0 $0x0  }
0x12: {  	s1 =	sld [smem:$0x3F97];
	s0 =	simm.s32 @p0 $0x1  }
0x13: {  	[smem:$0x3FB2] =	sst s0;
	s0 =	simm.s32 @!p1 $0x0  }
0x14: {  	s2 =	sld [smem:$0x3F96];
	s0 =	simm.s32 @p1 $0x1  }
0x15: {  	[smem:$0x3FB3] =	sst s0;
	s0 =	simm.s32 @!p2 $0x0  }
0x16: {  	s3 =	sld [smem:$0x3FDB];
	s0 =	simm.s32 @p2 $0x1  }
0x17: {  	s4 =	simm.s32 $0x1BF5;
	[smem:$0x3FB5] =	sst s0  }
0x18: {  	s0 =	sld [smem:$0x3F98];
	_ =	swait.ge [sflag:s4], $0x0  }
0x19: {  	s7 =	sld [smem:$0x3F99]  }
0x1a: {  	s8 =	sadd.s32 $0xFFFFE003, lr  }
0x1b: {  	s9 =	sadd.s32 $0xFFFFFEF7, lr;
	s5 =	simm.s32 $0xFFFFFFFF;
	p2 =	slt.u32 s8, $0xFFFFF086  }
0x1c: {  	p1 =	slt.u32 s9, $0xF7A;
	s5 =	simm.s32 @!p2 $0x0  }
0x1d: {  	s5 =	simm.s32 @p1 $0x1;
	p0 =	seq.s32 s7, s2  }
0x1e: {  	s7 =	smul.u32 @!p0 $0xF7A, s2;
	p2 =	seq.s32 @!p0 s5, $0x0  }
0x1f: {  	s9 =	smul.u32 $0xF7A, s1;
	s8 =	simm.s32 @!p0 $0x1BF5;
	p2 =	por !p2, p0  }
0x20: {  	[sflag:s8] =	ssyncset.s32 @!p0 $0xFFFFF086;
	s6 =	sadd.s32 @!p0 s3, s7;
	s7 =	simm.s32 @!p0 $0x108  }
0x21: {  	s3 =	sadd.s32 s3, s9;
	s6 =	sadd.s32 @!p0 $0x88, s6;
	s7 =	simm.s32 @p2 $0x1082  }
0x22: {  	[simem:s7], [sflag:s8] =	dma.local @!p0 [hbm:s6], $0xF7A  }
0x23: {  	s9 =	sor.u32 $0xD0000000, s2;
	s6 =	simm.s32 $0x108;
	_ =	swait.ge @!p0 [sflag:s8], $0x0  }
0x24: {  	s3 =	sadd.s32 $0x88, s3;
	s6 =	simm.s32 @!p1 $0x1082;
	[sflag:s4] =	ssyncset.s32 $0xFFFFF086  }
0x25: {  	[simem:s6], [sflag:s4] =	dma.local [hbm:s3], $0xF7A  }
0x26: {  	[smem:$0x3F99] =	sst s1;
	(tag) =	ssettag s2;
	_ =	strace s9  }
0x27: {  	s1 =	sld [smem:$0x3FA9]  }
0x28: {  	s2 =	sld [smem:$0x3FAA]  }
0x29: {  	s4 =	sld [smem:$0x3FAC]  }
0x2a: {  	p0 =	seq.s32 s5, $0x0;
	s5 =	sld [smem:$0x3FAD]  }
0x2b: {  	s6 =	sld [smem:$0x3FAE]  }
0x2c: {  	s7 =	sld [smem:$0x3FAF]  }
0x2d: {  	s3 =	simm.s32 $0x108;
	s8 =	sld [smem:$0x3FB0]  }
0x2e: {  	s3 =	simm.s32 @!p0 $0x1082;
	s9 =	sld [smem:$0x3FB1]  }
0x2f: {  	lr =	sadd.s32 s0, s3;
	s0 =	sld [smem:$0x3FA8]  }
0x30: {  	s3 =	sld [smem:$0x3FAB]  }
0x31: {  	[smem:$0x3FB4] =	sst s10  }
0x32: {  	s10 =	sld [smem:$0x3FB2];
	_ =	sdelay $0x3  }
0x33: {  	p0 =	seq.s32 s10, $0x1;
	s10 =	sld [smem:$0x3FB4];
	_ =	sdelay $0x3  }
0x34: {  	[smem:$0x3FB4] =	sst s10  }
0x35: {  	s10 =	sld [smem:$0x3FB3];
	_ =	sdelay $0x3  }
0x36: {  	p1 =	seq.s32 s10, $0x1;
	s10 =	sld [smem:$0x3FB4];
	_ =	sdelay $0x3  }
0x37: {  	[smem:$0x3FB4] =	sst s10  }
0x38: {  	s10 =	sld [smem:$0x3FB5]  }
0x39: {  	_ = 	snop;
	(pc) =	sbr.ind lr, $3  }
0x3a: {  	_ = 	snop  }
0x3b: {  	_ = 	snop  }
0x3c: {  	p2 =	seq.s32 s10, $0x1;
	s10 =	sld [smem:$0x3FB4]  }
0x3d: {  	_ =	shalt  }
0x3e: {  	_ =	shalt  }
0x3f: {  	_ =	shalt  }
0x40: {  	_ =	shalt  }
0x41: {  	_ =	shalt  }
0x42: {  	_ =	shalt  }
0x43: {  	_ =	shalt  }
0x44: {  	_ =	shalt  }
0x45: {  	_ =	shalt  }
0x46: {  	_ =	shalt  }
0x47: {  	_ =	shalt  }
0x48: {  	_ =	shalt  }
0x49: {  	_ =	shalt  }
0x4a: {  	_ =	shalt  }
0x4b: {  	_ =	shalt  }
0x4c: {  	_ =	shalt  }
0x4d: {  	_ =	shalt  }
0x4e: {  	_ =	shalt  }
0x4f: {  	_ =	shalt  }
0x50: {  	_ =	shalt  }
0x51: {  	_ =	shalt  }
0x52: {  	_ =	shalt  }
0x53: {  	_ =	shalt  }
0x54: {  	_ =	shalt  }
0x55: {  	_ =	shalt  }
0x56: {  	_ =	shalt  }
0x57: {  	_ =	shalt  }
0x58: {  	_ =	shalt  }
0x59: {  	_ =	shalt  }
0x5a: {  	_ =	shalt  }
0x5b: {  	_ =	shalt  }
0x5c: {  	_ =	shalt  }
0x5d: {  	_ =	shalt  }
0x5e: {  	_ =	shalt  }
0x5f: {  	_ =	shalt  }
0x60: {  	_ =	shalt  }
0x61: {  	_ =	shalt  }
0x62: {  	_ =	shalt  }
0x63: {  	_ =	shalt  }
0x64: {  	_ =	shalt  }
0x65: {  	_ =	shalt  }
0x66: {  	_ =	shalt  }
0x67: {  	_ =	shalt  }
0x68: {  	_ =	shalt  }
0x69: {  	_ =	shalt  }
0x6a: {  	_ =	shalt  }
0x6b: {  	_ =	shalt  }
0x6c: {  	_ =	shalt  }
0x6d: {  	_ =	shalt  }
0x6e: {  	_ =	shalt  }
0x6f: {  	_ =	shalt  }
0x70: {  	_ =	shalt  }
0x71: {  	_ =	shalt  }
0x72: {  	_ =	shalt  }
0x73: {  	_ =	shalt  }
0x74: {  	_ =	shalt  }
0x75: {  	_ =	shalt  }
0x76: {  	_ =	shalt  }
0x77: {  	_ =	shalt  }
0x78: {  	_ =	shalt  }
0x79: {  	_ =	shalt  }
0x7a: {  	_ =	shalt  }
0x7b: {  	_ =	shalt  }
0x7c: {  	_ =	shalt  }
0x7d: {  	_ =	shalt  }
0x7e: {  	_ =	shalt  }
0x7f: {  	_ =	shalt  }
0x80: {  	_ =	shalt  }
0x81: {  	_ =	shalt  }
0x82: {  	_ =	shalt  }
0x83: {  	_ =	shalt  }
0x84: {  	_ =	shalt  }
0x85: {  	_ =	shalt  }
0x86: {  	_ =	shalt  }
0x87: {  	_ =	shalt  }
.Lfunc_end0:
.L_simem_size_0:
called_computation.1_lowered:
.L_overlay_start_0:
0x88: {  	s2 =	sld [smem:$0x3FD9]  }
0x89: {  	s3 =	sld [smem:$0x3FFE];
	_ =	sdelay $0x1  }
0x8a: {  	s1 =	srdreg.scid  }
0x8b: {  	s0 =	sand.u32 $0x1, s1  }
0x8c: {  	s17 =	sshll.u32 s0, $0xA;
	s2 =	sadd.s32 s3, s2  }
0x8d: {  	s2 =	sadd.s32 s2, s17  }
0x8e: {  	[smem:$0x3FC0] =	sst s2  }
0x8f: {  	_ = 	snop  }
0x90: {  	s2 =	sld [smem:$0x3FD0];
	(tm) =	ssettm $0x1  }
0x91: {  	s18 =	sld [smem:$0x3FFB];
	_ =	sdelay $0x3  }
0x92: {  	_ =	strace s18  }
0x93: {  	s3 =	sld [smem:$0x3FFC];
	_ =	sdelay $0x3  }
0x94: {  	_ =	strace s3  }
0x95: {  	s3 =	sld [smem:$0x3FFD];
	_ =	sdelay $0x3  }
0x96: {  	_ =	strace s3  }
0x97: {  	_ =	strace $0x8FFFFFFF  }
0x98: {  	s19 =	sld [smem:$0x3FDB];
	_ =	sdelay $0x1  }
0x99: {  	s4 =	simm.s32 $_scs_section_size  }
0x9a: {  	s5 =	simm.s32 $_size__tile_overlayer_lowered;
	s6 =	simm.s32 $_tile_overlayer_lowered  }
0x9b: {  	s22 =	simm.s32 $0x1BFF;
	s21 =	sshll.u32 s6, $0x1;
	s3 =	sadd.s32 s4, s19  }
0x9c: {  	s7 =	simm.s32 $0x0;
	s20 =	sshll.u32 s5, $0x1;
	s5 =	sadd.s32 s21, s3  }
0x9d: {  	[timem:s7], [sflag:s22] =	dma.local [hbm:s5], s20  }
0x9e: {  	_ =	swait.ge [sflag:s22], s20  }
0x9f: {  	s4 =	ssub.s32 $0x0, s20;
	[sflag:s22] =	ssyncset.done $0x0  }
0xa0: {  	[sflag:s22] =	ssyncadd.s32 s4;
	_ =	sdelay $0x1  }
0xa1: {  	s23 =	simm.s32 $0x1B8B  }
0xa2: {  	_ =	swait.ge [sflag:s23], $0x1  }
0xa3: {  	[sflag:s23] =	ssyncset.done $0x0  }
0xa4: {  	s25 =	simm.s32 $0x1B8E;
	s24 =	sld [smem:$0x3FFE];
	[sflag:s23] =	ssyncadd.s32 $0xFFFFFFFF  }
0xa5: {  	s26 =	simm.s32 $execute0_lowered;
	[smem:$0x3FD2] =	sst s25  }
0xa6: {  	s5 =	sshll.u32 s26, $0x1;
	_ =	strace $0x80000049;
	[dreg:$0x1] =	wrdreg $0xFFFFFFFF  }
0xa7: {  	s28 =	simm.s32 $_size_execute0_lowered;
	s3 =	sadd.s32 s3, s5;
	[dreg:$0x0] =	wrdreg $0x0  }
0xa8: {  	s5 =	sshll.u32 s28, $0x1;
	[dreg:$0x2] =	wrdreg s3  }
0xa9: {  	[dreg:$0x3] =	wrdreg s5  }
0xaa: {  	[dreg:$0x4] =	wrdreg $0xC0  }
0xab: {  	_ =	task [dreg:s7], $0x5FFFF  }
0xac: {  	[dreg:$0x1] =	wrdreg $0xFFFFFFFF  }
0xad: {  	[dreg:$0x0] =	wrdreg $0x60  }
0xae: {  	[dreg:$0x2] =	wrdreg s24  }
0xaf: {  	[dreg:$0x3] =	wrdreg s2  }
0xb0: {  	[dreg:$0x4] =	wrdreg $0x11B200  }
0xb1: {  	[dreg:$0x5] =	wrdreg $0xCD000  }
0xb2: {  	[dreg:$0x6] =	wrdreg $0x9  }
0xb3: {  	_ =	task.clear_ibuf [dreg:s7], $0x7FFFF;
	_ =	strace $0x90000049  }
0xb4: {  	s29 =	simm.s32 $0x9;
	_ =	strace $0x8000004B  }
0xb5: {  	_ =	swait.ge [sflag:s29], $0x1  }
0xb6: {  	[sflag:s29] =	ssyncadd.s32 $0xFFFFFFFF  }
0xb7: {  	_ =	strace $0x9000004B  }
0xb8: {  	_ =	sfence  }
0xb9: {  	s30 =	sld [smem:$0x0];
	_ =	sdelay $0x2  }
0xba: {  	s31 =	sshll.u32 s1, $0xD;
	s1 =	sshrl.u32 s1, $0x2  }
0xbb: {  	s3 =	sand.u32 $0x4000, s31;
	s1 =	sadd.s32 s1, s30  }
0xbc: {  	s0 =	sor.u32 s3, s0;
	s1 =	sshll.u32 s1, $0x11  }
0xbd: {  	s0 =	sor.u32 s1, s0  }
0xbe: {  	s0 =	sadd.s32 $0x8F2B, s0  }
0xbf: {  	[sflag:s0] =	ssyncadd.remote.s32 $0x1  }
0xc0: {  	_ =	sfence.sel $0xFFFF  }
0xc1: {  	[dreg:$0x0] =	wrdreg $0xFFFFFFFF;
	(pc) =	sbr.abs _section_cstart, $3  }
0xc2: {  	[dreg:$0x1] =	wrdreg $0xFFFFFFFF  }
0xc3: {  	_ =	task.clear_ibuf [dreg:s7], $0x2FFFF;
	_ =	strace $0x9FFFFFFF  }
0xc4: {  	(tm) =	ssettm $0x7FFFFFFF  }
0xc5: {  	_ =	shalt  }
tec
execute0_lowered:
.L_overlay_start_1:
0x0: {  	(tag) =	ssettag $0x1  }
0x1: {  	s0 =	srdreg.scid;
	s1 =	rddreg [dreg:$0x0]  }
0x2: {  	s9 =	stileid.u32;
	s3 =	rddreg [dreg:$0x2]  }
0x3: {  	s4 =	rddreg [dreg:$0x3];
	s7 =	simm.s32 $0x0;
	s16 =	simm.s32 $0x7D  }
0x4: {  	s17 =	simm.s32 $0x5000;
	s19 =	simm.s32 $0x5FA0;
	s28 =	simm.s32 $0x9E20  }
0x5: {  	s30 =	simm.s32 $0xADC0;
	s15 =	simm.s32 $0x3;
	s18 =	simm.s32 $0x4  }
0x6: {  	s29 =	simm.s32 $0x9;
	s31 =	simm.s32 $0xA;
	s10 =	simm.s32 $0xE  }
0x7: {  	s11 =	simm.s32 $0xF;
	s14 =	simm.s32 $0x10;
	s0 =	sand.u32 $0x1, s0  }
0x8: {  	s2 =	sshll.u32 s9, $0x1;
	s5 =	smul.u32 $0xA000, s9;
	[smem:$0x7FF] =	sst s7  }
0x9: {  	s20 =	smul.u32 $0x9C40, s9;
	s22 =	sshll.u32 s9, $0x6;
	s7 =	simm.s32 $0xB  }
0xa: {  	s9 =	simm.s32 $0xD;
	s2 =	sor.u32 s0, s2;
	s6 =	smul.u32 $0xA0000, s0  }
0xb: {  	_ =	strace $0x8000004A;
	s0 =	ssub.s32 $0x2, s0;
	s12 =	sor.u32 $0x1C11, s22  }
0xc: {  	s22 =	simm.s32 $0x6;
	s2 =	smul.u32 $0x500, s2;
	s8 =	sshrl.u32 s20, $0x4  }
0xd: {  	s21 =	sshrl.u32 s0, $0x1;
	s23 =	sshrl.u32 s20, $0x1;
	s20 =	simm.s32 $0x5  }
0xe: {  	[dreg:$0x5] =	wrdreg s12;
	s6 =	sadd.s32 s5, s6;
	s8 =	sadd.s32 s8, s1  }
0xf: {  	s0 =	ssub.s32 s0, s21;
	s5 =	sshrl.u32 s5, $0x1;
	s21 =	simm.s32 $0x6F40  }
0x10: {  	s2 =	sadd.s32 s2, s1;
	s6 =	sshrl.u32 s6, $0x4;
	s5 =	sadd.s32 s5, s3  }
0x11: {  	s24 =	sadd.s32 $0x15E00, s8;
	s0 =	smax.u32 s0, $0x1;
	s8 =	simm.s32 $0xC  }
0x12: {  	s1 =	sadd.s32 s6, s1;
	s6 =	sadd.s32 s23, s4;
	[dreg:$0x6] =	wrdreg s24  }
0x13: {  	s25 =	sadd.s32 $0xBE00, s2;
	s2 =	sadd.s32 $0x1E00, s2;
	[dreg:$0xa] =	wrdreg s0  }
0x14: {  	s13 =	sshrl.u32 s5, $0x3;
	s5 =	simm.s32 $0x11;
	[dreg:$0x7] =	wrdreg s25  }
0x15: {  	s23 =	simm.s32 $0x7EE0;
	s0 =	simm.s32 $0x1;
	[dreg:$0x8] =	wrdreg s2  }
0x16: {  	s24 =	simm.s32 $0x7;
	s1 =	sadd.s32 $0x1FC00, s1;
	[dreg:$0xb] =	wrdreg s13  }
0x17: {  	s26 =	sshrl.u32 s6, $0x3;
	s25 =	simm.s32 $0x8E80;
	[dreg:$0x9] =	wrdreg s1  }
0x18: {  	s2 =	simm.s32 $0x2;
	s6 =	simm.s32 $0x0;
	[dreg:$0xc] =	wrdreg s26  }
0x19: {  	s1 =	simm.s32 $0xBD60;
	s26 =	simm.s32 $0x8;
	[dreg:$0xd] =	wrdreg s6  }
.LBB2_1:
0x1a: {  	s6 =	rddreg [dreg:$0x1]  }
0x1b: {  	[spmem:s13], [sflag:s12] =	dma.local [hbm:s6], $0xA00  }
0x1c: {  	_ =	swait.ge [sflag:s5], $0xA00  }
0x1d: {  	[sflag:s5] =	ssyncset.done $0x0;
	s6 =	rddreg [dreg:$0x6]  }
0x1e: {  	s13 =	rddreg [dreg:$0xc];
	[sflag:s5] =	ssyncadd.s32 $0xFFFFF600  }
0x1f: {  	[spmem:s13], [sflag:s12] =	dma.local [hbm:s6], $0x9C4  }
0x20: {  	_ =	swait.ge [sflag:s5], $0x9C4  }
0x21: {  	[sflag:s5] =	ssyncset.done $0x0  }
0x22: {  	s6 =	simm.s32 $0x0;
	s13 =	rddreg [dreg:$0x7];
	[sflag:s5] =	ssyncadd.s32 $0xFFFFF63C  }
0x23: {  	[tilespmem:s6], [sflag:$0x11] =	stream.linear.gather [hbm4b:s13+s6], $0x2800, $0x38;
	[tilespmem:$0x16B20] =	vst v63  }
0x24: {  	_ =	swait.ge [sflag:s5], $0x2800  }
0x25: {  	[sflag:s5] =	ssyncset.done $0x0  }
0x26: {  	s13 =	simm.s32 $0x2800;
	s12 =	rddreg [dreg:$0x8];
	[sflag:s5] =	ssyncadd.s32 $0xFFFFD800  }
0x27: {  	[tilespmem:s13], [sflag:$0x11] =	stream.linear.gather [hbm4b:s12+s6], $0x2800, $0x38;
	[tilespmem:$0x16B20] =	vst v63  }
0x28: {  	_ =	swait.ge [sflag:s5], $0x2800  }
0x29: {  	[sflag:s5] =	ssyncset.done $0x0  }
0x2a: {  	[sflag:s5] =	ssyncadd.s32 $0xFFFFD800  }
0x2b: {  	[bflag:$0x0] =	sbarrier.arrive $0xFFFF  }
0x2c: {  	[tilespmem:s17], [sflag:$0x1] =	stream.indirect.gather [spmem:s4], $0x20, s6, s16, $0xb8;
	[tilespmem:$0x16B20] =	vst v63  }
0x2d: {  	s13 =	simm.s32 $0x80  }
0x2e: {  	[tilespmem:s19], [sflag:$0x2] =	stream.indirect.gather [spmem:s4], $0x20, s13, s16, $0xb8;
	[tilespmem:$0x16B20] =	vst v63  }
0x2f: {  	s6 =	simm.s32 $0x100  }
0x30: {  	[tilespmem:s21], [sflag:$0x3] =	stream.indirect.gather [spmem:s4], $0x20, s6, s16, $0xb8;
	[tilespmem:$0x16B20] =	vst v63  }
0x31: {  	s12 =	simm.s32 $0x180  }
0x32: {  	[tilespmem:s23], [sflag:$0x4] =	stream.indirect.gather [spmem:s4], $0x20, s12, s16, $0xb8;
	[tilespmem:$0x16B20] =	vst v63  }
0x33: {  	s13 =	simm.s32 $0x200  }
0x34: {  	[tilespmem:s25], [sflag:$0x5] =	stream.indirect.gather [spmem:s4], $0x20, s13, s16, $0xb8;
	[tilespmem:$0x16B20] =	vst v63  }
0x35: {  	s6 =	simm.s32 $0x280  }
0x36: {  	[tilespmem:s28], [sflag:$0x6] =	stream.indirect.gather [spmem:s4], $0x20, s6, s16, $0xb8;
	[tilespmem:$0x16B20] =	vst v63  }
0x37: {  	s12 =	simm.s32 $0x300  }
0x38: {  	[tilespmem:s30], [sflag:$0x7] =	stream.indirect.gather [spmem:s4], $0x20, s12, s16, $0xb8;
	[tilespmem:$0x16B20] =	vst v63  }
0x39: {  	s13 =	simm.s32 $0x380  }
0x3a: {  	[tilespmem:s1], [sflag:$0x8] =	stream.indirect.gather [spmem:s4], $0x20, s13, s16, $0xb8;
	[tilespmem:$0x16B20] =	vst v63  }
0x3b: {  	_ =	swait.ge [sflag:s0], $0xFA0  }
0x3c: {  	[sflag:s0] =	ssyncset.done $0x0  }
0x3d: {  	s5 =	simm.s32 $0x2800;
	[sflag:s0] =	ssyncadd.s32 $0xFFFFF060  }
0x3e: {  	[spmem:s3] =	stream.indirect.scatter.add.bf16 [tilespmem:s17], [sflag:$0x9], $0x20, s5, s16, $0xb8;
	[tilespmem:$0x16B20] =	vst v63  }
0x3f: {  	_ =	swait.ge [sflag:s2], $0xFA0  }
0x40: {  	[sflag:s2] =	ssyncset.done $0x0  }
0x41: {  	s12 =	simm.s32 $0x2880;
	[sflag:s2] =	ssyncadd.s32 $0xFFFFF060  }
0x42: {  	[spmem:s3] =	stream.indirect.scatter.add.bf16 [tilespmem:s19], [sflag:$0xA], $0x20, s12, s16, $0xb8;
	[tilespmem:$0x16B20] =	vst v63  }
0x43: {  	_ =	swait.ge [sflag:s15], $0xFA0  }
0x44: {  	[sflag:s15] =	ssyncset.done $0x0  }
0x45: {  	s13 =	simm.s32 $0x2900;
	[sflag:s15] =	ssyncadd.s32 $0xFFFFF060  }
0x46: {  	[spmem:s3] =	stream.indirect.scatter.add.bf16 [tilespmem:s21], [sflag:$0xB], $0x20, s13, s16, $0xb8;
	[tilespmem:$0x16B20] =	vst v63  }
0x47: {  	_ =	swait.ge [sflag:s18], $0xFA0  }
0x48: {  	[sflag:s18] =	ssyncset.done $0x0  }
0x49: {  	s5 =	simm.s32 $0x2980;
	[sflag:s18] =	ssyncadd.s32 $0xFFFFF060  }
0x4a: {  	[spmem:s3] =	stream.indirect.scatter.add.bf16 [tilespmem:s23], [sflag:$0xC], $0x20, s5, s16, $0xb8;
	[tilespmem:$0x16B20] =	vst v63  }
0x4b: {  	_ =	swait.ge [sflag:s20], $0xFA0  }
0x4c: {  	[sflag:s20] =	ssyncset.done $0x0  }
0x4d: {  	s12 =	simm.s32 $0x2A00;
	[sflag:s20] =	ssyncadd.s32 $0xFFFFF060  }
0x4e: {  	[spmem:s3] =	stream.indirect.scatter.add.bf16 [tilespmem:s25], [sflag:$0xD], $0x20, s12, s16, $0xb8;
	[tilespmem:$0x16B20] =	vst v63  }
0x4f: {  	_ =	swait.ge [sflag:s22], $0xFA0  }
0x50: {  	[sflag:s22] =	ssyncset.done $0x0  }
0x51: {  	s13 =	simm.s32 $0x2A80;
	[sflag:s22] =	ssyncadd.s32 $0xFFFFF060  }
0x52: {  	[spmem:s3] =	stream.indirect.scatter.add.bf16 [tilespmem:s28], [sflag:$0xE], $0x20, s13, s16, $0xb8;
	[tilespmem:$0x16B20] =	vst v63  }
0x53: {  	_ =	swait.ge [sflag:s24], $0xFA0  }
0x54: {  	[sflag:s24] =	ssyncset.done $0x0  }
0x55: {  	s5 =	simm.s32 $0x2B00;
	[sflag:s24] =	ssyncadd.s32 $0xFFFFF060  }
0x56: {  	[spmem:s3] =	stream.indirect.scatter.add.bf16 [tilespmem:s30], [sflag:$0xF], $0x20, s5, s16, $0xb8;
	[tilespmem:$0x16B20] =	vst v63  }
0x57: {  	_ =	swait.ge [sflag:s26], $0xFA0  }
0x58: {  	[sflag:s26] =	ssyncset.done $0x0  }
0x59: {  	s12 =	simm.s32 $0x2B80;
	[sflag:s26] =	ssyncadd.s32 $0xFFFFF060  }
0x5a: {  	[spmem:s3] =	stream.indirect.scatter.add.bf16 [tilespmem:s1], [sflag:$0x10], $0x20, s12, s16, $0xb8;
	[tilespmem:$0x16B20] =	vst v63  }
0x5b: {  	_ =	swait.ge [sflag:s29], $0xFA0  }
0x5c: {  	[sflag:s29] =	ssyncset.done $0x0  }
0x5d: {  	s13 =	simm.s32 $0x400;
	[sflag:s29] =	ssyncadd.s32 $0xFFFFF060  }
0x5e: {  	[tilespmem:s17], [sflag:$0x1] =	stream.indirect.gather [spmem:s4], $0x20, s13, s16, $0xb8;
	[tilespmem:$0x16B20] =	vst v63  }
0x5f: {  	_ =	swait.ge [sflag:s31], $0xFA0  }
0x60: {  	[sflag:s31] =	ssyncset.done $0x0  }
0x61: {  	s5 =	simm.s32 $0x480;
	[sflag:s31] =	ssyncadd.s32 $0xFFFFF060  }
0x62: {  	[tilespmem:s19], [sflag:$0x2] =	stream.indirect.gather [spmem:s4], $0x20, s5, s16, $0xb8;
	[tilespmem:$0x16B20] =	vst v63  }
0x63: {  	_ =	swait.ge [sflag:s7], $0xFA0  }
0x64: {  	[sflag:s7] =	ssyncset.done $0x0  }
0x65: {  	s12 =	simm.s32 $0x500;
	[sflag:s7] =	ssyncadd.s32 $0xFFFFF060  }
0x66: {  	[tilespmem:s21], [sflag:$0x3] =	stream.indirect.gather [spmem:s4], $0x20, s12, s16, $0xb8;
	[tilespmem:$0x16B20] =	vst v63  }
0x67: {  	_ =	swait.ge [sflag:s8], $0xFA0  }
0x68: {  	[sflag:s8] =	ssyncset.done $0x0  }
0x69: {  	s13 =	simm.s32 $0x580;
	[sflag:s8] =	ssyncadd.s32 $0xFFFFF060  }
0x6a: {  	[tilespmem:s23], [sflag:$0x4] =	stream.indirect.gather [spmem:s4], $0x20, s13, s16, $0xb8;
	[tilespmem:$0x16B20] =	vst v63  }
0x6b: {  	_ =	swait.ge [sflag:s9], $0xFA0  }
0x6c: {  	[sflag:s9] =	ssyncset.done $0x0  }
0x6d: {  	s5 =	simm.s32 $0x600;
	[sflag:s9] =	ssyncadd.s32 $0xFFFFF060  }
0x6e: {  	[tilespmem:s25], [sflag:$0x5] =	stream.indirect.gather [spmem:s4], $0x20, s5, s16, $0xb8;
	[tilespmem:$0x16B20] =	vst v63  }
0x6f: {  	_ =	swait.ge [sflag:s10], $0xFA0  }
0x70: {  	[sflag:s10] =	ssyncset.done $0x0  }
0x71: {  	s12 =	simm.s32 $0x680;
	[sflag:s10] =	ssyncadd.s32 $0xFFFFF060  }
0x72: {  	[tilespmem:s28], [sflag:$0x6] =	stream.indirect.gather [spmem:s4], $0x20, s12, s16, $0xb8;
	[tilespmem:$0x16B20] =	vst v63  }
0x73: {  	_ =	swait.ge [sflag:s11], $0xFA0  }
0x74: {  	[sflag:s11] =	ssyncset.done $0x0  }
0x75: {  	s13 =	simm.s32 $0x700;
	[sflag:s11] =	ssyncadd.s32 $0xFFFFF060  }
0x76: {  	[tilespmem:s30], [sflag:$0x7] =	stream.indirect.gather [spmem:s4], $0x20, s13, s16, $0xb8;
	[tilespmem:$0x16B20] =	vst v63  }
0x77: {  	_ =	swait.ge [sflag:s14], $0xFA0  }
0x78: {  	[sflag:s14] =	ssyncset.done $0x0  }
0x79: {  	s6 =	simm.s32 $0x780;
	s12 =	simm.s32 $0x1000;
	[sflag:s14] =	ssyncadd.s32 $0xFFFFF060  }
.LBB2_2:
0x7a: {  	[tilespmem:s1], [sflag:$0x8] =	stream.indirect.gather [spmem:s4], $0x20, s6, s16, $0xb8;
	[tilespmem:$0x16B20] =	vst v63  }
0x7b: {  	s6 =	smov.u32 s12  }
0x7c: {  	p0 =	sne.s32 s12, $0x8000;
	s12 =	sadd.s32 $0x1000, s12;
	_ =	swait.ge [sflag:s0], $0xFA0  }
0x7d: {  	s6 =	sshra.s32 s6, $0x2;
	[sflag:s0] =	ssyncset.done $0x0  }
0x7e: {  	s13 =	sadd.s32 $0x2800, s6;
	[sflag:s0] =	ssyncadd.s32 $0xFFFFF060  }
0x7f: {  	[spmem:s3] =	stream.indirect.scatter.add.bf16 [tilespmem:s17], [sflag:$0x9], $0x20, s13, s16, $0xb8;
	[tilespmem:$0x16B20] =	vst v63  }
0x80: {  	_ =	swait.ge [sflag:s2], $0xFA0  }
0x81: {  	[sflag:s2] =	ssyncset.done $0x0  }
0x82: {  	s13 =	sadd.s32 $0x2880, s6;
	[sflag:s2] =	ssyncadd.s32 $0xFFFFF060  }
0x83: {  	[spmem:s3] =	stream.indirect.scatter.add.bf16 [tilespmem:s19], [sflag:$0xA], $0x20, s13, s16, $0xb8;
	[tilespmem:$0x16B20] =	vst v63  }
0x84: {  	_ =	swait.ge [sflag:s15], $0xFA0  }
0x85: {  	[sflag:s15] =	ssyncset.done $0x0  }
0x86: {  	s13 =	sadd.s32 $0x2900, s6;
	[sflag:s15] =	ssyncadd.s32 $0xFFFFF060  }
0x87: {  	[spmem:s3] =	stream.indirect.scatter.add.bf16 [tilespmem:s21], [sflag:$0xB], $0x20, s13, s16, $0xb8;
	[tilespmem:$0x16B20] =	vst v63  }
0x88: {  	_ =	swait.ge [sflag:s18], $0xFA0  }
0x89: {  	[sflag:s18] =	ssyncset.done $0x0  }
0x8a: {  	s13 =	sadd.s32 $0x2980, s6;
	[sflag:s18] =	ssyncadd.s32 $0xFFFFF060  }
0x8b: {  	[spmem:s3] =	stream.indirect.scatter.add.bf16 [tilespmem:s23], [sflag:$0xC], $0x20, s13, s16, $0xb8;
	[tilespmem:$0x16B20] =	vst v63  }
0x8c: {  	_ =	swait.ge [sflag:s20], $0xFA0  }
0x8d: {  	[sflag:s20] =	ssyncset.done $0x0  }
0x8e: {  	s13 =	sadd.s32 $0x2A00, s6;
	[sflag:s20] =	ssyncadd.s32 $0xFFFFF060  }
0x8f: {  	[spmem:s3] =	stream.indirect.scatter.add.bf16 [tilespmem:s25], [sflag:$0xD], $0x20, s13, s16, $0xb8;
	[tilespmem:$0x16B20] =	vst v63  }
0x90: {  	_ =	swait.ge [sflag:s22], $0xFA0  }
0x91: {  	[sflag:s22] =	ssyncset.done $0x0  }
0x92: {  	s13 =	sadd.s32 $0x2A80, s6;
	[sflag:s22] =	ssyncadd.s32 $0xFFFFF060  }
0x93: {  	[spmem:s3] =	stream.indirect.scatter.add.bf16 [tilespmem:s28], [sflag:$0xE], $0x20, s13, s16, $0xb8;
	[tilespmem:$0x16B20] =	vst v63  }
0x94: {  	_ =	swait.ge [sflag:s24], $0xFA0  }
0x95: {  	[sflag:s24] =	ssyncset.done $0x0  }
0x96: {  	s13 =	sadd.s32 $0x2B00, s6;
	[sflag:s24] =	ssyncadd.s32 $0xFFFFF060  }
0x97: {  	[spmem:s3] =	stream.indirect.scatter.add.bf16 [tilespmem:s30], [sflag:$0xF], $0x20, s13, s16, $0xb8;
	[tilespmem:$0x16B20] =	vst v63  }
0x98: {  	_ =	swait.ge [sflag:s26], $0xFA0  }
0x99: {  	[sflag:s26] =	ssyncset.done $0x0  }
0x9a: {  	s13 =	sadd.s32 $0x2B80, s6;
	[sflag:s26] =	ssyncadd.s32 $0xFFFFF060  }
0x9b: {  	[spmem:s3] =	stream.indirect.scatter.add.bf16 [tilespmem:s1], [sflag:$0x10], $0x20, s13, s16, $0xb8;
	[tilespmem:$0x16B20] =	vst v63  }
0x9c: {  	_ =	swait.ge [sflag:s29], $0xFA0  }
0x9d: {  	[sflag:s29] =	ssyncset.done $0x0  }
0x9e: {  	s13 =	sadd.s32 $0x400, s6;
	[sflag:s29] =	ssyncadd.s32 $0xFFFFF060  }
0x9f: {  	[tilespmem:s17], [sflag:$0x1] =	stream.indirect.gather [spmem:s4], $0x20, s13, s16, $0xb8;
	[tilespmem:$0x16B20] =	vst v63  }
0xa0: {  	_ =	swait.ge [sflag:s31], $0xFA0  }
0xa1: {  	[sflag:s31] =	ssyncset.done $0x0  }
0xa2: {  	s13 =	sadd.s32 $0x480, s6;
	[sflag:s31] =	ssyncadd.s32 $0xFFFFF060  }
0xa3: {  	[tilespmem:s19], [sflag:$0x2] =	stream.indirect.gather [spmem:s4], $0x20, s13, s16, $0xb8;
	[tilespmem:$0x16B20] =	vst v63  }
0xa4: {  	_ =	swait.ge [sflag:s7], $0xFA0  }
0xa5: {  	[sflag:s7] =	ssyncset.done $0x0  }
0xa6: {  	s13 =	sadd.s32 $0x500, s6;
	[sflag:s7] =	ssyncadd.s32 $0xFFFFF060  }
0xa7: {  	[tilespmem:s21], [sflag:$0x3] =	stream.indirect.gather [spmem:s4], $0x20, s13, s16, $0xb8;
	[tilespmem:$0x16B20] =	vst v63  }
0xa8: {  	_ =	swait.ge [sflag:s8], $0xFA0  }
0xa9: {  	[sflag:s8] =	ssyncset.done $0x0  }
0xaa: {  	s13 =	sadd.s32 $0x580, s6;
	[sflag:s8] =	ssyncadd.s32 $0xFFFFF060  }
0xab: {  	[tilespmem:s23], [sflag:$0x4] =	stream.indirect.gather [spmem:s4], $0x20, s13, s16, $0xb8;
	[tilespmem:$0x16B20] =	vst v63  }
0xac: {  	_ =	swait.ge [sflag:s9], $0xFA0  }
0xad: {  	[sflag:s9] =	ssyncset.done $0x0  }
0xae: {  	s13 =	sadd.s32 $0x600, s6;
	[sflag:s9] =	ssyncadd.s32 $0xFFFFF060  }
0xaf: {  	[tilespmem:s25], [sflag:$0x5] =	stream.indirect.gather [spmem:s4], $0x20, s13, s16, $0xb8;
	[tilespmem:$0x16B20] =	vst v63  }
0xb0: {  	_ =	swait.ge [sflag:s10], $0xFA0  }
0xb1: {  	[sflag:s10] =	ssyncset.done $0x0  }
0xb2: {  	s13 =	sadd.s32 $0x680, s6;
	[sflag:s10] =	ssyncadd.s32 $0xFFFFF060  }
0xb3: {  	[tilespmem:s28], [sflag:$0x6] =	stream.indirect.gather [spmem:s4], $0x20, s13, s16, $0xb8;
	[tilespmem:$0x16B20] =	vst v63  }
0xb4: {  	_ =	swait.ge [sflag:s11], $0xFA0  }
0xb5: {  	[sflag:s11] =	ssyncset.done $0x0  }
.Ltmp0:
0xb6: {  	s13 =	sadd.s32 $0x700, s6;
	[sflag:s11] =	ssyncadd.s32 $0xFFFFF060;
	(pc) =	sbr.rel @p0 .LBB2_2-.Ltmp0, $4  }
0xb7: {  	[tilespmem:s30], [sflag:$0x7] =	stream.indirect.gather [spmem:s4], $0x20, s13, s16, $0xb8;
	[tilespmem:$0x16B20] =	vst v63  }
0xb8: {  	_ =	swait.ge [sflag:s14], $0xFA0  }
0xb9: {  	[sflag:s14] =	ssyncset.done $0x0  }
0xba: {  	s6 =	sadd.s32 $0x780, s6;
	[sflag:s14] =	ssyncadd.s32 $0xFFFFF060  }
0xbb: {  	[tilespmem:s1], [sflag:$0x8] =	stream.indirect.gather [spmem:s4], $0x20, s6, s16, $0xb8;
	[tilespmem:$0x16B20] =	vst v63  }
0xbc: {  	_ =	swait.ge [sflag:s0], $0xFA0  }
0xbd: {  	[sflag:s0] =	ssyncset.done $0x0  }
0xbe: {  	s5 =	simm.s32 $0x4C00;
	[sflag:s0] =	ssyncadd.s32 $0xFFFFF060  }
0xbf: {  	[spmem:s3] =	stream.indirect.scatter.add.bf16 [tilespmem:s17], [sflag:$0x9], $0x20, s5, s16, $0xb8;
	[tilespmem:$0x16B20] =	vst v63  }
0xc0: {  	_ =	swait.ge [sflag:s2], $0xFA0  }
0xc1: {  	[sflag:s2] =	ssyncset.done $0x0  }
0xc2: {  	s13 =	simm.s32 $0x4C80;
	[sflag:s2] =	ssyncadd.s32 $0xFFFFF060  }
0xc3: {  	[spmem:s3] =	stream.indirect.scatter.add.bf16 [tilespmem:s19], [sflag:$0xA], $0x20, s13, s16, $0xb8;
	[tilespmem:$0x16B20] =	vst v63  }
0xc4: {  	_ =	swait.ge [sflag:s15], $0xFA0  }
0xc5: {  	[sflag:s15] =	ssyncset.done $0x0  }
0xc6: {  	s6 =	simm.s32 $0x4D00;
	[sflag:s15] =	ssyncadd.s32 $0xFFFFF060  }
0xc7: {  	[spmem:s3] =	stream.indirect.scatter.add.bf16 [tilespmem:s21], [sflag:$0xB], $0x20, s6, s16, $0xb8;
	[tilespmem:$0x16B20] =	vst v63  }
0xc8: {  	_ =	swait.ge [sflag:s18], $0xFA0  }
0xc9: {  	[sflag:s18] =	ssyncset.done $0x0  }
0xca: {  	s12 =	simm.s32 $0x4D80;
	[sflag:s18] =	ssyncadd.s32 $0xFFFFF060  }
0xcb: {  	[spmem:s3] =	stream.indirect.scatter.add.bf16 [tilespmem:s23], [sflag:$0xC], $0x20, s12, s16, $0xb8;
	[tilespmem:$0x16B20] =	vst v63  }
0xcc: {  	_ =	swait.ge [sflag:s20], $0xFA0  }
0xcd: {  	[sflag:s20] =	ssyncset.done $0x0  }
0xce: {  	s13 =	simm.s32 $0x4E00;
	[sflag:s20] =	ssyncadd.s32 $0xFFFFF060  }
0xcf: {  	[spmem:s3] =	stream.indirect.scatter.add.bf16 [tilespmem:s25], [sflag:$0xD], $0x20, s13, s16, $0xb8;
	[tilespmem:$0x16B20] =	vst v63  }
0xd0: {  	_ =	swait.ge [sflag:s22], $0xFA0  }
0xd1: {  	[sflag:s22] =	ssyncset.done $0x0  }
0xd2: {  	s6 =	simm.s32 $0x4E80;
	[sflag:s22] =	ssyncadd.s32 $0xFFFFF060  }
0xd3: {  	[spmem:s3] =	stream.indirect.scatter.add.bf16 [tilespmem:s28], [sflag:$0xE], $0x20, s6, s16, $0xb8;
	[tilespmem:$0x16B20] =	vst v63  }
0xd4: {  	_ =	swait.ge [sflag:s24], $0xFA0  }
0xd5: {  	[sflag:s24] =	ssyncset.done $0x0  }
0xd6: {  	s12 =	simm.s32 $0x4F00;
	[sflag:s24] =	ssyncadd.s32 $0xFFFFF060  }
0xd7: {  	[spmem:s3] =	stream.indirect.scatter.add.bf16 [tilespmem:s30], [sflag:$0xF], $0x20, s12, s16, $0xb8;
	[tilespmem:$0x16B20] =	vst v63  }
0xd8: {  	_ =	swait.ge [sflag:s26], $0xFA0  }
0xd9: {  	[sflag:s26] =	ssyncset.done $0x0  }
0xda: {  	s13 =	simm.s32 $0x4F80;
	[sflag:s26] =	ssyncadd.s32 $0xFFFFF060  }
0xdb: {  	[spmem:s3] =	stream.indirect.scatter.add.bf16 [tilespmem:s1], [sflag:$0x10], $0x20, s13, s16, $0xb8;
	[tilespmem:$0x16B20] =	vst v63  }
0xdc: {  	_ =	swait.ge [sflag:s29], $0xFA0  }
0xdd: {  	[sflag:s29] =	ssyncset.done $0x0  }
0xde: {  	[sflag:s29] =	ssyncadd.s32 $0xFFFFF060  }
0xdf: {  	_ =	swait.ge [sflag:s31], $0xFA0  }
0xe0: {  	[sflag:s31] =	ssyncset.done $0x0  }
0xe1: {  	[sflag:s31] =	ssyncadd.s32 $0xFFFFF060  }
0xe2: {  	_ =	swait.ge [sflag:s7], $0xFA0  }
0xe3: {  	[sflag:s7] =	ssyncset.done $0x0  }
0xe4: {  	[sflag:s7] =	ssyncadd.s32 $0xFFFFF060  }
0xe5: {  	_ =	swait.ge [sflag:s8], $0xFA0  }
0xe6: {  	[sflag:s8] =	ssyncset.done $0x0  }
0xe7: {  	[sflag:s8] =	ssyncadd.s32 $0xFFFFF060  }
0xe8: {  	_ =	swait.ge [sflag:s9], $0xFA0  }
0xe9: {  	[sflag:s9] =	ssyncset.done $0x0  }
0xea: {  	[sflag:s9] =	ssyncadd.s32 $0xFFFFF060  }
0xeb: {  	_ =	swait.ge [sflag:s10], $0xFA0  }
0xec: {  	[sflag:s10] =	ssyncset.done $0x0  }
0xed: {  	[sflag:s10] =	ssyncadd.s32 $0xFFFFF060  }
0xee: {  	_ =	swait.ge [sflag:s11], $0xFA0  }
0xef: {  	[sflag:s11] =	ssyncset.done $0x0  }
0xf0: {  	[sflag:s11] =	ssyncadd.s32 $0xFFFFF060  }
0xf1: {  	_ =	swait.ge [sflag:s14], $0xFA0  }
0xf2: {  	[sflag:s14] =	ssyncset.done $0x0  }
0xf3: {  	[sflag:s14] =	ssyncadd.s32 $0xFFFFF060  }
0xf4: {  	[bflag:$0x0] =	sbarrier.arrive $0xFFFF  }
0xf5: {  	s6 =	rddreg [dreg:$0x5]  }
0xf6: {  	s13 =	rddreg [dreg:$0x9]  }
0xf7: {  	s5 =	simm.s32 $0x11;
	s12 =	rddreg [dreg:$0xb]  }
0xf8: {  	[hbm:s13], [sflag:s6] =	dma.local [spmem:s12], $0xA00  }
0xf9: {  	_ =	swait.ge [sflag:s5], $0xA00  }
0xfa: {  	s13 =	rddreg [dreg:$0xd]  }
0xfb: {  	s6 =	rddreg [dreg:$0xa];
	s13 =	sadd.s32 $0x1, s13  }
0xfc: {  	p0 =	sne.s32 s13, s6  }
.Ltmp1:
0xfd: {  	_ = 	snop;
	(pc) =	sbr.rel @p0 .LBB2_1-.Ltmp1, $3  }
0xfe: {  	_ =	sdelay $0x1  }
0xff: {  	[sflag:s5] =	ssyncset.done $0x0;
	[dreg:$0xd] =	wrdreg s13  }
0x100: {  	[sflag:s5] =	ssyncadd.s32 $0xFFFFF600;
	s13 =	smov.u32 s12;
	s12 =	rddreg [dreg:$0x5]  }
0x101: {  	_ =	sfence.sel $0x180000  }
0x102: {  	[bflag:$0x0] =	sbarrier.arrive $0xFFFF  }
0x103: {  	_ =	strace $0x9000004A  }
0x104: {  	s0 =	stileid.u32;
	[bflag:$0x2] =	sbarrier.arrive $0xFFFF  }
0x105: {  	p0 =	sne.s32 s0, $0x0;
	s0 =	rddreg [dreg:$0x4]  }
0x106: {  	s0 =	sadd.s32 @!p0 $0x100000, s0  }
0x107: {  	[sflag:s0] =	ssyncadd.tile.s32 @!p0 $0x1;
	_ =	shalt  }
.Lfunc_end2:
_tile_overlayer_lowered:
.L_overlay_start_2:
0x108: {  	(tag) =	ssettag $0x2  }
0x109: {  	s0 =	rddreg [dreg:$0x0];
	s2 =	stileid.u32  }
0x10a: {  	s1 =	rddreg [dreg:$0x1];
	p0 =	sne.s32 s2, $0x0  }
0x10b: {  	s3 =	rddreg [dreg:$0x2];
	[bflag:$0x3] =	sbarrier.arrive $0xFFFF;
	s2 =	simm.s32 @!p0 $0x1C11  }
0x10c: {  	[timem:s3], [sflag:s2] =	dma.local @!p0 [hbm:s0], s1  }
0x10d: {  	s0 =	simm.s32 @!p0 $0x11  }
0x10e: {  	_ =	swait.ge @!p0 [sflag:s0], s1  }
0x10f: {  	s1 =	ssub.s32 @!p0 $0x0, s1;
	[sflag:s0] =	ssyncset.done @!p0 $0x0  }
0x110: {  	[sflag:s0] =	ssyncadd.s32 @!p0 s1  }
0x111: {  	[bflag:$0x3] =	sbarrier.arrive $0xFFFF  }
0x112: {  	_ =	shalt  }

// kernel: kernel.7.cloned.1.call-start
scs
__scs_entry_jumppad:
0x0: {  	(pc) =	sbr.rel $0x88, $3  }
0x1: {  	(tag) =	ssettag $0x0;
	lr =	simm.s32 $0x1  }
0x2: {  	[smem:$0x3F99] =	sst lr;
	_ =	strace $0xD0000000  }
0x3: {  	_ = 	snop  }
0x4: {  	_ = 	snop  }
0x5: {  	_ = 	snop  }
0x6: {  	_ = 	snop  }
0x7: {  	_ = 	snop  }
__scs_overlays_trampoline_lowered:
0x8: {  	[smem:$0x3FA8] =	sst s0  }
0x9: {  	[smem:$0x3FA9] =	sst s1  }
0xa: {  	[smem:$0x3FAA] =	sst s2  }
0xb: {  	[smem:$0x3FAB] =	sst s3  }
0xc: {  	[smem:$0x3FAC] =	sst s4  }
0xd: {  	[smem:$0x3FAD] =	sst s5  }
0xe: {  	[smem:$0x3FAE] =	sst s6  }
0xf: {  	[smem:$0x3FAF] =	sst s7  }
0x10: {  	[smem:$0x3FB0] =	sst s8  }
0x11: {  	[smem:$0x3FB1] =	sst s9;
	s0 =	simm.s32 @!p0 $0x0  }
0x12: {  	s1 =	sld [smem:$0x3F97];
	s0 =	simm.s32 @p0 $0x1  }
0x13: {  	[smem:$0x3FB2] =	sst s0;
	s0 =	simm.s32 @!p1 $0x0  }
0x14: {  	s2 =	sld [smem:$0x3F96];
	s0 =	simm.s32 @p1 $0x1  }
0x15: {  	[smem:$0x3FB3] =	sst s0;
	s0 =	simm.s32 @!p2 $0x0  }
0x16: {  	s3 =	sld [smem:$0x3FDB];
	s0 =	simm.s32 @p2 $0x1  }
0x17: {  	s4 =	simm.s32 $0x1BF5;
	[smem:$0x3FB5] =	sst s0  }
0x18: {  	s0 =	sld [smem:$0x3F98];
	_ =	swait.ge [sflag:s4], $0x0  }
0x19: {  	s7 =	sld [smem:$0x3F99]  }
0x1a: {  	s8 =	sadd.s32 $0xFFFFE003, lr  }
0x1b: {  	s9 =	sadd.s32 $0xFFFFFEF7, lr;
	s5 =	simm.s32 $0xFFFFFFFF;
	p2 =	slt.u32 s8, $0xFFFFF086  }
0x1c: {  	p1 =	slt.u32 s9, $0xF7A;
	s5 =	simm.s32 @!p2 $0x0  }
0x1d: {  	s5 =	simm.s32 @p1 $0x1;
	p0 =	seq.s32 s7, s2  }
0x1e: {  	s7 =	smul.u32 @!p0 $0xF7A, s2;
	p2 =	seq.s32 @!p0 s5, $0x0  }
0x1f: {  	s9 =	smul.u32 $0xF7A, s1;
	s8 =	simm.s32 @!p0 $0x1BF5;
	p2 =	por !p2, p0  }
0x20: {  	[sflag:s8] =	ssyncset.s32 @!p0 $0xFFFFF086;
	s6 =	sadd.s32 @!p0 s3, s7;
	s7 =	simm.s32 @!p0 $0x108  }
0x21: {  	s3 =	sadd.s32 s3, s9;
	s6 =	sadd.s32 @!p0 $0x88, s6;
	s7 =	simm.s32 @p2 $0x1082  }
0x22: {  	[simem:s7], [sflag:s8] =	dma.local @!p0 [hbm:s6], $0xF7A  }
0x23: {  	s9 =	sor.u32 $0xD0000000, s2;
	s6 =	simm.s32 $0x108;
	_ =	swait.ge @!p0 [sflag:s8], $0x0  }
0x24: {  	s3 =	sadd.s32 $0x88, s3;
	s6 =	simm.s32 @!p1 $0x1082;
	[sflag:s4] =	ssyncset.s32 $0xFFFFF086  }
0x25: {  	[simem:s6], [sflag:s4] =	dma.local [hbm:s3], $0xF7A  }
0x26: {  	[smem:$0x3F99] =	sst s1;
	(tag) =	ssettag s2;
	_ =	strace s9  }
0x27: {  	s1 =	sld [smem:$0x3FA9]  }
0x28: {  	s2 =	sld [smem:$0x3FAA]  }
0x29: {  	s4 =	sld [smem:$0x3FAC]  }
0x2a: {  	p0 =	seq.s32 s5, $0x0;
	s5 =	sld [smem:$0x3FAD]  }
0x2b: {  	s6 =	sld [smem:$0x3FAE]  }
0x2c: {  	s7 =	sld [smem:$0x3FAF]  }
0x2d: {  	s3 =	simm.s32 $0x108;
	s8 =	sld [smem:$0x3FB0]  }
0x2e: {  	s3 =	simm.s32 @!p0 $0x1082;
	s9 =	sld [smem:$0x3FB1]  }
0x2f: {  	lr =	sadd.s32 s0, s3;
	s0 =	sld [smem:$0x3FA8]  }
0x30: {  	s3 =	sld [smem:$0x3FAB]  }
0x31: {  	[smem:$0x3FB4] =	sst s10  }
0x32: {  	s10 =	sld [smem:$0x3FB2];
	_ =	sdelay $0x3  }
0x33: {  	p0 =	seq.s32 s10, $0x1;
	s10 =	sld [smem:$0x3FB4];
	_ =	sdelay $0x3  }
0x34: {  	[smem:$0x3FB4] =	sst s10  }
0x35: {  	s10 =	sld [smem:$0x3FB3];
	_ =	sdelay $0x3  }
0x36: {  	p1 =	seq.s32 s10, $0x1;
	s10 =	sld [smem:$0x3FB4];
	_ =	sdelay $0x3  }
0x37: {  	[smem:$0x3FB4] =	sst s10  }
0x38: {  	s10 =	sld [smem:$0x3FB5]  }
0x39: {  	_ = 	snop;
	(pc) =	sbr.ind lr, $3  }
0x3a: {  	_ = 	snop  }
0x3b: {  	_ = 	snop  }
0x3c: {  	p2 =	seq.s32 s10, $0x1;
	s10 =	sld [smem:$0x3FB4]  }
0x3d: {  	_ =	shalt  }
0x3e: {  	_ =	shalt  }
0x3f: {  	_ =	shalt  }
0x40: {  	_ =	shalt  }
0x41: {  	_ =	shalt  }
0x42: {  	_ =	shalt  }
0x43: {  	_ =	shalt  }
0x44: {  	_ =	shalt  }
0x45: {  	_ =	shalt  }
0x46: {  	_ =	shalt  }
0x47: {  	_ =	shalt  }
0x48: {  	_ =	shalt  }
0x49: {  	_ =	shalt  }
0x4a: {  	_ =	shalt  }
0x4b: {  	_ =	shalt  }
0x4c: {  	_ =	shalt  }
0x4d: {  	_ =	shalt  }
0x4e: {  	_ =	shalt  }
0x4f: {  	_ =	shalt  }
0x50: {  	_ =	shalt  }
0x51: {  	_ =	shalt  }
0x52: {  	_ =	shalt  }
0x53: {  	_ =	shalt  }
0x54: {  	_ =	shalt  }
0x55: {  	_ =	shalt  }
0x56: {  	_ =	shalt  }
0x57: {  	_ =	shalt  }
0x58: {  	_ =	shalt  }
0x59: {  	_ =	shalt  }
0x5a: {  	_ =	shalt  }
0x5b: {  	_ =	shalt  }
0x5c: {  	_ =	shalt  }
0x5d: {  	_ =	shalt  }
0x5e: {  	_ =	shalt  }
0x5f: {  	_ =	shalt  }
0x60: {  	_ =	shalt  }
0x61: {  	_ =	shalt  }
0x62: {  	_ =	shalt  }
0x63: {  	_ =	shalt  }
0x64: {  	_ =	shalt  }
0x65: {  	_ =	shalt  }
0x66: {  	_ =	shalt  }
0x67: {  	_ =	shalt  }
0x68: {  	_ =	shalt  }
0x69: {  	_ =	shalt  }
0x6a: {  	_ =	shalt  }
0x6b: {  	_ =	shalt  }
0x6c: {  	_ =	shalt  }
0x6d: {  	_ =	shalt  }
0x6e: {  	_ =	shalt  }
0x6f: {  	_ =	shalt  }
0x70: {  	_ =	shalt  }
0x71: {  	_ =	shalt  }
0x72: {  	_ =	shalt  }
0x73: {  	_ =	shalt  }
0x74: {  	_ =	shalt  }
0x75: {  	_ =	shalt  }
0x76: {  	_ =	shalt  }
0x77: {  	_ =	shalt  }
0x78: {  	_ =	shalt  }
0x79: {  	_ =	shalt  }
0x7a: {  	_ =	shalt  }
0x7b: {  	_ =	shalt  }
0x7c: {  	_ =	shalt  }
0x7d: {  	_ =	shalt  }
0x7e: {  	_ =	shalt  }
0x7f: {  	_ =	shalt  }
0x80: {  	_ =	shalt  }
0x81: {  	_ =	shalt  }
0x82: {  	_ =	shalt  }
0x83: {  	_ =	shalt  }
0x84: {  	_ =	shalt  }
0x85: {  	_ =	shalt  }
0x86: {  	_ =	shalt  }
0x87: {  	_ =	shalt  }
.Lfunc_end0:
.L_simem_size_0:
called_computation_lowered:
.L_overlay_start_0:
0x88: {  	s2 =	sld [smem:$0x3FD9]  }
0x89: {  	s3 =	sld [smem:$0x3FFE];
	_ =	sdelay $0x1  }
0x8a: {  	s1 =	srdreg.scid  }
0x8b: {  	s0 =	sand.u32 $0x1, s1  }
0x8c: {  	s17 =	sshll.u32 s0, $0xA;
	s2 =	sadd.s32 s3, s2  }
0x8d: {  	s2 =	sadd.s32 s2, s17  }
0x8e: {  	[smem:$0x3FC0] =	sst s2  }
0x8f: {  	_ = 	snop  }
0x90: {  	s2 =	sld [smem:$0x3FD0];
	(tm) =	ssettm $0x1  }
0x91: {  	s18 =	sld [smem:$0x3FFB];
	_ =	sdelay $0x3  }
0x92: {  	_ =	strace s18  }
0x93: {  	s3 =	sld [smem:$0x3FFC];
	_ =	sdelay $0x3  }
0x94: {  	_ =	strace s3  }
0x95: {  	s3 =	sld [smem:$0x3FFD];
	_ =	sdelay $0x3  }
0x96: {  	_ =	strace s3  }
0x97: {  	_ =	strace $0x8FFFFFFF  }
0x98: {  	s19 =	sld [smem:$0x3FDB];
	_ =	sdelay $0x1  }
0x99: {  	s4 =	simm.s32 $_scs_section_size  }
0x9a: {  	s5 =	simm.s32 $_size__tile_overlayer_lowered;
	s6 =	simm.s32 $_tile_overlayer_lowered  }
0x9b: {  	s22 =	simm.s32 $0x1BFF;
	s21 =	sshll.u32 s6, $0x1;
	s3 =	sadd.s32 s4, s19  }
0x9c: {  	s7 =	simm.s32 $0x0;
	s20 =	sshll.u32 s5, $0x1;
	s5 =	sadd.s32 s21, s3  }
0x9d: {  	[timem:s7], [sflag:s22] =	dma.local [hbm:s5], s20  }
0x9e: {  	_ =	swait.ge [sflag:s22], s20  }
0x9f: {  	s4 =	ssub.s32 $0x0, s20;
	[sflag:s22] =	ssyncset.done $0x0  }
0xa0: {  	[sflag:s22] =	ssyncadd.s32 s4;
	_ =	sdelay $0x1  }
0xa1: {  	s23 =	simm.s32 $0x1B8B  }
0xa2: {  	_ =	swait.ge [sflag:s23], $0x1  }
0xa3: {  	[sflag:s23] =	ssyncset.done $0x0  }
0xa4: {  	s25 =	simm.s32 $0x1B8E;
	s24 =	sld [smem:$0x3FFE];
	[sflag:s23] =	ssyncadd.s32 $0xFFFFFFFF  }
0xa5: {  	s26 =	simm.s32 $execute0_lowered;
	[smem:$0x3FD2] =	sst s25  }
0xa6: {  	s5 =	sshll.u32 s26, $0x1;
	_ =	strace $0x80000046;
	[dreg:$0x1] =	wrdreg $0xFFFFFFFF  }
0xa7: {  	s28 =	simm.s32 $_size_execute0_lowered;
	s3 =	sadd.s32 s3, s5;
	[dreg:$0x0] =	wrdreg $0x0  }
0xa8: {  	s5 =	sshll.u32 s28, $0x1;
	[dreg:$0x2] =	wrdreg s3  }
0xa9: {  	[dreg:$0x3] =	wrdreg s5  }
0xaa: {  	[dreg:$0x4] =	wrdreg $0xC0  }
0xab: {  	_ =	task [dreg:s7], $0x5FFFF  }
0xac: {  	[dreg:$0x1] =	wrdreg $0xFFFFFFFF  }
0xad: {  	[dreg:$0x0] =	wrdreg $0x60  }
0xae: {  	[dreg:$0x2] =	wrdreg s24  }
0xaf: {  	[dreg:$0x3] =	wrdreg s2  }
0xb0: {  	[dreg:$0x4] =	wrdreg $0x122800  }
0xb1: {  	[dreg:$0x5] =	wrdreg $0x175000  }
0xb2: {  	[dreg:$0x6] =	wrdreg $0x125000  }
0xb3: {  	[dreg:$0x7] =	wrdreg $0x9  }
0xb4: {  	_ =	task.clear_ibuf [dreg:s7], $0x8FFFF;
	_ =	strace $0x90000046  }
0xb5: {  	s29 =	simm.s32 $0x9;
	_ =	strace $0x80000048  }
0xb6: {  	_ =	swait.ge [sflag:s29], $0x1  }
0xb7: {  	[sflag:s29] =	ssyncadd.s32 $0xFFFFFFFF  }
0xb8: {  	_ =	strace $0x90000048  }
0xb9: {  	_ =	sfence  }
0xba: {  	s30 =	sld [smem:$0x0];
	_ =	sdelay $0x2  }
0xbb: {  	s31 =	sshll.u32 s1, $0xD;
	s1 =	sshrl.u32 s1, $0x2  }
0xbc: {  	s3 =	sand.u32 $0x4000, s31;
	s1 =	sadd.s32 s1, s30  }
0xbd: {  	s0 =	sor.u32 s3, s0;
	s1 =	sshll.u32 s1, $0x11  }
0xbe: {  	s0 =	sor.u32 s1, s0  }
0xbf: {  	s0 =	sadd.s32 $0x8F2B, s0  }
0xc0: {  	[sflag:s0] =	ssyncadd.remote.s32 $0x1  }
0xc1: {  	_ =	sfence.sel $0xFFFF  }
0xc2: {  	[dreg:$0x0] =	wrdreg $0xFFFFFFFF;
	(pc) =	sbr.abs _section_cstart, $3  }
0xc3: {  	[dreg:$0x1] =	wrdreg $0xFFFFFFFF  }
0xc4: {  	_ =	task.clear_ibuf [dreg:s7], $0x2FFFF;
	_ =	strace $0x9FFFFFFF  }
0xc5: {  	(tm) =	ssettm $0x7FFFFFFF  }
tec
execute0_lowered:
.L_overlay_start_1:
0x0: {  	(tag) =	ssettag $0x1  }
0x1: {  	s0 =	rddreg [dreg:$0x0]  }
0x2: {  	s1 =	srdreg.scid;
	s26 =	rddreg [dreg:$0x2]  }
0x3: {  	s13 =	stileid.u32;
	s4 =	rddreg [dreg:$0x3]  }
0x4: {  	s5 =	rddreg [dreg:$0x4];
	s7 =	simm.s32 $0x0;
	s30 =	simm.s32 $0x6FC0  }
0x5: {  	s29 =	simm.s32 $0x9EA0;
	s31 =	simm.s32 $0xBDE0;
	s28 =	simm.s32 $0xF  }
0x6: {  	s1 =	sand.u32 $0x1, s1;
	s2 =	sshll.u32 s13, $0x1;
	s3 =	smul.u32 $0xA000, s13  }
0x7: {  	[smem:$0x7FF] =	sst s7;
	s23 =	smul.u32 $0x280, s13;
	s11 =	sadd.s32 $0x1E00, s0  }
0x8: {  	s12 =	sadd.s32 $0x1FC00, s0;
	s14 =	sshll.u32 s13, $0x6;
	s15 =	smul.u32 $0x5000, s13  }
0x9: {  	s16 =	smul.u32 $0xA00, s13;
	p0 =	seq.s32 s13, $0xF;
	s13 =	simm.s32 $0x4  }
0xa: {  	s2 =	sor.u32 s1, s2;
	s6 =	smul.u32 $0xA0000, s1;
	_ =	strace $0x80000047  }
0xb: {  	s9 =	smul.u32 $0x2800, s1;
	[dreg:$0x6] =	wrdreg s12;
	s1 =	ssub.s32 $0x2, s1  }
0xc: {  	s22 =	sor.u32 $0x1C12, s14;
	s12 =	simm.s32 $0x3;
	s2 =	smul.u32 $0x500, s2  }
0xd: {  	s8 =	sshrl.u32 s3, $0x4;
	s24 =	sshrl.u32 s1, $0x1;
	s25 =	sadd.s32 s23, s26  }
0xe: {  	s7 =	sshrl.u32 s15, $0x3;
	s17 =	sadd.s32 s11, s16;
	s15 =	simm.s32 $0x6  }
0xf: {  	s16 =	simm.s32 $0x7;
	[dreg:$0x8] =	wrdreg s22;
	s8 =	sadd.s32 s8, s0  }
0x10: {  	s6 =	sadd.s32 s3, s6;
	s9 =	sadd.s32 s23, s9;
	s1 =	ssub.s32 s1, s24  }
0x11: {  	s3 =	sshrl.u32 s3, $0x1;
	[dreg:$0xd] =	wrdreg s17;
	s18 =	sadd.s32 s11, s7  }
0x12: {  	[dreg:$0x7] =	wrdreg s25;
	s25 =	sshrl.u32 s25, $0x3;
	s7 =	simm.s32 $0xAE40  }
0x13: {  	s17 =	simm.s32 $0x8;
	s10 =	sadd.s32 s2, s0;
	s6 =	sshrl.u32 s6, $0x4  }
0x14: {  	s9 =	sshrl.u32 s9, $0x3;
	s14 =	sadd.s32 s3, s4;
	s3 =	sadd.s32 s3, s5  }
0x15: {  	s8 =	sadd.s32 $0x15E00, s8;
	s20 =	sadd.s32 s11, s2;
	[dreg:$0x14] =	wrdreg s25  }
0x16: {  	s24 =	smax.u32 s1, $0x1;
	s1 =	simm.s32 $0x6020;
	[dreg:$0x9] =	wrdreg s14  }
0x17: {  	s11 =	simm.s32 $0x10;
	s2 =	simm.s32 $0x0;
	[dreg:$0xa] =	wrdreg s3  }
0x18: {  	s6 =	sadd.s32 s6, s0;
	s9 =	sadd.s32 s9, s0;
	[dreg:$0xb] =	wrdreg s8  }
0x19: {  	s8 =	sadd.s32 $0x4B000, s5;
	s0 =	sadd.s32 $0x1F400, s0;
	[dreg:$0x10] =	wrdreg s20  }
0x1a: {  	s19 =	sadd.s32 $0xBE00, s10;
	[dreg:$0x13] =	wrdreg s24;
	s24 =	simm.s32 $0x7D  }
0x1b: {  	s10 =	simm.s32 $0x2;
	s14 =	simm.s32 $0x5;
	[dreg:$0xc] =	wrdreg s0  }
0x1c: {  	s20 =	simm.s32 $0xB;
	s0 =	sadd.s32 $0x500, s18;
	[dreg:$0xf] =	wrdreg s19  }
0x1d: {  	s21 =	sadd.s32 $0x1FE00, s9;
	s23 =	sadd.s32 $0x20800, s6;
	[dreg:$0xe] =	wrdreg s0  }
0x1e: {  	s6 =	simm.s32 $0x8F00;
	s18 =	simm.s32 $0x9;
	[dreg:$0x11] =	wrdreg s21  }
0x1f: {  	s19 =	simm.s32 $0xA;
	s9 =	simm.s32 $0x11;
	[dreg:$0x12] =	wrdreg s23  }
0x20: {  	s0 =	sshrl.u32 @p0 s8, $0x3;
	s21 =	simm.s32 $0xC;
	s23 =	simm.s32 $0xD  }
0x21: {  	v0 =	vimm.f32 $1.000000000e+00;
	s8 =	simm.s32 $0xE;
	[dreg:$0x15] =	wrdreg s0;
	s0 =	simm.s32 $0x7F60  }
.LBB2_1:
0x22: {  	[tilespmem:$0x5000] =	vst v0  }
0x23: {  	[tilespmem:$0x5010] =	vst v0  }
0x24: {  	[tilespmem:$0x5020] =	vst v0  }
0x25: {  	[tilespmem:$0x5030] =	vst v0  }
0x26: {  	[tilespmem:$0x5040] =	vst v0  }
0x27: {  	[dreg:$0x16] =	wrdreg s2;
	[tilespmem:$0x5050] =	vst v0  }
0x28: {  	[tilespmem:$0x5060] =	vst v0;
	s3 =	rddreg [dreg:$0x6]  }
0x29: {  	[tilespmem:$0x5070] =	vst v0;
	s25 =	rddreg [dreg:$0x14]  }
0x2a: {  	[spmem:s25], [sflag:s22] =	dma.local [hbm:s3], $0x50  }
0x2b: {  	s25 =	simm.s32 $0x12  }
0x2c: {  	_ =	swait.ge [sflag:s25], $0x50  }
0x2d: {  	[sflag:s25] =	ssyncset.done $0x0  }
0x2e: {  	s2 =	rddreg [dreg:$0x9];
	[sflag:s25] =	ssyncadd.s32 $0xFFFFFFB0  }
0x2f: {  	s2 =	sshrl.u32 s2, $0x3;
	s3 =	rddreg [dreg:$0x1]  }
0x30: {  	[dreg:$0x17] =	wrdreg s2  }
0x31: {  	[spmem:s2], [sflag:s22] =	dma.local [hbm:s3], $0xA00  }
0x32: {  	_ =	swait.ge [sflag:s25], $0xA00  }
0x33: {  	[sflag:s25] =	ssyncset.done $0x0;
	s3 =	rddreg [dreg:$0xc]  }
0x34: {  	[sflag:s25] =	ssyncadd.s32 $0xFFFFF600;
	s25 =	rddreg [dreg:$0x15]  }
0x35: {  	[spmem:s25], [sflag:s22] =	dma.local @p0 [hbm:s3], $0x640  }
0x36: {  	s3 =	simm.s32 @p0 $0x12  }
0x37: {  	_ =	swait.ge @p0 [sflag:s3], $0x640  }
0x38: {  	[sflag:s3] =	ssyncset.done @p0 $0x0  }
0x39: {  	[sflag:s3] =	ssyncadd.s32 @p0 $0xFFFFF9C0;
	s3 =	rddreg [dreg:$0xa]  }
0x3a: {  	s25 =	rddreg [dreg:$0xb];
	s3 =	sshrl.u32 @!p0 s3, $0x3  }
0x3b: {  	[spmem:s3], [sflag:s22] =	dma.local @!p0 [hbm:s25], $0xA00  }
0x3c: {  	s3 =	simm.s32 @!p0 $0x12  }
0x3d: {  	_ =	swait.ge @!p0 [sflag:s3], $0xA00  }
0x3e: {  	[sflag:s3] =	ssyncset.done @!p0 $0x0  }
0x3f: {  	[sflag:s3] =	ssyncadd.s32 @!p0 $0xFFFFF600  }
0x40: {  	s2 =	simm.s32 $0x12;
	[bflag:$0x0] =	sbarrier.arrive $0xFFFF  }
0x41: {  	s25 =	simm.s32 $0x2800;
	s3 =	simm.s32 $0x0;
	s22 =	rddreg [dreg:$0xd]  }
0x42: {  	[tilespmem:s25], [sflag:$0x12] =	stream.linear.gather [hbm4b:s22+s3], $0x2800, $0x38;
	[tilespmem:$0x1C500] =	vst v63  }
0x43: {  	_ =	swait.ge [sflag:s2], $0x2800  }
0x44: {  	[sflag:s2] =	ssyncset.done $0x0  }
0x45: {  	p1 =	por $0x1, $0x1;
	[sflag:s2] =	ssyncadd.s32 $0xFFFFD800;
	s2 =	simm.s32 $0x5000  }
0x46: {  	[spmem:s26] =	stream.indirect.scatter.add.f32 [tilespmem:s2], [sflag:$0x1], $0x1, s25, s24, $0xb8;
	[tilespmem:$0x1C500] =	vst v63  }
0x47: {  	s25 =	simm.s32 @!p1 $0x1  }
0x48: {  	_ =	swait.ge @!p1 [sflag:s25], $0x7D  }
0x49: {  	s3 =	simm.s32 $0x1;
	s22 =	simm.s32 $0x2800;
	[sflag:s25] =	ssyncset.done @!p1 $0x0  }
.LBB2_2:
0x4a: {  	[sflag:s25] =	ssyncadd.s32 @!p1 $0xFFFFFF83  }
0x4b: {  	s22 =	sadd.s32 $0x80, s22;
	s25 =	smov.u32 s3;
	s3 =	sadd.s32 $0x1, s3  }
0x4c: {  	p2 =	sne.s32 s3, $0x50  }
0x4d: {  	[spmem:s26] =	stream.indirect.scatter.add.f32 [tilespmem:s2], [sflag:$0x1], $0x1, s22, s24, $0xb8;
	[tilespmem:$0x1C500] =	vst v63  }
.Ltmp0:
0x4e: {  	_ = 	snop;
	(pc) =	sbr.rel @p2 .LBB2_2-.Ltmp0, $4  }
0x4f: {  	p1 =	slt.u32 s25, $0x8  }
0x50: {  	s25 =	simm.s32 @!p1 $0x1  }
0x51: {  	_ =	swait.ge @!p1 [sflag:s25], $0x7D  }
0x52: {  	[sflag:s25] =	ssyncset.done @!p1 $0x0  }
0x53: {  	[sflag:s25] =	ssyncadd.s32 @!p1 $0xFFFFFF83;
	s3 =	simm.s32 $0x1  }
0x54: {  	_ =	swait.ge [sflag:s3], $0x7D  }
0x55: {  	[sflag:s3] =	ssyncset.done $0x0  }
0x56: {  	[sflag:s3] =	ssyncadd.s32 $0xFFFFFF83  }
0x57: {  	_ =	swait.ge [sflag:s3], $0x7D  }
0x58: {  	[sflag:s3] =	ssyncset.done $0x0  }
0x59: {  	[sflag:s3] =	ssyncadd.s32 $0xFFFFFF83  }
0x5a: {  	_ =	swait.ge [sflag:s3], $0x7D  }
0x5b: {  	[sflag:s3] =	ssyncset.done $0x0  }
0x5c: {  	[sflag:s3] =	ssyncadd.s32 $0xFFFFFF83  }
0x5d: {  	_ =	swait.ge [sflag:s3], $0x7D  }
0x5e: {  	[sflag:s3] =	ssyncset.done $0x0  }
0x5f: {  	[sflag:s3] =	ssyncadd.s32 $0xFFFFFF83  }
0x60: {  	_ =	swait.ge [sflag:s3], $0x7D  }
0x61: {  	[sflag:s3] =	ssyncset.done $0x0  }
0x62: {  	[sflag:s3] =	ssyncadd.s32 $0xFFFFFF83  }
0x63: {  	_ =	swait.ge [sflag:s3], $0x7D  }
0x64: {  	[sflag:s3] =	ssyncset.done $0x0  }
0x65: {  	[sflag:s3] =	ssyncadd.s32 $0xFFFFFF83  }
0x66: {  	_ =	swait.ge [sflag:s3], $0x7D  }
0x67: {  	[sflag:s3] =	ssyncset.done $0x0  }
0x68: {  	[sflag:s3] =	ssyncadd.s32 $0xFFFFFF83  }
0x69: {  	_ =	swait.ge [sflag:s3], $0x7D  }
0x6a: {  	s22 =	simm.s32 $0x0;
	[sflag:s3] =	ssyncset.done $0x0  }
0x6b: {  	s25 =	rddreg [dreg:$0xe];
	[sflag:s3] =	ssyncadd.s32 $0xFFFFFF83;
	s3 =	simm.s32 $0x2800  }
0x6c: {  	[tilespmem:s3], [sflag:$0x12] =	stream.linear.gather [hbm4b:s25+s22], $0x2800, $0x38;
	[tilespmem:$0x1C500] =	vst v63  }
0x6d: {  	s25 =	simm.s32 $0x12  }
0x6e: {  	_ =	swait.ge [sflag:s25], $0x2800  }
0x6f: {  	p1 =	por $0x1, $0x1;
	[sflag:s25] =	ssyncset.done $0x0  }
0x70: {  	[sflag:s25] =	ssyncadd.s32 $0xFFFFD800;
	s25 =	simm.s32 @!p1 $0x1  }
0x71: {  	[spmem:s26] =	stream.indirect.scatter.add.f32 [tilespmem:s2], [sflag:$0x1], $0x1, s3, s24, $0xb8;
	[tilespmem:$0x1C500] =	vst v63  }
0x72: {  	_ =	swait.ge @!p1 [sflag:s25], $0x7D  }
0x73: {  	s22 =	simm.s32 $0x1;
	[sflag:s25] =	ssyncset.done @!p1 $0x0  }
.LBB2_4:
0x74: {  	[sflag:s25] =	ssyncadd.s32 @!p1 $0xFFFFFF83  }
0x75: {  	s3 =	sadd.s32 $0x80, s3;
	s25 =	smov.u32 s22;
	s22 =	sadd.s32 $0x1, s22  }
0x76: {  	p2 =	sne.s32 s22, $0x50  }
0x77: {  	[spmem:s26] =	stream.indirect.scatter.add.f32 [tilespmem:s2], [sflag:$0x1], $0x1, s3, s24, $0xb8;
	[tilespmem:$0x1C500] =	vst v63  }
.Ltmp1:
0x78: {  	_ = 	snop;
	(pc) =	sbr.rel @p2 .LBB2_4-.Ltmp1, $4  }
0x79: {  	p1 =	slt.u32 s25, $0x8  }
0x7a: {  	s25 =	simm.s32 @!p1 $0x1  }
0x7b: {  	_ =	swait.ge @!p1 [sflag:s25], $0x7D  }
0x7c: {  	[sflag:s25] =	ssyncset.done @!p1 $0x0  }
0x7d: {  	[sflag:s25] =	ssyncadd.s32 @!p1 $0xFFFFFF83;
	s2 =	simm.s32 $0x1  }
0x7e: {  	_ =	swait.ge [sflag:s2], $0x7D  }
0x7f: {  	[sflag:s2] =	ssyncset.done $0x0  }
0x80: {  	[sflag:s2] =	ssyncadd.s32 $0xFFFFFF83  }
0x81: {  	_ =	swait.ge [sflag:s2], $0x7D  }
0x82: {  	[sflag:s2] =	ssyncset.done $0x0  }
0x83: {  	[sflag:s2] =	ssyncadd.s32 $0xFFFFFF83  }
0x84: {  	_ =	swait.ge [sflag:s2], $0x7D  }
0x85: {  	[sflag:s2] =	ssyncset.done $0x0  }
0x86: {  	[sflag:s2] =	ssyncadd.s32 $0xFFFFFF83  }
0x87: {  	_ =	swait.ge [sflag:s2], $0x7D  }
0x88: {  	[sflag:s2] =	ssyncset.done $0x0  }
0x89: {  	[sflag:s2] =	ssyncadd.s32 $0xFFFFFF83  }
0x8a: {  	_ =	swait.ge [sflag:s2], $0x7D  }
0x8b: {  	[sflag:s2] =	ssyncset.done $0x0  }
0x8c: {  	[sflag:s2] =	ssyncadd.s32 $0xFFFFFF83  }
0x8d: {  	_ =	swait.ge [sflag:s2], $0x7D  }
0x8e: {  	[sflag:s2] =	ssyncset.done $0x0  }
0x8f: {  	[sflag:s2] =	ssyncadd.s32 $0xFFFFFF83  }
0x90: {  	_ =	swait.ge [sflag:s2], $0x7D  }
0x91: {  	[sflag:s2] =	ssyncset.done $0x0  }
0x92: {  	[sflag:s2] =	ssyncadd.s32 $0xFFFFFF83  }
0x93: {  	_ =	swait.ge [sflag:s2], $0x7D  }
0x94: {  	s25 =	simm.s32 $0x0;
	[sflag:s2] =	ssyncset.done $0x0  }
0x95: {  	s22 =	simm.s32 $0x12;
	s3 =	rddreg [dreg:$0xf];
	[sflag:s2] =	ssyncadd.s32 $0xFFFFFF83  }
0x96: {  	[tilespmem:s25], [sflag:$0x12] =	stream.linear.gather [hbm4b:s3+s25], $0x2800, $0x38;
	[tilespmem:$0x1C500] =	vst v63  }
0x97: {  	_ =	swait.ge [sflag:s22], $0x2800  }
0x98: {  	[sflag:s22] =	ssyncset.done $0x0  }
0x99: {  	s26 =	simm.s32 $0x2800;
	s2 =	rddreg [dreg:$0x10];
	[sflag:s22] =	ssyncadd.s32 $0xFFFFD800  }
0x9a: {  	[tilespmem:s26], [sflag:$0x12] =	stream.linear.gather [hbm4b:s2+s25], $0x2800, $0x38;
	[tilespmem:$0x1C500] =	vst v63  }
0x9b: {  	_ =	swait.ge [sflag:s22], $0x2800  }
0x9c: {  	[sflag:s22] =	ssyncset.done $0x0  }
0x9d: {  	[sflag:s22] =	ssyncadd.s32 $0xFFFFD800  }
0x9e: {  	[bflag:$0x0] =	sbarrier.arrive $0xFFFF  }
0x9f: {  	s26 =	simm.s32 $0x11D80;
	s2 =	rddreg [dreg:$0x7]  }
0xa0: {  	[tilespmem:s26], [sflag:$0x12] =	stream.linear.gather [spmem:s2], $0x280, $0x38;
	[tilespmem:$0x1C500] =	vst v63  }
0xa1: {  	_ =	swait.ge [sflag:s22], $0x280  }
0xa2: {  	[sflag:s22] =	ssyncset.done $0x0  }
0xa3: {  	[sflag:s22] =	ssyncadd.s32 $0xFFFFFD80  }
0xa4: {  	v1 =	vld [tilespmem:$0x11D80];
	_ =	sdelay $0x3  }
0xa5: {  	v2 =	vld [tilespmem:$0x11D90]  }
0xa6: {  	v1 =	vadd.f32 $1.000000000e+00, v1;
	_ =	sdelay $0x1  }
0xa7: {  	v3 =	vshra.s32 v1, $0x1;
	v1 =	vmul.f32 $5.000000000e-01, v1  }
0xa8: {  	v3 =	vsub.s32 $0x5F3759DF, v3  }
0xa9: {  	v5 =	vld [tilespmem:$0x11DA0];
	v2 =	vadd.f32 $1.000000000e+00, v2;
	v4 =	vmul.f32 v3, v1;
	_ =	sdelay $0x1  }
0xaa: {  	v7 =	vld [tilespmem:$0x11DB0];
	v6 =	vshra.s32 v2, $0x1;
	v2 =	vmul.f32 $5.000000000e-01, v2;
	v4 =	vmul.f32 v3, v4  }
0xab: {  	v6 =	vsub.s32 $0x5F3759DF, v6  }
0xac: {  	v8 =	vmul.f32 v6, v2;
	v4 =	vsub.f32 $1.500000000e+00, v4  }
0xad: {  	v5 =	vadd.f32 $1.000000000e+00, v5  }
0xae: {  	v9 =	vld [tilespmem:$0x11DC0];
	v3 =	vmul.f32 v3, v4;
	v4 =	vmul.f32 v6, v8  }
0xaf: {  	v7 =	vadd.f32 $1.000000000e+00, v7;
	v8 =	vshra.s32 v5, $0x1;
	v5 =	vmul.f32 $5.000000000e-01, v5  }
0xb0: {  	v8 =	vsub.s32 $0x5F3759DF, v8;
	v4 =	vsub.f32 $1.500000000e+00, v4  }
0xb1: {  	v11 =	vshra.s32 v7, $0x1;
	v7 =	vmul.f32 $5.000000000e-01, v7;
	v10 =	vmul.f32 v8, v5  }
0xb2: {  	v1 =	vmul.f32 v3, v1;
	v4 =	vmul.f32 v6, v4;
	v6 =	vsub.s32 $0x5F3759DF, v11  }
0xb3: {  	v9 =	vadd.f32 $1.000000000e+00, v9;
	v10 =	vmul.f32 v8, v10;
	v11 =	vmul.f32 v6, v7  }
0xb4: {  	v1 =	vmul.f32 v1, v3;
	v2 =	vmul.f32 v4, v2  }
0xb5: {  	v12 =	vld [tilespmem:$0x11DD0];
	v13 =	vshra.s32 v9, $0x1;
	v10 =	vsub.f32 $1.500000000e+00, v10;
	v11 =	vmul.f32 v6, v11  }
0xb6: {  	v9 =	vmul.f32 $5.000000000e-01, v9;
	v1 =	vsub.f32 $1.500000000e+00, v1;
	v2 =	vmul.f32 v2, v4  }
0xb7: {  	v8 =	vmul.f32 v8, v10;
	v10 =	vsub.f32 $1.500000000e+00, v11;
	v11 =	vsub.s32 $0x5F3759DF, v13  }
0xb8: {  	v1 =	vmul.f32 v1, v3;
	v13 =	vld [tilespmem:$0x11DE0];
	v2 =	vsub.f32 $1.500000000e+00, v2;
	v3 =	vmul.f32 v11, v9  }
0xb9: {  	v5 =	vmul.f32 v8, v5;
	v6 =	vmul.f32 v6, v10  }
0xba: {  	v2 =	vmul.f32 v2, v4;
	v3 =	vmul.f32 v11, v3;
	v4 =	vadd.f32 $1.000000000e+00, v12  }
0xbb: {  	v5 =	vmul.f32 v5, v8;
	v7 =	vmul.f32 v6, v7  }
0xbc: {  	v14 =	vld [tilespmem:$0x11DF0];
	v3 =	vsub.f32 $1.500000000e+00, v3;
	v10 =	vshra.s32 v4, $0x1;
	v12 =	vmul.f32 $5.000000000e-01, v4  }
0xbd: {  	v4 =	vmul.f32 v7, v6;
	v7 =	vsub.s32 $0x5F3759DF, v10;
	v10 =	vadd.f32 $1.000000000e+00, v13  }
0xbe: {  	v5 =	vsub.f32 $1.500000000e+00, v5;
	v11 =	vmul.f32 v11, v3;
	v3 =	vmul.f32 v7, v12  }
0xbf: {  	v15 =	vld [tilespmem:$0x11E00];
	v13 =	vsub.f32 $1.500000000e+00, v4;
	v4 =	vshra.s32 v10, $0x1;
	v10 =	vmul.f32 $5.000000000e-01, v10  }
0xc0: {  	v9 =	vmul.f32 v11, v9;
	v16 =	vmul.f32 v7, v3;
	v17 =	vsub.s32 $0x5F3759DF, v4  }
0xc1: {  	v4 =	vmul.f32 v5, v8;
	v8 =	vadd.f32 $1.000000000e+00, v14;
	v5 =	vmul.f32 v17, v10  }
0xc2: {  	v3 =	vmul.f32 v13, v6;
	v6 =	vmul.f32 v9, v11;
	v9 =	vsub.f32 $1.500000000e+00, v16  }
0xc3: {  	v14 =	vld [tilespmem:$0x11E10];
	v13 =	vshra.s32 v8, $0x1;
	v8 =	vmul.f32 $5.000000000e-01, v8;
	v5 =	vmul.f32 v17, v5  }
0xc4: {  	v7 =	vmul.f32 v7, v9;
	v9 =	vsub.s32 $0x5F3759DF, v13;
	v13 =	vadd.f32 $1.000000000e+00, v15  }
0xc5: {  	v6 =	vsub.f32 $1.500000000e+00, v6;
	v5 =	vsub.f32 $1.500000000e+00, v5;
	v15 =	vmul.f32 v9, v8  }
0xc6: {  	v12 =	vmul.f32 v7, v12;
	v16 =	vshra.s32 v13, $0x1;
	v13 =	vmul.f32 $5.000000000e-01, v13  }
0xc7: {  	v17 =	vmul.f32 v17, v5;
	v15 =	vmul.f32 v9, v15;
	v16 =	vsub.s32 $0x5F3759DF, v16  }
0xc8: {  	v5 =	vmul.f32 v6, v11;
	v11 =	vadd.f32 $1.000000000e+00, v14;
	v14 =	vld [tilespmem:$0x11E20];
	v6 =	vmul.f32 v16, v13  }
0xc9: {  	v12 =	vmul.f32 v12, v7;
	v10 =	vmul.f32 v17, v10;
	v15 =	vsub.f32 $1.500000000e+00, v15  }
0xca: {  	v18 =	vshra.s32 v11, $0x1;
	v11 =	vmul.f32 $5.000000000e-01, v11;
	v6 =	vmul.f32 v16, v6  }
0xcb: {  	v12 =	vsub.f32 $1.500000000e+00, v12;
	v9 =	vmul.f32 v9, v15;
	v15 =	vsub.s32 $0x5F3759DF, v18  }
0xcc: {  	v20 =	vld [tilespmem:$0x11E30];
	v10 =	vmul.f32 v10, v17;
	v18 =	vsub.f32 $1.500000000e+00, v6;
	v19 =	vmul.f32 v15, v11  }
0xcd: {  	v6 =	vmul.f32 v12, v7;
	v7 =	vmul.f32 v9, v8;
	v8 =	vadd.f32 $1.000000000e+00, v14  }
0xce: {  	v10 =	vsub.f32 $1.500000000e+00, v10;
	v12 =	vmul.f32 v16, v18;
	v14 =	vmul.f32 v15, v19  }
0xcf: {  	v18 =	vld [tilespmem:$0x11E40];
	v16 =	vmul.f32 v7, v9;
	v7 =	vshra.s32 v8, $0x1;
	v8 =	vmul.f32 $5.000000000e-01, v8  }
0xd0: {  	v13 =	vmul.f32 v12, v13;
	v14 =	vsub.f32 $1.500000000e+00, v14;
	v19 =	vsub.s32 $0x5F3759DF, v7  }
0xd1: {  	v7 =	vmul.f32 v10, v17;
	v17 =	vadd.f32 $1.000000000e+00, v20;
	v10 =	vmul.f32 v19, v8  }
0xd2: {  	v16 =	vsub.f32 $1.500000000e+00, v16;
	v13 =	vmul.f32 v13, v12;
	v14 =	vmul.f32 v15, v14  }
0xd3: {  	v15 =	vshra.s32 v17, $0x1;
	v17 =	vmul.f32 $5.000000000e-01, v17;
	v10 =	vmul.f32 v19, v10  }
0xd4: {  	v15 =	vsub.s32 $0x5F3759DF, v15;
	v18 =	vadd.f32 $1.000000000e+00, v18;
	v11 =	vmul.f32 v14, v11  }
0xd5: {  	v21 =	vld [tilespmem:$0x11E50];
	v13 =	vsub.f32 $1.500000000e+00, v13;
	v20 =	vmul.f32 v15, v17;
	v10 =	vsub.f32 $1.500000000e+00, v10  }
0xd6: {  	v22 =	vshra.s32 v18, $0x1;
	v18 =	vmul.f32 $5.000000000e-01, v18;
	v11 =	vmul.f32 v11, v14  }
0xd7: {  	v20 =	vmul.f32 v15, v20;
	v22 =	vsub.s32 $0x5F3759DF, v22;
	v19 =	vmul.f32 v19, v10  }
0xd8: {  	v10 =	vmul.f32 v16, v9;
	v16 =	vmul.f32 v22, v18;
	v11 =	vsub.f32 $1.500000000e+00, v11  }
0xd9: {  	v9 =	vmul.f32 v13, v12;
	v13 =	vsub.f32 $1.500000000e+00, v20;
	v12 =	vmul.f32 v19, v8  }
0xda: {  	v8 =	vmul.f32 v11, v14;
	v11 =	vmul.f32 v22, v16;
	v14 =	vadd.f32 $1.000000000e+00, v21;
	v16 =	vld [tilespmem:$0x11E60]  }
0xdb: {  	v23 =	vld [tilespmem:$0x11E90];
	v13 =	vmul.f32 v15, v13;
	v12 =	vmul.f32 v12, v19  }
0xdc: {  	v11 =	vsub.f32 $1.500000000e+00, v11;
	v15 =	vshra.s32 v14, $0x1;
	v14 =	vmul.f32 $5.000000000e-01, v14  }
0xdd: {  	v17 =	vmul.f32 v13, v17;
	v12 =	vsub.f32 $1.500000000e+00, v12;
	v15 =	vsub.s32 $0x5F3759DF, v15  }
0xde: {  	v20 =	vmul.f32 v22, v11;
	v21 =	vmul.f32 v15, v14;
	v22 =	vld [tilespmem:$0x11E70]  }
0xdf: {  	v11 =	vmul.f32 v12, v19;
	v12 =	vmul.f32 v17, v13;
	v16 =	vadd.f32 $1.000000000e+00, v16;
	v17 =	vld [tilespmem:$0x11E80]  }
0xe0: {  	v23 =	vadd.f32 $1.000000000e+00, v23;
	v19 =	vmul.f32 v15, v21  }
0xe1: {  	v12 =	vsub.f32 $1.500000000e+00, v12;
	v21 =	vshra.s32 v16, $0x1;
	v16 =	vmul.f32 $5.000000000e-01, v16  }
0xe2: {  	v27 =	vshra.s32 v23, $0x1;
	v19 =	vsub.f32 $1.500000000e+00, v19;
	v21 =	vsub.s32 $0x5F3759DF, v21  }
0xe3: {  	v12 =	vmul.f32 v12, v13;
	v13 =	vmul.f32 v21, v16;
	v22 =	vadd.f32 $1.000000000e+00, v22  }
0xe4: {  	v18 =	vmul.f32 v20, v18;
	v15 =	vmul.f32 v15, v19;
	v17 =	vadd.f32 $1.000000000e+00, v17  }
0xe5: {  	v13 =	vmul.f32 v21, v13;
	v19 =	vshra.s32 v22, $0x1;
	v22 =	vmul.f32 $5.000000000e-01, v22  }
0xe6: {  	v19 =	vsub.s32 $0x5F3759DF, v19;
	v24 =	vshra.s32 v17, $0x1;
	v17 =	vmul.f32 $5.000000000e-01, v17  }
0xe7: {  	v18 =	vmul.f32 v18, v20;
	v25 =	vmul.f32 v19, v22;
	v24 =	vsub.s32 $0x5F3759DF, v24  }
0xe8: {  	v23 =	vmul.f32 $5.000000000e-01, v23;
	v13 =	vsub.f32 $1.500000000e+00, v13;
	v26 =	vmul.f32 v24, v17  }
0xe9: {  	v28 =	vld [tilespmem:$0x11EA0];
	v18 =	vsub.f32 $1.500000000e+00, v18;
	v14 =	vmul.f32 v15, v14;
	v25 =	vmul.f32 v19, v25  }
0xea: {  	v27 =	vsub.s32 $0x5F3759DF, v27;
	v21 =	vmul.f32 v21, v13;
	v26 =	vmul.f32 v24, v26  }
0xeb: {  	v13 =	vmul.f32 v18, v20;
	v20 =	vmul.f32 v27, v23;
	v18 =	vsub.f32 $1.500000000e+00, v25  }
0xec: {  	v14 =	vmul.f32 v14, v15;
	v16 =	vmul.f32 v21, v16;
	v25 =	vsub.f32 $1.500000000e+00, v26  }
0xed: {  	v18 =	vmul.f32 v19, v18;
	v19 =	vmul.f32 v27, v20  }
0xee: {  	v14 =	vsub.f32 $1.500000000e+00, v14;
	v20 =	vmul.f32 v24, v25;
	v24 =	vadd.f32 $1.000000000e+00, v28  }
0xef: {  	v16 =	vmul.f32 v16, v21;
	v22 =	vmul.f32 v18, v22;
	v19 =	vsub.f32 $1.500000000e+00, v19  }
0xf0: {  	v26 =	vld [tilespmem:$0x11EB0];
	v17 =	vmul.f32 v20, v17;
	v25 =	vshra.s32 v24, $0x1;
	v24 =	vmul.f32 $5.000000000e-01, v24  }
0xf1: {  	v22 =	vmul.f32 v22, v18;
	v19 =	vmul.f32 v27, v19;
	v25 =	vsub.s32 $0x5F3759DF, v25  }
0xf2: {  	v30 =	vld [tilespmem:$0x11EF0];
	v17 =	vmul.f32 v17, v20;
	v27 =	vmul.f32 v25, v24  }
0xf3: {  	v15 =	vmul.f32 v14, v15;
	v14 =	vsub.f32 $1.500000000e+00, v16;
	v16 =	vmul.f32 v19, v23;
	v23 =	vld [tilespmem:$0x11EC0]  }
0xf4: {  	v36 =	vld [tilespmem:$0x11F30];
	v22 =	vsub.f32 $1.500000000e+00, v22;
	v28 =	vsub.f32 $1.500000000e+00, v17;
	v27 =	vmul.f32 v25, v27  }
0xf5: {  	v51 =	vld [tilespmem:$0x11F40];
	v26 =	vadd.f32 $1.000000000e+00, v26;
	v17 =	vmul.f32 v14, v21;
	v21 =	vmul.f32 v16, v19  }
0xf6: {  	v16 =	vmul.f32 v22, v18;
	v14 =	vmul.f32 v28, v20;
	v18 =	vsub.f32 $1.500000000e+00, v27;
	v20 =	vld [tilespmem:$0x11ED0]  }
0xf7: {  	[tilespmem:$0x120C0] =	vst v13;
	v13 =	vld [tilespmem:$0x11FF0];
	v22 =	vshra.s32 v26, $0x1;
	v26 =	vmul.f32 $5.000000000e-01, v26;
	v21 =	vsub.f32 $1.500000000e+00, v21  }
0xf8: {  	v22 =	vsub.s32 $0x5F3759DF, v22;
	v25 =	vmul.f32 v25, v18;
	v23 =	vadd.f32 $1.000000000e+00, v23  }
0xf9: {  	v30 =	vadd.f32 $1.000000000e+00, v30;
	v18 =	vmul.f32 v21, v19;
	v19 =	vmul.f32 v22, v26  }
0xfa: {  	v52 =	vadd.f32 $1.000000000e+00, v36;
	v21 =	vld [tilespmem:$0x11EE0];
	v27 =	vshra.s32 v23, $0x1;
	v23 =	vmul.f32 $5.000000000e-01, v23  }
0xfb: {  	v19 =	vmul.f32 v22, v19;
	v27 =	vsub.s32 $0x5F3759DF, v27;
	v20 =	vadd.f32 $1.000000000e+00, v20  }
0xfc: {  	v55 =	vadd.f32 $1.000000000e+00, v51;
	v13 =	vadd.f32 $1.000000000e+00, v13;
	v28 =	vmul.f32 v27, v23  }
0xfd: {  	v19 =	vsub.f32 $1.500000000e+00, v19;
	v29 =	vshra.s32 v20, $0x1;
	v20 =	vmul.f32 $5.000000000e-01, v20  }
0xfe: {  	v24 =	vmul.f32 v25, v24;
	v28 =	vmul.f32 v27, v28;
	v29 =	vsub.s32 $0x5F3759DF, v29  }
0xff: {  	v21 =	vadd.f32 $1.000000000e+00, v21;
	v22 =	vmul.f32 v22, v19;
	v19 =	vmul.f32 v29, v20  }
0x100: {  	[tilespmem:$0x12110] =	vst v18;
	v18 =	vshra.s32 v13, $0x1;
	v24 =	vmul.f32 v24, v25;
	v28 =	vsub.f32 $1.500000000e+00, v28  }
0x101: {  	v31 =	vshra.s32 v21, $0x1;
	v32 =	vmul.f32 $5.000000000e-01, v21;
	v19 =	vmul.f32 v29, v19  }
0x102: {  	v21 =	vmul.f32 v22, v26;
	v26 =	vsub.s32 $0x5F3759DF, v31;
	v27 =	vmul.f32 v27, v28  }
0x103: {  	v53 =	vld [tilespmem:$0x11F50];
	v13 =	vmul.f32 $5.000000000e-01, v13;
	v28 =	vmul.f32 v26, v32;
	v19 =	vsub.f32 $1.500000000e+00, v19  }
0x104: {  	v24 =	vsub.f32 $1.500000000e+00, v24;
	v21 =	vmul.f32 v21, v22;
	v23 =	vmul.f32 v27, v23  }
0x105: {  	v31 =	vld [tilespmem:$0x11F00];
	v28 =	vmul.f32 v26, v28;
	v29 =	vmul.f32 v29, v19;
	v19 =	vshra.s32 v30, $0x1  }
0x106: {  	v35 =	vld [tilespmem:$0x11F10];
	v30 =	vmul.f32 $5.000000000e-01, v30;
	v21 =	vsub.f32 $1.500000000e+00, v21;
	v23 =	vmul.f32 v23, v27  }
0x107: {  	v28 =	vsub.f32 $1.500000000e+00, v28;
	v33 =	vsub.s32 $0x5F3759DF, v19;
	v19 =	vmul.f32 v24, v25  }
0x108: {  	v56 =	vadd.f32 $1.000000000e+00, v53;
	v20 =	vmul.f32 v29, v20;
	v34 =	vmul.f32 v33, v30  }
0x109: {  	v21 =	vmul.f32 v21, v22;
	v24 =	vmul.f32 v26, v28;
	v23 =	vsub.f32 $1.500000000e+00, v23  }
0x10a: {  	v31 =	vadd.f32 $1.000000000e+00, v31;
	v28 =	vld [tilespmem:$0x11F20];
	v25 =	vmul.f32 v20, v29;
	v26 =	vmul.f32 v33, v34  }
0x10b: {  	v22 =	vmul.f32 v24, v32;
	v20 =	vmul.f32 v23, v27;
	v27 =	vadd.f32 $1.000000000e+00, v35  }
0x10c: {  	v34 =	vmul.f32 $5.000000000e-01, v55;
	v23 =	vsub.f32 $1.500000000e+00, v25;
	v25 =	vsub.f32 $1.500000000e+00, v26  }
0x10d: {  	v32 =	vmul.f32 $5.000000000e-01, v52;
	v26 =	vmul.f32 v22, v24;
	v22 =	vshra.s32 v31, $0x1  }
0x10e: {  	v31 =	vmul.f32 $5.000000000e-01, v31;
	v25 =	vmul.f32 v33, v25;
	v46 =	vsub.s32 $0x5F3759DF, v22  }
0x10f: {  	v22 =	vshra.s32 v27, $0x1;
	v27 =	vmul.f32 $5.000000000e-01, v27;
	v28 =	vadd.f32 $1.000000000e+00, v28  }
0x110: {  	v47 =	vmul.f32 v46, v31;
	v48 =	vsub.s32 $0x5F3759DF, v22;
	v30 =	vmul.f32 v25, v30  }
0x111: {  	v22 =	vmul.f32 v48, v27;
	v49 =	vshra.s32 v28, $0x1;
	v28 =	vmul.f32 $5.000000000e-01, v28  }
0x112: {  	v33 =	vmul.f32 v46, v47;
	v35 =	vsub.s32 $0x5F3759DF, v49;
	v30 =	vmul.f32 v30, v25  }
0x113: {  	v57 =	vshra.s32 v55, $0x1;
	v37 =	vmul.f32 v48, v22;
	v38 =	vmul.f32 v35, v28  }
0x114: {  	v22 =	vmul.f32 v23, v29;
	v23 =	vsub.f32 $1.500000000e+00, v26;
	v26 =	vsub.f32 $1.500000000e+00, v33  }
0x115: {  	v29 =	vsub.f32 $1.500000000e+00, v30;
	v30 =	vsub.f32 $1.500000000e+00, v37;
	v50 =	vmul.f32 v35, v38  }
0x116: {  	v36 =	vsub.s32 $0x5F3759DF, v57;
	v23 =	vmul.f32 v23, v24;
	v26 =	vmul.f32 v46, v26  }
0x117: {  	v24 =	vmul.f32 v29, v25;
	v25 =	vmul.f32 v48, v30;
	v29 =	vsub.f32 $1.500000000e+00, v50  }
0x118: {  	v59 =	vmul.f32 v36, v34;
	v30 =	vmul.f32 v26, v31;
	v31 =	vshra.s32 v52, $0x1  }
0x119: {  	v27 =	vmul.f32 v25, v27;
	v29 =	vmul.f32 v35, v29;
	v31 =	vsub.s32 $0x5F3759DF, v31  }
0x11a: {  	v35 =	vmul.f32 $5.000000000e-01, v56;
	v54 =	vmul.f32 v31, v32  }
0x11b: {  	v58 =	vshra.s32 v56, $0x1;
	v30 =	vmul.f32 v30, v26;
	v28 =	vmul.f32 v29, v28  }
0x11c: {  	v39 =	vld [tilespmem:$0x11F60];
	v37 =	vsub.s32 $0x5F3759DF, v58;
	v27 =	vmul.f32 v27, v25;
	v33 =	vmul.f32 v31, v54  }
0x11d: {  	v45 =	vld [tilespmem:$0x11F90];
	v40 =	vmul.f32 v37, v35;
	v30 =	vsub.f32 $1.500000000e+00, v30;
	v28 =	vmul.f32 v28, v29  }
0x11e: {  	v60 =	vmul.f32 v36, v59;
	v41 =	vsub.f32 $1.500000000e+00, v27;
	v33 =	vsub.f32 $1.500000000e+00, v33  }
0x11f: {  	v27 =	vmul.f32 v30, v26;
	v30 =	vmul.f32 v37, v40;
	v28 =	vsub.f32 $1.500000000e+00, v28  }
0x120: {  	v26 =	vmul.f32 v41, v25;
	v31 =	vmul.f32 v31, v33  }
0x121: {  	v62 =	vld [tilespmem:$0x11F80];
	v33 =	vsub.f32 $1.500000000e+00, v60;
	v25 =	vmul.f32 v28, v29;
	v28 =	vsub.f32 $1.500000000e+00, v30  }
0x122: {  	v29 =	vadd.f32 $1.000000000e+00, v39;
	v30 =	vld [tilespmem:$0x11F70];
	v39 =	vadd.f32 $1.000000000e+00, v45;
	v32 =	vmul.f32 v31, v32  }
0x123: {  	v33 =	vmul.f32 v36, v33;
	v61 =	vmul.f32 v37, v28  }
0x124: {  	v28 =	vshra.s32 v29, $0x1;
	v29 =	vmul.f32 $5.000000000e-01, v29;
	v42 =	vshra.s32 v39, $0x1  }
0x125: {  	v39 =	vmul.f32 $5.000000000e-01, v39;
	v32 =	vmul.f32 v32, v31;
	v63 =	vsub.s32 $0x5F3759DF, v28  }
0x126: {  	v37 =	vadd.f32 $1.000000000e+00, v62;
	v35 =	vmul.f32 v61, v35;
	v46 =	vmul.f32 v63, v29  }
0x127: {  	v34 =	vmul.f32 v33, v34;
	v32 =	vsub.f32 $1.500000000e+00, v32;
	v30 =	vadd.f32 $1.000000000e+00, v30  }
0x128: {  	v42 =	vsub.s32 $0x5F3759DF, v42;
	v47 =	vmul.f32 v35, v61;
	v48 =	vmul.f32 v63, v46  }
0x129: {  	v28 =	vmul.f32 v32, v31;
	v49 =	vshra.s32 v30, $0x1;
	v30 =	vmul.f32 $5.000000000e-01, v30  }
0x12a: {  	v31 =	vmul.f32 v34, v33;
	v34 =	vsub.f32 $1.500000000e+00, v48;
	v35 =	vsub.s32 $0x5F3759DF, v49  }
0x12b: {  	v51 =	vshra.s32 v37, $0x1;
	v37 =	vmul.f32 $5.000000000e-01, v37;
	v50 =	vmul.f32 v35, v30  }
0x12c: {  	[tilespmem:$0x12000] =	vst v1;
	v52 =	vmul.f32 v42, v39;
	v41 =	vsub.s32 $0x5F3759DF, v51;
	v1 =	vmul.f32 v63, v34  }
0x12d: {  	v54 =	vld [tilespmem:$0x11FA0];
	v43 =	vmul.f32 v41, v37;
	v40 =	vmul.f32 v35, v50  }
0x12e: {  	[tilespmem:$0x12010] =	vst v2;
	v18 =	vsub.s32 $0x5F3759DF, v18;
	v56 =	vld [tilespmem:$0x11FB0];
	v55 =	vmul.f32 v42, v52;
	v29 =	vmul.f32 v1, v29  }
0x12f: {  	[tilespmem:$0x12040] =	vst v5;
	v53 =	vmul.f32 v41, v43;
	v2 =	vsub.f32 $1.500000000e+00, v31;
	v31 =	vsub.f32 $1.500000000e+00, v40  }
0x130: {  	[tilespmem:$0x12140] =	vst v20;
	v20 =	vmul.f32 v18, v13;
	v5 =	vmul.f32 v29, v1;
	v29 =	vsub.f32 $1.500000000e+00, v55  }
0x131: {  	[tilespmem:$0x12030] =	vst v3;
	v3 =	vmul.f32 v35, v31;
	v31 =	vsub.f32 $1.500000000e+00, v53  }
0x132: {  	[tilespmem:$0x12060] =	vst v7;
	v20 =	vmul.f32 v18, v20;
	v7 =	vmul.f32 v42, v29;
	v29 =	vadd.f32 $1.000000000e+00, v54  }
0x133: {  	[tilespmem:$0x12050] =	vst v6;
	v6 =	vmul.f32 v3, v30;
	v30 =	vmul.f32 v41, v31;
	v31 =	vadd.f32 $1.000000000e+00, v56  }
0x134: {  	[tilespmem:$0x12080] =	vst v9;
	v5 =	vsub.f32 $1.500000000e+00, v5;
	v9 =	vmul.f32 v7, v39;
	v57 =	vshra.s32 v29, $0x1  }
0x135: {  	[tilespmem:$0x12090] =	vst v8;
	v29 =	vmul.f32 $5.000000000e-01, v29;
	v58 =	vshra.s32 v31, $0x1;
	v31 =	vmul.f32 $5.000000000e-01, v31  }
0x136: {  	[tilespmem:$0x120A0] =	vst v11;
	v59 =	vld [tilespmem:$0x11FC0];
	v6 =	vmul.f32 v6, v3;
	v8 =	vsub.s32 $0x5F3759DF, v57;
	v32 =	vsub.s32 $0x5F3759DF, v58  }
0x137: {  	[tilespmem:$0x120B0] =	vst v12;
	v60 =	vld [tilespmem:$0x11FD0];
	v11 =	vmul.f32 v8, v29;
	v12 =	vmul.f32 v32, v31  }
0x138: {  	[tilespmem:$0x12020] =	vst v4;
	v4 =	vsub.f32 $1.500000000e+00, v47;
	v1 =	vmul.f32 v5, v1;
	v9 =	vmul.f32 v9, v7  }
0x139: {  	v5 =	vsub.f32 $1.500000000e+00, v6;
	v6 =	vmul.f32 v8, v11;
	v11 =	vmul.f32 v32, v12;
	v12 =	vld [tilespmem:$0x11FE0]  }
0x13a: {  	[tilespmem:$0x12070] =	vst v10;
	v4 =	vmul.f32 v4, v61;
	v2 =	vmul.f32 v2, v33;
	v9 =	vsub.f32 $1.500000000e+00, v9  }
0x13b: {  	[tilespmem:$0x120D0] =	vst v15;
	v3 =	vmul.f32 v5, v3;
	v5 =	vsub.f32 $1.500000000e+00, v6;
	v6 =	vadd.f32 $1.000000000e+00, v59  }
0x13c: {  	[tilespmem:$0x120E0] =	vst v17;
	v7 =	vmul.f32 v9, v7;
	v9 =	vsub.f32 $1.500000000e+00, v11;
	v11 =	vadd.f32 $1.000000000e+00, v60  }
0x13d: {  	[tilespmem:$0x120F0] =	vst v16;
	v5 =	vmul.f32 v8, v5;
	v8 =	vshra.s32 v6, $0x1;
	v6 =	vmul.f32 $5.000000000e-01, v6  }
0x13e: {  	[tilespmem:$0x12100] =	vst v14;
	v10 =	vmul.f32 v30, v37;
	v8 =	vsub.s32 $0x5F3759DF, v8;
	v12 =	vadd.f32 $1.000000000e+00, v12  }
0x13f: {  	[tilespmem:$0x12120] =	vst v19;
	v14 =	vshra.s32 v11, $0x1;
	v11 =	vmul.f32 $5.000000000e-01, v11;
	v15 =	vmul.f32 v8, v6  }
0x140: {  	[tilespmem:$0x12130] =	vst v21;
	v14 =	vsub.s32 $0x5F3759DF, v14;
	v17 =	vshra.s32 v12, $0x1;
	v12 =	vmul.f32 $5.000000000e-01, v12  }
0x141: {  	[tilespmem:$0x12150] =	vst v22;
	v10 =	vmul.f32 v10, v30;
	v16 =	vmul.f32 v14, v11;
	v17 =	vsub.s32 $0x5F3759DF, v17  }
0x142: {  	[tilespmem:$0x12160] =	vst v23;
	v15 =	vmul.f32 v8, v15;
	v19 =	vmul.f32 v17, v12  }
0x143: {  	[tilespmem:$0x12170] =	vst v24;
	v10 =	vsub.f32 $1.500000000e+00, v10;
	v9 =	vmul.f32 v32, v9;
	v16 =	vmul.f32 v14, v16  }
0x144: {  	[tilespmem:$0x12180] =	vst v27;
	v21 =	vmul.f32 v5, v29;
	v15 =	vsub.f32 $1.500000000e+00, v15;
	v19 =	vmul.f32 v17, v19  }
0x145: {  	[tilespmem:$0x12190] =	vst v26;
	v10 =	vmul.f32 v10, v30;
	v22 =	vmul.f32 v9, v31;
	v16 =	vsub.f32 $1.500000000e+00, v16  }
0x146: {  	[tilespmem:$0x121A0] =	vst v25;
	v21 =	vmul.f32 v21, v5;
	v8 =	vmul.f32 v8, v15;
	v15 =	vsub.f32 $1.500000000e+00, v19  }
0x147: {  	[tilespmem:$0x121B0] =	vst v28;
	v14 =	vmul.f32 v14, v16;
	v16 =	vsub.f32 $1.500000000e+00, v20;
	v19 =	vmul.f32 v22, v9  }
0x148: {  	[tilespmem:$0x121C0] =	vst v2;
	v2 =	vmul.f32 v8, v6;
	v6 =	vmul.f32 v17, v15  }
0x149: {  	[tilespmem:$0x121D0] =	vst v4;
	v4 =	vmul.f32 v14, v11;
	v11 =	vmul.f32 v18, v16  }
0x14a: {  	[tilespmem:$0x121E0] =	vst v1;
	v1 =	vsub.f32 $1.500000000e+00, v21;
	v2 =	vmul.f32 v2, v8;
	v12 =	vmul.f32 v6, v12  }
0x14b: {  	[tilespmem:$0x121F0] =	vst v3;
	v3 =	vsub.f32 $1.500000000e+00, v19;
	v4 =	vmul.f32 v4, v14;
	v13 =	vmul.f32 v11, v13  }
0x14c: {  	[tilespmem:$0x12210] =	vst v7;
	v1 =	vmul.f32 v1, v5;
	v2 =	vsub.f32 $1.500000000e+00, v2;
	v5 =	vmul.f32 v12, v6  }
0x14d: {  	[tilespmem:$0x12200] =	vst v10;
	v3 =	vmul.f32 v3, v9;
	v4 =	vsub.f32 $1.500000000e+00, v4;
	v7 =	vmul.f32 v13, v11  }
0x14e: {  	[tilespmem:$0x12220] =	vst v1;
	v1 =	vmul.f32 v2, v8;
	v2 =	vsub.f32 $1.500000000e+00, v5  }
0x14f: {  	[tilespmem:$0x12230] =	vst v3;
	v3 =	vmul.f32 v4, v14;
	v4 =	vsub.f32 $1.500000000e+00, v7  }
0x150: {  	[tilespmem:$0x12240] =	vst v1;
	v1 =	vmul.f32 v2, v6  }
0x151: {  	[tilespmem:$0x12250] =	vst v3;
	v2 =	vmul.f32 v4, v11  }
0x152: {  	[tilespmem:$0x12260] =	vst v1  }
0x153: {  	s26 =	simm.s32 $0x12000;
	s2 =	rddreg [dreg:$0x11];
	[tilespmem:$0x12270] =	vst v2  }
0x154: {  	[hbm4b:s2+s25] =	stream.linear.scatter [tilespmem:s26], [sflag:$0x12], $0x280, $0x38;
	[tilespmem:$0x1C500] =	vst v63  }
0x155: {  	_ =	swait.ge [sflag:s22], $0x280  }
0x156: {  	[sflag:s22] =	ssyncset.done $0x0  }
0x157: {  	s2 =	simm.s32 $0xCD80;
	s25 =	rddreg [dreg:$0xa];
	[sflag:s22] =	ssyncadd.s32 $0xFFFFFD80  }
0x158: {  	[tilespmem:s2], [sflag:$0x12] =	stream.linear.gather [spmem:s25], $0x5000, $0x38;
	[tilespmem:$0x1C500] =	vst v63  }
0x159: {  	_ =	swait.ge [sflag:s22], $0x5000  }
0x15a: {  	[sflag:s22] =	ssyncset.done $0x0  }
0x15b: {  	[sflag:s22] =	ssyncadd.s32 $0xFFFFB000;
	s22 =	simm.s32 $0xCE80  }
0x15c: {  	v1 =	vld [tilespmem:s22+$0xFFFFFFC0]  }
0x15d: {  	v6 =	vld [tilespmem:s22+$0xFFFFFF60]  }
0x15e: {  	v4 =	vld [tilespmem:s22+$0xE0]  }
0x15f: {  	v5 =	vld [tilespmem:s22+$0x50]  }
0x160: {  	v8 =	vld [tilespmem:s22+$0x60]  }
0x161: {  	v27 =	vld [tilespmem:s22+$0xFFFFFF30]  }
0x162: {  	v7 =	vld [tilespmem:s22+$0xFFFFFFA0]  }
0x163: {  	v28 =	vld [tilespmem:s22+$0xFFFFFF10]  }
0x164: {  	v2 =	vld [tilespmem:s22+$0x80]  }
0x165: {  	v14 =	vld [tilespmem:s22+$0xFFFFFF70]  }
0x166: {  	v9 =	vld [tilespmem:s22+$0x40]  }
0x167: {  	v10 =	vld [tilespmem:s22+$0xFFFFFFD0]  }
0x168: {  	v29 =	vld [tilespmem:s22+$0xF0]  }
0x169: {  	v11 =	vld [tilespmem:s22+$0xB0]  }
0x16a: {  	v20 =	vld [tilespmem:s22+$0xFFFFFFE0];
	v23 =	vunpack.i.u.bf16.f32 v1;
	v22 =	vunpack.i.l.bf16.f32 v1;
	v18 =	vunpack.i.l.bf16.f32 v2  }
0x16b: {  	v25 =	vld [tilespmem:s22+$0xFFFFFF20];
	v16 =	vunpack.i.u.bf16.f32 v8;
	v19 =	vunpack.i.u.bf16.f32 v2;
	v12 =	vunpack.i.l.bf16.f32 v7  }
0x16c: {  	v3 =	vld [tilespmem:s22+$0xA0];
	v30 =	vunpack.i.l.bf16.f32 v4;
	v31 =	vunpack.i.l.bf16.f32 v27;
	v32 =	vunpack.i.u.bf16.f32 v14  }
0x16d: {  	v40 =	vld [tilespmem:s22+$0xFFFFFF50];
	v21 =	vunpack.i.u.bf16.f32 v10;
	v24 =	vunpack.i.l.bf16.f32 v10;
	v33 =	vunpack.i.u.bf16.f32 v4  }
0x16e: {  	v17 =	vld [tilespmem:s22+$0x10];
	v61 =	vunpack.i.l.bf16.f32 v28;
	v4 =	vunpack.i.l.bf16.f32 v11;
	v35 =	vunpack.i.l.bf16.f32 v29  }
0x16f: {  	s26 =	simm.s32 $0x0;
	v52 =	vld [tilespmem:s22+$0xFFFFFFF0];
	v36 =	vunpack.i.u.bf16.f32 v5;
	v37 =	vunpack.i.l.bf16.f32 v5;
	v5 =	vunpack.i.u.bf16.f32 v11  }
0x170: {  	v2 =	vld [tilespmem:s26+$0x12000];
	v38 =	vunpack.i.l.bf16.f32 v25;
	v26 =	vunpack.i.l.bf16.f32 v20;
	v39 =	vunpack.i.u.bf16.f32 v9  }
0x171: {  	v62 =	vunpack.i.u.bf16.f32 v3;
	v15 =	vunpack.i.l.bf16.f32 v3;
	v43 =	vunpack.i.u.bf16.f32 v6  }
0x172: {  	v11 =	vld [tilespmem:s22+$0x70];
	v13 =	vunpack.i.u.bf16.f32 v7;
	v45 =	vunpack.i.l.bf16.f32 v6;
	v46 =	vunpack.i.l.bf16.f32 v9  }
0x173: {  	v47 =	vunpack.i.l.bf16.f32 v8;
	v49 =	vunpack.i.l.bf16.f32 v40;
	v55 =	vunpack.i.l.bf16.f32 v14  }
0x174: {  	v14 =	vunpack.i.l.bf16.f32 v17;
	v28 =	vunpack.i.u.bf16.f32 v28;
	v58 =	vunpack.i.u.bf16.f32 v52  }
0x175: {  	v27 =	vunpack.i.u.bf16.f32 v27;
	v52 =	vunpack.i.l.bf16.f32 v52;
	v42 =	vbroadcast v2, $0x3  }
0x176: {  	v44 =	vld [tilespmem:s22+$0xFFFFFF00];
	v29 =	vunpack.i.u.bf16.f32 v29;
	v10 =	vbroadcast v2, $0x5;
	v7 =	vbroadcast v2, $0xD  }
0x177: {  	v6 =	vbroadcast v2, $0xB;
	v48 =	vbroadcast v2, $0x6;
	v8 =	vunpack.i.u.bf16.f32 v11  }
0x178: {  	v1 =	vld [tilespmem:s22+$0xD0];
	v9 =	vunpack.i.l.bf16.f32 v11;
	v11 =	vbroadcast v2, $0x8;
	v56 =	vbroadcast v2, $0x7  }
0x179: {  	v54 =	vld [tilespmem:s22+$0xFFFFFF40];
	v25 =	vunpack.i.u.bf16.f32 v25;
	v50 =	vmul.f32 v12, v10;
	v51 =	vmul.f32 v13, v10  }
0x17a: {  	v13 =	vunpack.i.u.bf16.f32 v17;
	v53 =	vmul.f32 v15, v7;
	v47 =	vmul.f32 v47, v6  }
0x17b: {  	v15 =	vunpack.i.l.bf16.f32 v44;
	v57 =	vmul.f32 v16, v6;
	v16 =	vbroadcast v2, $0x0  }
0x17c: {  	v59 =	vld [tilespmem:s22+$0x0];
	v17 =	vunpack.i.u.bf16.f32 v44;
	v44 =	vbroadcast v2, $0xA;
	v41 =	vmul.f32 v62, v7  }
0x17d: {  	v3 =	vunpack.i.l.bf16.f32 v1;
	v32 =	vmul.f32 v32, v42;
	v23 =	vmul.f32 v23, v48  }
0x17e: {  	v62 =	vunpack.i.u.bf16.f32 v54;
	v21 =	vmul.f32 v21, v48;
	v26 =	vmul.f32 v26, v56  }
0x17f: {  	v54 =	vunpack.i.l.bf16.f32 v54;
	v34 =	vmul.f32 v61, v16;
	v28 =	vmul.f32 v28, v16  }
0x180: {  	v61 =	vbroadcast v2, $0x1;
	v63 =	vmul.f32 v37, v44;
	v37 =	vunpack.i.u.bf16.f32 v40  }
0x181: {  	v40 =	vunpack.i.u.bf16.f32 v59;
	v36 =	vmul.f32 v36, v44;
	v46 =	vmul.f32 v46, v44  }
0x182: {  	v47 =	vpack.i.f32.bf16 v57, v47;
	v31 =	vmul.f32 v31, v61;
	v27 =	vmul.f32 v27, v61  }
0x183: {  	v39 =	vmul.f32 v39, v44;
	v28 =	vpack.i.f32.bf16 v28, v34;
	v34 =	vpack.i.f32.bf16 v36, v63;
	v36 =	vld [tilespmem:s22+$0x20]  }
0x184: {  	v41 =	vpack.i.f32.bf16 v41, v53;
	v27 =	vpack.i.f32.bf16 v27, v31;
	v31 =	vbroadcast v2, $0x2  }
0x185: {  	v57 =	vbroadcast v2, $0x9;
	[tilespmem:s22+$0x60] =	vst v47;
	v39 =	vpack.i.f32.bf16 v39, v46;
	v46 =	vmul.f32 v55, v42  }
0x186: {  	v12 =	vld [tilespmem:s22+$0xFFFFFFB0];
	v51 =	vpack.i.f32.bf16 v51, v50;
	[tilespmem:s22+$0xA0] =	vst v41;
	v54 =	vmul.f32 v54, v31;
	v62 =	vmul.f32 v62, v31  }
0x187: {  	v59 =	vunpack.i.l.bf16.f32 v59;
	[tilespmem:s22+$0xFFFFFFA0] =	vst v51;
	v63 =	vmul.f32 v49, v31;
	v31 =	vmul.f32 v37, v31  }
0x188: {  	[tilespmem:s22+$0xFFFFFF10] =	vst v28;
	v28 =	vunpack.i.l.bf16.f32 v36;
	v53 =	vpack.i.f32.bf16 v62, v54;
	v54 =	vbroadcast v2, $0xF  }
0x189: {  	[tilespmem:s22+$0xFFFFFF30] =	vst v27;
	v27 =	vmul.f32 v40, v11;
	v36 =	vunpack.i.u.bf16.f32 v36;
	v28 =	vmul.f32 v28, v57  }
0x18a: {  	[tilespmem:s22+$0x50] =	vst v34;
	v62 =	vld [tilespmem:s22+$0x30];
	v31 =	vpack.i.f32.bf16 v31, v63;
	v63 =	vmul.f32 v36, v57;
	v33 =	vmul.f32 v33, v54  }
0x18b: {  	v60 =	vunpack.i.l.bf16.f32 v12;
	[tilespmem:s22+$0xFFFFFF40] =	vst v53;
	v29 =	vmul.f32 v29, v54;
	v30 =	vmul.f32 v30, v54  }
0x18c: {  	[tilespmem:s22+$0xFFFFFF50] =	vst v31;
	v31 =	vpack.i.f32.bf16 v32, v46;
	v35 =	vmul.f32 v35, v54;
	v54 =	vmul.f32 v59, v11  }
0x18d: {  	v32 =	vmul.f32 v52, v56;
	v28 =	vpack.i.f32.bf16 v63, v28;
	[tilespmem:s22+$0xFFFFFF70] =	vst v31;
	v63 =	vmul.f32 v25, v61  }
0x18e: {  	[tilespmem:s22+$0x20] =	vst v28;
	v28 =	vmul.f32 v45, v42;
	v30 =	vpack.i.f32.bf16 v33, v30;
	v27 =	vpack.i.f32.bf16 v27, v54  }
0x18f: {  	v59 =	vld [tilespmem:s22+$0x90];
	v53 =	vunpack.i.l.bf16.f32 v62;
	v55 =	vunpack.i.u.bf16.f32 v62;
	[tilespmem:s22+$0xE0] =	vst v30;
	v62 =	vmul.f32 v43, v42  }
0x190: {  	v29 =	vpack.i.f32.bf16 v29, v35;
	v30 =	vmul.f32 v22, v48;
	[tilespmem:s22+$0x0] =	vst v27;
	v27 =	vmul.f32 v38, v61  }
0x191: {  	[tilespmem:s22+$0xF0] =	vst v29;
	v34 =	vmul.f32 v53, v57;
	v57 =	vmul.f32 v55, v57;
	v28 =	vpack.i.f32.bf16 v62, v28  }
0x192: {  	v25 =	vbroadcast v2, $0x4;
	v29 =	vmul.f32 v24, v48;
	v27 =	vpack.i.f32.bf16 v63, v27;
	[tilespmem:s22+$0xFFFFFF60] =	vst v28  }
0x193: {  	v24 =	vld [tilespmem:s22+$0xFFFFFF80];
	v23 =	vpack.i.f32.bf16 v23, v30;
	v30 =	vbroadcast v2, $0xC;
	v31 =	vpack.i.f32.bf16 v57, v34;
	[tilespmem:s22+$0xFFFFFF20] =	vst v27  }
0x194: {  	v22 =	vmul.f32 v60, v10;
	v28 =	vunpack.i.u.bf16.f32 v59;
	v27 =	vld [tilespmem:s22+$0xFFFFFF90];
	[tilespmem:s22+$0x30] =	vst v31;
	v31 =	vunpack.i.l.bf16.f32 v59  }
0x195: {  	[tilespmem:s22+$0x40] =	vst v39;
	v21 =	vpack.i.f32.bf16 v21, v29;
	v33 =	vmul.f32 v28, v30;
	v31 =	vmul.f32 v31, v30  }
0x196: {  	[tilespmem:s22+$0xFFFFFFC0] =	vst v23;
	v23 =	vunpack.i.u.bf16.f32 v20;
	v18 =	vmul.f32 v18, v30;
	v20 =	vmul.f32 v19, v30  }
0x197: {  	s3 =	simm.s32 $0xD080;
	s26 =	simm.s32 $0x40;
	[tilespmem:s22+$0xFFFFFFD0] =	vst v21;
	v21 =	vmul.f32 v23, v56;
	v28 =	vmul.f32 v58, v56;
	v19 =	vld [tilespmem:s22+$0xC0];
	v23 =	vpack.i.f32.bf16 v33, v31  }
.LBB2_6:
0x198: {  	s25 =	sshra.s32 s26, $0x2;
	v29 =	vld [tilespmem:s3+$0xFFFFFFC0];
	p1 =	sne.s32 s26, $0x9C0;
	s26 =	sadd.s32 $0x40, s26;
	v15 =	vmul.f32 v15, v16;
	v16 =	vmul.f32 v17, v16;
	v17 =	vunpack.i.l.bf16.f32 v24  }
0x199: {  	v35 =	vld [tilespmem:s3+$0xFFFFFF60];
	v30 =	vunpack.i.u.bf16.f32 v27;
	v27 =	vunpack.i.l.bf16.f32 v27;
	v28 =	vpack.i.f32.bf16 v28, v32  }
0x19a: {  	v21 =	vpack.i.f32.bf16 v21, v26;
	v31 =	vld [tilespmem:s3+$0xA0];
	v27 =	vmul.f32 v27, v25;
	v30 =	vmul.f32 v30, v25;
	[tilespmem:s22+$0xFFFFFFF0] =	vst v28  }
0x19b: {  	v14 =	vmul.f32 v14, v11;
	v15 =	vpack.i.f32.bf16 v16, v15;
	v16 =	vunpack.i.u.bf16.f32 v24;
	v26 =	vld [tilespmem:s3+$0xE0];
	[tilespmem:s22+$0xFFFFFFE0] =	vst v21  }
0x19c: {  	v16 =	vmul.f32 v16, v25;
	v28 =	vld [tilespmem:s3+$0x50];
	[tilespmem:s22+$0xFFFFFF00] =	vst v15;
	v15 =	vmul.f32 v17, v25;
	v17 =	vpack.i.f32.bf16 v30, v27  }
0x19d: {  	v12 =	vunpack.i.u.bf16.f32 v12;
	v11 =	vmul.f32 v13, v11;
	v13 =	vpack.i.f32.bf16 v20, v18;
	v36 =	vld [tilespmem:s3+$0x60];
	[tilespmem:s22+$0xFFFFFF90] =	vst v17  }
0x19e: {  	v10 =	vmul.f32 v12, v10;
	v18 =	vunpack.i.u.bf16.f32 v29;
	v33 =	vld [tilespmem:s3+$0xFFFFFF30];
	v15 =	vpack.i.f32.bf16 v16, v15;
	[tilespmem:s22+$0x80] =	vst v13  }
0x19f: {  	v4 =	vmul.f32 v4, v7;
	v5 =	vmul.f32 v5, v7;
	v11 =	vpack.i.f32.bf16 v11, v14;
	v12 =	vld [tilespmem:s3+$0xFFFFFFA0];
	[tilespmem:s22+$0xFFFFFF80] =	vst v15  }
0x1a0: {  	v9 =	vmul.f32 v9, v6;
	v6 =	vmul.f32 v8, v6;
	v7 =	vpack.i.f32.bf16 v10, v22;
	v38 =	vld [tilespmem:s3+$0xFFFFFF10];
	[tilespmem:s22+$0x10] =	vst v11  }
0x1a1: {  	v2 =	vbroadcast v2, $0xE;
	v4 =	vpack.i.f32.bf16 v5, v4;
	v22 =	vunpack.i.l.bf16.f32 v29;
	v8 =	vld [tilespmem:s3+$0x80];
	[tilespmem:s22+$0xFFFFFFB0] =	vst v7  }
0x1a2: {  	v5 =	vpack.i.f32.bf16 v6, v9;
	v6 =	vunpack.i.l.bf16.f32 v19;
	v14 =	vld [tilespmem:s3+$0xFFFFFF70];
	[tilespmem:s22+$0xB0] =	vst v4;
	v4 =	vunpack.i.u.bf16.f32 v19  }
0x1a3: {  	v1 =	vunpack.i.u.bf16.f32 v1;
	v9 =	vld [tilespmem:s3+$0x40];
	[tilespmem:s22+$0x70] =	vst v5;
	v5 =	vmul.f32 v6, v2;
	v4 =	vmul.f32 v4, v2  }
0x1a4: {  	v3 =	vmul.f32 v3, v2;
	v1 =	vmul.f32 v1, v2;
	v6 =	vld [tilespmem:s3+$0xFFFFFFD0]  }
0x1a5: {  	v32 =	vld [tilespmem:s3+$0xF0];
	v2 =	vpack.i.f32.bf16 v4, v5  }
0x1a6: {  	v1 =	vpack.i.f32.bf16 v1, v3;
	v19 =	vunpack.i.l.bf16.f32 v8;
	v5 =	vld [tilespmem:s3+$0xB0];
	[tilespmem:s22+$0xC0] =	vst v2  }
0x1a7: {  	v16 =	vunpack.i.u.bf16.f32 v36;
	v20 =	vunpack.i.u.bf16.f32 v8;
	v21 =	vld [tilespmem:s3+$0xFFFFFFE0];
	[tilespmem:s22+$0x90] =	vst v23  }
0x1a8: {  	v34 =	vunpack.i.l.bf16.f32 v26;
	v11 =	vunpack.i.l.bf16.f32 v12;
	v25 =	vld [tilespmem:s3+$0xFFFFFF20];
	[tilespmem:s22+$0xD0] =	vst v1;
	s22 =	smov.u32 s3  }
0x1a9: {  	v39 =	vunpack.i.l.bf16.f32 v33;
	v40 =	vunpack.i.u.bf16.f32 v14;
	v1 =	vld [tilespmem:s3+$0xD0]  }
0x1aa: {  	v41 =	vunpack.i.u.bf16.f32 v26;
	v23 =	vunpack.i.u.bf16.f32 v6;
	v24 =	vunpack.i.l.bf16.f32 v6;
	v2 =	vld [tilespmem:s25+$0x12000]  }
0x1ab: {  	v42 =	vunpack.i.l.bf16.f32 v38;
	v37 =	vunpack.i.l.bf16.f32 v32;
	v4 =	vunpack.i.l.bf16.f32 v5  }
0x1ac: {  	v43 =	vunpack.i.u.bf16.f32 v28;
	v44 =	vunpack.i.l.bf16.f32 v28;
	v5 =	vunpack.i.u.bf16.f32 v5  }
0x1ad: {  	v45 =	vunpack.i.u.bf16.f32 v9;
	v26 =	vunpack.i.l.bf16.f32 v21;
	v27 =	vunpack.i.l.bf16.f32 v25;
	v13 =	vld [tilespmem:s3+$0x70]  }
0x1ae: {  	v47 =	vunpack.i.u.bf16.f32 v31;
	v15 =	vunpack.i.l.bf16.f32 v31;
	v46 =	vld [tilespmem:s3+$0xFFFFFF50];
	v3 =	vunpack.i.l.bf16.f32 v1  }
0x1af: {  	v31 =	vunpack.i.u.bf16.f32 v35;
	v12 =	vunpack.i.u.bf16.f32 v12;
	v30 =	vbroadcast v2, $0x3;
	v17 =	vld [tilespmem:s3+$0x10]  }
0x1b0: {  	v35 =	vunpack.i.l.bf16.f32 v35;
	v10 =	vbroadcast v2, $0x5;
	v7 =	vbroadcast v2, $0xD;
	v48 =	vld [tilespmem:s3+$0xFFFFFF00]  }
0x1b1: {  	v36 =	vunpack.i.l.bf16.f32 v36;
	v49 =	vunpack.i.l.bf16.f32 v9;
	v6 =	vbroadcast v2, $0xB  }
0x1b2: {  	v28 =	vbroadcast v2, $0x6;
	v8 =	vunpack.i.u.bf16.f32 v13;
	v9 =	vunpack.i.l.bf16.f32 v13  }
0x1b3: {  	v51 =	vmul.f32 v11, v10;
	v52 =	vmul.f32 v12, v10;
	v50 =	vunpack.i.l.bf16.f32 v46;
	v53 =	vld [tilespmem:s3+$0xFFFFFFF0]  }
0x1b4: {  	v11 =	vbroadcast v2, $0x8;
	v54 =	vmul.f32 v15, v7;
	v12 =	vld [tilespmem:s3+$0xFFFFFFB0];
	v13 =	vunpack.i.u.bf16.f32 v17  }
0x1b5: {  	v56 =	vunpack.i.l.bf16.f32 v14;
	v29 =	vbroadcast v2, $0x7;
	v15 =	vunpack.i.l.bf16.f32 v48;
	v55 =	vld [tilespmem:s3+$0xFFFFFF40]  }
0x1b6: {  	v57 =	vmul.f32 v36, v6;
	v58 =	vmul.f32 v16, v6;
	v14 =	vunpack.i.l.bf16.f32 v17  }
0x1b7: {  	v16 =	vbroadcast v2, $0x0;
	v17 =	vunpack.i.u.bf16.f32 v48;
	v48 =	vbroadcast v2, $0xA  }
0x1b8: {  	v38 =	vunpack.i.u.bf16.f32 v38;
	v47 =	vmul.f32 v47, v7;
	v36 =	vunpack.i.u.bf16.f32 v53;
	v59 =	vld [tilespmem:s3+$0x0]  }
0x1b9: {  	v42 =	vmul.f32 v42, v16;
	v38 =	vmul.f32 v38, v16;
	v60 =	vunpack.i.l.bf16.f32 v12  }
0x1ba: {  	v61 =	vbroadcast v2, $0x1;
	v40 =	vmul.f32 v40, v30;
	v62 =	vunpack.i.u.bf16.f32 v55  }
0x1bb: {  	v33 =	vunpack.i.u.bf16.f32 v33;
	v38 =	vpack.i.f32.bf16 v38, v42;
	v42 =	vmul.f32 v44, v48  }
0x1bc: {  	v33 =	vmul.f32 v33, v61;
	[tilespmem:s3+$0xFFFFFF10] =	vst v38;
	v38 =	vmul.f32 v39, v61;
	v39 =	vunpack.i.u.bf16.f32 v46  }
0x1bd: {  	v43 =	vmul.f32 v43, v48;
	v44 =	vunpack.i.u.bf16.f32 v59;
	v46 =	vunpack.i.l.bf16.f32 v59  }
0x1be: {  	v53 =	vunpack.i.l.bf16.f32 v53;
	v33 =	vpack.i.f32.bf16 v33, v38;
	v38 =	vbroadcast v2, $0x2  }
0x1bf: {  	v49 =	vmul.f32 v49, v48;
	v42 =	vpack.i.f32.bf16 v43, v42;
	[tilespmem:s3+$0xFFFFFF30] =	vst v33;
	v33 =	vunpack.i.l.bf16.f32 v55;
	v55 =	vld [tilespmem:s3+$0x20]  }
0x1c0: {  	v33 =	vmul.f32 v33, v38;
	v43 =	vmul.f32 v62, v38;
	[tilespmem:s3+$0x50] =	vst v42;
	v42 =	vpack.i.f32.bf16 v58, v57  }
0x1c1: {  	v45 =	vmul.f32 v45, v48;
	v50 =	vmul.f32 v50, v38;
	[tilespmem:s3+$0x60] =	vst v42;
	v42 =	vpack.i.f32.bf16 v47, v54  }
0x1c2: {  	v38 =	vmul.f32 v39, v38;
	v39 =	vbroadcast v2, $0xF;
	v33 =	vpack.i.f32.bf16 v43, v33;
	[tilespmem:s3+$0xA0] =	vst v42  }
0x1c3: {  	v32 =	vunpack.i.u.bf16.f32 v32;
	v43 =	vpack.i.f32.bf16 v45, v49;
	[tilespmem:s3+$0xFFFFFF40] =	vst v33;
	v33 =	vbroadcast v2, $0x9;
	v42 =	vld [tilespmem:s3+$0x30]  }
0x1c4: {  	v41 =	vmul.f32 v41, v39;
	v32 =	vmul.f32 v32, v39;
	v45 =	vunpack.i.l.bf16.f32 v55;
	[tilespmem:s3+$0x40] =	vst v43  }
0x1c5: {  	v43 =	vmul.f32 v44, v11;
	v44 =	vunpack.i.u.bf16.f32 v55;
	v45 =	vmul.f32 v45, v33  }
0x1c6: {  	v38 =	vpack.i.f32.bf16 v38, v50;
	v34 =	vmul.f32 v34, v39;
	v44 =	vmul.f32 v44, v33  }
0x1c7: {  	v47 =	vpack.i.f32.bf16 v52, v51;
	v37 =	vmul.f32 v37, v39;
	[tilespmem:s3+$0xFFFFFF50] =	vst v38;
	v38 =	vmul.f32 v56, v30  }
0x1c8: {  	v34 =	vpack.i.f32.bf16 v41, v34;
	v39 =	vpack.i.f32.bf16 v44, v45;
	[tilespmem:s3+$0xFFFFFFA0] =	vst v47;
	v44 =	vunpack.i.l.bf16.f32 v42  }
0x1c9: {  	v41 =	vunpack.i.u.bf16.f32 v42;
	v38 =	vpack.i.f32.bf16 v40, v38;
	v40 =	vmul.f32 v46, v11;
	[tilespmem:s3+$0xE0] =	vst v34  }
0x1ca: {  	v37 =	vpack.i.f32.bf16 v32, v37;
	v34 =	vmul.f32 v44, v33;
	v33 =	vmul.f32 v41, v33;
	[tilespmem:s3+$0xFFFFFF70] =	vst v38  }
0x1cb: {  	v32 =	vmul.f32 v53, v29;
	v38 =	vmul.f32 v22, v28;
	v40 =	vpack.i.f32.bf16 v43, v40;
	[tilespmem:s3+$0x20] =	vst v39;
	v39 =	vld [tilespmem:s3+$0x90]  }
0x1cc: {  	v18 =	vmul.f32 v18, v28;
	v22 =	vmul.f32 v60, v10;
	v33 =	vpack.i.f32.bf16 v33, v34;
	[tilespmem:s3+$0x0] =	vst v40  }
0x1cd: {  	v25 =	vunpack.i.u.bf16.f32 v25;
	v34 =	vmul.f32 v35, v30;
	v30 =	vmul.f32 v31, v30;
	[tilespmem:s3+$0xF0] =	vst v37  }
0x1ce: {  	v27 =	vmul.f32 v27, v61;
	v31 =	vmul.f32 v25, v61;
	v18 =	vpack.i.f32.bf16 v18, v38;
	[tilespmem:s3+$0x30] =	vst v33  }
0x1cf: {  	v25 =	vbroadcast v2, $0x4;
	v30 =	vpack.i.f32.bf16 v30, v34;
	[tilespmem:s3+$0xFFFFFFC0] =	vst v18;
	v18 =	vmul.f32 v24, v28  }
.Ltmp2:
0x1d0: {  	v27 =	vpack.i.f32.bf16 v31, v27;
	[tilespmem:s3+$0xFFFFFF60] =	vst v30;
	v24 =	vld [tilespmem:s3+$0xFFFFFF80];
	v30 =	vbroadcast v2, $0xC;
	v31 =	vunpack.i.l.bf16.f32 v39;
	(pc) =	sbr.rel @p1 .LBB2_6-.Ltmp2, $4  }
0x1d1: {  	v23 =	vmul.f32 v23, v28;
	v26 =	vmul.f32 v26, v29;
	v28 =	vunpack.i.u.bf16.f32 v39;
	[tilespmem:s3+$0xFFFFFF20] =	vst v27;
	v27 =	vld [tilespmem:s3+$0xFFFFFF90]  }
0x1d2: {  	v21 =	vunpack.i.u.bf16.f32 v21;
	v31 =	vmul.f32 v31, v30;
	v33 =	vmul.f32 v28, v30  }
0x1d3: {  	v23 =	vpack.i.f32.bf16 v23, v18;
	v18 =	vmul.f32 v19, v30;
	v20 =	vmul.f32 v20, v30  }
0x1d4: {  	v21 =	vmul.f32 v21, v29;
	s3 =	sadd.s32 $0x200, s3;
	v28 =	vmul.f32 v36, v29;
	[tilespmem:s22+$0xFFFFFFD0] =	vst v23;
	v23 =	vpack.i.f32.bf16 v33, v31;
	v19 =	vld [tilespmem:s22+$0xC0]  }
0x1d5: {  	v15 =	vmul.f32 v15, v16;
	v48 =	vmul.f32 v17, v16;
	v49 =	vunpack.i.l.bf16.f32 v24  }
0x1d6: {  	v51 =	vunpack.i.u.bf16.f32 v24;
	v14 =	vmul.f32 v14, v11;
	v12 =	vunpack.i.u.bf16.f32 v12  }
0x1d7: {  	v55 =	vmul.f32 v13, v11;
	v56 =	vpack.i.f32.bf16 v20, v18;
	v4 =	vmul.f32 v4, v7;
	[tilespmem:s22+$0x90] =	vst v23  }
0x1d8: {  	v5 =	vmul.f32 v5, v7;
	v9 =	vmul.f32 v9, v6;
	v28 =	vpack.i.f32.bf16 v28, v32;
	[tilespmem:s22+$0x80] =	vst v56  }
0x1d9: {  	v2 =	vbroadcast v2, $0xE;
	v59 =	vmul.f32 v8, v6;
	v21 =	vpack.i.f32.bf16 v21, v26;
	[tilespmem:s22+$0xFFFFFFF0] =	vst v28  }
0x1da: {  	v1 =	vunpack.i.u.bf16.f32 v1;
	v29 =	vunpack.i.u.bf16.f32 v27;
	v15 =	vpack.i.f32.bf16 v48, v15;
	[tilespmem:s22+$0xFFFFFFE0] =	vst v21  }
0x1db: {  	v50 =	vunpack.i.l.bf16.f32 v27;
	v52 =	vmul.f32 v49, v25;
	v11 =	vpack.i.f32.bf16 v55, v14;
	[tilespmem:s22+$0xFFFFFF00] =	vst v15  }
0x1dc: {  	v53 =	vmul.f32 v51, v25;
	v10 =	vmul.f32 v12, v10;
	v4 =	vpack.i.f32.bf16 v5, v4;
	[tilespmem:s22+$0x10] =	vst v11  }
0x1dd: {  	v27 =	vmul.f32 v50, v25;
	v29 =	vmul.f32 v29, v25;
	v6 =	vpack.i.f32.bf16 v59, v9;
	[tilespmem:s22+$0xB0] =	vst v4  }
0x1de: {  	v3 =	vmul.f32 v3, v2;
	v1 =	vmul.f32 v1, v2;
	v57 =	vpack.i.f32.bf16 v53, v52;
	[tilespmem:s22+$0x70] =	vst v6  }
0x1df: {  	v58 =	vpack.i.f32.bf16 v10, v22;
	[tilespmem:s22+$0xFFFFFF80] =	vst v57;
	v60 =	vunpack.i.u.bf16.f32 v19;
	v61 =	vunpack.i.l.bf16.f32 v19  }
0x1e0: {  	v54 =	vpack.i.f32.bf16 v29, v27;
	[tilespmem:s22+$0xFFFFFFB0] =	vst v58;
	v62 =	vmul.f32 v61, v2;
	v63 =	vmul.f32 v60, v2  }
0x1e1: {  	v1 =	vpack.i.f32.bf16 v1, v3;
	[tilespmem:s22+$0xFFFFFF90] =	vst v54  }
0x1e2: {  	[tilespmem:s22+$0xD0] =	vst v1;
	v2 =	vpack.i.f32.bf16 v63, v62  }
0x1e3: {  	s3 =	rddreg [dreg:$0xa];
	s26 =	simm.s32 $0x12;
	[tilespmem:s22+$0xC0] =	vst v2  }
0x1e4: {  	[spmem:s3] =	stream.linear.scatter [tilespmem:s2], [sflag:$0x12], $0x5000, $0x38;
	[tilespmem:$0x1C500] =	vst v63  }
0x1e5: {  	_ =	swait.ge [sflag:s26], $0x5000  }
0x1e6: {  	[sflag:s26] =	ssyncset.done $0x0  }
0x1e7: {  	[sflag:s26] =	ssyncadd.s32 $0xFFFFB000  }
0x1e8: {  	s25 =	simm.s32 $0x0;
	s2 =	simm.s32 $0x5080;
	[bflag:$0x0] =	sbarrier.arrive $0xFFFF  }
0x1e9: {  	[tilespmem:s2], [sflag:$0x2] =	stream.indirect.gather [spmem:s5], $0x20, s25, s24, $0xb8;
	[tilespmem:$0x1C500] =	vst v63  }
0x1ea: {  	s22 =	simm.s32 $0x80  }
0x1eb: {  	[tilespmem:s1], [sflag:$0x3] =	stream.indirect.gather [spmem:s5], $0x20, s22, s24, $0xb8;
	[tilespmem:$0x1C500] =	vst v63  }
0x1ec: {  	s25 =	simm.s32 $0x100  }
0x1ed: {  	[tilespmem:s30], [sflag:$0x4] =	stream.indirect.gather [spmem:s5], $0x20, s25, s24, $0xb8;
	[tilespmem:$0x1C500] =	vst v63  }
0x1ee: {  	s22 =	simm.s32 $0x180  }
0x1ef: {  	[tilespmem:s0], [sflag:$0x5] =	stream.indirect.gather [spmem:s5], $0x20, s22, s24, $0xb8;
	[tilespmem:$0x1C500] =	vst v63  }
0x1f0: {  	s25 =	simm.s32 $0x200  }
0x1f1: {  	[tilespmem:s6], [sflag:$0x6] =	stream.indirect.gather [spmem:s5], $0x20, s25, s24, $0xb8;
	[tilespmem:$0x1C500] =	vst v63  }
0x1f2: {  	s22 =	simm.s32 $0x280  }
0x1f3: {  	[tilespmem:s29], [sflag:$0x7] =	stream.indirect.gather [spmem:s5], $0x20, s22, s24, $0xb8;
	[tilespmem:$0x1C500] =	vst v63  }
0x1f4: {  	s25 =	simm.s32 $0x300  }
0x1f5: {  	[tilespmem:s7], [sflag:$0x8] =	stream.indirect.gather [spmem:s5], $0x20, s25, s24, $0xb8;
	[tilespmem:$0x1C500] =	vst v63  }
0x1f6: {  	s22 =	simm.s32 $0x380  }
0x1f7: {  	[tilespmem:s31], [sflag:$0x9] =	stream.indirect.gather [spmem:s5], $0x20, s22, s24, $0xb8;
	[tilespmem:$0x1C500] =	vst v63  }
0x1f8: {  	_ =	swait.ge [sflag:s10], $0xFA0  }
0x1f9: {  	[sflag:s10] =	ssyncset.done $0x0  }
0x1fa: {  	s25 =	simm.s32 $0x2800;
	[sflag:s10] =	ssyncadd.s32 $0xFFFFF060  }
0x1fb: {  	[spmem:s4] =	stream.indirect.scatter.add.bf16 [tilespmem:s2], [sflag:$0xA], $0x20, s25, s24, $0xb8;
	[tilespmem:$0x1C500] =	vst v63  }
0x1fc: {  	_ =	swait.ge [sflag:s12], $0xFA0  }
0x1fd: {  	[sflag:s12] =	ssyncset.done $0x0  }
0x1fe: {  	s22 =	simm.s32 $0x2880;
	[sflag:s12] =	ssyncadd.s32 $0xFFFFF060  }
0x1ff: {  	[spmem:s4] =	stream.indirect.scatter.add.bf16 [tilespmem:s1], [sflag:$0xB], $0x20, s22, s24, $0xb8;
	[tilespmem:$0x1C500] =	vst v63  }
0x200: {  	_ =	swait.ge [sflag:s13], $0xFA0  }
0x201: {  	[sflag:s13] =	ssyncset.done $0x0  }
0x202: {  	s25 =	simm.s32 $0x2900;
	[sflag:s13] =	ssyncadd.s32 $0xFFFFF060  }
0x203: {  	[spmem:s4] =	stream.indirect.scatter.add.bf16 [tilespmem:s30], [sflag:$0xC], $0x20, s25, s24, $0xb8;
	[tilespmem:$0x1C500] =	vst v63  }
0x204: {  	_ =	swait.ge [sflag:s14], $0xFA0  }
0x205: {  	[sflag:s14] =	ssyncset.done $0x0  }
0x206: {  	s22 =	simm.s32 $0x2980;
	[sflag:s14] =	ssyncadd.s32 $0xFFFFF060  }
0x207: {  	[spmem:s4] =	stream.indirect.scatter.add.bf16 [tilespmem:s0], [sflag:$0xD], $0x20, s22, s24, $0xb8;
	[tilespmem:$0x1C500] =	vst v63  }
0x208: {  	_ =	swait.ge [sflag:s15], $0xFA0  }
0x209: {  	[sflag:s15] =	ssyncset.done $0x0  }
0x20a: {  	s25 =	simm.s32 $0x2A00;
	[sflag:s15] =	ssyncadd.s32 $0xFFFFF060  }
0x20b: {  	[spmem:s4] =	stream.indirect.scatter.add.bf16 [tilespmem:s6], [sflag:$0xE], $0x20, s25, s24, $0xb8;
	[tilespmem:$0x1C500] =	vst v63  }
0x20c: {  	_ =	swait.ge [sflag:s16], $0xFA0  }
0x20d: {  	[sflag:s16] =	ssyncset.done $0x0  }
0x20e: {  	s22 =	simm.s32 $0x2A80;
	[sflag:s16] =	ssyncadd.s32 $0xFFFFF060  }
0x20f: {  	[spmem:s4] =	stream.indirect.scatter.add.bf16 [tilespmem:s29], [sflag:$0xF], $0x20, s22, s24, $0xb8;
	[tilespmem:$0x1C500] =	vst v63  }
0x210: {  	_ =	swait.ge [sflag:s17], $0xFA0  }
0x211: {  	[sflag:s17] =	ssyncset.done $0x0  }
0x212: {  	s25 =	simm.s32 $0x2B00;
	[sflag:s17] =	ssyncadd.s32 $0xFFFFF060  }
0x213: {  	[spmem:s4] =	stream.indirect.scatter.add.bf16 [tilespmem:s7], [sflag:$0x10], $0x20, s25, s24, $0xb8;
	[tilespmem:$0x1C500] =	vst v63  }
0x214: {  	_ =	swait.ge [sflag:s18], $0xFA0  }
0x215: {  	[sflag:s18] =	ssyncset.done $0x0  }
0x216: {  	s22 =	simm.s32 $0x2B80;
	[sflag:s18] =	ssyncadd.s32 $0xFFFFF060  }
0x217: {  	[spmem:s4] =	stream.indirect.scatter.add.bf16 [tilespmem:s31], [sflag:$0x11], $0x20, s22, s24, $0xb8;
	[tilespmem:$0x1C500] =	vst v63  }
0x218: {  	_ =	swait.ge [sflag:s19], $0xFA0  }
0x219: {  	[sflag:s19] =	ssyncset.done $0x0  }
0x21a: {  	s25 =	simm.s32 $0x400;
	[sflag:s19] =	ssyncadd.s32 $0xFFFFF060  }
0x21b: {  	[tilespmem:s2], [sflag:$0x2] =	stream.indirect.gather [spmem:s5], $0x20, s25, s24, $0xb8;
	[tilespmem:$0x1C500] =	vst v63  }
0x21c: {  	_ =	swait.ge [sflag:s20], $0xFA0  }
0x21d: {  	[sflag:s20] =	ssyncset.done $0x0  }
0x21e: {  	s22 =	simm.s32 $0x480;
	[sflag:s20] =	ssyncadd.s32 $0xFFFFF060  }
0x21f: {  	[tilespmem:s1], [sflag:$0x3] =	stream.indirect.gather [spmem:s5], $0x20, s22, s24, $0xb8;
	[tilespmem:$0x1C500] =	vst v63  }
0x220: {  	_ =	swait.ge [sflag:s21], $0xFA0  }
0x221: {  	[sflag:s21] =	ssyncset.done $0x0  }
0x222: {  	s25 =	simm.s32 $0x500;
	[sflag:s21] =	ssyncadd.s32 $0xFFFFF060  }
0x223: {  	[tilespmem:s30], [sflag:$0x4] =	stream.indirect.gather [spmem:s5], $0x20, s25, s24, $0xb8;
	[tilespmem:$0x1C500] =	vst v63  }
0x224: {  	_ =	swait.ge [sflag:s23], $0xFA0  }
0x225: {  	[sflag:s23] =	ssyncset.done $0x0  }
0x226: {  	s22 =	simm.s32 $0x580;
	[sflag:s23] =	ssyncadd.s32 $0xFFFFF060  }
0x227: {  	[tilespmem:s0], [sflag:$0x5] =	stream.indirect.gather [spmem:s5], $0x20, s22, s24, $0xb8;
	[tilespmem:$0x1C500] =	vst v63  }
0x228: {  	_ =	swait.ge [sflag:s8], $0xFA0  }
0x229: {  	[sflag:s8] =	ssyncset.done $0x0  }
0x22a: {  	s25 =	simm.s32 $0x600;
	[sflag:s8] =	ssyncadd.s32 $0xFFFFF060  }
0x22b: {  	[tilespmem:s6], [sflag:$0x6] =	stream.indirect.gather [spmem:s5], $0x20, s25, s24, $0xb8;
	[tilespmem:$0x1C500] =	vst v63  }
0x22c: {  	_ =	swait.ge [sflag:s28], $0xFA0  }
0x22d: {  	[sflag:s28] =	ssyncset.done $0x0  }
0x22e: {  	s22 =	simm.s32 $0x680;
	[sflag:s28] =	ssyncadd.s32 $0xFFFFF060  }
0x22f: {  	[tilespmem:s29], [sflag:$0x7] =	stream.indirect.gather [spmem:s5], $0x20, s22, s24, $0xb8;
	[tilespmem:$0x1C500] =	vst v63  }
0x230: {  	_ =	swait.ge [sflag:s11], $0xFA0  }
0x231: {  	[sflag:s11] =	ssyncset.done $0x0  }
0x232: {  	s25 =	simm.s32 $0x700;
	[sflag:s11] =	ssyncadd.s32 $0xFFFFF060  }
0x233: {  	[tilespmem:s7], [sflag:$0x8] =	stream.indirect.gather [spmem:s5], $0x20, s25, s24, $0xb8;
	[tilespmem:$0x1C500] =	vst v63  }
0x234: {  	_ =	swait.ge [sflag:s9], $0xFA0  }
0x235: {  	[sflag:s9] =	ssyncset.done $0x0  }
0x236: {  	s3 =	simm.s32 $0x1000;
	s22 =	simm.s32 $0x780;
	[sflag:s9] =	ssyncadd.s32 $0xFFFFF060  }
.LBB2_8:
0x237: {  	[tilespmem:s31], [sflag:$0x9] =	stream.indirect.gather [spmem:s5], $0x20, s22, s24, $0xb8;
	[tilespmem:$0x1C500] =	vst v63  }
0x238: {  	s22 =	smov.u32 s3  }
0x239: {  	p1 =	sne.s32 s3, $0x8000;
	s3 =	sadd.s32 $0x1000, s3;
	_ =	swait.ge [sflag:s10], $0xFA0  }
0x23a: {  	s22 =	sshra.s32 s22, $0x2;
	[sflag:s10] =	ssyncset.done $0x0  }
0x23b: {  	s25 =	sadd.s32 $0x2800, s22;
	[sflag:s10] =	ssyncadd.s32 $0xFFFFF060  }
0x23c: {  	[spmem:s4] =	stream.indirect.scatter.add.bf16 [tilespmem:s2], [sflag:$0xA], $0x20, s25, s24, $0xb8;
	[tilespmem:$0x1C500] =	vst v63  }
0x23d: {  	_ =	swait.ge [sflag:s12], $0xFA0  }
0x23e: {  	[sflag:s12] =	ssyncset.done $0x0  }
0x23f: {  	s25 =	sadd.s32 $0x2880, s22;
	[sflag:s12] =	ssyncadd.s32 $0xFFFFF060  }
0x240: {  	[spmem:s4] =	stream.indirect.scatter.add.bf16 [tilespmem:s1], [sflag:$0xB], $0x20, s25, s24, $0xb8;
	[tilespmem:$0x1C500] =	vst v63  }
0x241: {  	_ =	swait.ge [sflag:s13], $0xFA0  }
0x242: {  	[sflag:s13] =	ssyncset.done $0x0  }
0x243: {  	s25 =	sadd.s32 $0x2900, s22;
	[sflag:s13] =	ssyncadd.s32 $0xFFFFF060  }
0x244: {  	[spmem:s4] =	stream.indirect.scatter.add.bf16 [tilespmem:s30], [sflag:$0xC], $0x20, s25, s24, $0xb8;
	[tilespmem:$0x1C500] =	vst v63  }
0x245: {  	_ =	swait.ge [sflag:s14], $0xFA0  }
0x246: {  	[sflag:s14] =	ssyncset.done $0x0  }
0x247: {  	s25 =	sadd.s32 $0x2980, s22;
	[sflag:s14] =	ssyncadd.s32 $0xFFFFF060  }
0x248: {  	[spmem:s4] =	stream.indirect.scatter.add.bf16 [tilespmem:s0], [sflag:$0xD], $0x20, s25, s24, $0xb8;
	[tilespmem:$0x1C500] =	vst v63  }
0x249: {  	_ =	swait.ge [sflag:s15], $0xFA0  }
0x24a: {  	[sflag:s15] =	ssyncset.done $0x0  }
0x24b: {  	s25 =	sadd.s32 $0x2A00, s22;
	[sflag:s15] =	ssyncadd.s32 $0xFFFFF060  }
0x24c: {  	[spmem:s4] =	stream.indirect.scatter.add.bf16 [tilespmem:s6], [sflag:$0xE], $0x20, s25, s24, $0xb8;
	[tilespmem:$0x1C500] =	vst v63  }
0x24d: {  	_ =	swait.ge [sflag:s16], $0xFA0  }
0x24e: {  	[sflag:s16] =	ssyncset.done $0x0  }
0x24f: {  	s25 =	sadd.s32 $0x2A80, s22;
	[sflag:s16] =	ssyncadd.s32 $0xFFFFF060  }
0x250: {  	[spmem:s4] =	stream.indirect.scatter.add.bf16 [tilespmem:s29], [sflag:$0xF], $0x20, s25, s24, $0xb8;
	[tilespmem:$0x1C500] =	vst v63  }
0x251: {  	_ =	swait.ge [sflag:s17], $0xFA0  }
0x252: {  	[sflag:s17] =	ssyncset.done $0x0  }
0x253: {  	s25 =	sadd.s32 $0x2B00, s22;
	[sflag:s17] =	ssyncadd.s32 $0xFFFFF060  }
0x254: {  	[spmem:s4] =	stream.indirect.scatter.add.bf16 [tilespmem:s7], [sflag:$0x10], $0x20, s25, s24, $0xb8;
	[tilespmem:$0x1C500] =	vst v63  }
0x255: {  	_ =	swait.ge [sflag:s18], $0xFA0  }
0x256: {  	[sflag:s18] =	ssyncset.done $0x0  }
0x257: {  	s25 =	sadd.s32 $0x2B80, s22;
	[sflag:s18] =	ssyncadd.s32 $0xFFFFF060  }
0x258: {  	[spmem:s4] =	stream.indirect.scatter.add.bf16 [tilespmem:s31], [sflag:$0x11], $0x20, s25, s24, $0xb8;
	[tilespmem:$0x1C500] =	vst v63  }
0x259: {  	_ =	swait.ge [sflag:s19], $0xFA0  }
0x25a: {  	[sflag:s19] =	ssyncset.done $0x0  }
0x25b: {  	s25 =	sadd.s32 $0x400, s22;
	[sflag:s19] =	ssyncadd.s32 $0xFFFFF060  }
0x25c: {  	[tilespmem:s2], [sflag:$0x2] =	stream.indirect.gather [spmem:s5], $0x20, s25, s24, $0xb8;
	[tilespmem:$0x1C500] =	vst v63  }
0x25d: {  	_ =	swait.ge [sflag:s20], $0xFA0  }
0x25e: {  	[sflag:s20] =	ssyncset.done $0x0  }
0x25f: {  	s25 =	sadd.s32 $0x480, s22;
	[sflag:s20] =	ssyncadd.s32 $0xFFFFF060  }
0x260: {  	[tilespmem:s1], [sflag:$0x3] =	stream.indirect.gather [spmem:s5], $0x20, s25, s24, $0xb8;
	[tilespmem:$0x1C500] =	vst v63  }
0x261: {  	_ =	swait.ge [sflag:s21], $0xFA0  }
0x262: {  	[sflag:s21] =	ssyncset.done $0x0  }
0x263: {  	s25 =	sadd.s32 $0x500, s22;
	[sflag:s21] =	ssyncadd.s32 $0xFFFFF060  }
0x264: {  	[tilespmem:s30], [sflag:$0x4] =	stream.indirect.gather [spmem:s5], $0x20, s25, s24, $0xb8;
	[tilespmem:$0x1C500] =	vst v63  }
0x265: {  	_ =	swait.ge [sflag:s23], $0xFA0  }
0x266: {  	[sflag:s23] =	ssyncset.done $0x0  }
0x267: {  	s25 =	sadd.s32 $0x580, s22;
	[sflag:s23] =	ssyncadd.s32 $0xFFFFF060  }
0x268: {  	[tilespmem:s0], [sflag:$0x5] =	stream.indirect.gather [spmem:s5], $0x20, s25, s24, $0xb8;
	[tilespmem:$0x1C500] =	vst v63  }
0x269: {  	_ =	swait.ge [sflag:s8], $0xFA0  }
0x26a: {  	[sflag:s8] =	ssyncset.done $0x0  }
0x26b: {  	s25 =	sadd.s32 $0x600, s22;
	[sflag:s8] =	ssyncadd.s32 $0xFFFFF060  }
0x26c: {  	[tilespmem:s6], [sflag:$0x6] =	stream.indirect.gather [spmem:s5], $0x20, s25, s24, $0xb8;
	[tilespmem:$0x1C500] =	vst v63  }
0x26d: {  	_ =	swait.ge [sflag:s28], $0xFA0  }
0x26e: {  	[sflag:s28] =	ssyncset.done $0x0  }
0x26f: {  	s25 =	sadd.s32 $0x680, s22;
	[sflag:s28] =	ssyncadd.s32 $0xFFFFF060  }
0x270: {  	[tilespmem:s29], [sflag:$0x7] =	stream.indirect.gather [spmem:s5], $0x20, s25, s24, $0xb8;
	[tilespmem:$0x1C500] =	vst v63  }
0x271: {  	_ =	swait.ge [sflag:s11], $0xFA0  }
0x272: {  	[sflag:s11] =	ssyncset.done $0x0  }
.Ltmp3:
0x273: {  	s25 =	sadd.s32 $0x700, s22;
	[sflag:s11] =	ssyncadd.s32 $0xFFFFF060;
	(pc) =	sbr.rel @p1 .LBB2_8-.Ltmp3, $4  }
0x274: {  	[tilespmem:s7], [sflag:$0x8] =	stream.indirect.gather [spmem:s5], $0x20, s25, s24, $0xb8;
	[tilespmem:$0x1C500] =	vst v63  }
0x275: {  	_ =	swait.ge [sflag:s9], $0xFA0  }
0x276: {  	[sflag:s9] =	ssyncset.done $0x0  }
0x277: {  	s22 =	sadd.s32 $0x780, s22;
	[sflag:s9] =	ssyncadd.s32 $0xFFFFF060  }
0x278: {  	[tilespmem:s31], [sflag:$0x9] =	stream.indirect.gather [spmem:s5], $0x20, s22, s24, $0xb8;
	[tilespmem:$0x1C500] =	vst v63  }
0x279: {  	_ =	swait.ge [sflag:s10], $0xFA0  }
0x27a: {  	[sflag:s10] =	ssyncset.done $0x0  }
0x27b: {  	s3 =	simm.s32 $0x4C00;
	[sflag:s10] =	ssyncadd.s32 $0xFFFFF060  }
0x27c: {  	[spmem:s4] =	stream.indirect.scatter.add.bf16 [tilespmem:s2], [sflag:$0xA], $0x20, s3, s24, $0xb8;
	[tilespmem:$0x1C500] =	vst v63  }
0x27d: {  	_ =	swait.ge [sflag:s12], $0xFA0  }
0x27e: {  	[sflag:s12] =	ssyncset.done $0x0  }
0x27f: {  	s25 =	simm.s32 $0x4C80;
	[sflag:s12] =	ssyncadd.s32 $0xFFFFF060  }
0x280: {  	[spmem:s4] =	stream.indirect.scatter.add.bf16 [tilespmem:s1], [sflag:$0xB], $0x20, s25, s24, $0xb8;
	[tilespmem:$0x1C500] =	vst v63  }
0x281: {  	_ =	swait.ge [sflag:s13], $0xFA0  }
0x282: {  	[sflag:s13] =	ssyncset.done $0x0  }
0x283: {  	s3 =	simm.s32 $0x4D00;
	[sflag:s13] =	ssyncadd.s32 $0xFFFFF060  }
0x284: {  	[spmem:s4] =	stream.indirect.scatter.add.bf16 [tilespmem:s30], [sflag:$0xC], $0x20, s3, s24, $0xb8;
	[tilespmem:$0x1C500] =	vst v63  }
0x285: {  	_ =	swait.ge [sflag:s14], $0xFA0  }
0x286: {  	[sflag:s14] =	ssyncset.done $0x0  }
0x287: {  	s22 =	simm.s32 $0x4D80;
	[sflag:s14] =	ssyncadd.s32 $0xFFFFF060  }
0x288: {  	[spmem:s4] =	stream.indirect.scatter.add.bf16 [tilespmem:s0], [sflag:$0xD], $0x20, s22, s24, $0xb8;
	[tilespmem:$0x1C500] =	vst v63  }
0x289: {  	_ =	swait.ge [sflag:s15], $0xFA0  }
0x28a: {  	[sflag:s15] =	ssyncset.done $0x0  }
0x28b: {  	s25 =	simm.s32 $0x4E00;
	[sflag:s15] =	ssyncadd.s32 $0xFFFFF060  }
0x28c: {  	[spmem:s4] =	stream.indirect.scatter.add.bf16 [tilespmem:s6], [sflag:$0xE], $0x20, s25, s24, $0xb8;
	[tilespmem:$0x1C500] =	vst v63  }
0x28d: {  	_ =	swait.ge [sflag:s16], $0xFA0  }
0x28e: {  	[sflag:s16] =	ssyncset.done $0x0  }
0x28f: {  	s3 =	simm.s32 $0x4E80;
	[sflag:s16] =	ssyncadd.s32 $0xFFFFF060  }
0x290: {  	[spmem:s4] =	stream.indirect.scatter.add.bf16 [tilespmem:s29], [sflag:$0xF], $0x20, s3, s24, $0xb8;
	[tilespmem:$0x1C500] =	vst v63  }
0x291: {  	_ =	swait.ge [sflag:s17], $0xFA0  }
0x292: {  	[sflag:s17] =	ssyncset.done $0x0  }
0x293: {  	s22 =	simm.s32 $0x4F00;
	[sflag:s17] =	ssyncadd.s32 $0xFFFFF060  }
0x294: {  	[spmem:s4] =	stream.indirect.scatter.add.bf16 [tilespmem:s7], [sflag:$0x10], $0x20, s22, s24, $0xb8;
	[tilespmem:$0x1C500] =	vst v63  }
0x295: {  	_ =	swait.ge [sflag:s18], $0xFA0  }
0x296: {  	[sflag:s18] =	ssyncset.done $0x0  }
0x297: {  	s25 =	simm.s32 $0x4F80;
	[sflag:s18] =	ssyncadd.s32 $0xFFFFF060  }
0x298: {  	[spmem:s4] =	stream.indirect.scatter.add.bf16 [tilespmem:s31], [sflag:$0x11], $0x20, s25, s24, $0xb8;
	[tilespmem:$0x1C500] =	vst v63  }
0x299: {  	_ =	swait.ge [sflag:s19], $0xFA0  }
0x29a: {  	[sflag:s19] =	ssyncset.done $0x0  }
0x29b: {  	[sflag:s19] =	ssyncadd.s32 $0xFFFFF060  }
0x29c: {  	_ =	swait.ge [sflag:s20], $0xFA0  }
0x29d: {  	[sflag:s20] =	ssyncset.done $0x0  }
0x29e: {  	[sflag:s20] =	ssyncadd.s32 $0xFFFFF060  }
0x29f: {  	_ =	swait.ge [sflag:s21], $0xFA0  }
0x2a0: {  	[sflag:s21] =	ssyncset.done $0x0  }
0x2a1: {  	[sflag:s21] =	ssyncadd.s32 $0xFFFFF060  }
0x2a2: {  	_ =	swait.ge [sflag:s23], $0xFA0  }
0x2a3: {  	[sflag:s23] =	ssyncset.done $0x0  }
0x2a4: {  	[sflag:s23] =	ssyncadd.s32 $0xFFFFF060  }
0x2a5: {  	_ =	swait.ge [sflag:s8], $0xFA0  }
0x2a6: {  	[sflag:s8] =	ssyncset.done $0x0  }
0x2a7: {  	[sflag:s8] =	ssyncadd.s32 $0xFFFFF060  }
0x2a8: {  	_ =	swait.ge [sflag:s28], $0xFA0  }
0x2a9: {  	[sflag:s28] =	ssyncset.done $0x0  }
0x2aa: {  	[sflag:s28] =	ssyncadd.s32 $0xFFFFF060  }
0x2ab: {  	_ =	swait.ge [sflag:s11], $0xFA0  }
0x2ac: {  	[sflag:s11] =	ssyncset.done $0x0  }
0x2ad: {  	[sflag:s11] =	ssyncadd.s32 $0xFFFFF060  }
0x2ae: {  	_ =	swait.ge [sflag:s9], $0xFA0  }
0x2af: {  	[sflag:s9] =	ssyncset.done $0x0  }
0x2b0: {  	[sflag:s9] =	ssyncadd.s32 $0xFFFFF060  }
0x2b1: {  	[bflag:$0x0] =	sbarrier.arrive $0xFFFF  }
0x2b2: {  	s22 =	rddreg [dreg:$0x8]  }
0x2b3: {  	s2 =	rddreg [dreg:$0x12]  }
0x2b4: {  	s25 =	rddreg [dreg:$0x17]  }
0x2b5: {  	[hbm:s2], [sflag:s22] =	dma.local [spmem:s25], $0xA00  }
0x2b6: {  	_ =	swait.ge [sflag:s26], $0xA00  }
0x2b7: {  	s3 =	rddreg [dreg:$0x16]  }
0x2b8: {  	s25 =	rddreg [dreg:$0x13];
	s2 =	sadd.s32 $0x1, s3  }
0x2b9: {  	p1 =	sne.s32 s2, s25  }
.Ltmp4:
0x2ba: {  	_ = 	snop;
	(pc) =	sbr.rel @p1 .LBB2_1-.Ltmp4, $4  }
0x2bb: {  	_ = 	snop  }
0x2bc: {  	[sflag:s26] =	ssyncset.done $0x0  }
0x2bd: {  	[sflag:s26] =	ssyncadd.s32 $0xFFFFF600  }
0x2be: {  	s26 =	rddreg [dreg:$0x2]  }
0x2bf: {  	_ =	sfence.sel $0x180000  }
0x2c0: {  	[bflag:$0x0] =	sbarrier.arrive $0xFFFF  }
0x2c1: {  	_ =	strace $0x90000047  }
0x2c2: {  	s0 =	stileid.u32;
	[bflag:$0x2] =	sbarrier.arrive $0xFFFF  }
0x2c3: {  	p0 =	sne.s32 s0, $0x0;
	s0 =	rddreg [dreg:$0x5]  }
0x2c4: {  	s0 =	sadd.s32 @!p0 $0x100000, s0  }
0x2c5: {  	[sflag:s0] =	ssyncadd.tile.s32 @!p0 $0x1;
	_ =	shalt  }
.Lfunc_end2:
_tile_overlayer_lowered:
.L_overlay_start_2:
0x2c6: {  	(tag) =	ssettag $0x2  }
0x2c7: {  	s0 =	rddreg [dreg:$0x0];
	s2 =	stileid.u32  }
0x2c8: {  	s1 =	rddreg [dreg:$0x1];
	p0 =	sne.s32 s2, $0x0  }
0x2c9: {  	s3 =	rddreg [dreg:$0x2];
	[bflag:$0x3] =	sbarrier.arrive $0xFFFF;
	s2 =	simm.s32 @!p0 $0x1C12  }
0x2ca: {  	[timem:s3], [sflag:s2] =	dma.local @!p0 [hbm:s0], s1  }
0x2cb: {  	s0 =	simm.s32 @!p0 $0x12  }
0x2cc: {  	_ =	swait.ge @!p0 [sflag:s0], s1  }
0x2cd: {  	s1 =	ssub.s32 @!p0 $0x0, s1;
	[sflag:s0] =	ssyncset.done @!p0 $0x0  }
0x2ce: {  	[sflag:s0] =	ssyncadd.s32 @!p0 s1  }
0x2cf: {  	[bflag:$0x3] =	sbarrier.arrive $0xFFFF  }
0x2d0: {  	_ =	shalt  }

</sc_bundles>
